<compile_context>
chip_gen: v7x
topology: tpu7x:2x2x1
jax: 0.10.2.dev20260603
libtpu: 0.0.44.dev20260713+nightly
codegen_flags: <defaults>
</compile_context>

<pallas_src>
import functools

import jax
import jax.numpy as jnp
from jax import lax
from jax.experimental import pallas as pl
from jax.experimental.pallas import tpu as pltpu
from jax.experimental.pallas import tpu_sc as plsc

BATCH = 16384
SEQ = 200
EMBED_DIM = 32
BB = 128
NBB = BATCH // BB
DB = EMBED_DIM // 8
PW = 129


@functools.cache
def _build():
    info = plsc.get_sparse_core_info()
    nc, ns = info.num_cores, info.num_subcores
    nw = nc * ns
    jb = NBB // nw

    mesh = plsc.VectorSubcoreMesh(core_axis_name="c", subcore_axis_name="s")

    @functools.partial(
        pl.kernel,
        mesh=mesh,
        compiler_params=pltpu.CompilerParams(
            use_tc_tiling_on_sc=False, needs_layout_passes=False
        ),
        out_type=jax.ShapeDtypeStruct((SEQ, DB, NBB, 8, 128), jnp.float32),
        scratch_types=[
            pltpu.VMEM((2, jb, BB), jnp.int32),
            pltpu.VMEM((2, jb, BB, EMBED_DIM), jnp.float32),
            pltpu.VMEM((2, jb, DB, 8, PW), jnp.float32),
            pltpu.SemaphoreType.DMA,
            pltpu.SemaphoreType.DMA,
            pltpu.SemaphoreType.DMA,
        ],
    )
    def k(idx_hbm, table_hbm, out_hbm, idx_v, rows_v, tbuf, gsem, wsem, isem):
        wid = lax.axis_index("s") * nc + lax.axis_index("c")
        wb = wid * jb

        def fire_idx(s, bank):
            pltpu.async_copy(
                idx_hbm.at[s, pl.ds(wb, jb)], idx_v.at[bank], isem
            )

        def drain_idx(s, bank):
            pltpu.make_async_copy(
                idx_hbm.at[s, pl.ds(wb, jb)], idx_v.at[bank], isem
            ).wait()

        def fire_gathers(s, bank):
            for j in range(jb):
                pltpu.async_copy(
                    table_hbm.at[idx_v.at[bank, j]],
                    rows_v.at[bank, j],
                    gsem,
                )

        def drain_gather(bank, j):
            pltpu.make_async_copy(
                table_hbm.at[idx_v.at[bank, j]],
                rows_v.at[bank, j],
                gsem,
            ).wait()

        def out_copy(s, bank, j):
            return pltpu.make_async_copy(
                tbuf.at[bank, j, :, :, pl.ds(0, 128)],
                out_hbm.at[s, :, wb + j],
                wsem,
            )

        def drain_writes(s, bank):
            for j in range(jb):
                out_copy(s, bank, j).wait()

        iota = lax.iota(jnp.int32, 16)
        dblk_h = [(iota + 16 * h) // 8 for h in range(2)]
        din_h = [(iota + 16 * h) % 8 for h in range(2)]
        zero16 = jnp.zeros((16,), jnp.int32)

        def transpose_block(bank, j):
            tile = tbuf.at[bank, j]

            @plsc.parallel_loop(0, BB, unroll=8)
            def _(b):
                bfull = zero16 + b
                for h in range(2):
                    v = rows_v[bank, j, b, pl.ds(16 * h, 16)]
                    plsc.store_scatter(
                        tile, [dblk_h[h], din_h[h], bfull], v
                    )

        pltpu.sync_copy(idx_hbm.at[0, pl.ds(wb, jb)], idx_v.at[0])
        fire_gathers(0, 0)
        fire_idx(1, 1)

        def half(s, t, bank):
            @pl.when(t >= 1)
            def _():
                drain_writes(s - 2, bank)

            drain_gather(bank, 0)

            @pl.when(s < SEQ - 1)
            def _():
                drain_idx(s + 1, 1 - bank)
                fire_gathers(s + 1, 1 - bank)

            @pl.when(s < SEQ - 2)
            def _():
                fire_idx(s + 2, bank)

            for j in range(jb):
                if j + 1 < jb:
                    drain_gather(bank, j + 1)
                transpose_block(bank, j)
                out_copy(s, bank, j).start()

        def body(t, carry):
            s0 = t * 2
            half(s0, t, 0)
            half(s0 + 1, t, 1)
            return carry

        lax.fori_loop(0, SEQ // 2, body, 0)
        drain_writes(SEQ - 2, 0)
        drain_writes(SEQ - 1, 1)

    return k


def kernel(phoneme_ids, embeddings_weight):
    ids3 = phoneme_ids.astype(jnp.int32).T.reshape(SEQ, NBB, BB)
    out5 = _build()(ids3, embeddings_weight)
    return out5.transpose(2, 4, 0, 1, 3).reshape(BATCH, SEQ, EMBED_DIM)

# --- scband reference (transcript-rebuilt; emitter-appended) ---
"""Pipeline reference for scband-english-phoneme-embedding-68281390071832 (READ-ONLY COPY).

The authoritative reference and input builder live on the scoring server;
editing this copy changes nothing except your own understanding.
"""

import jax, jax.numpy as jnp
import numpy as np

NUM_PHONEMES = 100000
EMBED_DIM = 32
BATCH = 16384
SEQ = 200

def setup_inputs(seed: int = 0) -> dict:
    key = jax.random.key(seed)
    k_idx, k_emb = jax.random.split(key)
    phoneme_ids = jax.random.randint(k_idx, (BATCH, SEQ), 0, NUM_PHONEMES, dtype=jnp.int64 if jax.config.jax_enable_x64 else jnp.int32)
    # xavier_uniform init for embedding weight [num_phonemes, embedding_dim]
    limit = float(np.sqrt(6.0 / (NUM_PHONEMES + EMBED_DIM)))
    embeddings_weight = jax.random.uniform(k_emb, (NUM_PHONEMES, EMBED_DIM), minval=-limit, maxval=limit, dtype=jnp.float32)
    return {"phoneme_ids": phoneme_ids, "embeddings_weight": embeddings_weight}

def reference(phoneme_ids, embeddings_weight):
    # nn.Embedding lookup: gather rows of the table by index
    return jnp.take(embeddings_weight, phoneme_ids, axis=0)

if __name__ == "__main__":
    import jax
    _d = setup_inputs()
    print(jax.jit(kernel)(*tuple(_d.values())))

</pallas_src>

<mosaic_0001>
#map = affine_map<(d0, d1) -> (0, 0, 0)>
#map1 = affine_map<(d0, d1) -> (0, 0)>
#map2 = affine_map<(d0, d1) -> (0, 0, 0, 0, 0)>
module attributes {stable_mosaic.version = 14 : i64} {
  func.func @k(%arg0: i32, %arg1: i32, %arg2: memref<200x128x128xi32, #tpu.memory_space<hbm>>, %arg3: memref<100000x32xf32, #tpu.memory_space<hbm>>, %arg4: memref<200x4x128x8x128xf32, #tpu.memory_space<hbm>>, %arg5: memref<2x4x128xi32, #tpu.memory_space<vmem>>, %arg6: memref<2x4x128x32xf32, #tpu.memory_space<vmem>>, %arg7: memref<2x4x4x8x129xf32, #tpu.memory_space<vmem>>, %arg8: memref<!tpu.dma_semaphore, #tpu.memory_space<semaphore_mem>>, %arg9: memref<!tpu.dma_semaphore, #tpu.memory_space<semaphore_mem>>, %arg10: memref<!tpu.dma_semaphore, #tpu.memory_space<semaphore_mem>>) attributes {dimension_semantics = [#tpu.dimension_semantics<core_parallel>, #tpu.dimension_semantics<subcore_parallel>], iteration_bounds = array<i64: 2, 16>, scalar_prefetch = 0 : i64, scratch_operands = 6 : i64, tpu.core_type = #tpu.core_type<sc_vector_subcore>, window_params = [{transform_indices = #map}, {transform_indices = #map1}, {transform_indices = #map2}]} {
    %mul3A = arith.constant 2 : i32
    %mul3A_0 = arith.muli %arg1, %mul3A : i32
    %add3A = arith.addi %mul3A_0, %arg0 : i32
    %mul3A_1 = arith.constant 4 : i32
    %mul3A_2 = arith.muli %add3A, %mul3A_1 : i32
    %iota3A = tpu.iota {dimensions = array<i32: 0>} : vector<16xi32>
    %add3A_3 = arith.constant 0 : i32
    %add3A_4 = vector.broadcast %add3A_3 : i32 to vector<16xi32>
    %add3A_5 = arith.addi %iota3A, %add3A_4 : vector<16xi32>
    %jit3A = arith.constant 8 : i32
    %div3A = vector.broadcast %jit3A : i32 to vector<16xi32>
    %div3A_6 = arith.divsi %add3A_5, %div3A : vector<16xi32>
    %sign3A = arith.constant 0 : i32
    %sign3A_7 = vector.broadcast %sign3A : i32 to vector<16xi32>
    %sign3A_8 = arith.cmpi sgt, %add3A_5, %sign3A_7 : vector<16xi32>
    %sign3A_9 = arith.extui %sign3A_8 : vector<16xi1> to vector<16xi32>
    %sign3A_10 = arith.constant 0 : i32
    %sign3A_11 = vector.broadcast %sign3A_10 : i32 to vector<16xi32>
    %sign3A_12 = arith.cmpi slt, %add3A_5, %sign3A_11 : vector<16xi32>
    %sign3A_13 = arith.extui %sign3A_12 : vector<16xi1> to vector<16xi32>
    %sign3A_14 = arith.subi %sign3A_9, %sign3A_13 : vector<16xi32>
    %sign3A_15 = arith.constant 0 : i32
    %sign3A_16 = arith.cmpi sgt, %jit3A, %sign3A_15 : i32
    %sign3A_17 = arith.extui %sign3A_16 : i1 to i32
    %sign3A_18 = arith.constant 0 : i32
    %sign3A_19 = arith.cmpi slt, %jit3A, %sign3A_18 : i32
    %sign3A_20 = arith.extui %sign3A_19 : i1 to i32
    %sign3A_21 = arith.subi %sign3A_17, %sign3A_20 : i32
    %ne3A = vector.broadcast %sign3A_21 : i32 to vector<16xi32>
    %ne3A_22 = arith.cmpi ne, %sign3A_14, %ne3A : vector<16xi32>
    %rem3A = vector.broadcast %jit3A : i32 to vector<16xi32>
    %rem3A_23 = arith.remsi %add3A_5, %rem3A : vector<16xi32>
    %ne3A_24 = arith.constant 0 : i32
    %ne3A_25 = vector.broadcast %ne3A_24 : i32 to vector<16xi32>
    %ne3A_26 = arith.cmpi ne, %rem3A_23, %ne3A_25 : vector<16xi32>
    %and3A = arith.andi %ne3A_22, %ne3A_26 : vector<16xi1>
    %sub3A = arith.constant 1 : i32
    %sub3A_27 = vector.broadcast %sub3A : i32 to vector<16xi32>
    %sub3A_28 = arith.subi %div3A_6, %sub3A_27 : vector<16xi32>
    %select_n3A = arith.select %and3A, %sub3A_28, %div3A_6 : vector<16xi1>, vector<16xi32>
    %add3A_29 = arith.constant 16 : i32
    %add3A_30 = vector.broadcast %add3A_29 : i32 to vector<16xi32>
    %add3A_31 = arith.addi %iota3A, %add3A_30 : vector<16xi32>
    %jit3A_32 = arith.constant 8 : i32
    %div3A_33 = vector.broadcast %jit3A_32 : i32 to vector<16xi32>
    %div3A_34 = arith.divsi %add3A_31, %div3A_33 : vector<16xi32>
    %sign3A_35 = arith.constant 0 : i32
    %sign3A_36 = vector.broadcast %sign3A_35 : i32 to vector<16xi32>
    %sign3A_37 = arith.cmpi sgt, %add3A_31, %sign3A_36 : vector<16xi32>
    %sign3A_38 = arith.extui %sign3A_37 : vector<16xi1> to vector<16xi32>
    %sign3A_39 = arith.constant 0 : i32
    %sign3A_40 = vector.broadcast %sign3A_39 : i32 to vector<16xi32>
    %sign3A_41 = arith.cmpi slt, %add3A_31, %sign3A_40 : vector<16xi32>
    %sign3A_42 = arith.extui %sign3A_41 : vector<16xi1> to vector<16xi32>
    %sign3A_43 = arith.subi %sign3A_38, %sign3A_42 : vector<16xi32>
    %sign3A_44 = arith.constant 0 : i32
    %sign3A_45 = arith.cmpi sgt, %jit3A_32, %sign3A_44 : i32
    %sign3A_46 = arith.extui %sign3A_45 : i1 to i32
    %sign3A_47 = arith.constant 0 : i32
    %sign3A_48 = arith.cmpi slt, %jit3A_32, %sign3A_47 : i32
    %sign3A_49 = arith.extui %sign3A_48 : i1 to i32
    %sign3A_50 = arith.subi %sign3A_46, %sign3A_49 : i32
    %ne3A_51 = vector.broadcast %sign3A_50 : i32 to vector<16xi32>
    %ne3A_52 = arith.cmpi ne, %sign3A_43, %ne3A_51 : vector<16xi32>
    %rem3A_53 = vector.broadcast %jit3A_32 : i32 to vector<16xi32>
    %rem3A_54 = arith.remsi %add3A_31, %rem3A_53 : vector<16xi32>
    %ne3A_55 = arith.constant 0 : i32
    %ne3A_56 = vector.broadcast %ne3A_55 : i32 to vector<16xi32>
    %ne3A_57 = arith.cmpi ne, %rem3A_54, %ne3A_56 : vector<16xi32>
    %and3A_58 = arith.andi %ne3A_52, %ne3A_57 : vector<16xi1>
    %sub3A_59 = arith.constant 1 : i32
    %sub3A_60 = vector.broadcast %sub3A_59 : i32 to vector<16xi32>
    %sub3A_61 = arith.subi %div3A_34, %sub3A_60 : vector<16xi32>
    %select_n3A_62 = arith.select %and3A_58, %sub3A_61, %div3A_34 : vector<16xi1>, vector<16xi32>
    %add3A_63 = arith.constant 0 : i32
    %add3A_64 = vector.broadcast %add3A_63 : i32 to vector<16xi32>
    %add3A_65 = arith.addi %iota3A, %add3A_64 : vector<16xi32>
    %jit3A_66 = arith.constant 8 : i32
    %eq3A = arith.constant 0 : i32
    %eq3A_67 = arith.cmpi eq, %jit3A_66, %eq3A : i32
    %jit3A_68 = arith.constant 1 : i32
    %select_n3A_69 = arith.select %eq3A_67, %jit3A_68, %jit3A_66 : i32
    %rem3A_70 = vector.broadcast %select_n3A_69 : i32 to vector<16xi32>
    %rem3A_71 = arith.remsi %add3A_65, %rem3A_70 : vector<16xi32>
    %ne3A_72 = arith.constant 0 : i32
    %ne3A_73 = vector.broadcast %ne3A_72 : i32 to vector<16xi32>
    %ne3A_74 = arith.cmpi ne, %rem3A_71, %ne3A_73 : vector<16xi32>
    %lt3A = arith.constant 0 : i32
    %lt3A_75 = vector.broadcast %lt3A : i32 to vector<16xi32>
    %lt3A_76 = arith.cmpi slt, %rem3A_71, %lt3A_75 : vector<16xi32>
    %lt3A_77 = arith.constant 0 : i32
    %lt3A_78 = arith.cmpi slt, %select_n3A_69, %lt3A_77 : i32
    %ne3A_79 = vector.broadcast %lt3A_78 : i1 to vector<16xi1>
    %ne3A_80 = vector.broadcast %ne3A_79 : vector<16xi1> to vector<16xi1>
    %ne3A_81 = arith.xori %lt3A_76, %ne3A_80 : vector<16xi1>
    %and3A_82 = arith.andi %ne3A_81, %ne3A_74 : vector<16xi1>
    %add3A_83 = vector.broadcast %select_n3A_69 : i32 to vector<16xi32>
    %add3A_84 = arith.addi %rem3A_71, %add3A_83 : vector<16xi32>
    %select_n3A_85 = arith.select %and3A_82, %add3A_84, %rem3A_71 : vector<16xi1>, vector<16xi32>
    %add3A_86 = arith.constant 16 : i32
    %add3A_87 = vector.broadcast %add3A_86 : i32 to vector<16xi32>
    %add3A_88 = arith.addi %iota3A, %add3A_87 : vector<16xi32>
    %jit3A_89 = arith.constant 8 : i32
    %eq3A_90 = arith.constant 0 : i32
    %eq3A_91 = arith.cmpi eq, %jit3A_89, %eq3A_90 : i32
    %jit3A_92 = arith.constant 1 : i32
    %select_n3A_93 = arith.select %eq3A_91, %jit3A_92, %jit3A_89 : i32
    %rem3A_94 = vector.broadcast %select_n3A_93 : i32 to vector<16xi32>
    %rem3A_95 = arith.remsi %add3A_88, %rem3A_94 : vector<16xi32>
    %ne3A_96 = arith.constant 0 : i32
    %ne3A_97 = vector.broadcast %ne3A_96 : i32 to vector<16xi32>
    %ne3A_98 = arith.cmpi ne, %rem3A_95, %ne3A_97 : vector<16xi32>
    %lt3A_99 = arith.constant 0 : i32
    %lt3A_100 = vector.broadcast %lt3A_99 : i32 to vector<16xi32>
    %lt3A_101 = arith.cmpi slt, %rem3A_95, %lt3A_100 : vector<16xi32>
    %lt3A_102 = arith.constant 0 : i32
    %lt3A_103 = arith.cmpi slt, %select_n3A_93, %lt3A_102 : i32
    %ne3A_104 = vector.broadcast %lt3A_103 : i1 to vector<16xi1>
    %ne3A_105 = vector.broadcast %ne3A_104 : vector<16xi1> to vector<16xi1>
    %ne3A_106 = arith.xori %lt3A_101, %ne3A_105 : vector<16xi1>
    %and3A_107 = arith.andi %ne3A_106, %ne3A_98 : vector<16xi1>
    %add3A_108 = vector.broadcast %select_n3A_93 : i32 to vector<16xi32>
    %add3A_109 = arith.addi %rem3A_95, %add3A_108 : vector<16xi32>
    %select_n3A_110 = arith.select %and3A_107, %add3A_109, %rem3A_95 : vector<16xi1>, vector<16xi32>
    %broadcast_in_dim3A = arith.constant 0 : i32
    %broadcast_in_dim3A_111 = vector.broadcast %broadcast_in_dim3A : i32 to vector<16xi32>
    %run_scoped3A = arith.constant 0 : i32
    %run_scoped3A_112 = arith.constant 0 : i32
    "tpu.region"() ({
      %run_scoped3A_388 = tpu.sem_alloc : memref<!tpu.dma_semaphore, #tpu.memory_space<semaphore_mem>>
      %dma_start3A_389 = arith.constant 0 : i32
      %dma_start3A_390 = arith.constant 0 : i32
      %dma_start3A_391 = tpu.memref_slice %arg5[%run_scoped3A_112, %dma_start3A_389, %dma_start3A_390] : memref<2x4x128xi32, #tpu.memory_space<vmem>> -> memref<1x4x128xi32, #tpu.memory_space<vmem>>
      %dma_start3A_392 = tpu.memref_squeeze %dma_start3A_391 : memref<1x4x128xi32, #tpu.memory_space<vmem>> -> memref<4x128xi32, #tpu.memory_space<vmem>>
      %dma_start3A_393 = arith.constant 0 : i32
      %dma_start3A_394 = tpu.memref_slice %arg2[%run_scoped3A, %mul3A_2, %dma_start3A_393] : memref<200x128x128xi32, #tpu.memory_space<hbm>> -> memref<1x4x128xi32, #tpu.memory_space<hbm>>
      %dma_start3A_395 = tpu.memref_squeeze %dma_start3A_394 : memref<1x4x128xi32, #tpu.memory_space<hbm>> -> memref<4x128xi32, #tpu.memory_space<hbm>>
      %dma_start3A_396 = arith.constant 0 : i32
      %dma_start3A_397 = arith.constant 0 : i32
      %dma_start3A_398 = tpu.memref_slice %arg5[%run_scoped3A_112, %dma_start3A_396, %dma_start3A_397] : memref<2x4x128xi32, #tpu.memory_space<vmem>> -> memref<1x4x128xi32, #tpu.memory_space<vmem>>
      %dma_start3A_399 = tpu.memref_squeeze %dma_start3A_398 : memref<1x4x128xi32, #tpu.memory_space<vmem>> -> memref<4x128xi32, #tpu.memory_space<vmem>>
      %dma_start3A_400 = arith.constant 0 : i32
      %dma_start3A_401 = tpu.memref_slice %arg2[%run_scoped3A, %mul3A_2, %dma_start3A_400] : memref<200x128x128xi32, #tpu.memory_space<hbm>> -> memref<1x4x128xi32, #tpu.memory_space<hbm>>
      %dma_start3A_402 = tpu.memref_squeeze %dma_start3A_401 : memref<1x4x128xi32, #tpu.memory_space<hbm>> -> memref<4x128xi32, #tpu.memory_space<hbm>>
      tpu.enqueue_dma source(%dma_start3A_402 : memref<4x128xi32, #tpu.memory_space<hbm>>) target(%dma_start3A_399 : memref<4x128xi32, #tpu.memory_space<vmem>>) target_semaphore(%run_scoped3A_388 : memref<!tpu.dma_semaphore, #tpu.memory_space<semaphore_mem>>)
      %dma_wait3A_403 = arith.constant 0 : i32
      %dma_wait3A_404 = arith.constant 0 : i32
      %dma_wait3A_405 = tpu.memref_slice %arg5[%run_scoped3A_112, %dma_wait3A_403, %dma_wait3A_404] : memref<2x4x128xi32, #tpu.memory_space<vmem>> -> memref<1x4x128xi32, #tpu.memory_space<vmem>>
      %dma_wait3A_406 = tpu.memref_squeeze %dma_wait3A_405 : memref<1x4x128xi32, #tpu.memory_space<vmem>> -> memref<4x128xi32, #tpu.memory_space<vmem>>
      %dma_wait3A_407 = arith.constant 0 : i32
      %dma_wait3A_408 = tpu.memref_slice %arg2[%run_scoped3A, %mul3A_2, %dma_wait3A_407] : memref<200x128x128xi32, #tpu.memory_space<hbm>> -> memref<1x4x128xi32, #tpu.memory_space<hbm>>
      %dma_wait3A_409 = tpu.memref_squeeze %dma_wait3A_408 : memref<1x4x128xi32, #tpu.memory_space<hbm>> -> memref<4x128xi32, #tpu.memory_space<hbm>>
      %dma_wait3A_410 = arith.constant 0 : i32
      %dma_wait3A_411 = arith.constant 0 : i32
      %dma_wait3A_412 = tpu.memref_slice %arg5[%run_scoped3A_112, %dma_wait3A_410, %dma_wait3A_411] : memref<2x4x128xi32, #tpu.memory_space<vmem>> -> memref<1x4x128xi32, #tpu.memory_space<vmem>>
      %dma_wait3A_413 = tpu.memref_squeeze %dma_wait3A_412 : memref<1x4x128xi32, #tpu.memory_space<vmem>> -> memref<4x128xi32, #tpu.memory_space<vmem>>
      %dma_wait3A_414 = arith.constant 0 : i32
      %dma_wait3A_415 = tpu.memref_slice %arg2[%run_scoped3A, %mul3A_2, %dma_wait3A_414] : memref<200x128x128xi32, #tpu.memory_space<hbm>> -> memref<1x4x128xi32, #tpu.memory_space<hbm>>
      %dma_wait3A_416 = tpu.memref_squeeze %dma_wait3A_415 : memref<1x4x128xi32, #tpu.memory_space<hbm>> -> memref<4x128xi32, #tpu.memory_space<hbm>>
      tpu.wait_dma2 semaphore(%run_scoped3A_388 : memref<!tpu.dma_semaphore, #tpu.memory_space<semaphore_mem>>) src(%dma_wait3A_416 : memref<4x128xi32, #tpu.memory_space<hbm>>) dst(%dma_wait3A_413 : memref<4x128xi32, #tpu.memory_space<vmem>>)
      tpu.yield
    }) : () -> ()
    %dma_start3A = arith.constant 0 : i32
    %dma_start3A_113 = arith.constant 0 : i32
    %dma_start3A_114 = arith.constant 0 : i32
    %dma_start3A_115 = arith.constant 0 : i32
    %dma_start3A_116 = arith.constant 0 : i32
    %dma_start3A_117 = arith.constant 0 : i32
    %dma_start3A_118 = tpu.memref_slice %arg6[%dma_start3A_114, %dma_start3A_115, %dma_start3A_116, %dma_start3A_117] : memref<2x4x128x32xf32, #tpu.memory_space<vmem>> -> memref<1x1x128x32xf32, #tpu.memory_space<vmem>>
    %dma_start3A_119 = tpu.memref_squeeze %dma_start3A_118 : memref<1x1x128x32xf32, #tpu.memory_space<vmem>> -> memref<128x32xf32, #tpu.memory_space<vmem>>
    %dma_start3A_120 = arith.constant 0 : i32
    %dma_start3A_121 = tpu.memref_slice %arg5[%dma_start3A, %dma_start3A_113, %dma_start3A_120] : memref<2x4x128xi32, #tpu.memory_space<vmem>> -> memref<1x1x128xi32, #tpu.memory_space<vmem>>
    %dma_start3A_122 = tpu.memref_squeeze %dma_start3A_121 : memref<1x1x128xi32, #tpu.memory_space<vmem>> -> memref<128xi32, #tpu.memory_space<vmem>>
    %dma_start3A_123 = arith.constant 0 : i32
    %dma_start3A_124 = arith.constant 0 : i32
    %dma_start3A_125 = tpu.memref_slice %arg3[%dma_start3A_123, %dma_start3A_124] : memref<100000x32xf32, #tpu.memory_space<hbm>> -> memref<100000x32xf32, #tpu.memory_space<hbm>>
    tpu.enqueue_indirect_dma source(%dma_start3A_125 : memref<100000x32xf32, #tpu.memory_space<hbm>>) target(%dma_start3A_119 : memref<128x32xf32, #tpu.memory_space<vmem>>) offsets(%dma_start3A_122 : memref<128xi32, #tpu.memory_space<vmem>>) semaphore(%arg8 : memref<!tpu.dma_semaphore, #tpu.memory_space<semaphore_mem>>)
    %dma_start3A_126 = arith.constant 0 : i32
    %dma_start3A_127 = arith.constant 1 : i32
    %dma_start3A_128 = arith.constant 0 : i32
    %dma_start3A_129 = arith.constant 1 : i32
    %dma_start3A_130 = arith.constant 0 : i32
    %dma_start3A_131 = arith.constant 0 : i32
    %dma_start3A_132 = tpu.memref_slice %arg6[%dma_start3A_128, %dma_start3A_129, %dma_start3A_130, %dma_start3A_131] : memref<2x4x128x32xf32, #tpu.memory_space<vmem>> -> memref<1x1x128x32xf32, #tpu.memory_space<vmem>>
    %dma_start3A_133 = tpu.memref_squeeze %dma_start3A_132 : memref<1x1x128x32xf32, #tpu.memory_space<vmem>> -> memref<128x32xf32, #tpu.memory_space<vmem>>
    %dma_start3A_134 = arith.constant 0 : i32
    %dma_start3A_135 = tpu.memref_slice %arg5[%dma_start3A_126, %dma_start3A_127, %dma_start3A_134] : memref<2x4x128xi32, #tpu.memory_space<vmem>> -> memref<1x1x128xi32, #tpu.memory_space<vmem>>
    %dma_start3A_136 = tpu.memref_squeeze %dma_start3A_135 : memref<1x1x128xi32, #tpu.memory_space<vmem>> -> memref<128xi32, #tpu.memory_space<vmem>>
    %dma_start3A_137 = arith.constant 0 : i32
    %dma_start3A_138 = arith.constant 0 : i32
    %dma_start3A_139 = tpu.memref_slice %arg3[%dma_start3A_137, %dma_start3A_138] : memref<100000x32xf32, #tpu.memory_space<hbm>> -> memref<100000x32xf32, #tpu.memory_space<hbm>>
    tpu.enqueue_indirect_dma source(%dma_start3A_139 : memref<100000x32xf32, #tpu.memory_space<hbm>>) target(%dma_start3A_133 : memref<128x32xf32, #tpu.memory_space<vmem>>) offsets(%dma_start3A_136 : memref<128xi32, #tpu.memory_space<vmem>>) semaphore(%arg8 : memref<!tpu.dma_semaphore, #tpu.memory_space<semaphore_mem>>)
    %dma_start3A_140 = arith.constant 0 : i32
    %dma_start3A_141 = arith.constant 2 : i32
    %dma_start3A_142 = arith.constant 0 : i32
    %dma_start3A_143 = arith.constant 2 : i32
    %dma_start3A_144 = arith.constant 0 : i32
    %dma_start3A_145 = arith.constant 0 : i32
    %dma_start3A_146 = tpu.memref_slice %arg6[%dma_start3A_142, %dma_start3A_143, %dma_start3A_144, %dma_start3A_145] : memref<2x4x128x32xf32, #tpu.memory_space<vmem>> -> memref<1x1x128x32xf32, #tpu.memory_space<vmem>>
    %dma_start3A_147 = tpu.memref_squeeze %dma_start3A_146 : memref<1x1x128x32xf32, #tpu.memory_space<vmem>> -> memref<128x32xf32, #tpu.memory_space<vmem>>
    %dma_start3A_148 = arith.constant 0 : i32
    %dma_start3A_149 = tpu.memref_slice %arg5[%dma_start3A_140, %dma_start3A_141, %dma_start3A_148] : memref<2x4x128xi32, #tpu.memory_space<vmem>> -> memref<1x1x128xi32, #tpu.memory_space<vmem>>
    %dma_start3A_150 = tpu.memref_squeeze %dma_start3A_149 : memref<1x1x128xi32, #tpu.memory_space<vmem>> -> memref<128xi32, #tpu.memory_space<vmem>>
    %dma_start3A_151 = arith.constant 0 : i32
    %dma_start3A_152 = arith.constant 0 : i32
    %dma_start3A_153 = tpu.memref_slice %arg3[%dma_start3A_151, %dma_start3A_152] : memref<100000x32xf32, #tpu.memory_space<hbm>> -> memref<100000x32xf32, #tpu.memory_space<hbm>>
    tpu.enqueue_indirect_dma source(%dma_start3A_153 : memref<100000x32xf32, #tpu.memory_space<hbm>>) target(%dma_start3A_147 : memref<128x32xf32, #tpu.memory_space<vmem>>) offsets(%dma_start3A_150 : memref<128xi32, #tpu.memory_space<vmem>>) semaphore(%arg8 : memref<!tpu.dma_semaphore, #tpu.memory_space<semaphore_mem>>)
    %dma_start3A_154 = arith.constant 0 : i32
    %dma_start3A_155 = arith.constant 3 : i32
    %dma_start3A_156 = arith.constant 0 : i32
    %dma_start3A_157 = arith.constant 3 : i32
    %dma_start3A_158 = arith.constant 0 : i32
    %dma_start3A_159 = arith.constant 0 : i32
    %dma_start3A_160 = tpu.memref_slice %arg6[%dma_start3A_156, %dma_start3A_157, %dma_start3A_158, %dma_start3A_159] : memref<2x4x128x32xf32, #tpu.memory_space<vmem>> -> memref<1x1x128x32xf32, #tpu.memory_space<vmem>>
    %dma_start3A_161 = tpu.memref_squeeze %dma_start3A_160 : memref<1x1x128x32xf32, #tpu.memory_space<vmem>> -> memref<128x32xf32, #tpu.memory_space<vmem>>
    %dma_start3A_162 = arith.constant 0 : i32
    %dma_start3A_163 = tpu.memref_slice %arg5[%dma_start3A_154, %dma_start3A_155, %dma_start3A_162] : memref<2x4x128xi32, #tpu.memory_space<vmem>> -> memref<1x1x128xi32, #tpu.memory_space<vmem>>
    %dma_start3A_164 = tpu.memref_squeeze %dma_start3A_163 : memref<1x1x128xi32, #tpu.memory_space<vmem>> -> memref<128xi32, #tpu.memory_space<vmem>>
    %dma_start3A_165 = arith.constant 0 : i32
    %dma_start3A_166 = arith.constant 0 : i32
    %dma_start3A_167 = tpu.memref_slice %arg3[%dma_start3A_165, %dma_start3A_166] : memref<100000x32xf32, #tpu.memory_space<hbm>> -> memref<100000x32xf32, #tpu.memory_space<hbm>>
    tpu.enqueue_indirect_dma source(%dma_start3A_167 : memref<100000x32xf32, #tpu.memory_space<hbm>>) target(%dma_start3A_161 : memref<128x32xf32, #tpu.memory_space<vmem>>) offsets(%dma_start3A_164 : memref<128xi32, #tpu.memory_space<vmem>>) semaphore(%arg8 : memref<!tpu.dma_semaphore, #tpu.memory_space<semaphore_mem>>)
    %dma_start3A_168 = arith.constant 1 : i32
    %dma_start3A_169 = arith.constant 1 : i32
    %dma_start3A_170 = arith.constant 0 : i32
    %dma_start3A_171 = arith.constant 0 : i32
    %dma_start3A_172 = tpu.memref_slice %arg5[%dma_start3A_169, %dma_start3A_170, %dma_start3A_171] : memref<2x4x128xi32, #tpu.memory_space<vmem>> -> memref<1x4x128xi32, #tpu.memory_space<vmem>>
    %dma_start3A_173 = tpu.memref_squeeze %dma_start3A_172 : memref<1x4x128xi32, #tpu.memory_space<vmem>> -> memref<4x128xi32, #tpu.memory_space<vmem>>
    %dma_start3A_174 = arith.constant 0 : i32
    %dma_start3A_175 = tpu.memref_slice %arg2[%dma_start3A_168, %mul3A_2, %dma_start3A_174] : memref<200x128x128xi32, #tpu.memory_space<hbm>> -> memref<1x4x128xi32, #tpu.memory_space<hbm>>
    %dma_start3A_176 = tpu.memref_squeeze %dma_start3A_175 : memref<1x4x128xi32, #tpu.memory_space<hbm>> -> memref<4x128xi32, #tpu.memory_space<hbm>>
    %dma_start3A_177 = arith.constant 0 : i32
    %dma_start3A_178 = arith.constant 0 : i32
    %dma_start3A_179 = tpu.memref_slice %arg5[%dma_start3A_169, %dma_start3A_177, %dma_start3A_178] : memref<2x4x128xi32, #tpu.memory_space<vmem>> -> memref<1x4x128xi32, #tpu.memory_space<vmem>>
    %dma_start3A_180 = tpu.memref_squeeze %dma_start3A_179 : memref<1x4x128xi32, #tpu.memory_space<vmem>> -> memref<4x128xi32, #tpu.memory_space<vmem>>
    %dma_start3A_181 = arith.constant 0 : i32
    %dma_start3A_182 = tpu.memref_slice %arg2[%dma_start3A_168, %mul3A_2, %dma_start3A_181] : memref<200x128x128xi32, #tpu.memory_space<hbm>> -> memref<1x4x128xi32, #tpu.memory_space<hbm>>
    %dma_start3A_183 = tpu.memref_squeeze %dma_start3A_182 : memref<1x4x128xi32, #tpu.memory_space<hbm>> -> memref<4x128xi32, #tpu.memory_space<hbm>>
    tpu.enqueue_dma source(%dma_start3A_183 : memref<4x128xi32, #tpu.memory_space<hbm>>) target(%dma_start3A_180 : memref<4x128xi32, #tpu.memory_space<vmem>>) target_semaphore(%arg10 : memref<!tpu.dma_semaphore, #tpu.memory_space<semaphore_mem>>)
    %scan3A = arith.constant 0 : i32
    %scan3A_184 = arith.constant 0 : i32
    %scan3A_185 = arith.constant 100 : i32
    %scan3A_186 = arith.addi %scan3A_184, %scan3A_185 : i32
    %scan3A_187 = arith.constant 1 : i32
    scf.for %scan3A_388 = %scan3A_184 to %scan3A_186 step %scan3A_187  : i32 {
      %mul3A_389 = arith.constant 2 : i32
      %mul3A_390 = arith.muli %scan3A_388, %mul3A_389 : i32
      %ge3A = arith.constant 1 : i32
      %ge3A_391 = arith.cmpi sge, %scan3A_388, %ge3A : i32
      %convert_element_type3A = arith.extui %ge3A_391 : i1 to i32
      %cond3A = arith.constant 0 : i32
      %cond3A_392 = arith.cmpi ne, %convert_element_type3A, %cond3A : i32
      scf.if %cond3A_392 {
        %sub3A_763 = arith.constant 2 : i32
        %sub3A_764 = arith.subi %mul3A_390, %sub3A_763 : i32
        %add3A_765 = arith.constant 0 : i32
        %add3A_766 = arith.addi %mul3A_2, %add3A_765 : i32
        %dma_wait3A_767 = arith.constant 0 : i32
        %dma_wait3A_768 = arith.constant 0 : i32
        %dma_wait3A_769 = arith.constant 0 : i32
        %dma_wait3A_770 = arith.constant 0 : i32
        %dma_wait3A_771 = arith.constant 0 : i32
        %dma_wait3A_772 = tpu.memref_slice %arg7[%dma_wait3A_767, %dma_wait3A_768, %dma_wait3A_769, %dma_wait3A_770, %dma_wait3A_771] : memref<2x4x4x8x129xf32, #tpu.memory_space<vmem>> -> memref<1x1x4x8x128xf32, #tpu.memory_space<vmem>>
        %dma_wait3A_773 = tpu.memref_squeeze %dma_wait3A_772 : memref<1x1x4x8x128xf32, #tpu.memory_space<vmem>> -> memref<4x8x128xf32, #tpu.memory_space<vmem>>
        %dma_wait3A_774 = arith.constant 0 : i32
        %dma_wait3A_775 = arith.constant 0 : i32
        %dma_wait3A_776 = arith.constant 0 : i32
        %dma_wait3A_777 = tpu.memref_slice %arg4[%sub3A_764, %dma_wait3A_774, %add3A_766, %dma_wait3A_775, %dma_wait3A_776] : memref<200x4x128x8x128xf32, #tpu.memory_space<hbm>> -> memref<1x4x1x8x128xf32, #tpu.memory_space<hbm>>
        %dma_wait3A_778 = tpu.memref_squeeze %dma_wait3A_777 : memref<1x4x1x8x128xf32, #tpu.memory_space<hbm>> -> memref<4x8x128xf32, #tpu.memory_space<hbm>>
        %dma_wait3A_779 = arith.constant 0 : i32
        %dma_wait3A_780 = arith.constant 0 : i32
        %dma_wait3A_781 = arith.constant 0 : i32
        %dma_wait3A_782 = tpu.memref_slice %arg4[%sub3A_764, %dma_wait3A_779, %add3A_766, %dma_wait3A_780, %dma_wait3A_781] : memref<200x4x128x8x128xf32, #tpu.memory_space<hbm>> -> memref<1x4x1x8x128xf32, #tpu.memory_space<hbm>>
        %dma_wait3A_783 = tpu.memref_squeeze %dma_wait3A_782 : memref<1x4x1x8x128xf32, #tpu.memory_space<hbm>> -> memref<4x8x128xf32, #tpu.memory_space<hbm>>
        %dma_wait3A_784 = arith.constant 0 : i32
        %dma_wait3A_785 = arith.constant 0 : i32
        %dma_wait3A_786 = arith.constant 0 : i32
        %dma_wait3A_787 = tpu.memref_slice %arg7[%dma_wait3A_767, %dma_wait3A_768, %dma_wait3A_784, %dma_wait3A_785, %dma_wait3A_786] : memref<2x4x4x8x129xf32, #tpu.memory_space<vmem>> -> memref<1x1x4x8x128xf32, #tpu.memory_space<vmem>>
        %dma_wait3A_788 = tpu.memref_squeeze %dma_wait3A_787 : memref<1x1x4x8x128xf32, #tpu.memory_space<vmem>> -> memref<4x8x128xf32, #tpu.memory_space<vmem>>
        tpu.wait_dma2 semaphore(%arg9 : memref<!tpu.dma_semaphore, #tpu.memory_space<semaphore_mem>>) src(%dma_wait3A_788 : memref<4x8x128xf32, #tpu.memory_space<vmem>>) dst(%dma_wait3A_783 : memref<4x8x128xf32, #tpu.memory_space<hbm>>)
        %add3A_789 = arith.constant 1 : i32
        %add3A_790 = arith.addi %mul3A_2, %add3A_789 : i32
        %dma_wait3A_791 = arith.constant 0 : i32
        %dma_wait3A_792 = arith.constant 1 : i32
        %dma_wait3A_793 = arith.constant 0 : i32
        %dma_wait3A_794 = arith.constant 0 : i32
        %dma_wait3A_795 = arith.constant 0 : i32
        %dma_wait3A_796 = tpu.memref_slice %arg7[%dma_wait3A_791, %dma_wait3A_792, %dma_wait3A_793, %dma_wait3A_794, %dma_wait3A_795] : memref<2x4x4x8x129xf32, #tpu.memory_space<vmem>> -> memref<1x1x4x8x128xf32, #tpu.memory_space<vmem>>
        %dma_wait3A_797 = tpu.memref_squeeze %dma_wait3A_796 : memref<1x1x4x8x128xf32, #tpu.memory_space<vmem>> -> memref<4x8x128xf32, #tpu.memory_space<vmem>>
        %dma_wait3A_798 = arith.constant 0 : i32
        %dma_wait3A_799 = arith.constant 0 : i32
        %dma_wait3A_800 = arith.constant 0 : i32
        %dma_wait3A_801 = tpu.memref_slice %arg4[%sub3A_764, %dma_wait3A_798, %add3A_790, %dma_wait3A_799, %dma_wait3A_800] : memref<200x4x128x8x128xf32, #tpu.memory_space<hbm>> -> memref<1x4x1x8x128xf32, #tpu.memory_space<hbm>>
        %dma_wait3A_802 = tpu.memref_squeeze %dma_wait3A_801 : memref<1x4x1x8x128xf32, #tpu.memory_space<hbm>> -> memref<4x8x128xf32, #tpu.memory_space<hbm>>
        %dma_wait3A_803 = arith.constant 0 : i32
        %dma_wait3A_804 = arith.constant 0 : i32
        %dma_wait3A_805 = arith.constant 0 : i32
        %dma_wait3A_806 = tpu.memref_slice %arg4[%sub3A_764, %dma_wait3A_803, %add3A_790, %dma_wait3A_804, %dma_wait3A_805] : memref<200x4x128x8x128xf32, #tpu.memory_space<hbm>> -> memref<1x4x1x8x128xf32, #tpu.memory_space<hbm>>
        %dma_wait3A_807 = tpu.memref_squeeze %dma_wait3A_806 : memref<1x4x1x8x128xf32, #tpu.memory_space<hbm>> -> memref<4x8x128xf32, #tpu.memory_space<hbm>>
        %dma_wait3A_808 = arith.constant 0 : i32
        %dma_wait3A_809 = arith.constant 0 : i32
        %dma_wait3A_810 = arith.constant 0 : i32
        %dma_wait3A_811 = tpu.memref_slice %arg7[%dma_wait3A_791, %dma_wait3A_792, %dma_wait3A_808, %dma_wait3A_809, %dma_wait3A_810] : memref<2x4x4x8x129xf32, #tpu.memory_space<vmem>> -> memref<1x1x4x8x128xf32, #tpu.memory_space<vmem>>
        %dma_wait3A_812 = tpu.memref_squeeze %dma_wait3A_811 : memref<1x1x4x8x128xf32, #tpu.memory_space<vmem>> -> memref<4x8x128xf32, #tpu.memory_space<vmem>>
        tpu.wait_dma2 semaphore(%arg9 : memref<!tpu.dma_semaphore, #tpu.memory_space<semaphore_mem>>) src(%dma_wait3A_812 : memref<4x8x128xf32, #tpu.memory_space<vmem>>) dst(%dma_wait3A_807 : memref<4x8x128xf32, #tpu.memory_space<hbm>>)
        %add3A_813 = arith.constant 2 : i32
        %add3A_814 = arith.addi %mul3A_2, %add3A_813 : i32
        %dma_wait3A_815 = arith.constant 0 : i32
        %dma_wait3A_816 = arith.constant 2 : i32
        %dma_wait3A_817 = arith.constant 0 : i32
        %dma_wait3A_818 = arith.constant 0 : i32
        %dma_wait3A_819 = arith.constant 0 : i32
        %dma_wait3A_820 = tpu.memref_slice %arg7[%dma_wait3A_815, %dma_wait3A_816, %dma_wait3A_817, %dma_wait3A_818, %dma_wait3A_819] : memref<2x4x4x8x129xf32, #tpu.memory_space<vmem>> -> memref<1x1x4x8x128xf32, #tpu.memory_space<vmem>>
        %dma_wait3A_821 = tpu.memref_squeeze %dma_wait3A_820 : memref<1x1x4x8x128xf32, #tpu.memory_space<vmem>> -> memref<4x8x128xf32, #tpu.memory_space<vmem>>
        %dma_wait3A_822 = arith.constant 0 : i32
        %dma_wait3A_823 = arith.constant 0 : i32
        %dma_wait3A_824 = arith.constant 0 : i32
        %dma_wait3A_825 = tpu.memref_slice %arg4[%sub3A_764, %dma_wait3A_822, %add3A_814, %dma_wait3A_823, %dma_wait3A_824] : memref<200x4x128x8x128xf32, #tpu.memory_space<hbm>> -> memref<1x4x1x8x128xf32, #tpu.memory_space<hbm>>
        %dma_wait3A_826 = tpu.memref_squeeze %dma_wait3A_825 : memref<1x4x1x8x128xf32, #tpu.memory_space<hbm>> -> memref<4x8x128xf32, #tpu.memory_space<hbm>>
        %dma_wait3A_827 = arith.constant 0 : i32
        %dma_wait3A_828 = arith.constant 0 : i32
        %dma_wait3A_829 = arith.constant 0 : i32
        %dma_wait3A_830 = tpu.memref_slice %arg4[%sub3A_764, %dma_wait3A_827, %add3A_814, %dma_wait3A_828, %dma_wait3A_829] : memref<200x4x128x8x128xf32, #tpu.memory_space<hbm>> -> memref<1x4x1x8x128xf32, #tpu.memory_space<hbm>>
        %dma_wait3A_831 = tpu.memref_squeeze %dma_wait3A_830 : memref<1x4x1x8x128xf32, #tpu.memory_space<hbm>> -> memref<4x8x128xf32, #tpu.memory_space<hbm>>
        %dma_wait3A_832 = arith.constant 0 : i32
        %dma_wait3A_833 = arith.constant 0 : i32
        %dma_wait3A_834 = arith.constant 0 : i32
        %dma_wait3A_835 = tpu.memref_slice %arg7[%dma_wait3A_815, %dma_wait3A_816, %dma_wait3A_832, %dma_wait3A_833, %dma_wait3A_834] : memref<2x4x4x8x129xf32, #tpu.memory_space<vmem>> -> memref<1x1x4x8x128xf32, #tpu.memory_space<vmem>>
        %dma_wait3A_836 = tpu.memref_squeeze %dma_wait3A_835 : memref<1x1x4x8x128xf32, #tpu.memory_space<vmem>> -> memref<4x8x128xf32, #tpu.memory_space<vmem>>
        tpu.wait_dma2 semaphore(%arg9 : memref<!tpu.dma_semaphore, #tpu.memory_space<semaphore_mem>>) src(%dma_wait3A_836 : memref<4x8x128xf32, #tpu.memory_space<vmem>>) dst(%dma_wait3A_831 : memref<4x8x128xf32, #tpu.memory_space<hbm>>)
        %add3A_837 = arith.constant 3 : i32
        %add3A_838 = arith.addi %mul3A_2, %add3A_837 : i32
        %dma_wait3A_839 = arith.constant 0 : i32
        %dma_wait3A_840 = arith.constant 3 : i32
        %dma_wait3A_841 = arith.constant 0 : i32
        %dma_wait3A_842 = arith.constant 0 : i32
        %dma_wait3A_843 = arith.constant 0 : i32
        %dma_wait3A_844 = tpu.memref_slice %arg7[%dma_wait3A_839, %dma_wait3A_840, %dma_wait3A_841, %dma_wait3A_842, %dma_wait3A_843] : memref<2x4x4x8x129xf32, #tpu.memory_space<vmem>> -> memref<1x1x4x8x128xf32, #tpu.memory_space<vmem>>
        %dma_wait3A_845 = tpu.memref_squeeze %dma_wait3A_844 : memref<1x1x4x8x128xf32, #tpu.memory_space<vmem>> -> memref<4x8x128xf32, #tpu.memory_space<vmem>>
        %dma_wait3A_846 = arith.constant 0 : i32
        %dma_wait3A_847 = arith.constant 0 : i32
        %dma_wait3A_848 = arith.constant 0 : i32
        %dma_wait3A_849 = tpu.memref_slice %arg4[%sub3A_764, %dma_wait3A_846, %add3A_838, %dma_wait3A_847, %dma_wait3A_848] : memref<200x4x128x8x128xf32, #tpu.memory_space<hbm>> -> memref<1x4x1x8x128xf32, #tpu.memory_space<hbm>>
        %dma_wait3A_850 = tpu.memref_squeeze %dma_wait3A_849 : memref<1x4x1x8x128xf32, #tpu.memory_space<hbm>> -> memref<4x8x128xf32, #tpu.memory_space<hbm>>
        %dma_wait3A_851 = arith.constant 0 : i32
        %dma_wait3A_852 = arith.constant 0 : i32
        %dma_wait3A_853 = arith.constant 0 : i32
        %dma_wait3A_854 = tpu.memref_slice %arg4[%sub3A_764, %dma_wait3A_851, %add3A_838, %dma_wait3A_852, %dma_wait3A_853] : memref<200x4x128x8x128xf32, #tpu.memory_space<hbm>> -> memref<1x4x1x8x128xf32, #tpu.memory_space<hbm>>
        %dma_wait3A_855 = tpu.memref_squeeze %dma_wait3A_854 : memref<1x4x1x8x128xf32, #tpu.memory_space<hbm>> -> memref<4x8x128xf32, #tpu.memory_space<hbm>>
        %dma_wait3A_856 = arith.constant 0 : i32
        %dma_wait3A_857 = arith.constant 0 : i32
        %dma_wait3A_858 = arith.constant 0 : i32
        %dma_wait3A_859 = tpu.memref_slice %arg7[%dma_wait3A_839, %dma_wait3A_840, %dma_wait3A_856, %dma_wait3A_857, %dma_wait3A_858] : memref<2x4x4x8x129xf32, #tpu.memory_space<vmem>> -> memref<1x1x4x8x128xf32, #tpu.memory_space<vmem>>
        %dma_wait3A_860 = tpu.memref_squeeze %dma_wait3A_859 : memref<1x1x4x8x128xf32, #tpu.memory_space<vmem>> -> memref<4x8x128xf32, #tpu.memory_space<vmem>>
        tpu.wait_dma2 semaphore(%arg9 : memref<!tpu.dma_semaphore, #tpu.memory_space<semaphore_mem>>) src(%dma_wait3A_860 : memref<4x8x128xf32, #tpu.memory_space<vmem>>) dst(%dma_wait3A_855 : memref<4x8x128xf32, #tpu.memory_space<hbm>>)
      } else {
      }
      %dma_wait3A_393 = arith.constant 0 : i32
      %dma_wait3A_394 = arith.constant 0 : i32
      %dma_wait3A_395 = arith.constant 0 : i32
      %dma_wait3A_396 = arith.constant 0 : i32
      %dma_wait3A_397 = arith.constant 0 : i32
      %dma_wait3A_398 = arith.constant 0 : i32
      %dma_wait3A_399 = tpu.memref_slice %arg6[%dma_wait3A_395, %dma_wait3A_396, %dma_wait3A_397, %dma_wait3A_398] : memref<2x4x128x32xf32, #tpu.memory_space<vmem>> -> memref<1x1x128x32xf32, #tpu.memory_space<vmem>>
      %dma_wait3A_400 = tpu.memref_squeeze %dma_wait3A_399 : memref<1x1x128x32xf32, #tpu.memory_space<vmem>> -> memref<128x32xf32, #tpu.memory_space<vmem>>
      %dma_wait3A_401 = arith.constant 0 : i32
      %dma_wait3A_402 = tpu.memref_slice %arg5[%dma_wait3A_393, %dma_wait3A_394, %dma_wait3A_401] : memref<2x4x128xi32, #tpu.memory_space<vmem>> -> memref<1x1x128xi32, #tpu.memory_space<vmem>>
      %dma_wait3A_403 = tpu.memref_squeeze %dma_wait3A_402 : memref<1x1x128xi32, #tpu.memory_space<vmem>> -> memref<128xi32, #tpu.memory_space<vmem>>
      %dma_wait3A_404 = arith.constant 0 : i32
      %dma_wait3A_405 = arith.constant 0 : i32
      %dma_wait3A_406 = tpu.memref_slice %arg3[%dma_wait3A_404, %dma_wait3A_405] : memref<100000x32xf32, #tpu.memory_space<hbm>> -> memref<100000x32xf32, #tpu.memory_space<hbm>>
      tpu.wait_indirect_dma semaphore(%arg8 : memref<!tpu.dma_semaphore, #tpu.memory_space<semaphore_mem>>) src(%dma_wait3A_406 : memref<100000x32xf32, #tpu.memory_space<hbm>>) dst(%dma_wait3A_400 : memref<128x32xf32, #tpu.memory_space<vmem>>)
      %lt3A_407 = arith.constant 199 : i32
      %lt3A_408 = arith.cmpi slt, %mul3A_390, %lt3A_407 : i32
      %convert_element_type3A_409 = arith.extui %lt3A_408 : i1 to i32
      %cond3A_410 = arith.constant 0 : i32
      %cond3A_411 = arith.cmpi ne, %convert_element_type3A_409, %cond3A_410 : i32
      scf.if %cond3A_411 {
        %add3A_763 = arith.constant 1 : i32
        %add3A_764 = arith.addi %mul3A_390, %add3A_763 : i32
        %dma_wait3A_765 = arith.constant 1 : i32
        %dma_wait3A_766 = arith.constant 0 : i32
        %dma_wait3A_767 = arith.constant 0 : i32
        %dma_wait3A_768 = tpu.memref_slice %arg5[%dma_wait3A_765, %dma_wait3A_766, %dma_wait3A_767] : memref<2x4x128xi32, #tpu.memory_space<vmem>> -> memref<1x4x128xi32, #tpu.memory_space<vmem>>
        %dma_wait3A_769 = tpu.memref_squeeze %dma_wait3A_768 : memref<1x4x128xi32, #tpu.memory_space<vmem>> -> memref<4x128xi32, #tpu.memory_space<vmem>>
        %dma_wait3A_770 = arith.constant 0 : i32
        %dma_wait3A_771 = tpu.memref_slice %arg2[%add3A_764, %mul3A_2, %dma_wait3A_770] : memref<200x128x128xi32, #tpu.memory_space<hbm>> -> memref<1x4x128xi32, #tpu.memory_space<hbm>>
        %dma_wait3A_772 = tpu.memref_squeeze %dma_wait3A_771 : memref<1x4x128xi32, #tpu.memory_space<hbm>> -> memref<4x128xi32, #tpu.memory_space<hbm>>
        %dma_wait3A_773 = arith.constant 0 : i32
        %dma_wait3A_774 = arith.constant 0 : i32
        %dma_wait3A_775 = tpu.memref_slice %arg5[%dma_wait3A_765, %dma_wait3A_773, %dma_wait3A_774] : memref<2x4x128xi32, #tpu.memory_space<vmem>> -> memref<1x4x128xi32, #tpu.memory_space<vmem>>
        %dma_wait3A_776 = tpu.memref_squeeze %dma_wait3A_775 : memref<1x4x128xi32, #tpu.memory_space<vmem>> -> memref<4x128xi32, #tpu.memory_space<vmem>>
        %dma_wait3A_777 = arith.constant 0 : i32
        %dma_wait3A_778 = tpu.memref_slice %arg2[%add3A_764, %mul3A_2, %dma_wait3A_777] : memref<200x128x128xi32, #tpu.memory_space<hbm>> -> memref<1x4x128xi32, #tpu.memory_space<hbm>>
        %dma_wait3A_779 = tpu.memref_squeeze %dma_wait3A_778 : memref<1x4x128xi32, #tpu.memory_space<hbm>> -> memref<4x128xi32, #tpu.memory_space<hbm>>
        tpu.wait_dma2 semaphore(%arg10 : memref<!tpu.dma_semaphore, #tpu.memory_space<semaphore_mem>>) src(%dma_wait3A_779 : memref<4x128xi32, #tpu.memory_space<hbm>>) dst(%dma_wait3A_776 : memref<4x128xi32, #tpu.memory_space<vmem>>)
        %add3A_780 = arith.constant 1 : i32
        %add3A_781 = arith.addi %mul3A_390, %add3A_780 : i32
        %dma_start3A_782 = arith.constant 1 : i32
        %dma_start3A_783 = arith.constant 0 : i32
        %dma_start3A_784 = arith.constant 1 : i32
        %dma_start3A_785 = arith.constant 0 : i32
        %dma_start3A_786 = arith.constant 0 : i32
        %dma_start3A_787 = arith.constant 0 : i32
        %dma_start3A_788 = tpu.memref_slice %arg6[%dma_start3A_784, %dma_start3A_785, %dma_start3A_786, %dma_start3A_787] : memref<2x4x128x32xf32, #tpu.memory_space<vmem>> -> memref<1x1x128x32xf32, #tpu.memory_space<vmem>>
        %dma_start3A_789 = tpu.memref_squeeze %dma_start3A_788 : memref<1x1x128x32xf32, #tpu.memory_space<vmem>> -> memref<128x32xf32, #tpu.memory_space<vmem>>
        %dma_start3A_790 = arith.constant 0 : i32
        %dma_start3A_791 = tpu.memref_slice %arg5[%dma_start3A_782, %dma_start3A_783, %dma_start3A_790] : memref<2x4x128xi32, #tpu.memory_space<vmem>> -> memref<1x1x128xi32, #tpu.memory_space<vmem>>
        %dma_start3A_792 = tpu.memref_squeeze %dma_start3A_791 : memref<1x1x128xi32, #tpu.memory_space<vmem>> -> memref<128xi32, #tpu.memory_space<vmem>>
        %dma_start3A_793 = arith.constant 0 : i32
        %dma_start3A_794 = arith.constant 0 : i32
        %dma_start3A_795 = tpu.memref_slice %arg3[%dma_start3A_793, %dma_start3A_794] : memref<100000x32xf32, #tpu.memory_space<hbm>> -> memref<100000x32xf32, #tpu.memory_space<hbm>>
        tpu.enqueue_indirect_dma source(%dma_start3A_795 : memref<100000x32xf32, #tpu.memory_space<hbm>>) target(%dma_start3A_789 : memref<128x32xf32, #tpu.memory_space<vmem>>) offsets(%dma_start3A_792 : memref<128xi32, #tpu.memory_space<vmem>>) semaphore(%arg8 : memref<!tpu.dma_semaphore, #tpu.memory_space<semaphore_mem>>)
        %dma_start3A_796 = arith.constant 1 : i32
        %dma_start3A_797 = arith.constant 1 : i32
        %dma_start3A_798 = arith.constant 1 : i32
        %dma_start3A_799 = arith.constant 1 : i32
        %dma_start3A_800 = arith.constant 0 : i32
        %dma_start3A_801 = arith.constant 0 : i32
        %dma_start3A_802 = tpu.memref_slice %arg6[%dma_start3A_798, %dma_start3A_799, %dma_start3A_800, %dma_start3A_801] : memref<2x4x128x32xf32, #tpu.memory_space<vmem>> -> memref<1x1x128x32xf32, #tpu.memory_space<vmem>>
        %dma_start3A_803 = tpu.memref_squeeze %dma_start3A_802 : memref<1x1x128x32xf32, #tpu.memory_space<vmem>> -> memref<128x32xf32, #tpu.memory_space<vmem>>
        %dma_start3A_804 = arith.constant 0 : i32
        %dma_start3A_805 = tpu.memref_slice %arg5[%dma_start3A_796, %dma_start3A_797, %dma_start3A_804] : memref<2x4x128xi32, #tpu.memory_space<vmem>> -> memref<1x1x128xi32, #tpu.memory_space<vmem>>
        %dma_start3A_806 = tpu.memref_squeeze %dma_start3A_805 : memref<1x1x128xi32, #tpu.memory_space<vmem>> -> memref<128xi32, #tpu.memory_space<vmem>>
        %dma_start3A_807 = arith.constant 0 : i32
        %dma_start3A_808 = arith.constant 0 : i32
        %dma_start3A_809 = tpu.memref_slice %arg3[%dma_start3A_807, %dma_start3A_808] : memref<100000x32xf32, #tpu.memory_space<hbm>> -> memref<100000x32xf32, #tpu.memory_space<hbm>>
        tpu.enqueue_indirect_dma source(%dma_start3A_809 : memref<100000x32xf32, #tpu.memory_space<hbm>>) target(%dma_start3A_803 : memref<128x32xf32, #tpu.memory_space<vmem>>) offsets(%dma_start3A_806 : memref<128xi32, #tpu.memory_space<vmem>>) semaphore(%arg8 : memref<!tpu.dma_semaphore, #tpu.memory_space<semaphore_mem>>)
        %dma_start3A_810 = arith.constant 1 : i32
        %dma_start3A_811 = arith.constant 2 : i32
        %dma_start3A_812 = arith.constant 1 : i32
        %dma_start3A_813 = arith.constant 2 : i32
        %dma_start3A_814 = arith.constant 0 : i32
        %dma_start3A_815 = arith.constant 0 : i32
        %dma_start3A_816 = tpu.memref_slice %arg6[%dma_start3A_812, %dma_start3A_813, %dma_start3A_814, %dma_start3A_815] : memref<2x4x128x32xf32, #tpu.memory_space<vmem>> -> memref<1x1x128x32xf32, #tpu.memory_space<vmem>>
        %dma_start3A_817 = tpu.memref_squeeze %dma_start3A_816 : memref<1x1x128x32xf32, #tpu.memory_space<vmem>> -> memref<128x32xf32, #tpu.memory_space<vmem>>
        %dma_start3A_818 = arith.constant 0 : i32
        %dma_start3A_819 = tpu.memref_slice %arg5[%dma_start3A_810, %dma_start3A_811, %dma_start3A_818] : memref<2x4x128xi32, #tpu.memory_space<vmem>> -> memref<1x1x128xi32, #tpu.memory_space<vmem>>
        %dma_start3A_820 = tpu.memref_squeeze %dma_start3A_819 : memref<1x1x128xi32, #tpu.memory_space<vmem>> -> memref<128xi32, #tpu.memory_space<vmem>>
        %dma_start3A_821 = arith.constant 0 : i32
        %dma_start3A_822 = arith.constant 0 : i32
        %dma_start3A_823 = tpu.memref_slice %arg3[%dma_start3A_821, %dma_start3A_822] : memref<100000x32xf32, #tpu.memory_space<hbm>> -> memref<100000x32xf32, #tpu.memory_space<hbm>>
        tpu.enqueue_indirect_dma source(%dma_start3A_823 : memref<100000x32xf32, #tpu.memory_space<hbm>>) target(%dma_start3A_817 : memref<128x32xf32, #tpu.memory_space<vmem>>) offsets(%dma_start3A_820 : memref<128xi32, #tpu.memory_space<vmem>>) semaphore(%arg8 : memref<!tpu.dma_semaphore, #tpu.memory_space<semaphore_mem>>)
        %dma_start3A_824 = arith.constant 1 : i32
        %dma_start3A_825 = arith.constant 3 : i32
        %dma_start3A_826 = arith.constant 1 : i32
        %dma_start3A_827 = arith.constant 3 : i32
        %dma_start3A_828 = arith.constant 0 : i32
        %dma_start3A_829 = arith.constant 0 : i32
        %dma_start3A_830 = tpu.memref_slice %arg6[%dma_start3A_826, %dma_start3A_827, %dma_start3A_828, %dma_start3A_829] : memref<2x4x128x32xf32, #tpu.memory_space<vmem>> -> memref<1x1x128x32xf32, #tpu.memory_space<vmem>>
        %dma_start3A_831 = tpu.memref_squeeze %dma_start3A_830 : memref<1x1x128x32xf32, #tpu.memory_space<vmem>> -> memref<128x32xf32, #tpu.memory_space<vmem>>
        %dma_start3A_832 = arith.constant 0 : i32
        %dma_start3A_833 = tpu.memref_slice %arg5[%dma_start3A_824, %dma_start3A_825, %dma_start3A_832] : memref<2x4x128xi32, #tpu.memory_space<vmem>> -> memref<1x1x128xi32, #tpu.memory_space<vmem>>
        %dma_start3A_834 = tpu.memref_squeeze %dma_start3A_833 : memref<1x1x128xi32, #tpu.memory_space<vmem>> -> memref<128xi32, #tpu.memory_space<vmem>>
        %dma_start3A_835 = arith.constant 0 : i32
        %dma_start3A_836 = arith.constant 0 : i32
        %dma_start3A_837 = tpu.memref_slice %arg3[%dma_start3A_835, %dma_start3A_836] : memref<100000x32xf32, #tpu.memory_space<hbm>> -> memref<100000x32xf32, #tpu.memory_space<hbm>>
        tpu.enqueue_indirect_dma source(%dma_start3A_837 : memref<100000x32xf32, #tpu.memory_space<hbm>>) target(%dma_start3A_831 : memref<128x32xf32, #tpu.memory_space<vmem>>) offsets(%dma_start3A_834 : memref<128xi32, #tpu.memory_space<vmem>>) semaphore(%arg8 : memref<!tpu.dma_semaphore, #tpu.memory_space<semaphore_mem>>)
      } else {
      }
      %lt3A_412 = arith.constant 198 : i32
      %lt3A_413 = arith.cmpi slt, %mul3A_390, %lt3A_412 : i32
      %convert_element_type3A_414 = arith.extui %lt3A_413 : i1 to i32
      %cond3A_415 = arith.constant 0 : i32
      %cond3A_416 = arith.cmpi ne, %convert_element_type3A_414, %cond3A_415 : i32
      scf.if %cond3A_416 {
        %add3A_763 = arith.constant 2 : i32
        %add3A_764 = arith.addi %mul3A_390, %add3A_763 : i32
        %dma_start3A_765 = arith.constant 0 : i32
        %dma_start3A_766 = arith.constant 0 : i32
        %dma_start3A_767 = arith.constant 0 : i32
        %dma_start3A_768 = tpu.memref_slice %arg5[%dma_start3A_765, %dma_start3A_766, %dma_start3A_767] : memref<2x4x128xi32, #tpu.memory_space<vmem>> -> memref<1x4x128xi32, #tpu.memory_space<vmem>>
        %dma_start3A_769 = tpu.memref_squeeze %dma_start3A_768 : memref<1x4x128xi32, #tpu.memory_space<vmem>> -> memref<4x128xi32, #tpu.memory_space<vmem>>
        %dma_start3A_770 = arith.constant 0 : i32
        %dma_start3A_771 = tpu.memref_slice %arg2[%add3A_764, %mul3A_2, %dma_start3A_770] : memref<200x128x128xi32, #tpu.memory_space<hbm>> -> memref<1x4x128xi32, #tpu.memory_space<hbm>>
        %dma_start3A_772 = tpu.memref_squeeze %dma_start3A_771 : memref<1x4x128xi32, #tpu.memory_space<hbm>> -> memref<4x128xi32, #tpu.memory_space<hbm>>
        %dma_start3A_773 = arith.constant 0 : i32
        %dma_start3A_774 = arith.constant 0 : i32
        %dma_start3A_775 = tpu.memref_slice %arg5[%dma_start3A_765, %dma_start3A_773, %dma_start3A_774] : memref<2x4x128xi32, #tpu.memory_space<vmem>> -> memref<1x4x128xi32, #tpu.memory_space<vmem>>
        %dma_start3A_776 = tpu.memref_squeeze %dma_start3A_775 : memref<1x4x128xi32, #tpu.memory_space<vmem>> -> memref<4x128xi32, #tpu.memory_space<vmem>>
        %dma_start3A_777 = arith.constant 0 : i32
        %dma_start3A_778 = tpu.memref_slice %arg2[%add3A_764, %mul3A_2, %dma_start3A_777] : memref<200x128x128xi32, #tpu.memory_space<hbm>> -> memref<1x4x128xi32, #tpu.memory_space<hbm>>
        %dma_start3A_779 = tpu.memref_squeeze %dma_start3A_778 : memref<1x4x128xi32, #tpu.memory_space<hbm>> -> memref<4x128xi32, #tpu.memory_space<hbm>>
        tpu.enqueue_dma source(%dma_start3A_779 : memref<4x128xi32, #tpu.memory_space<hbm>>) target(%dma_start3A_776 : memref<4x128xi32, #tpu.memory_space<vmem>>) target_semaphore(%arg10 : memref<!tpu.dma_semaphore, #tpu.memory_space<semaphore_mem>>)
      } else {
      }
      %dma_wait3A_417 = arith.constant 0 : i32
      %dma_wait3A_418 = arith.constant 1 : i32
      %dma_wait3A_419 = arith.constant 0 : i32
      %dma_wait3A_420 = arith.constant 1 : i32
      %dma_wait3A_421 = arith.constant 0 : i32
      %dma_wait3A_422 = arith.constant 0 : i32
      %dma_wait3A_423 = tpu.memref_slice %arg6[%dma_wait3A_419, %dma_wait3A_420, %dma_wait3A_421, %dma_wait3A_422] : memref<2x4x128x32xf32, #tpu.memory_space<vmem>> -> memref<1x1x128x32xf32, #tpu.memory_space<vmem>>
      %dma_wait3A_424 = tpu.memref_squeeze %dma_wait3A_423 : memref<1x1x128x32xf32, #tpu.memory_space<vmem>> -> memref<128x32xf32, #tpu.memory_space<vmem>>
      %dma_wait3A_425 = arith.constant 0 : i32
      %dma_wait3A_426 = tpu.memref_slice %arg5[%dma_wait3A_417, %dma_wait3A_418, %dma_wait3A_425] : memref<2x4x128xi32, #tpu.memory_space<vmem>> -> memref<1x1x128xi32, #tpu.memory_space<vmem>>
      %dma_wait3A_427 = tpu.memref_squeeze %dma_wait3A_426 : memref<1x1x128xi32, #tpu.memory_space<vmem>> -> memref<128xi32, #tpu.memory_space<vmem>>
      %dma_wait3A_428 = arith.constant 0 : i32
      %dma_wait3A_429 = arith.constant 0 : i32
      %dma_wait3A_430 = tpu.memref_slice %arg3[%dma_wait3A_428, %dma_wait3A_429] : memref<100000x32xf32, #tpu.memory_space<hbm>> -> memref<100000x32xf32, #tpu.memory_space<hbm>>
      tpu.wait_indirect_dma semaphore(%arg8 : memref<!tpu.dma_semaphore, #tpu.memory_space<semaphore_mem>>) src(%dma_wait3A_430 : memref<100000x32xf32, #tpu.memory_space<hbm>>) dst(%dma_wait3A_424 : memref<128x32xf32, #tpu.memory_space<vmem>>)
      %parallel_loop3A = arith.constant 0 : i32
      %parallel_loop3A_431 = arith.constant 128 : i32
      %parallel_loop3A_432 = arith.constant 1 : i32
      %parallel_loop3A_433 = arith.constant 0 : i32
      %parallel_loop3A_434 = arith.constant 0 : i32
      scf.for %parallel_loop3A_763 = %parallel_loop3A to %parallel_loop3A_431 step %parallel_loop3A_432  : i32 {
        %parallel_loop3A_764 = vector.broadcast %parallel_loop3A_763 : i32 to vector<16xi32>
        %parallel_loop3A_765 = arith.addi %broadcast_in_dim3A_111, %parallel_loop3A_764 : vector<16xi32>
        %parallel_loop3A_766 = arith.constant 0 : i32
        %parallel_loop3A_767 = arith.constant 0 : i32
        %parallel_loop3A_768 = arith.index_cast %parallel_loop3A_766 : i32 to index
        %parallel_loop3A_769 = arith.index_cast %parallel_loop3A_767 : i32 to index
        %parallel_loop3A_770 = arith.index_cast %parallel_loop3A_763 : i32 to index
        %parallel_loop3A_771 = arith.constant 0 : index
        %parallel_loop3A_772 = tpu.vector_load %arg6[%parallel_loop3A_768, %parallel_loop3A_769, %parallel_loop3A_770, %parallel_loop3A_771] {strides = array<i32>} : memref<2x4x128x32xf32, #tpu.memory_space<vmem>>, vector<16xf32>,
        %parallel_loop3A_773 = arith.constant 0 : i32
        %parallel_loop3A_774 = arith.constant 0 : i32
        %parallel_loop3A_775 = arith.constant 0 : i32
        %parallel_loop3A_776 = tpu.memref_slice %arg7[%parallel_loop3A_433, %parallel_loop3A_434, %parallel_loop3A_773, %parallel_loop3A_774, %parallel_loop3A_775] : memref<2x4x4x8x129xf32, #tpu.memory_space<vmem>> -> memref<1x1x4x8x129xf32, #tpu.memory_space<vmem>>
        %parallel_loop3A_777 = tpu.memref_squeeze %parallel_loop3A_776 : memref<1x1x4x8x129xf32, #tpu.memory_space<vmem>> -> memref<4x8x129xf32, #tpu.memory_space<vmem>>
        tpu.vector_store_idx %parallel_loop3A_777[%select_n3A, %select_n3A_85, %parallel_loop3A_765], %parallel_loop3A_772 : memref<4x8x129xf32, #tpu.memory_space<vmem>>[vector<16xi32>, vector<16xi32>, vector<16xi32>], vector<16xf32>,
        %parallel_loop3A_778 = arith.constant 0 : i32
        %parallel_loop3A_779 = arith.constant 0 : i32
        %parallel_loop3A_780 = arith.index_cast %parallel_loop3A_778 : i32 to index
        %parallel_loop3A_781 = arith.index_cast %parallel_loop3A_779 : i32 to index
        %parallel_loop3A_782 = arith.index_cast %parallel_loop3A_763 : i32 to index
        %parallel_loop3A_783 = arith.constant 16 : index
        %parallel_loop3A_784 = tpu.vector_load %arg6[%parallel_loop3A_780, %parallel_loop3A_781, %parallel_loop3A_782, %parallel_loop3A_783] {strides = array<i32>} : memref<2x4x128x32xf32, #tpu.memory_space<vmem>>, vector<16xf32>,
        %parallel_loop3A_785 = arith.constant 0 : i32
        %parallel_loop3A_786 = arith.constant 0 : i32
        %parallel_loop3A_787 = arith.constant 0 : i32
        %parallel_loop3A_788 = tpu.memref_slice %arg7[%parallel_loop3A_433, %parallel_loop3A_434, %parallel_loop3A_785, %parallel_loop3A_786, %parallel_loop3A_787] : memref<2x4x4x8x129xf32, #tpu.memory_space<vmem>> -> memref<1x1x4x8x129xf32, #tpu.memory_space<vmem>>
        %parallel_loop3A_789 = tpu.memref_squeeze %parallel_loop3A_788 : memref<1x1x4x8x129xf32, #tpu.memory_space<vmem>> -> memref<4x8x129xf32, #tpu.memory_space<vmem>>
        tpu.vector_store_idx %parallel_loop3A_789[%select_n3A_62, %select_n3A_110, %parallel_loop3A_765], %parallel_loop3A_784 : memref<4x8x129xf32, #tpu.memory_space<vmem>>[vector<16xi32>, vector<16xi32>, vector<16xi32>], vector<16xf32>,
      } {sc.loop_unroll_factor = 8 : i64, sc.parallel_access}
      %add3A_435 = arith.constant 0 : i32
      %add3A_436 = arith.addi %mul3A_2, %add3A_435 : i32
      %dma_start3A_437 = arith.constant 0 : i32
      %dma_start3A_438 = arith.constant 0 : i32
      %dma_start3A_439 = arith.constant 0 : i32
      %dma_start3A_440 = arith.constant 0 : i32
      %dma_start3A_441 = arith.constant 0 : i32
      %dma_start3A_442 = tpu.memref_slice %arg7[%dma_start3A_437, %dma_start3A_438, %dma_start3A_439, %dma_start3A_440, %dma_start3A_441] : memref<2x4x4x8x129xf32, #tpu.memory_space<vmem>> -> memref<1x1x4x8x128xf32, #tpu.memory_space<vmem>>
      %dma_start3A_443 = tpu.memref_squeeze %dma_start3A_442 : memref<1x1x4x8x128xf32, #tpu.memory_space<vmem>> -> memref<4x8x128xf32, #tpu.memory_space<vmem>>
      %dma_start3A_444 = arith.constant 0 : i32
      %dma_start3A_445 = arith.constant 0 : i32
      %dma_start3A_446 = arith.constant 0 : i32
      %dma_start3A_447 = tpu.memref_slice %arg4[%mul3A_390, %dma_start3A_444, %add3A_436, %dma_start3A_445, %dma_start3A_446] : memref<200x4x128x8x128xf32, #tpu.memory_space<hbm>> -> memref<1x4x1x8x128xf32, #tpu.memory_space<hbm>>
      %dma_start3A_448 = tpu.memref_squeeze %dma_start3A_447 : memref<1x4x1x8x128xf32, #tpu.memory_space<hbm>> -> memref<4x8x128xf32, #tpu.memory_space<hbm>>
      %dma_start3A_449 = arith.constant 0 : i32
      %dma_start3A_450 = arith.constant 0 : i32
      %dma_start3A_451 = arith.constant 0 : i32
      %dma_start3A_452 = tpu.memref_slice %arg4[%mul3A_390, %dma_start3A_449, %add3A_436, %dma_start3A_450, %dma_start3A_451] : memref<200x4x128x8x128xf32, #tpu.memory_space<hbm>> -> memref<1x4x1x8x128xf32, #tpu.memory_space<hbm>>
      %dma_start3A_453 = tpu.memref_squeeze %dma_start3A_452 : memref<1x4x1x8x128xf32, #tpu.memory_space<hbm>> -> memref<4x8x128xf32, #tpu.memory_space<hbm>>
      %dma_start3A_454 = arith.constant 0 : i32
      %dma_start3A_455 = arith.constant 0 : i32
      %dma_start3A_456 = arith.constant 0 : i32
      %dma_start3A_457 = tpu.memref_slice %arg7[%dma_start3A_437, %dma_start3A_438, %dma_start3A_454, %dma_start3A_455, %dma_start3A_456] : memref<2x4x4x8x129xf32, #tpu.memory_space<vmem>> -> memref<1x1x4x8x128xf32, #tpu.memory_space<vmem>>
      %dma_start3A_458 = tpu.memref_squeeze %dma_start3A_457 : memref<1x1x4x8x128xf32, #tpu.memory_space<vmem>> -> memref<4x8x128xf32, #tpu.memory_space<vmem>>
      tpu.enqueue_dma source(%dma_start3A_458 : memref<4x8x128xf32, #tpu.memory_space<vmem>>) target(%dma_start3A_453 : memref<4x8x128xf32, #tpu.memory_space<hbm>>) target_semaphore(%arg9 : memref<!tpu.dma_semaphore, #tpu.memory_space<semaphore_mem>>)
      %dma_wait3A_459 = arith.constant 0 : i32
      %dma_wait3A_460 = arith.constant 2 : i32
      %dma_wait3A_461 = arith.constant 0 : i32
      %dma_wait3A_462 = arith.constant 2 : i32
      %dma_wait3A_463 = arith.constant 0 : i32
      %dma_wait3A_464 = arith.constant 0 : i32
      %dma_wait3A_465 = tpu.memref_slice %arg6[%dma_wait3A_461, %dma_wait3A_462, %dma_wait3A_463, %dma_wait3A_464] : memref<2x4x128x32xf32, #tpu.memory_space<vmem>> -> memref<1x1x128x32xf32, #tpu.memory_space<vmem>>
      %dma_wait3A_466 = tpu.memref_squeeze %dma_wait3A_465 : memref<1x1x128x32xf32, #tpu.memory_space<vmem>> -> memref<128x32xf32, #tpu.memory_space<vmem>>
      %dma_wait3A_467 = arith.constant 0 : i32
      %dma_wait3A_468 = tpu.memref_slice %arg5[%dma_wait3A_459, %dma_wait3A_460, %dma_wait3A_467] : memref<2x4x128xi32, #tpu.memory_space<vmem>> -> memref<1x1x128xi32, #tpu.memory_space<vmem>>
      %dma_wait3A_469 = tpu.memref_squeeze %dma_wait3A_468 : memref<1x1x128xi32, #tpu.memory_space<vmem>> -> memref<128xi32, #tpu.memory_space<vmem>>
      %dma_wait3A_470 = arith.constant 0 : i32
      %dma_wait3A_471 = arith.constant 0 : i32
      %dma_wait3A_472 = tpu.memref_slice %arg3[%dma_wait3A_470, %dma_wait3A_471] : memref<100000x32xf32, #tpu.memory_space<hbm>> -> memref<100000x32xf32, #tpu.memory_space<hbm>>
      tpu.wait_indirect_dma semaphore(%arg8 : memref<!tpu.dma_semaphore, #tpu.memory_space<semaphore_mem>>) src(%dma_wait3A_472 : memref<100000x32xf32, #tpu.memory_space<hbm>>) dst(%dma_wait3A_466 : memref<128x32xf32, #tpu.memory_space<vmem>>)
      %parallel_loop3A_473 = arith.constant 0 : i32
      %parallel_loop3A_474 = arith.constant 128 : i32
      %parallel_loop3A_475 = arith.constant 1 : i32
      %parallel_loop3A_476 = arith.constant 0 : i32
      %parallel_loop3A_477 = arith.constant 1 : i32
      scf.for %parallel_loop3A_763 = %parallel_loop3A_473 to %parallel_loop3A_474 step %parallel_loop3A_475  : i32 {
        %parallel_loop3A_764 = vector.broadcast %parallel_loop3A_763 : i32 to vector<16xi32>
        %parallel_loop3A_765 = arith.addi %broadcast_in_dim3A_111, %parallel_loop3A_764 : vector<16xi32>
        %parallel_loop3A_766 = arith.constant 0 : i32
        %parallel_loop3A_767 = arith.constant 1 : i32
        %parallel_loop3A_768 = arith.index_cast %parallel_loop3A_766 : i32 to index
        %parallel_loop3A_769 = arith.index_cast %parallel_loop3A_767 : i32 to index
        %parallel_loop3A_770 = arith.index_cast %parallel_loop3A_763 : i32 to index
        %parallel_loop3A_771 = arith.constant 0 : index
        %parallel_loop3A_772 = tpu.vector_load %arg6[%parallel_loop3A_768, %parallel_loop3A_769, %parallel_loop3A_770, %parallel_loop3A_771] {strides = array<i32>} : memref<2x4x128x32xf32, #tpu.memory_space<vmem>>, vector<16xf32>,
        %parallel_loop3A_773 = arith.constant 0 : i32
        %parallel_loop3A_774 = arith.constant 0 : i32
        %parallel_loop3A_775 = arith.constant 0 : i32
        %parallel_loop3A_776 = tpu.memref_slice %arg7[%parallel_loop3A_476, %parallel_loop3A_477, %parallel_loop3A_773, %parallel_loop3A_774, %parallel_loop3A_775] : memref<2x4x4x8x129xf32, #tpu.memory_space<vmem>> -> memref<1x1x4x8x129xf32, #tpu.memory_space<vmem>>
        %parallel_loop3A_777 = tpu.memref_squeeze %parallel_loop3A_776 : memref<1x1x4x8x129xf32, #tpu.memory_space<vmem>> -> memref<4x8x129xf32, #tpu.memory_space<vmem>>
        tpu.vector_store_idx %parallel_loop3A_777[%select_n3A, %select_n3A_85, %parallel_loop3A_765], %parallel_loop3A_772 : memref<4x8x129xf32, #tpu.memory_space<vmem>>[vector<16xi32>, vector<16xi32>, vector<16xi32>], vector<16xf32>,
        %parallel_loop3A_778 = arith.constant 0 : i32
        %parallel_loop3A_779 = arith.constant 1 : i32
        %parallel_loop3A_780 = arith.index_cast %parallel_loop3A_778 : i32 to index
        %parallel_loop3A_781 = arith.index_cast %parallel_loop3A_779 : i32 to index
        %parallel_loop3A_782 = arith.index_cast %parallel_loop3A_763 : i32 to index
        %parallel_loop3A_783 = arith.constant 16 : index
        %parallel_loop3A_784 = tpu.vector_load %arg6[%parallel_loop3A_780, %parallel_loop3A_781, %parallel_loop3A_782, %parallel_loop3A_783] {strides = array<i32>} : memref<2x4x128x32xf32, #tpu.memory_space<vmem>>, vector<16xf32>,
        %parallel_loop3A_785 = arith.constant 0 : i32
        %parallel_loop3A_786 = arith.constant 0 : i32
        %parallel_loop3A_787 = arith.constant 0 : i32
        %parallel_loop3A_788 = tpu.memref_slice %arg7[%parallel_loop3A_476, %parallel_loop3A_477, %parallel_loop3A_785, %parallel_loop3A_786, %parallel_loop3A_787] : memref<2x4x4x8x129xf32, #tpu.memory_space<vmem>> -> memref<1x1x4x8x129xf32, #tpu.memory_space<vmem>>
        %parallel_loop3A_789 = tpu.memref_squeeze %parallel_loop3A_788 : memref<1x1x4x8x129xf32, #tpu.memory_space<vmem>> -> memref<4x8x129xf32, #tpu.memory_space<vmem>>
        tpu.vector_store_idx %parallel_loop3A_789[%select_n3A_62, %select_n3A_110, %parallel_loop3A_765], %parallel_loop3A_784 : memref<4x8x129xf32, #tpu.memory_space<vmem>>[vector<16xi32>, vector<16xi32>, vector<16xi32>], vector<16xf32>,
      } {sc.loop_unroll_factor = 8 : i64, sc.parallel_access}
      %add3A_478 = arith.constant 1 : i32
      %add3A_479 = arith.addi %mul3A_2, %add3A_478 : i32
      %dma_start3A_480 = arith.constant 0 : i32
      %dma_start3A_481 = arith.constant 1 : i32
      %dma_start3A_482 = arith.constant 0 : i32
      %dma_start3A_483 = arith.constant 0 : i32
      %dma_start3A_484 = arith.constant 0 : i32
      %dma_start3A_485 = tpu.memref_slice %arg7[%dma_start3A_480, %dma_start3A_481, %dma_start3A_482, %dma_start3A_483, %dma_start3A_484] : memref<2x4x4x8x129xf32, #tpu.memory_space<vmem>> -> memref<1x1x4x8x128xf32, #tpu.memory_space<vmem>>
      %dma_start3A_486 = tpu.memref_squeeze %dma_start3A_485 : memref<1x1x4x8x128xf32, #tpu.memory_space<vmem>> -> memref<4x8x128xf32, #tpu.memory_space<vmem>>
      %dma_start3A_487 = arith.constant 0 : i32
      %dma_start3A_488 = arith.constant 0 : i32
      %dma_start3A_489 = arith.constant 0 : i32
      %dma_start3A_490 = tpu.memref_slice %arg4[%mul3A_390, %dma_start3A_487, %add3A_479, %dma_start3A_488, %dma_start3A_489] : memref<200x4x128x8x128xf32, #tpu.memory_space<hbm>> -> memref<1x4x1x8x128xf32, #tpu.memory_space<hbm>>
      %dma_start3A_491 = tpu.memref_squeeze %dma_start3A_490 : memref<1x4x1x8x128xf32, #tpu.memory_space<hbm>> -> memref<4x8x128xf32, #tpu.memory_space<hbm>>
      %dma_start3A_492 = arith.constant 0 : i32
      %dma_start3A_493 = arith.constant 0 : i32
      %dma_start3A_494 = arith.constant 0 : i32
      %dma_start3A_495 = tpu.memref_slice %arg4[%mul3A_390, %dma_start3A_492, %add3A_479, %dma_start3A_493, %dma_start3A_494] : memref<200x4x128x8x128xf32, #tpu.memory_space<hbm>> -> memref<1x4x1x8x128xf32, #tpu.memory_space<hbm>>
      %dma_start3A_496 = tpu.memref_squeeze %dma_start3A_495 : memref<1x4x1x8x128xf32, #tpu.memory_space<hbm>> -> memref<4x8x128xf32, #tpu.memory_space<hbm>>
      %dma_start3A_497 = arith.constant 0 : i32
      %dma_start3A_498 = arith.constant 0 : i32
      %dma_start3A_499 = arith.constant 0 : i32
      %dma_start3A_500 = tpu.memref_slice %arg7[%dma_start3A_480, %dma_start3A_481, %dma_start3A_497, %dma_start3A_498, %dma_start3A_499] : memref<2x4x4x8x129xf32, #tpu.memory_space<vmem>> -> memref<1x1x4x8x128xf32, #tpu.memory_space<vmem>>
      %dma_start3A_501 = tpu.memref_squeeze %dma_start3A_500 : memref<1x1x4x8x128xf32, #tpu.memory_space<vmem>> -> memref<4x8x128xf32, #tpu.memory_space<vmem>>
      tpu.enqueue_dma source(%dma_start3A_501 : memref<4x8x128xf32, #tpu.memory_space<vmem>>) target(%dma_start3A_496 : memref<4x8x128xf32, #tpu.memory_space<hbm>>) target_semaphore(%arg9 : memref<!tpu.dma_semaphore, #tpu.memory_space<semaphore_mem>>)
      %dma_wait3A_502 = arith.constant 0 : i32
      %dma_wait3A_503 = arith.constant 3 : i32
      %dma_wait3A_504 = arith.constant 0 : i32
      %dma_wait3A_505 = arith.constant 3 : i32
      %dma_wait3A_506 = arith.constant 0 : i32
      %dma_wait3A_507 = arith.constant 0 : i32
      %dma_wait3A_508 = tpu.memref_slice %arg6[%dma_wait3A_504, %dma_wait3A_505, %dma_wait3A_506, %dma_wait3A_507] : memref<2x4x128x32xf32, #tpu.memory_space<vmem>> -> memref<1x1x128x32xf32, #tpu.memory_space<vmem>>
      %dma_wait3A_509 = tpu.memref_squeeze %dma_wait3A_508 : memref<1x1x128x32xf32, #tpu.memory_space<vmem>> -> memref<128x32xf32, #tpu.memory_space<vmem>>
      %dma_wait3A_510 = arith.constant 0 : i32
      %dma_wait3A_511 = tpu.memref_slice %arg5[%dma_wait3A_502, %dma_wait3A_503, %dma_wait3A_510] : memref<2x4x128xi32, #tpu.memory_space<vmem>> -> memref<1x1x128xi32, #tpu.memory_space<vmem>>
      %dma_wait3A_512 = tpu.memref_squeeze %dma_wait3A_511 : memref<1x1x128xi32, #tpu.memory_space<vmem>> -> memref<128xi32, #tpu.memory_space<vmem>>
      %dma_wait3A_513 = arith.constant 0 : i32
      %dma_wait3A_514 = arith.constant 0 : i32
      %dma_wait3A_515 = tpu.memref_slice %arg3[%dma_wait3A_513, %dma_wait3A_514] : memref<100000x32xf32, #tpu.memory_space<hbm>> -> memref<100000x32xf32, #tpu.memory_space<hbm>>
      tpu.wait_indirect_dma semaphore(%arg8 : memref<!tpu.dma_semaphore, #tpu.memory_space<semaphore_mem>>) src(%dma_wait3A_515 : memref<100000x32xf32, #tpu.memory_space<hbm>>) dst(%dma_wait3A_509 : memref<128x32xf32, #tpu.memory_space<vmem>>)
      %parallel_loop3A_516 = arith.constant 0 : i32
      %parallel_loop3A_517 = arith.constant 128 : i32
      %parallel_loop3A_518 = arith.constant 1 : i32
      %parallel_loop3A_519 = arith.constant 0 : i32
      %parallel_loop3A_520 = arith.constant 2 : i32
      scf.for %parallel_loop3A_763 = %parallel_loop3A_516 to %parallel_loop3A_517 step %parallel_loop3A_518  : i32 {
        %parallel_loop3A_764 = vector.broadcast %parallel_loop3A_763 : i32 to vector<16xi32>
        %parallel_loop3A_765 = arith.addi %broadcast_in_dim3A_111, %parallel_loop3A_764 : vector<16xi32>
        %parallel_loop3A_766 = arith.constant 0 : i32
        %parallel_loop3A_767 = arith.constant 2 : i32
        %parallel_loop3A_768 = arith.index_cast %parallel_loop3A_766 : i32 to index
        %parallel_loop3A_769 = arith.index_cast %parallel_loop3A_767 : i32 to index
        %parallel_loop3A_770 = arith.index_cast %parallel_loop3A_763 : i32 to index
        %parallel_loop3A_771 = arith.constant 0 : index
        %parallel_loop3A_772 = tpu.vector_load %arg6[%parallel_loop3A_768, %parallel_loop3A_769, %parallel_loop3A_770, %parallel_loop3A_771] {strides = array<i32>} : memref<2x4x128x32xf32, #tpu.memory_space<vmem>>, vector<16xf32>,
        %parallel_loop3A_773 = arith.constant 0 : i32
        %parallel_loop3A_774 = arith.constant 0 : i32
        %parallel_loop3A_775 = arith.constant 0 : i32
        %parallel_loop3A_776 = tpu.memref_slice %arg7[%parallel_loop3A_519, %parallel_loop3A_520, %parallel_loop3A_773, %parallel_loop3A_774, %parallel_loop3A_775] : memref<2x4x4x8x129xf32, #tpu.memory_space<vmem>> -> memref<1x1x4x8x129xf32, #tpu.memory_space<vmem>>
        %parallel_loop3A_777 = tpu.memref_squeeze %parallel_loop3A_776 : memref<1x1x4x8x129xf32, #tpu.memory_space<vmem>> -> memref<4x8x129xf32, #tpu.memory_space<vmem>>
        tpu.vector_store_idx %parallel_loop3A_777[%select_n3A, %select_n3A_85, %parallel_loop3A_765], %parallel_loop3A_772 : memref<4x8x129xf32, #tpu.memory_space<vmem>>[vector<16xi32>, vector<16xi32>, vector<16xi32>], vector<16xf32>,
        %parallel_loop3A_778 = arith.constant 0 : i32
        %parallel_loop3A_779 = arith.constant 2 : i32
        %parallel_loop3A_780 = arith.index_cast %parallel_loop3A_778 : i32 to index
        %parallel_loop3A_781 = arith.index_cast %parallel_loop3A_779 : i32 to index
        %parallel_loop3A_782 = arith.index_cast %parallel_loop3A_763 : i32 to index
        %parallel_loop3A_783 = arith.constant 16 : index
        %parallel_loop3A_784 = tpu.vector_load %arg6[%parallel_loop3A_780, %parallel_loop3A_781, %parallel_loop3A_782, %parallel_loop3A_783] {strides = array<i32>} : memref<2x4x128x32xf32, #tpu.memory_space<vmem>>, vector<16xf32>,
        %parallel_loop3A_785 = arith.constant 0 : i32
        %parallel_loop3A_786 = arith.constant 0 : i32
        %parallel_loop3A_787 = arith.constant 0 : i32
        %parallel_loop3A_788 = tpu.memref_slice %arg7[%parallel_loop3A_519, %parallel_loop3A_520, %parallel_loop3A_785, %parallel_loop3A_786, %parallel_loop3A_787] : memref<2x4x4x8x129xf32, #tpu.memory_space<vmem>> -> memref<1x1x4x8x129xf32, #tpu.memory_space<vmem>>
        %parallel_loop3A_789 = tpu.memref_squeeze %parallel_loop3A_788 : memref<1x1x4x8x129xf32, #tpu.memory_space<vmem>> -> memref<4x8x129xf32, #tpu.memory_space<vmem>>
        tpu.vector_store_idx %parallel_loop3A_789[%select_n3A_62, %select_n3A_110, %parallel_loop3A_765], %parallel_loop3A_784 : memref<4x8x129xf32, #tpu.memory_space<vmem>>[vector<16xi32>, vector<16xi32>, vector<16xi32>], vector<16xf32>,
      } {sc.loop_unroll_factor = 8 : i64, sc.parallel_access}
      %add3A_521 = arith.constant 2 : i32
      %add3A_522 = arith.addi %mul3A_2, %add3A_521 : i32
      %dma_start3A_523 = arith.constant 0 : i32
      %dma_start3A_524 = arith.constant 2 : i32
      %dma_start3A_525 = arith.constant 0 : i32
      %dma_start3A_526 = arith.constant 0 : i32
      %dma_start3A_527 = arith.constant 0 : i32
      %dma_start3A_528 = tpu.memref_slice %arg7[%dma_start3A_523, %dma_start3A_524, %dma_start3A_525, %dma_start3A_526, %dma_start3A_527] : memref<2x4x4x8x129xf32, #tpu.memory_space<vmem>> -> memref<1x1x4x8x128xf32, #tpu.memory_space<vmem>>
      %dma_start3A_529 = tpu.memref_squeeze %dma_start3A_528 : memref<1x1x4x8x128xf32, #tpu.memory_space<vmem>> -> memref<4x8x128xf32, #tpu.memory_space<vmem>>
      %dma_start3A_530 = arith.constant 0 : i32
      %dma_start3A_531 = arith.constant 0 : i32
      %dma_start3A_532 = arith.constant 0 : i32
      %dma_start3A_533 = tpu.memref_slice %arg4[%mul3A_390, %dma_start3A_530, %add3A_522, %dma_start3A_531, %dma_start3A_532] : memref<200x4x128x8x128xf32, #tpu.memory_space<hbm>> -> memref<1x4x1x8x128xf32, #tpu.memory_space<hbm>>
      %dma_start3A_534 = tpu.memref_squeeze %dma_start3A_533 : memref<1x4x1x8x128xf32, #tpu.memory_space<hbm>> -> memref<4x8x128xf32, #tpu.memory_space<hbm>>
      %dma_start3A_535 = arith.constant 0 : i32
      %dma_start3A_536 = arith.constant 0 : i32
      %dma_start3A_537 = arith.constant 0 : i32
      %dma_start3A_538 = tpu.memref_slice %arg4[%mul3A_390, %dma_start3A_535, %add3A_522, %dma_start3A_536, %dma_start3A_537] : memref<200x4x128x8x128xf32, #tpu.memory_space<hbm>> -> memref<1x4x1x8x128xf32, #tpu.memory_space<hbm>>
      %dma_start3A_539 = tpu.memref_squeeze %dma_start3A_538 : memref<1x4x1x8x128xf32, #tpu.memory_space<hbm>> -> memref<4x8x128xf32, #tpu.memory_space<hbm>>
      %dma_start3A_540 = arith.constant 0 : i32
      %dma_start3A_541 = arith.constant 0 : i32
      %dma_start3A_542 = arith.constant 0 : i32
      %dma_start3A_543 = tpu.memref_slice %arg7[%dma_start3A_523, %dma_start3A_524, %dma_start3A_540, %dma_start3A_541, %dma_start3A_542] : memref<2x4x4x8x129xf32, #tpu.memory_space<vmem>> -> memref<1x1x4x8x128xf32, #tpu.memory_space<vmem>>
      %dma_start3A_544 = tpu.memref_squeeze %dma_start3A_543 : memref<1x1x4x8x128xf32, #tpu.memory_space<vmem>> -> memref<4x8x128xf32, #tpu.memory_space<vmem>>
      tpu.enqueue_dma source(%dma_start3A_544 : memref<4x8x128xf32, #tpu.memory_space<vmem>>) target(%dma_start3A_539 : memref<4x8x128xf32, #tpu.memory_space<hbm>>) target_semaphore(%arg9 : memref<!tpu.dma_semaphore, #tpu.memory_space<semaphore_mem>>)
      %parallel_loop3A_545 = arith.constant 0 : i32
      %parallel_loop3A_546 = arith.constant 128 : i32
      %parallel_loop3A_547 = arith.constant 1 : i32
      %parallel_loop3A_548 = arith.constant 0 : i32
      %parallel_loop3A_549 = arith.constant 3 : i32
      scf.for %parallel_loop3A_763 = %parallel_loop3A_545 to %parallel_loop3A_546 step %parallel_loop3A_547  : i32 {
        %parallel_loop3A_764 = vector.broadcast %parallel_loop3A_763 : i32 to vector<16xi32>
        %parallel_loop3A_765 = arith.addi %broadcast_in_dim3A_111, %parallel_loop3A_764 : vector<16xi32>
        %parallel_loop3A_766 = arith.constant 0 : i32
        %parallel_loop3A_767 = arith.constant 3 : i32
        %parallel_loop3A_768 = arith.index_cast %parallel_loop3A_766 : i32 to index
        %parallel_loop3A_769 = arith.index_cast %parallel_loop3A_767 : i32 to index
        %parallel_loop3A_770 = arith.index_cast %parallel_loop3A_763 : i32 to index
        %parallel_loop3A_771 = arith.constant 0 : index
        %parallel_loop3A_772 = tpu.vector_load %arg6[%parallel_loop3A_768, %parallel_loop3A_769, %parallel_loop3A_770, %parallel_loop3A_771] {strides = array<i32>} : memref<2x4x128x32xf32, #tpu.memory_space<vmem>>, vector<16xf32>,
        %parallel_loop3A_773 = arith.constant 0 : i32
        %parallel_loop3A_774 = arith.constant 0 : i32
        %parallel_loop3A_775 = arith.constant 0 : i32
        %parallel_loop3A_776 = tpu.memref_slice %arg7[%parallel_loop3A_548, %parallel_loop3A_549, %parallel_loop3A_773, %parallel_loop3A_774, %parallel_loop3A_775] : memref<2x4x4x8x129xf32, #tpu.memory_space<vmem>> -> memref<1x1x4x8x129xf32, #tpu.memory_space<vmem>>
        %parallel_loop3A_777 = tpu.memref_squeeze %parallel_loop3A_776 : memref<1x1x4x8x129xf32, #tpu.memory_space<vmem>> -> memref<4x8x129xf32, #tpu.memory_space<vmem>>
        tpu.vector_store_idx %parallel_loop3A_777[%select_n3A, %select_n3A_85, %parallel_loop3A_765], %parallel_loop3A_772 : memref<4x8x129xf32, #tpu.memory_space<vmem>>[vector<16xi32>, vector<16xi32>, vector<16xi32>], vector<16xf32>,
        %parallel_loop3A_778 = arith.constant 0 : i32
        %parallel_loop3A_779 = arith.constant 3 : i32
        %parallel_loop3A_780 = arith.index_cast %parallel_loop3A_778 : i32 to index
        %parallel_loop3A_781 = arith.index_cast %parallel_loop3A_779 : i32 to index
        %parallel_loop3A_782 = arith.index_cast %parallel_loop3A_763 : i32 to index
        %parallel_loop3A_783 = arith.constant 16 : index
        %parallel_loop3A_784 = tpu.vector_load %arg6[%parallel_loop3A_780, %parallel_loop3A_781, %parallel_loop3A_782, %parallel_loop3A_783] {strides = array<i32>} : memref<2x4x128x32xf32, #tpu.memory_space<vmem>>, vector<16xf32>,
        %parallel_loop3A_785 = arith.constant 0 : i32
        %parallel_loop3A_786 = arith.constant 0 : i32
        %parallel_loop3A_787 = arith.constant 0 : i32
        %parallel_loop3A_788 = tpu.memref_slice %arg7[%parallel_loop3A_548, %parallel_loop3A_549, %parallel_loop3A_785, %parallel_loop3A_786, %parallel_loop3A_787] : memref<2x4x4x8x129xf32, #tpu.memory_space<vmem>> -> memref<1x1x4x8x129xf32, #tpu.memory_space<vmem>>
        %parallel_loop3A_789 = tpu.memref_squeeze %parallel_loop3A_788 : memref<1x1x4x8x129xf32, #tpu.memory_space<vmem>> -> memref<4x8x129xf32, #tpu.memory_space<vmem>>
        tpu.vector_store_idx %parallel_loop3A_789[%select_n3A_62, %select_n3A_110, %parallel_loop3A_765], %parallel_loop3A_784 : memref<4x8x129xf32, #tpu.memory_space<vmem>>[vector<16xi32>, vector<16xi32>, vector<16xi32>], vector<16xf32>,
      } {sc.loop_unroll_factor = 8 : i64, sc.parallel_access}
      %add3A_550 = arith.constant 3 : i32
      %add3A_551 = arith.addi %mul3A_2, %add3A_550 : i32
      %dma_start3A_552 = arith.constant 0 : i32
      %dma_start3A_553 = arith.constant 3 : i32
      %dma_start3A_554 = arith.constant 0 : i32
      %dma_start3A_555 = arith.constant 0 : i32
      %dma_start3A_556 = arith.constant 0 : i32
      %dma_start3A_557 = tpu.memref_slice %arg7[%dma_start3A_552, %dma_start3A_553, %dma_start3A_554, %dma_start3A_555, %dma_start3A_556] : memref<2x4x4x8x129xf32, #tpu.memory_space<vmem>> -> memref<1x1x4x8x128xf32, #tpu.memory_space<vmem>>
      %dma_start3A_558 = tpu.memref_squeeze %dma_start3A_557 : memref<1x1x4x8x128xf32, #tpu.memory_space<vmem>> -> memref<4x8x128xf32, #tpu.memory_space<vmem>>
      %dma_start3A_559 = arith.constant 0 : i32
      %dma_start3A_560 = arith.constant 0 : i32
      %dma_start3A_561 = arith.constant 0 : i32
      %dma_start3A_562 = tpu.memref_slice %arg4[%mul3A_390, %dma_start3A_559, %add3A_551, %dma_start3A_560, %dma_start3A_561] : memref<200x4x128x8x128xf32, #tpu.memory_space<hbm>> -> memref<1x4x1x8x128xf32, #tpu.memory_space<hbm>>
      %dma_start3A_563 = tpu.memref_squeeze %dma_start3A_562 : memref<1x4x1x8x128xf32, #tpu.memory_space<hbm>> -> memref<4x8x128xf32, #tpu.memory_space<hbm>>
      %dma_start3A_564 = arith.constant 0 : i32
      %dma_start3A_565 = arith.constant 0 : i32
      %dma_start3A_566 = arith.constant 0 : i32
      %dma_start3A_567 = tpu.memref_slice %arg4[%mul3A_390, %dma_start3A_564, %add3A_551, %dma_start3A_565, %dma_start3A_566] : memref<200x4x128x8x128xf32, #tpu.memory_space<hbm>> -> memref<1x4x1x8x128xf32, #tpu.memory_space<hbm>>
      %dma_start3A_568 = tpu.memref_squeeze %dma_start3A_567 : memref<1x4x1x8x128xf32, #tpu.memory_space<hbm>> -> memref<4x8x128xf32, #tpu.memory_space<hbm>>
      %dma_start3A_569 = arith.constant 0 : i32
      %dma_start3A_570 = arith.constant 0 : i32
      %dma_start3A_571 = arith.constant 0 : i32
      %dma_start3A_572 = tpu.memref_slice %arg7[%dma_start3A_552, %dma_start3A_553, %dma_start3A_569, %dma_start3A_570, %dma_start3A_571] : memref<2x4x4x8x129xf32, #tpu.memory_space<vmem>> -> memref<1x1x4x8x128xf32, #tpu.memory_space<vmem>>
      %dma_start3A_573 = tpu.memref_squeeze %dma_start3A_572 : memref<1x1x4x8x128xf32, #tpu.memory_space<vmem>> -> memref<4x8x128xf32, #tpu.memory_space<vmem>>
      tpu.enqueue_dma source(%dma_start3A_573 : memref<4x8x128xf32, #tpu.memory_space<vmem>>) target(%dma_start3A_568 : memref<4x8x128xf32, #tpu.memory_space<hbm>>) target_semaphore(%arg9 : memref<!tpu.dma_semaphore, #tpu.memory_space<semaphore_mem>>)
      %add3A_574 = arith.constant 1 : i32
      %add3A_575 = arith.addi %mul3A_390, %add3A_574 : i32
      %ge3A_576 = arith.constant 1 : i32
      %ge3A_577 = arith.cmpi sge, %scan3A_388, %ge3A_576 : i32
      %convert_element_type3A_578 = arith.extui %ge3A_577 : i1 to i32
      %cond3A_579 = arith.constant 0 : i32
      %cond3A_580 = arith.cmpi ne, %convert_element_type3A_578, %cond3A_579 : i32
      scf.if %cond3A_580 {
        %sub3A_763 = arith.constant 2 : i32
        %sub3A_764 = arith.subi %add3A_575, %sub3A_763 : i32
        %add3A_765 = arith.constant 0 : i32
        %add3A_766 = arith.addi %mul3A_2, %add3A_765 : i32
        %dma_wait3A_767 = arith.constant 1 : i32
        %dma_wait3A_768 = arith.constant 0 : i32
        %dma_wait3A_769 = arith.constant 0 : i32
        %dma_wait3A_770 = arith.constant 0 : i32
        %dma_wait3A_771 = arith.constant 0 : i32
        %dma_wait3A_772 = tpu.memref_slice %arg7[%dma_wait3A_767, %dma_wait3A_768, %dma_wait3A_769, %dma_wait3A_770, %dma_wait3A_771] : memref<2x4x4x8x129xf32, #tpu.memory_space<vmem>> -> memref<1x1x4x8x128xf32, #tpu.memory_space<vmem>>
        %dma_wait3A_773 = tpu.memref_squeeze %dma_wait3A_772 : memref<1x1x4x8x128xf32, #tpu.memory_space<vmem>> -> memref<4x8x128xf32, #tpu.memory_space<vmem>>
        %dma_wait3A_774 = arith.constant 0 : i32
        %dma_wait3A_775 = arith.constant 0 : i32
        %dma_wait3A_776 = arith.constant 0 : i32
        %dma_wait3A_777 = tpu.memref_slice %arg4[%sub3A_764, %dma_wait3A_774, %add3A_766, %dma_wait3A_775, %dma_wait3A_776] : memref<200x4x128x8x128xf32, #tpu.memory_space<hbm>> -> memref<1x4x1x8x128xf32, #tpu.memory_space<hbm>>
        %dma_wait3A_778 = tpu.memref_squeeze %dma_wait3A_777 : memref<1x4x1x8x128xf32, #tpu.memory_space<hbm>> -> memref<4x8x128xf32, #tpu.memory_space<hbm>>
        %dma_wait3A_779 = arith.constant 0 : i32
        %dma_wait3A_780 = arith.constant 0 : i32
        %dma_wait3A_781 = arith.constant 0 : i32
        %dma_wait3A_782 = tpu.memref_slice %arg4[%sub3A_764, %dma_wait3A_779, %add3A_766, %dma_wait3A_780, %dma_wait3A_781] : memref<200x4x128x8x128xf32, #tpu.memory_space<hbm>> -> memref<1x4x1x8x128xf32, #tpu.memory_space<hbm>>
        %dma_wait3A_783 = tpu.memref_squeeze %dma_wait3A_782 : memref<1x4x1x8x128xf32, #tpu.memory_space<hbm>> -> memref<4x8x128xf32, #tpu.memory_space<hbm>>
        %dma_wait3A_784 = arith.constant 0 : i32
        %dma_wait3A_785 = arith.constant 0 : i32
        %dma_wait3A_786 = arith.constant 0 : i32
        %dma_wait3A_787 = tpu.memref_slice %arg7[%dma_wait3A_767, %dma_wait3A_768, %dma_wait3A_784, %dma_wait3A_785, %dma_wait3A_786] : memref<2x4x4x8x129xf32, #tpu.memory_space<vmem>> -> memref<1x1x4x8x128xf32, #tpu.memory_space<vmem>>
        %dma_wait3A_788 = tpu.memref_squeeze %dma_wait3A_787 : memref<1x1x4x8x128xf32, #tpu.memory_space<vmem>> -> memref<4x8x128xf32, #tpu.memory_space<vmem>>
        tpu.wait_dma2 semaphore(%arg9 : memref<!tpu.dma_semaphore, #tpu.memory_space<semaphore_mem>>) src(%dma_wait3A_788 : memref<4x8x128xf32, #tpu.memory_space<vmem>>) dst(%dma_wait3A_783 : memref<4x8x128xf32, #tpu.memory_space<hbm>>)
        %add3A_789 = arith.constant 1 : i32
        %add3A_790 = arith.addi %mul3A_2, %add3A_789 : i32
        %dma_wait3A_791 = arith.constant 1 : i32
        %dma_wait3A_792 = arith.constant 1 : i32
        %dma_wait3A_793 = arith.constant 0 : i32
        %dma_wait3A_794 = arith.constant 0 : i32
        %dma_wait3A_795 = arith.constant 0 : i32
        %dma_wait3A_796 = tpu.memref_slice %arg7[%dma_wait3A_791, %dma_wait3A_792, %dma_wait3A_793, %dma_wait3A_794, %dma_wait3A_795] : memref<2x4x4x8x129xf32, #tpu.memory_space<vmem>> -> memref<1x1x4x8x128xf32, #tpu.memory_space<vmem>>
        %dma_wait3A_797 = tpu.memref_squeeze %dma_wait3A_796 : memref<1x1x4x8x128xf32, #tpu.memory_space<vmem>> -> memref<4x8x128xf32, #tpu.memory_space<vmem>>
        %dma_wait3A_798 = arith.constant 0 : i32
        %dma_wait3A_799 = arith.constant 0 : i32
        %dma_wait3A_800 = arith.constant 0 : i32
        %dma_wait3A_801 = tpu.memref_slice %arg4[%sub3A_764, %dma_wait3A_798, %add3A_790, %dma_wait3A_799, %dma_wait3A_800] : memref<200x4x128x8x128xf32, #tpu.memory_space<hbm>> -> memref<1x4x1x8x128xf32, #tpu.memory_space<hbm>>
        %dma_wait3A_802 = tpu.memref_squeeze %dma_wait3A_801 : memref<1x4x1x8x128xf32, #tpu.memory_space<hbm>> -> memref<4x8x128xf32, #tpu.memory_space<hbm>>
        %dma_wait3A_803 = arith.constant 0 : i32
        %dma_wait3A_804 = arith.constant 0 : i32
        %dma_wait3A_805 = arith.constant 0 : i32
        %dma_wait3A_806 = tpu.memref_slice %arg4[%sub3A_764, %dma_wait3A_803, %add3A_790, %dma_wait3A_804, %dma_wait3A_805] : memref<200x4x128x8x128xf32, #tpu.memory_space<hbm>> -> memref<1x4x1x8x128xf32, #tpu.memory_space<hbm>>
        %dma_wait3A_807 = tpu.memref_squeeze %dma_wait3A_806 : memref<1x4x1x8x128xf32, #tpu.memory_space<hbm>> -> memref<4x8x128xf32, #tpu.memory_space<hbm>>
        %dma_wait3A_808 = arith.constant 0 : i32
        %dma_wait3A_809 = arith.constant 0 : i32
        %dma_wait3A_810 = arith.constant 0 : i32
        %dma_wait3A_811 = tpu.memref_slice %arg7[%dma_wait3A_791, %dma_wait3A_792, %dma_wait3A_808, %dma_wait3A_809, %dma_wait3A_810] : memref<2x4x4x8x129xf32, #tpu.memory_space<vmem>> -> memref<1x1x4x8x128xf32, #tpu.memory_space<vmem>>
        %dma_wait3A_812 = tpu.memref_squeeze %dma_wait3A_811 : memref<1x1x4x8x128xf32, #tpu.memory_space<vmem>> -> memref<4x8x128xf32, #tpu.memory_space<vmem>>
        tpu.wait_dma2 semaphore(%arg9 : memref<!tpu.dma_semaphore, #tpu.memory_space<semaphore_mem>>) src(%dma_wait3A_812 : memref<4x8x128xf32, #tpu.memory_space<vmem>>) dst(%dma_wait3A_807 : memref<4x8x128xf32, #tpu.memory_space<hbm>>)
        %add3A_813 = arith.constant 2 : i32
        %add3A_814 = arith.addi %mul3A_2, %add3A_813 : i32
        %dma_wait3A_815 = arith.constant 1 : i32
        %dma_wait3A_816 = arith.constant 2 : i32
        %dma_wait3A_817 = arith.constant 0 : i32
        %dma_wait3A_818 = arith.constant 0 : i32
        %dma_wait3A_819 = arith.constant 0 : i32
        %dma_wait3A_820 = tpu.memref_slice %arg7[%dma_wait3A_815, %dma_wait3A_816, %dma_wait3A_817, %dma_wait3A_818, %dma_wait3A_819] : memref<2x4x4x8x129xf32, #tpu.memory_space<vmem>> -> memref<1x1x4x8x128xf32, #tpu.memory_space<vmem>>
        %dma_wait3A_821 = tpu.memref_squeeze %dma_wait3A_820 : memref<1x1x4x8x128xf32, #tpu.memory_space<vmem>> -> memref<4x8x128xf32, #tpu.memory_space<vmem>>
        %dma_wait3A_822 = arith.constant 0 : i32
        %dma_wait3A_823 = arith.constant 0 : i32
        %dma_wait3A_824 = arith.constant 0 : i32
        %dma_wait3A_825 = tpu.memref_slice %arg4[%sub3A_764, %dma_wait3A_822, %add3A_814, %dma_wait3A_823, %dma_wait3A_824] : memref<200x4x128x8x128xf32, #tpu.memory_space<hbm>> -> memref<1x4x1x8x128xf32, #tpu.memory_space<hbm>>
        %dma_wait3A_826 = tpu.memref_squeeze %dma_wait3A_825 : memref<1x4x1x8x128xf32, #tpu.memory_space<hbm>> -> memref<4x8x128xf32, #tpu.memory_space<hbm>>
        %dma_wait3A_827 = arith.constant 0 : i32
        %dma_wait3A_828 = arith.constant 0 : i32
        %dma_wait3A_829 = arith.constant 0 : i32
        %dma_wait3A_830 = tpu.memref_slice %arg4[%sub3A_764, %dma_wait3A_827, %add3A_814, %dma_wait3A_828, %dma_wait3A_829] : memref<200x4x128x8x128xf32, #tpu.memory_space<hbm>> -> memref<1x4x1x8x128xf32, #tpu.memory_space<hbm>>
        %dma_wait3A_831 = tpu.memref_squeeze %dma_wait3A_830 : memref<1x4x1x8x128xf32, #tpu.memory_space<hbm>> -> memref<4x8x128xf32, #tpu.memory_space<hbm>>
        %dma_wait3A_832 = arith.constant 0 : i32
        %dma_wait3A_833 = arith.constant 0 : i32
        %dma_wait3A_834 = arith.constant 0 : i32
        %dma_wait3A_835 = tpu.memref_slice %arg7[%dma_wait3A_815, %dma_wait3A_816, %dma_wait3A_832, %dma_wait3A_833, %dma_wait3A_834] : memref<2x4x4x8x129xf32, #tpu.memory_space<vmem>> -> memref<1x1x4x8x128xf32, #tpu.memory_space<vmem>>
        %dma_wait3A_836 = tpu.memref_squeeze %dma_wait3A_835 : memref<1x1x4x8x128xf32, #tpu.memory_space<vmem>> -> memref<4x8x128xf32, #tpu.memory_space<vmem>>
        tpu.wait_dma2 semaphore(%arg9 : memref<!tpu.dma_semaphore, #tpu.memory_space<semaphore_mem>>) src(%dma_wait3A_836 : memref<4x8x128xf32, #tpu.memory_space<vmem>>) dst(%dma_wait3A_831 : memref<4x8x128xf32, #tpu.memory_space<hbm>>)
        %add3A_837 = arith.constant 3 : i32
        %add3A_838 = arith.addi %mul3A_2, %add3A_837 : i32
        %dma_wait3A_839 = arith.constant 1 : i32
        %dma_wait3A_840 = arith.constant 3 : i32
        %dma_wait3A_841 = arith.constant 0 : i32
        %dma_wait3A_842 = arith.constant 0 : i32
        %dma_wait3A_843 = arith.constant 0 : i32
        %dma_wait3A_844 = tpu.memref_slice %arg7[%dma_wait3A_839, %dma_wait3A_840, %dma_wait3A_841, %dma_wait3A_842, %dma_wait3A_843] : memref<2x4x4x8x129xf32, #tpu.memory_space<vmem>> -> memref<1x1x4x8x128xf32, #tpu.memory_space<vmem>>
        %dma_wait3A_845 = tpu.memref_squeeze %dma_wait3A_844 : memref<1x1x4x8x128xf32, #tpu.memory_space<vmem>> -> memref<4x8x128xf32, #tpu.memory_space<vmem>>
        %dma_wait3A_846 = arith.constant 0 : i32
        %dma_wait3A_847 = arith.constant 0 : i32
        %dma_wait3A_848 = arith.constant 0 : i32
        %dma_wait3A_849 = tpu.memref_slice %arg4[%sub3A_764, %dma_wait3A_846, %add3A_838, %dma_wait3A_847, %dma_wait3A_848] : memref<200x4x128x8x128xf32, #tpu.memory_space<hbm>> -> memref<1x4x1x8x128xf32, #tpu.memory_space<hbm>>
        %dma_wait3A_850 = tpu.memref_squeeze %dma_wait3A_849 : memref<1x4x1x8x128xf32, #tpu.memory_space<hbm>> -> memref<4x8x128xf32, #tpu.memory_space<hbm>>
        %dma_wait3A_851 = arith.constant 0 : i32
        %dma_wait3A_852 = arith.constant 0 : i32
        %dma_wait3A_853 = arith.constant 0 : i32
        %dma_wait3A_854 = tpu.memref_slice %arg4[%sub3A_764, %dma_wait3A_851, %add3A_838, %dma_wait3A_852, %dma_wait3A_853] : memref<200x4x128x8x128xf32, #tpu.memory_space<hbm>> -> memref<1x4x1x8x128xf32, #tpu.memory_space<hbm>>
        %dma_wait3A_855 = tpu.memref_squeeze %dma_wait3A_854 : memref<1x4x1x8x128xf32, #tpu.memory_space<hbm>> -> memref<4x8x128xf32, #tpu.memory_space<hbm>>
        %dma_wait3A_856 = arith.constant 0 : i32
        %dma_wait3A_857 = arith.constant 0 : i32
        %dma_wait3A_858 = arith.constant 0 : i32
        %dma_wait3A_859 = tpu.memref_slice %arg7[%dma_wait3A_839, %dma_wait3A_840, %dma_wait3A_856, %dma_wait3A_857, %dma_wait3A_858] : memref<2x4x4x8x129xf32, #tpu.memory_space<vmem>> -> memref<1x1x4x8x128xf32, #tpu.memory_space<vmem>>
        %dma_wait3A_860 = tpu.memref_squeeze %dma_wait3A_859 : memref<1x1x4x8x128xf32, #tpu.memory_space<vmem>> -> memref<4x8x128xf32, #tpu.memory_space<vmem>>
        tpu.wait_dma2 semaphore(%arg9 : memref<!tpu.dma_semaphore, #tpu.memory_space<semaphore_mem>>) src(%dma_wait3A_860 : memref<4x8x128xf32, #tpu.memory_space<vmem>>) dst(%dma_wait3A_855 : memref<4x8x128xf32, #tpu.memory_space<hbm>>)
      } else {
      }
      %dma_wait3A_581 = arith.constant 1 : i32
      %dma_wait3A_582 = arith.constant 0 : i32
      %dma_wait3A_583 = arith.constant 1 : i32
      %dma_wait3A_584 = arith.constant 0 : i32
      %dma_wait3A_585 = arith.constant 0 : i32
      %dma_wait3A_586 = arith.constant 0 : i32
      %dma_wait3A_587 = tpu.memref_slice %arg6[%dma_wait3A_583, %dma_wait3A_584, %dma_wait3A_585, %dma_wait3A_586] : memref<2x4x128x32xf32, #tpu.memory_space<vmem>> -> memref<1x1x128x32xf32, #tpu.memory_space<vmem>>
      %dma_wait3A_588 = tpu.memref_squeeze %dma_wait3A_587 : memref<1x1x128x32xf32, #tpu.memory_space<vmem>> -> memref<128x32xf32, #tpu.memory_space<vmem>>
      %dma_wait3A_589 = arith.constant 0 : i32
      %dma_wait3A_590 = tpu.memref_slice %arg5[%dma_wait3A_581, %dma_wait3A_582, %dma_wait3A_589] : memref<2x4x128xi32, #tpu.memory_space<vmem>> -> memref<1x1x128xi32, #tpu.memory_space<vmem>>
      %dma_wait3A_591 = tpu.memref_squeeze %dma_wait3A_590 : memref<1x1x128xi32, #tpu.memory_space<vmem>> -> memref<128xi32, #tpu.memory_space<vmem>>
      %dma_wait3A_592 = arith.constant 0 : i32
      %dma_wait3A_593 = arith.constant 0 : i32
      %dma_wait3A_594 = tpu.memref_slice %arg3[%dma_wait3A_592, %dma_wait3A_593] : memref<100000x32xf32, #tpu.memory_space<hbm>> -> memref<100000x32xf32, #tpu.memory_space<hbm>>
      tpu.wait_indirect_dma semaphore(%arg8 : memref<!tpu.dma_semaphore, #tpu.memory_space<semaphore_mem>>) src(%dma_wait3A_594 : memref<100000x32xf32, #tpu.memory_space<hbm>>) dst(%dma_wait3A_588 : memref<128x32xf32, #tpu.memory_space<vmem>>)
      %lt3A_595 = arith.constant 199 : i32
      %lt3A_596 = arith.cmpi slt, %add3A_575, %lt3A_595 : i32
      %convert_element_type3A_597 = arith.extui %lt3A_596 : i1 to i32
      %cond3A_598 = arith.constant 0 : i32
      %cond3A_599 = arith.cmpi ne, %convert_element_type3A_597, %cond3A_598 : i32
      scf.if %cond3A_599 {
        %add3A_763 = arith.constant 1 : i32
        %add3A_764 = arith.addi %add3A_575, %add3A_763 : i32
        %dma_wait3A_765 = arith.constant 0 : i32
        %dma_wait3A_766 = arith.constant 0 : i32
        %dma_wait3A_767 = arith.constant 0 : i32
        %dma_wait3A_768 = tpu.memref_slice %arg5[%dma_wait3A_765, %dma_wait3A_766, %dma_wait3A_767] : memref<2x4x128xi32, #tpu.memory_space<vmem>> -> memref<1x4x128xi32, #tpu.memory_space<vmem>>
        %dma_wait3A_769 = tpu.memref_squeeze %dma_wait3A_768 : memref<1x4x128xi32, #tpu.memory_space<vmem>> -> memref<4x128xi32, #tpu.memory_space<vmem>>
        %dma_wait3A_770 = arith.constant 0 : i32
        %dma_wait3A_771 = tpu.memref_slice %arg2[%add3A_764, %mul3A_2, %dma_wait3A_770] : memref<200x128x128xi32, #tpu.memory_space<hbm>> -> memref<1x4x128xi32, #tpu.memory_space<hbm>>
        %dma_wait3A_772 = tpu.memref_squeeze %dma_wait3A_771 : memref<1x4x128xi32, #tpu.memory_space<hbm>> -> memref<4x128xi32, #tpu.memory_space<hbm>>
        %dma_wait3A_773 = arith.constant 0 : i32
        %dma_wait3A_774 = arith.constant 0 : i32
        %dma_wait3A_775 = tpu.memref_slice %arg5[%dma_wait3A_765, %dma_wait3A_773, %dma_wait3A_774] : memref<2x4x128xi32, #tpu.memory_space<vmem>> -> memref<1x4x128xi32, #tpu.memory_space<vmem>>
        %dma_wait3A_776 = tpu.memref_squeeze %dma_wait3A_775 : memref<1x4x128xi32, #tpu.memory_space<vmem>> -> memref<4x128xi32, #tpu.memory_space<vmem>>
        %dma_wait3A_777 = arith.constant 0 : i32
        %dma_wait3A_778 = tpu.memref_slice %arg2[%add3A_764, %mul3A_2, %dma_wait3A_777] : memref<200x128x128xi32, #tpu.memory_space<hbm>> -> memref<1x4x128xi32, #tpu.memory_space<hbm>>
        %dma_wait3A_779 = tpu.memref_squeeze %dma_wait3A_778 : memref<1x4x128xi32, #tpu.memory_space<hbm>> -> memref<4x128xi32, #tpu.memory_space<hbm>>
        tpu.wait_dma2 semaphore(%arg10 : memref<!tpu.dma_semaphore, #tpu.memory_space<semaphore_mem>>) src(%dma_wait3A_779 : memref<4x128xi32, #tpu.memory_space<hbm>>) dst(%dma_wait3A_776 : memref<4x128xi32, #tpu.memory_space<vmem>>)
        %add3A_780 = arith.constant 1 : i32
        %add3A_781 = arith.addi %add3A_575, %add3A_780 : i32
        %dma_start3A_782 = arith.constant 0 : i32
        %dma_start3A_783 = arith.constant 0 : i32
        %dma_start3A_784 = arith.constant 0 : i32
        %dma_start3A_785 = arith.constant 0 : i32
        %dma_start3A_786 = arith.constant 0 : i32
        %dma_start3A_787 = arith.constant 0 : i32
        %dma_start3A_788 = tpu.memref_slice %arg6[%dma_start3A_784, %dma_start3A_785, %dma_start3A_786, %dma_start3A_787] : memref<2x4x128x32xf32, #tpu.memory_space<vmem>> -> memref<1x1x128x32xf32, #tpu.memory_space<vmem>>
        %dma_start3A_789 = tpu.memref_squeeze %dma_start3A_788 : memref<1x1x128x32xf32, #tpu.memory_space<vmem>> -> memref<128x32xf32, #tpu.memory_space<vmem>>
        %dma_start3A_790 = arith.constant 0 : i32
        %dma_start3A_791 = tpu.memref_slice %arg5[%dma_start3A_782, %dma_start3A_783, %dma_start3A_790] : memref<2x4x128xi32, #tpu.memory_space<vmem>> -> memref<1x1x128xi32, #tpu.memory_space<vmem>>
        %dma_start3A_792 = tpu.memref_squeeze %dma_start3A_791 : memref<1x1x128xi32, #tpu.memory_space<vmem>> -> memref<128xi32, #tpu.memory_space<vmem>>
        %dma_start3A_793 = arith.constant 0 : i32
        %dma_start3A_794 = arith.constant 0 : i32
        %dma_start3A_795 = tpu.memref_slice %arg3[%dma_start3A_793, %dma_start3A_794] : memref<100000x32xf32, #tpu.memory_space<hbm>> -> memref<100000x32xf32, #tpu.memory_space<hbm>>
        tpu.enqueue_indirect_dma source(%dma_start3A_795 : memref<100000x32xf32, #tpu.memory_space<hbm>>) target(%dma_start3A_789 : memref<128x32xf32, #tpu.memory_space<vmem>>) offsets(%dma_start3A_792 : memref<128xi32, #tpu.memory_space<vmem>>) semaphore(%arg8 : memref<!tpu.dma_semaphore, #tpu.memory_space<semaphore_mem>>)
        %dma_start3A_796 = arith.constant 0 : i32
        %dma_start3A_797 = arith.constant 1 : i32
        %dma_start3A_798 = arith.constant 0 : i32
        %dma_start3A_799 = arith.constant 1 : i32
        %dma_start3A_800 = arith.constant 0 : i32
        %dma_start3A_801 = arith.constant 0 : i32
        %dma_start3A_802 = tpu.memref_slice %arg6[%dma_start3A_798, %dma_start3A_799, %dma_start3A_800, %dma_start3A_801] : memref<2x4x128x32xf32, #tpu.memory_space<vmem>> -> memref<1x1x128x32xf32, #tpu.memory_space<vmem>>
        %dma_start3A_803 = tpu.memref_squeeze %dma_start3A_802 : memref<1x1x128x32xf32, #tpu.memory_space<vmem>> -> memref<128x32xf32, #tpu.memory_space<vmem>>
        %dma_start3A_804 = arith.constant 0 : i32
        %dma_start3A_805 = tpu.memref_slice %arg5[%dma_start3A_796, %dma_start3A_797, %dma_start3A_804] : memref<2x4x128xi32, #tpu.memory_space<vmem>> -> memref<1x1x128xi32, #tpu.memory_space<vmem>>
        %dma_start3A_806 = tpu.memref_squeeze %dma_start3A_805 : memref<1x1x128xi32, #tpu.memory_space<vmem>> -> memref<128xi32, #tpu.memory_space<vmem>>
        %dma_start3A_807 = arith.constant 0 : i32
        %dma_start3A_808 = arith.constant 0 : i32
        %dma_start3A_809 = tpu.memref_slice %arg3[%dma_start3A_807, %dma_start3A_808] : memref<100000x32xf32, #tpu.memory_space<hbm>> -> memref<100000x32xf32, #tpu.memory_space<hbm>>
        tpu.enqueue_indirect_dma source(%dma_start3A_809 : memref<100000x32xf32, #tpu.memory_space<hbm>>) target(%dma_start3A_803 : memref<128x32xf32, #tpu.memory_space<vmem>>) offsets(%dma_start3A_806 : memref<128xi32, #tpu.memory_space<vmem>>) semaphore(%arg8 : memref<!tpu.dma_semaphore, #tpu.memory_space<semaphore_mem>>)
        %dma_start3A_810 = arith.constant 0 : i32
        %dma_start3A_811 = arith.constant 2 : i32
        %dma_start3A_812 = arith.constant 0 : i32
        %dma_start3A_813 = arith.constant 2 : i32
        %dma_start3A_814 = arith.constant 0 : i32
        %dma_start3A_815 = arith.constant 0 : i32
        %dma_start3A_816 = tpu.memref_slice %arg6[%dma_start3A_812, %dma_start3A_813, %dma_start3A_814, %dma_start3A_815] : memref<2x4x128x32xf32, #tpu.memory_space<vmem>> -> memref<1x1x128x32xf32, #tpu.memory_space<vmem>>
        %dma_start3A_817 = tpu.memref_squeeze %dma_start3A_816 : memref<1x1x128x32xf32, #tpu.memory_space<vmem>> -> memref<128x32xf32, #tpu.memory_space<vmem>>
        %dma_start3A_818 = arith.constant 0 : i32
        %dma_start3A_819 = tpu.memref_slice %arg5[%dma_start3A_810, %dma_start3A_811, %dma_start3A_818] : memref<2x4x128xi32, #tpu.memory_space<vmem>> -> memref<1x1x128xi32, #tpu.memory_space<vmem>>
        %dma_start3A_820 = tpu.memref_squeeze %dma_start3A_819 : memref<1x1x128xi32, #tpu.memory_space<vmem>> -> memref<128xi32, #tpu.memory_space<vmem>>
        %dma_start3A_821 = arith.constant 0 : i32
        %dma_start3A_822 = arith.constant 0 : i32
        %dma_start3A_823 = tpu.memref_slice %arg3[%dma_start3A_821, %dma_start3A_822] : memref<100000x32xf32, #tpu.memory_space<hbm>> -> memref<100000x32xf32, #tpu.memory_space<hbm>>
        tpu.enqueue_indirect_dma source(%dma_start3A_823 : memref<100000x32xf32, #tpu.memory_space<hbm>>) target(%dma_start3A_817 : memref<128x32xf32, #tpu.memory_space<vmem>>) offsets(%dma_start3A_820 : memref<128xi32, #tpu.memory_space<vmem>>) semaphore(%arg8 : memref<!tpu.dma_semaphore, #tpu.memory_space<semaphore_mem>>)
        %dma_start3A_824 = arith.constant 0 : i32
        %dma_start3A_825 = arith.constant 3 : i32
        %dma_start3A_826 = arith.constant 0 : i32
        %dma_start3A_827 = arith.constant 3 : i32
        %dma_start3A_828 = arith.constant 0 : i32
        %dma_start3A_829 = arith.constant 0 : i32
        %dma_start3A_830 = tpu.memref_slice %arg6[%dma_start3A_826, %dma_start3A_827, %dma_start3A_828, %dma_start3A_829] : memref<2x4x128x32xf32, #tpu.memory_space<vmem>> -> memref<1x1x128x32xf32, #tpu.memory_space<vmem>>
        %dma_start3A_831 = tpu.memref_squeeze %dma_start3A_830 : memref<1x1x128x32xf32, #tpu.memory_space<vmem>> -> memref<128x32xf32, #tpu.memory_space<vmem>>
        %dma_start3A_832 = arith.constant 0 : i32
        %dma_start3A_833 = tpu.memref_slice %arg5[%dma_start3A_824, %dma_start3A_825, %dma_start3A_832] : memref<2x4x128xi32, #tpu.memory_space<vmem>> -> memref<1x1x128xi32, #tpu.memory_space<vmem>>
        %dma_start3A_834 = tpu.memref_squeeze %dma_start3A_833 : memref<1x1x128xi32, #tpu.memory_space<vmem>> -> memref<128xi32, #tpu.memory_space<vmem>>
        %dma_start3A_835 = arith.constant 0 : i32
        %dma_start3A_836 = arith.constant 0 : i32
        %dma_start3A_837 = tpu.memref_slice %arg3[%dma_start3A_835, %dma_start3A_836] : memref<100000x32xf32, #tpu.memory_space<hbm>> -> memref<100000x32xf32, #tpu.memory_space<hbm>>
        tpu.enqueue_indirect_dma source(%dma_start3A_837 : memref<100000x32xf32, #tpu.memory_space<hbm>>) target(%dma_start3A_831 : memref<128x32xf32, #tpu.memory_space<vmem>>) offsets(%dma_start3A_834 : memref<128xi32, #tpu.memory_space<vmem>>) semaphore(%arg8 : memref<!tpu.dma_semaphore, #tpu.memory_space<semaphore_mem>>)
      } else {
      }
      %lt3A_600 = arith.constant 198 : i32
      %lt3A_601 = arith.cmpi slt, %add3A_575, %lt3A_600 : i32
      %convert_element_type3A_602 = arith.extui %lt3A_601 : i1 to i32
      %cond3A_603 = arith.constant 0 : i32
      %cond3A_604 = arith.cmpi ne, %convert_element_type3A_602, %cond3A_603 : i32
      scf.if %cond3A_604 {
        %add3A_763 = arith.constant 2 : i32
        %add3A_764 = arith.addi %add3A_575, %add3A_763 : i32
        %dma_start3A_765 = arith.constant 1 : i32
        %dma_start3A_766 = arith.constant 0 : i32
        %dma_start3A_767 = arith.constant 0 : i32
        %dma_start3A_768 = tpu.memref_slice %arg5[%dma_start3A_765, %dma_start3A_766, %dma_start3A_767] : memref<2x4x128xi32, #tpu.memory_space<vmem>> -> memref<1x4x128xi32, #tpu.memory_space<vmem>>
        %dma_start3A_769 = tpu.memref_squeeze %dma_start3A_768 : memref<1x4x128xi32, #tpu.memory_space<vmem>> -> memref<4x128xi32, #tpu.memory_space<vmem>>
        %dma_start3A_770 = arith.constant 0 : i32
        %dma_start3A_771 = tpu.memref_slice %arg2[%add3A_764, %mul3A_2, %dma_start3A_770] : memref<200x128x128xi32, #tpu.memory_space<hbm>> -> memref<1x4x128xi32, #tpu.memory_space<hbm>>
        %dma_start3A_772 = tpu.memref_squeeze %dma_start3A_771 : memref<1x4x128xi32, #tpu.memory_space<hbm>> -> memref<4x128xi32, #tpu.memory_space<hbm>>
        %dma_start3A_773 = arith.constant 0 : i32
        %dma_start3A_774 = arith.constant 0 : i32
        %dma_start3A_775 = tpu.memref_slice %arg5[%dma_start3A_765, %dma_start3A_773, %dma_start3A_774] : memref<2x4x128xi32, #tpu.memory_space<vmem>> -> memref<1x4x128xi32, #tpu.memory_space<vmem>>
        %dma_start3A_776 = tpu.memref_squeeze %dma_start3A_775 : memref<1x4x128xi32, #tpu.memory_space<vmem>> -> memref<4x128xi32, #tpu.memory_space<vmem>>
        %dma_start3A_777 = arith.constant 0 : i32
        %dma_start3A_778 = tpu.memref_slice %arg2[%add3A_764, %mul3A_2, %dma_start3A_777] : memref<200x128x128xi32, #tpu.memory_space<hbm>> -> memref<1x4x128xi32, #tpu.memory_space<hbm>>
        %dma_start3A_779 = tpu.memref_squeeze %dma_start3A_778 : memref<1x4x128xi32, #tpu.memory_space<hbm>> -> memref<4x128xi32, #tpu.memory_space<hbm>>
        tpu.enqueue_dma source(%dma_start3A_779 : memref<4x128xi32, #tpu.memory_space<hbm>>) target(%dma_start3A_776 : memref<4x128xi32, #tpu.memory_space<vmem>>) target_semaphore(%arg10 : memref<!tpu.dma_semaphore, #tpu.memory_space<semaphore_mem>>)
      } else {
      }
      %dma_wait3A_605 = arith.constant 1 : i32
      %dma_wait3A_606 = arith.constant 1 : i32
      %dma_wait3A_607 = arith.constant 1 : i32
      %dma_wait3A_608 = arith.constant 1 : i32
      %dma_wait3A_609 = arith.constant 0 : i32
      %dma_wait3A_610 = arith.constant 0 : i32
      %dma_wait3A_611 = tpu.memref_slice %arg6[%dma_wait3A_607, %dma_wait3A_608, %dma_wait3A_609, %dma_wait3A_610] : memref<2x4x128x32xf32, #tpu.memory_space<vmem>> -> memref<1x1x128x32xf32, #tpu.memory_space<vmem>>
      %dma_wait3A_612 = tpu.memref_squeeze %dma_wait3A_611 : memref<1x1x128x32xf32, #tpu.memory_space<vmem>> -> memref<128x32xf32, #tpu.memory_space<vmem>>
      %dma_wait3A_613 = arith.constant 0 : i32
      %dma_wait3A_614 = tpu.memref_slice %arg5[%dma_wait3A_605, %dma_wait3A_606, %dma_wait3A_613] : memref<2x4x128xi32, #tpu.memory_space<vmem>> -> memref<1x1x128xi32, #tpu.memory_space<vmem>>
      %dma_wait3A_615 = tpu.memref_squeeze %dma_wait3A_614 : memref<1x1x128xi32, #tpu.memory_space<vmem>> -> memref<128xi32, #tpu.memory_space<vmem>>
      %dma_wait3A_616 = arith.constant 0 : i32
      %dma_wait3A_617 = arith.constant 0 : i32
      %dma_wait3A_618 = tpu.memref_slice %arg3[%dma_wait3A_616, %dma_wait3A_617] : memref<100000x32xf32, #tpu.memory_space<hbm>> -> memref<100000x32xf32, #tpu.memory_space<hbm>>
      tpu.wait_indirect_dma semaphore(%arg8 : memref<!tpu.dma_semaphore, #tpu.memory_space<semaphore_mem>>) src(%dma_wait3A_618 : memref<100000x32xf32, #tpu.memory_space<hbm>>) dst(%dma_wait3A_612 : memref<128x32xf32, #tpu.memory_space<vmem>>)
      %parallel_loop3A_619 = arith.constant 0 : i32
      %parallel_loop3A_620 = arith.constant 128 : i32
      %parallel_loop3A_621 = arith.constant 1 : i32
      %parallel_loop3A_622 = arith.constant 1 : i32
      %parallel_loop3A_623 = arith.constant 0 : i32
      scf.for %parallel_loop3A_763 = %parallel_loop3A_619 to %parallel_loop3A_620 step %parallel_loop3A_621  : i32 {
        %parallel_loop3A_764 = vector.broadcast %parallel_loop3A_763 : i32 to vector<16xi32>
        %parallel_loop3A_765 = arith.addi %broadcast_in_dim3A_111, %parallel_loop3A_764 : vector<16xi32>
        %parallel_loop3A_766 = arith.constant 1 : i32
        %parallel_loop3A_767 = arith.constant 0 : i32
        %parallel_loop3A_768 = arith.index_cast %parallel_loop3A_766 : i32 to index
        %parallel_loop3A_769 = arith.index_cast %parallel_loop3A_767 : i32 to index
        %parallel_loop3A_770 = arith.index_cast %parallel_loop3A_763 : i32 to index
        %parallel_loop3A_771 = arith.constant 0 : index
        %parallel_loop3A_772 = tpu.vector_load %arg6[%parallel_loop3A_768, %parallel_loop3A_769, %parallel_loop3A_770, %parallel_loop3A_771] {strides = array<i32>} : memref<2x4x128x32xf32, #tpu.memory_space<vmem>>, vector<16xf32>,
        %parallel_loop3A_773 = arith.constant 0 : i32
        %parallel_loop3A_774 = arith.constant 0 : i32
        %parallel_loop3A_775 = arith.constant 0 : i32
        %parallel_loop3A_776 = tpu.memref_slice %arg7[%parallel_loop3A_622, %parallel_loop3A_623, %parallel_loop3A_773, %parallel_loop3A_774, %parallel_loop3A_775] : memref<2x4x4x8x129xf32, #tpu.memory_space<vmem>> -> memref<1x1x4x8x129xf32, #tpu.memory_space<vmem>>
        %parallel_loop3A_777 = tpu.memref_squeeze %parallel_loop3A_776 : memref<1x1x4x8x129xf32, #tpu.memory_space<vmem>> -> memref<4x8x129xf32, #tpu.memory_space<vmem>>
        tpu.vector_store_idx %parallel_loop3A_777[%select_n3A, %select_n3A_85, %parallel_loop3A_765], %parallel_loop3A_772 : memref<4x8x129xf32, #tpu.memory_space<vmem>>[vector<16xi32>, vector<16xi32>, vector<16xi32>], vector<16xf32>,
        %parallel_loop3A_778 = arith.constant 1 : i32
        %parallel_loop3A_779 = arith.constant 0 : i32
        %parallel_loop3A_780 = arith.index_cast %parallel_loop3A_778 : i32 to index
        %parallel_loop3A_781 = arith.index_cast %parallel_loop3A_779 : i32 to index
        %parallel_loop3A_782 = arith.index_cast %parallel_loop3A_763 : i32 to index
        %parallel_loop3A_783 = arith.constant 16 : index
        %parallel_loop3A_784 = tpu.vector_load %arg6[%parallel_loop3A_780, %parallel_loop3A_781, %parallel_loop3A_782, %parallel_loop3A_783] {strides = array<i32>} : memref<2x4x128x32xf32, #tpu.memory_space<vmem>>, vector<16xf32>,
        %parallel_loop3A_785 = arith.constant 0 : i32
        %parallel_loop3A_786 = arith.constant 0 : i32
        %parallel_loop3A_787 = arith.constant 0 : i32
        %parallel_loop3A_788 = tpu.memref_slice %arg7[%parallel_loop3A_622, %parallel_loop3A_623, %parallel_loop3A_785, %parallel_loop3A_786, %parallel_loop3A_787] : memref<2x4x4x8x129xf32, #tpu.memory_space<vmem>> -> memref<1x1x4x8x129xf32, #tpu.memory_space<vmem>>
        %parallel_loop3A_789 = tpu.memref_squeeze %parallel_loop3A_788 : memref<1x1x4x8x129xf32, #tpu.memory_space<vmem>> -> memref<4x8x129xf32, #tpu.memory_space<vmem>>
        tpu.vector_store_idx %parallel_loop3A_789[%select_n3A_62, %select_n3A_110, %parallel_loop3A_765], %parallel_loop3A_784 : memref<4x8x129xf32, #tpu.memory_space<vmem>>[vector<16xi32>, vector<16xi32>, vector<16xi32>], vector<16xf32>,
      } {sc.loop_unroll_factor = 8 : i64, sc.parallel_access}
      %add3A_624 = arith.constant 0 : i32
      %add3A_625 = arith.addi %mul3A_2, %add3A_624 : i32
      %dma_start3A_626 = arith.constant 1 : i32
      %dma_start3A_627 = arith.constant 0 : i32
      %dma_start3A_628 = arith.constant 0 : i32
      %dma_start3A_629 = arith.constant 0 : i32
      %dma_start3A_630 = arith.constant 0 : i32
      %dma_start3A_631 = tpu.memref_slice %arg7[%dma_start3A_626, %dma_start3A_627, %dma_start3A_628, %dma_start3A_629, %dma_start3A_630] : memref<2x4x4x8x129xf32, #tpu.memory_space<vmem>> -> memref<1x1x4x8x128xf32, #tpu.memory_space<vmem>>
      %dma_start3A_632 = tpu.memref_squeeze %dma_start3A_631 : memref<1x1x4x8x128xf32, #tpu.memory_space<vmem>> -> memref<4x8x128xf32, #tpu.memory_space<vmem>>
      %dma_start3A_633 = arith.constant 0 : i32
      %dma_start3A_634 = arith.constant 0 : i32
      %dma_start3A_635 = arith.constant 0 : i32
      %dma_start3A_636 = tpu.memref_slice %arg4[%add3A_575, %dma_start3A_633, %add3A_625, %dma_start3A_634, %dma_start3A_635] : memref<200x4x128x8x128xf32, #tpu.memory_space<hbm>> -> memref<1x4x1x8x128xf32, #tpu.memory_space<hbm>>
      %dma_start3A_637 = tpu.memref_squeeze %dma_start3A_636 : memref<1x4x1x8x128xf32, #tpu.memory_space<hbm>> -> memref<4x8x128xf32, #tpu.memory_space<hbm>>
      %dma_start3A_638 = arith.constant 0 : i32
      %dma_start3A_639 = arith.constant 0 : i32
      %dma_start3A_640 = arith.constant 0 : i32
      %dma_start3A_641 = tpu.memref_slice %arg4[%add3A_575, %dma_start3A_638, %add3A_625, %dma_start3A_639, %dma_start3A_640] : memref<200x4x128x8x128xf32, #tpu.memory_space<hbm>> -> memref<1x4x1x8x128xf32, #tpu.memory_space<hbm>>
      %dma_start3A_642 = tpu.memref_squeeze %dma_start3A_641 : memref<1x4x1x8x128xf32, #tpu.memory_space<hbm>> -> memref<4x8x128xf32, #tpu.memory_space<hbm>>
      %dma_start3A_643 = arith.constant 0 : i32
      %dma_start3A_644 = arith.constant 0 : i32
      %dma_start3A_645 = arith.constant 0 : i32
      %dma_start3A_646 = tpu.memref_slice %arg7[%dma_start3A_626, %dma_start3A_627, %dma_start3A_643, %dma_start3A_644, %dma_start3A_645] : memref<2x4x4x8x129xf32, #tpu.memory_space<vmem>> -> memref<1x1x4x8x128xf32, #tpu.memory_space<vmem>>
      %dma_start3A_647 = tpu.memref_squeeze %dma_start3A_646 : memref<1x1x4x8x128xf32, #tpu.memory_space<vmem>> -> memref<4x8x128xf32, #tpu.memory_space<vmem>>
      tpu.enqueue_dma source(%dma_start3A_647 : memref<4x8x128xf32, #tpu.memory_space<vmem>>) target(%dma_start3A_642 : memref<4x8x128xf32, #tpu.memory_space<hbm>>) target_semaphore(%arg9 : memref<!tpu.dma_semaphore, #tpu.memory_space<semaphore_mem>>)
      %dma_wait3A_648 = arith.constant 1 : i32
      %dma_wait3A_649 = arith.constant 2 : i32
      %dma_wait3A_650 = arith.constant 1 : i32
      %dma_wait3A_651 = arith.constant 2 : i32
      %dma_wait3A_652 = arith.constant 0 : i32
      %dma_wait3A_653 = arith.constant 0 : i32
      %dma_wait3A_654 = tpu.memref_slice %arg6[%dma_wait3A_650, %dma_wait3A_651, %dma_wait3A_652, %dma_wait3A_653] : memref<2x4x128x32xf32, #tpu.memory_space<vmem>> -> memref<1x1x128x32xf32, #tpu.memory_space<vmem>>
      %dma_wait3A_655 = tpu.memref_squeeze %dma_wait3A_654 : memref<1x1x128x32xf32, #tpu.memory_space<vmem>> -> memref<128x32xf32, #tpu.memory_space<vmem>>
      %dma_wait3A_656 = arith.constant 0 : i32
      %dma_wait3A_657 = tpu.memref_slice %arg5[%dma_wait3A_648, %dma_wait3A_649, %dma_wait3A_656] : memref<2x4x128xi32, #tpu.memory_space<vmem>> -> memref<1x1x128xi32, #tpu.memory_space<vmem>>
      %dma_wait3A_658 = tpu.memref_squeeze %dma_wait3A_657 : memref<1x1x128xi32, #tpu.memory_space<vmem>> -> memref<128xi32, #tpu.memory_space<vmem>>
      %dma_wait3A_659 = arith.constant 0 : i32
      %dma_wait3A_660 = arith.constant 0 : i32
      %dma_wait3A_661 = tpu.memref_slice %arg3[%dma_wait3A_659, %dma_wait3A_660] : memref<100000x32xf32, #tpu.memory_space<hbm>> -> memref<100000x32xf32, #tpu.memory_space<hbm>>
      tpu.wait_indirect_dma semaphore(%arg8 : memref<!tpu.dma_semaphore, #tpu.memory_space<semaphore_mem>>) src(%dma_wait3A_661 : memref<100000x32xf32, #tpu.memory_space<hbm>>) dst(%dma_wait3A_655 : memref<128x32xf32, #tpu.memory_space<vmem>>)
      %parallel_loop3A_662 = arith.constant 0 : i32
      %parallel_loop3A_663 = arith.constant 128 : i32
      %parallel_loop3A_664 = arith.constant 1 : i32
      %parallel_loop3A_665 = arith.constant 1 : i32
      %parallel_loop3A_666 = arith.constant 1 : i32
      scf.for %parallel_loop3A_763 = %parallel_loop3A_662 to %parallel_loop3A_663 step %parallel_loop3A_664  : i32 {
        %parallel_loop3A_764 = vector.broadcast %parallel_loop3A_763 : i32 to vector<16xi32>
        %parallel_loop3A_765 = arith.addi %broadcast_in_dim3A_111, %parallel_loop3A_764 : vector<16xi32>
        %parallel_loop3A_766 = arith.constant 1 : i32
        %parallel_loop3A_767 = arith.constant 1 : i32
        %parallel_loop3A_768 = arith.index_cast %parallel_loop3A_766 : i32 to index
        %parallel_loop3A_769 = arith.index_cast %parallel_loop3A_767 : i32 to index
        %parallel_loop3A_770 = arith.index_cast %parallel_loop3A_763 : i32 to index
        %parallel_loop3A_771 = arith.constant 0 : index
        %parallel_loop3A_772 = tpu.vector_load %arg6[%parallel_loop3A_768, %parallel_loop3A_769, %parallel_loop3A_770, %parallel_loop3A_771] {strides = array<i32>} : memref<2x4x128x32xf32, #tpu.memory_space<vmem>>, vector<16xf32>,
        %parallel_loop3A_773 = arith.constant 0 : i32
        %parallel_loop3A_774 = arith.constant 0 : i32
        %parallel_loop3A_775 = arith.constant 0 : i32
        %parallel_loop3A_776 = tpu.memref_slice %arg7[%parallel_loop3A_665, %parallel_loop3A_666, %parallel_loop3A_773, %parallel_loop3A_774, %parallel_loop3A_775] : memref<2x4x4x8x129xf32, #tpu.memory_space<vmem>> -> memref<1x1x4x8x129xf32, #tpu.memory_space<vmem>>
        %parallel_loop3A_777 = tpu.memref_squeeze %parallel_loop3A_776 : memref<1x1x4x8x129xf32, #tpu.memory_space<vmem>> -> memref<4x8x129xf32, #tpu.memory_space<vmem>>
        tpu.vector_store_idx %parallel_loop3A_777[%select_n3A, %select_n3A_85, %parallel_loop3A_765], %parallel_loop3A_772 : memref<4x8x129xf32, #tpu.memory_space<vmem>>[vector<16xi32>, vector<16xi32>, vector<16xi32>], vector<16xf32>,
        %parallel_loop3A_778 = arith.constant 1 : i32
        %parallel_loop3A_779 = arith.constant 1 : i32
        %parallel_loop3A_780 = arith.index_cast %parallel_loop3A_778 : i32 to index
        %parallel_loop3A_781 = arith.index_cast %parallel_loop3A_779 : i32 to index
        %parallel_loop3A_782 = arith.index_cast %parallel_loop3A_763 : i32 to index
        %parallel_loop3A_783 = arith.constant 16 : index
        %parallel_loop3A_784 = tpu.vector_load %arg6[%parallel_loop3A_780, %parallel_loop3A_781, %parallel_loop3A_782, %parallel_loop3A_783] {strides = array<i32>} : memref<2x4x128x32xf32, #tpu.memory_space<vmem>>, vector<16xf32>,
        %parallel_loop3A_785 = arith.constant 0 : i32
        %parallel_loop3A_786 = arith.constant 0 : i32
        %parallel_loop3A_787 = arith.constant 0 : i32
        %parallel_loop3A_788 = tpu.memref_slice %arg7[%parallel_loop3A_665, %parallel_loop3A_666, %parallel_loop3A_785, %parallel_loop3A_786, %parallel_loop3A_787] : memref<2x4x4x8x129xf32, #tpu.memory_space<vmem>> -> memref<1x1x4x8x129xf32, #tpu.memory_space<vmem>>
        %parallel_loop3A_789 = tpu.memref_squeeze %parallel_loop3A_788 : memref<1x1x4x8x129xf32, #tpu.memory_space<vmem>> -> memref<4x8x129xf32, #tpu.memory_space<vmem>>
        tpu.vector_store_idx %parallel_loop3A_789[%select_n3A_62, %select_n3A_110, %parallel_loop3A_765], %parallel_loop3A_784 : memref<4x8x129xf32, #tpu.memory_space<vmem>>[vector<16xi32>, vector<16xi32>, vector<16xi32>], vector<16xf32>,
      } {sc.loop_unroll_factor = 8 : i64, sc.parallel_access}
      %add3A_667 = arith.constant 1 : i32
      %add3A_668 = arith.addi %mul3A_2, %add3A_667 : i32
      %dma_start3A_669 = arith.constant 1 : i32
      %dma_start3A_670 = arith.constant 1 : i32
      %dma_start3A_671 = arith.constant 0 : i32
      %dma_start3A_672 = arith.constant 0 : i32
      %dma_start3A_673 = arith.constant 0 : i32
      %dma_start3A_674 = tpu.memref_slice %arg7[%dma_start3A_669, %dma_start3A_670, %dma_start3A_671, %dma_start3A_672, %dma_start3A_673] : memref<2x4x4x8x129xf32, #tpu.memory_space<vmem>> -> memref<1x1x4x8x128xf32, #tpu.memory_space<vmem>>
      %dma_start3A_675 = tpu.memref_squeeze %dma_start3A_674 : memref<1x1x4x8x128xf32, #tpu.memory_space<vmem>> -> memref<4x8x128xf32, #tpu.memory_space<vmem>>
      %dma_start3A_676 = arith.constant 0 : i32
      %dma_start3A_677 = arith.constant 0 : i32
      %dma_start3A_678 = arith.constant 0 : i32
      %dma_start3A_679 = tpu.memref_slice %arg4[%add3A_575, %dma_start3A_676, %add3A_668, %dma_start3A_677, %dma_start3A_678] : memref<200x4x128x8x128xf32, #tpu.memory_space<hbm>> -> memref<1x4x1x8x128xf32, #tpu.memory_space<hbm>>
      %dma_start3A_680 = tpu.memref_squeeze %dma_start3A_679 : memref<1x4x1x8x128xf32, #tpu.memory_space<hbm>> -> memref<4x8x128xf32, #tpu.memory_space<hbm>>
      %dma_start3A_681 = arith.constant 0 : i32
      %dma_start3A_682 = arith.constant 0 : i32
      %dma_start3A_683 = arith.constant 0 : i32
      %dma_start3A_684 = tpu.memref_slice %arg4[%add3A_575, %dma_start3A_681, %add3A_668, %dma_start3A_682, %dma_start3A_683] : memref<200x4x128x8x128xf32, #tpu.memory_space<hbm>> -> memref<1x4x1x8x128xf32, #tpu.memory_space<hbm>>
      %dma_start3A_685 = tpu.memref_squeeze %dma_start3A_684 : memref<1x4x1x8x128xf32, #tpu.memory_space<hbm>> -> memref<4x8x128xf32, #tpu.memory_space<hbm>>
      %dma_start3A_686 = arith.constant 0 : i32
      %dma_start3A_687 = arith.constant 0 : i32
      %dma_start3A_688 = arith.constant 0 : i32
      %dma_start3A_689 = tpu.memref_slice %arg7[%dma_start3A_669, %dma_start3A_670, %dma_start3A_686, %dma_start3A_687, %dma_start3A_688] : memref<2x4x4x8x129xf32, #tpu.memory_space<vmem>> -> memref<1x1x4x8x128xf32, #tpu.memory_space<vmem>>
      %dma_start3A_690 = tpu.memref_squeeze %dma_start3A_689 : memref<1x1x4x8x128xf32, #tpu.memory_space<vmem>> -> memref<4x8x128xf32, #tpu.memory_space<vmem>>
      tpu.enqueue_dma source(%dma_start3A_690 : memref<4x8x128xf32, #tpu.memory_space<vmem>>) target(%dma_start3A_685 : memref<4x8x128xf32, #tpu.memory_space<hbm>>) target_semaphore(%arg9 : memref<!tpu.dma_semaphore, #tpu.memory_space<semaphore_mem>>)
      %dma_wait3A_691 = arith.constant 1 : i32
      %dma_wait3A_692 = arith.constant 3 : i32
      %dma_wait3A_693 = arith.constant 1 : i32
      %dma_wait3A_694 = arith.constant 3 : i32
      %dma_wait3A_695 = arith.constant 0 : i32
      %dma_wait3A_696 = arith.constant 0 : i32
      %dma_wait3A_697 = tpu.memref_slice %arg6[%dma_wait3A_693, %dma_wait3A_694, %dma_wait3A_695, %dma_wait3A_696] : memref<2x4x128x32xf32, #tpu.memory_space<vmem>> -> memref<1x1x128x32xf32, #tpu.memory_space<vmem>>
      %dma_wait3A_698 = tpu.memref_squeeze %dma_wait3A_697 : memref<1x1x128x32xf32, #tpu.memory_space<vmem>> -> memref<128x32xf32, #tpu.memory_space<vmem>>
      %dma_wait3A_699 = arith.constant 0 : i32
      %dma_wait3A_700 = tpu.memref_slice %arg5[%dma_wait3A_691, %dma_wait3A_692, %dma_wait3A_699] : memref<2x4x128xi32, #tpu.memory_space<vmem>> -> memref<1x1x128xi32, #tpu.memory_space<vmem>>
      %dma_wait3A_701 = tpu.memref_squeeze %dma_wait3A_700 : memref<1x1x128xi32, #tpu.memory_space<vmem>> -> memref<128xi32, #tpu.memory_space<vmem>>
      %dma_wait3A_702 = arith.constant 0 : i32
      %dma_wait3A_703 = arith.constant 0 : i32
      %dma_wait3A_704 = tpu.memref_slice %arg3[%dma_wait3A_702, %dma_wait3A_703] : memref<100000x32xf32, #tpu.memory_space<hbm>> -> memref<100000x32xf32, #tpu.memory_space<hbm>>
      tpu.wait_indirect_dma semaphore(%arg8 : memref<!tpu.dma_semaphore, #tpu.memory_space<semaphore_mem>>) src(%dma_wait3A_704 : memref<100000x32xf32, #tpu.memory_space<hbm>>) dst(%dma_wait3A_698 : memref<128x32xf32, #tpu.memory_space<vmem>>)
      %parallel_loop3A_705 = arith.constant 0 : i32
      %parallel_loop3A_706 = arith.constant 128 : i32
      %parallel_loop3A_707 = arith.constant 1 : i32
      %parallel_loop3A_708 = arith.constant 1 : i32
      %parallel_loop3A_709 = arith.constant 2 : i32
      scf.for %parallel_loop3A_763 = %parallel_loop3A_705 to %parallel_loop3A_706 step %parallel_loop3A_707  : i32 {
        %parallel_loop3A_764 = vector.broadcast %parallel_loop3A_763 : i32 to vector<16xi32>
        %parallel_loop3A_765 = arith.addi %broadcast_in_dim3A_111, %parallel_loop3A_764 : vector<16xi32>
        %parallel_loop3A_766 = arith.constant 1 : i32
        %parallel_loop3A_767 = arith.constant 2 : i32
        %parallel_loop3A_768 = arith.index_cast %parallel_loop3A_766 : i32 to index
        %parallel_loop3A_769 = arith.index_cast %parallel_loop3A_767 : i32 to index
        %parallel_loop3A_770 = arith.index_cast %parallel_loop3A_763 : i32 to index
        %parallel_loop3A_771 = arith.constant 0 : index
        %parallel_loop3A_772 = tpu.vector_load %arg6[%parallel_loop3A_768, %parallel_loop3A_769, %parallel_loop3A_770, %parallel_loop3A_771] {strides = array<i32>} : memref<2x4x128x32xf32, #tpu.memory_space<vmem>>, vector<16xf32>,
        %parallel_loop3A_773 = arith.constant 0 : i32
        %parallel_loop3A_774 = arith.constant 0 : i32
        %parallel_loop3A_775 = arith.constant 0 : i32
        %parallel_loop3A_776 = tpu.memref_slice %arg7[%parallel_loop3A_708, %parallel_loop3A_709, %parallel_loop3A_773, %parallel_loop3A_774, %parallel_loop3A_775] : memref<2x4x4x8x129xf32, #tpu.memory_space<vmem>> -> memref<1x1x4x8x129xf32, #tpu.memory_space<vmem>>
        %parallel_loop3A_777 = tpu.memref_squeeze %parallel_loop3A_776 : memref<1x1x4x8x129xf32, #tpu.memory_space<vmem>> -> memref<4x8x129xf32, #tpu.memory_space<vmem>>
        tpu.vector_store_idx %parallel_loop3A_777[%select_n3A, %select_n3A_85, %parallel_loop3A_765], %parallel_loop3A_772 : memref<4x8x129xf32, #tpu.memory_space<vmem>>[vector<16xi32>, vector<16xi32>, vector<16xi32>], vector<16xf32>,
        %parallel_loop3A_778 = arith.constant 1 : i32
        %parallel_loop3A_779 = arith.constant 2 : i32
        %parallel_loop3A_780 = arith.index_cast %parallel_loop3A_778 : i32 to index
        %parallel_loop3A_781 = arith.index_cast %parallel_loop3A_779 : i32 to index
        %parallel_loop3A_782 = arith.index_cast %parallel_loop3A_763 : i32 to index
        %parallel_loop3A_783 = arith.constant 16 : index
        %parallel_loop3A_784 = tpu.vector_load %arg6[%parallel_loop3A_780, %parallel_loop3A_781, %parallel_loop3A_782, %parallel_loop3A_783] {strides = array<i32>} : memref<2x4x128x32xf32, #tpu.memory_space<vmem>>, vector<16xf32>,
        %parallel_loop3A_785 = arith.constant 0 : i32
        %parallel_loop3A_786 = arith.constant 0 : i32
        %parallel_loop3A_787 = arith.constant 0 : i32
        %parallel_loop3A_788 = tpu.memref_slice %arg7[%parallel_loop3A_708, %parallel_loop3A_709, %parallel_loop3A_785, %parallel_loop3A_786, %parallel_loop3A_787] : memref<2x4x4x8x129xf32, #tpu.memory_space<vmem>> -> memref<1x1x4x8x129xf32, #tpu.memory_space<vmem>>
        %parallel_loop3A_789 = tpu.memref_squeeze %parallel_loop3A_788 : memref<1x1x4x8x129xf32, #tpu.memory_space<vmem>> -> memref<4x8x129xf32, #tpu.memory_space<vmem>>
        tpu.vector_store_idx %parallel_loop3A_789[%select_n3A_62, %select_n3A_110, %parallel_loop3A_765], %parallel_loop3A_784 : memref<4x8x129xf32, #tpu.memory_space<vmem>>[vector<16xi32>, vector<16xi32>, vector<16xi32>], vector<16xf32>,
      } {sc.loop_unroll_factor = 8 : i64, sc.parallel_access}
      %add3A_710 = arith.constant 2 : i32
      %add3A_711 = arith.addi %mul3A_2, %add3A_710 : i32
      %dma_start3A_712 = arith.constant 1 : i32
      %dma_start3A_713 = arith.constant 2 : i32
      %dma_start3A_714 = arith.constant 0 : i32
      %dma_start3A_715 = arith.constant 0 : i32
      %dma_start3A_716 = arith.constant 0 : i32
      %dma_start3A_717 = tpu.memref_slice %arg7[%dma_start3A_712, %dma_start3A_713, %dma_start3A_714, %dma_start3A_715, %dma_start3A_716] : memref<2x4x4x8x129xf32, #tpu.memory_space<vmem>> -> memref<1x1x4x8x128xf32, #tpu.memory_space<vmem>>
      %dma_start3A_718 = tpu.memref_squeeze %dma_start3A_717 : memref<1x1x4x8x128xf32, #tpu.memory_space<vmem>> -> memref<4x8x128xf32, #tpu.memory_space<vmem>>
      %dma_start3A_719 = arith.constant 0 : i32
      %dma_start3A_720 = arith.constant 0 : i32
      %dma_start3A_721 = arith.constant 0 : i32
      %dma_start3A_722 = tpu.memref_slice %arg4[%add3A_575, %dma_start3A_719, %add3A_711, %dma_start3A_720, %dma_start3A_721] : memref<200x4x128x8x128xf32, #tpu.memory_space<hbm>> -> memref<1x4x1x8x128xf32, #tpu.memory_space<hbm>>
      %dma_start3A_723 = tpu.memref_squeeze %dma_start3A_722 : memref<1x4x1x8x128xf32, #tpu.memory_space<hbm>> -> memref<4x8x128xf32, #tpu.memory_space<hbm>>
      %dma_start3A_724 = arith.constant 0 : i32
      %dma_start3A_725 = arith.constant 0 : i32
      %dma_start3A_726 = arith.constant 0 : i32
      %dma_start3A_727 = tpu.memref_slice %arg4[%add3A_575, %dma_start3A_724, %add3A_711, %dma_start3A_725, %dma_start3A_726] : memref<200x4x128x8x128xf32, #tpu.memory_space<hbm>> -> memref<1x4x1x8x128xf32, #tpu.memory_space<hbm>>
      %dma_start3A_728 = tpu.memref_squeeze %dma_start3A_727 : memref<1x4x1x8x128xf32, #tpu.memory_space<hbm>> -> memref<4x8x128xf32, #tpu.memory_space<hbm>>
      %dma_start3A_729 = arith.constant 0 : i32
      %dma_start3A_730 = arith.constant 0 : i32
      %dma_start3A_731 = arith.constant 0 : i32
      %dma_start3A_732 = tpu.memref_slice %arg7[%dma_start3A_712, %dma_start3A_713, %dma_start3A_729, %dma_start3A_730, %dma_start3A_731] : memref<2x4x4x8x129xf32, #tpu.memory_space<vmem>> -> memref<1x1x4x8x128xf32, #tpu.memory_space<vmem>>
      %dma_start3A_733 = tpu.memref_squeeze %dma_start3A_732 : memref<1x1x4x8x128xf32, #tpu.memory_space<vmem>> -> memref<4x8x128xf32, #tpu.memory_space<vmem>>
      tpu.enqueue_dma source(%dma_start3A_733 : memref<4x8x128xf32, #tpu.memory_space<vmem>>) target(%dma_start3A_728 : memref<4x8x128xf32, #tpu.memory_space<hbm>>) target_semaphore(%arg9 : memref<!tpu.dma_semaphore, #tpu.memory_space<semaphore_mem>>)
      %parallel_loop3A_734 = arith.constant 0 : i32
      %parallel_loop3A_735 = arith.constant 128 : i32
      %parallel_loop3A_736 = arith.constant 1 : i32
      %parallel_loop3A_737 = arith.constant 1 : i32
      %parallel_loop3A_738 = arith.constant 3 : i32
      scf.for %parallel_loop3A_763 = %parallel_loop3A_734 to %parallel_loop3A_735 step %parallel_loop3A_736  : i32 {
        %parallel_loop3A_764 = vector.broadcast %parallel_loop3A_763 : i32 to vector<16xi32>
        %parallel_loop3A_765 = arith.addi %broadcast_in_dim3A_111, %parallel_loop3A_764 : vector<16xi32>
        %parallel_loop3A_766 = arith.constant 1 : i32
        %parallel_loop3A_767 = arith.constant 3 : i32
        %parallel_loop3A_768 = arith.index_cast %parallel_loop3A_766 : i32 to index
        %parallel_loop3A_769 = arith.index_cast %parallel_loop3A_767 : i32 to index
        %parallel_loop3A_770 = arith.index_cast %parallel_loop3A_763 : i32 to index
        %parallel_loop3A_771 = arith.constant 0 : index
        %parallel_loop3A_772 = tpu.vector_load %arg6[%parallel_loop3A_768, %parallel_loop3A_769, %parallel_loop3A_770, %parallel_loop3A_771] {strides = array<i32>} : memref<2x4x128x32xf32, #tpu.memory_space<vmem>>, vector<16xf32>,
        %parallel_loop3A_773 = arith.constant 0 : i32
        %parallel_loop3A_774 = arith.constant 0 : i32
        %parallel_loop3A_775 = arith.constant 0 : i32
        %parallel_loop3A_776 = tpu.memref_slice %arg7[%parallel_loop3A_737, %parallel_loop3A_738, %parallel_loop3A_773, %parallel_loop3A_774, %parallel_loop3A_775] : memref<2x4x4x8x129xf32, #tpu.memory_space<vmem>> -> memref<1x1x4x8x129xf32, #tpu.memory_space<vmem>>
        %parallel_loop3A_777 = tpu.memref_squeeze %parallel_loop3A_776 : memref<1x1x4x8x129xf32, #tpu.memory_space<vmem>> -> memref<4x8x129xf32, #tpu.memory_space<vmem>>
        tpu.vector_store_idx %parallel_loop3A_777[%select_n3A, %select_n3A_85, %parallel_loop3A_765], %parallel_loop3A_772 : memref<4x8x129xf32, #tpu.memory_space<vmem>>[vector<16xi32>, vector<16xi32>, vector<16xi32>], vector<16xf32>,
        %parallel_loop3A_778 = arith.constant 1 : i32
        %parallel_loop3A_779 = arith.constant 3 : i32
        %parallel_loop3A_780 = arith.index_cast %parallel_loop3A_778 : i32 to index
        %parallel_loop3A_781 = arith.index_cast %parallel_loop3A_779 : i32 to index
        %parallel_loop3A_782 = arith.index_cast %parallel_loop3A_763 : i32 to index
        %parallel_loop3A_783 = arith.constant 16 : index
        %parallel_loop3A_784 = tpu.vector_load %arg6[%parallel_loop3A_780, %parallel_loop3A_781, %parallel_loop3A_782, %parallel_loop3A_783] {strides = array<i32>} : memref<2x4x128x32xf32, #tpu.memory_space<vmem>>, vector<16xf32>,
        %parallel_loop3A_785 = arith.constant 0 : i32
        %parallel_loop3A_786 = arith.constant 0 : i32
        %parallel_loop3A_787 = arith.constant 0 : i32
        %parallel_loop3A_788 = tpu.memref_slice %arg7[%parallel_loop3A_737, %parallel_loop3A_738, %parallel_loop3A_785, %parallel_loop3A_786, %parallel_loop3A_787] : memref<2x4x4x8x129xf32, #tpu.memory_space<vmem>> -> memref<1x1x4x8x129xf32, #tpu.memory_space<vmem>>
        %parallel_loop3A_789 = tpu.memref_squeeze %parallel_loop3A_788 : memref<1x1x4x8x129xf32, #tpu.memory_space<vmem>> -> memref<4x8x129xf32, #tpu.memory_space<vmem>>
        tpu.vector_store_idx %parallel_loop3A_789[%select_n3A_62, %select_n3A_110, %parallel_loop3A_765], %parallel_loop3A_784 : memref<4x8x129xf32, #tpu.memory_space<vmem>>[vector<16xi32>, vector<16xi32>, vector<16xi32>], vector<16xf32>,
      } {sc.loop_unroll_factor = 8 : i64, sc.parallel_access}
      %add3A_739 = arith.constant 3 : i32
      %add3A_740 = arith.addi %mul3A_2, %add3A_739 : i32
      %dma_start3A_741 = arith.constant 1 : i32
      %dma_start3A_742 = arith.constant 3 : i32
      %dma_start3A_743 = arith.constant 0 : i32
      %dma_start3A_744 = arith.constant 0 : i32
      %dma_start3A_745 = arith.constant 0 : i32
      %dma_start3A_746 = tpu.memref_slice %arg7[%dma_start3A_741, %dma_start3A_742, %dma_start3A_743, %dma_start3A_744, %dma_start3A_745] : memref<2x4x4x8x129xf32, #tpu.memory_space<vmem>> -> memref<1x1x4x8x128xf32, #tpu.memory_space<vmem>>
      %dma_start3A_747 = tpu.memref_squeeze %dma_start3A_746 : memref<1x1x4x8x128xf32, #tpu.memory_space<vmem>> -> memref<4x8x128xf32, #tpu.memory_space<vmem>>
      %dma_start3A_748 = arith.constant 0 : i32
      %dma_start3A_749 = arith.constant 0 : i32
      %dma_start3A_750 = arith.constant 0 : i32
      %dma_start3A_751 = tpu.memref_slice %arg4[%add3A_575, %dma_start3A_748, %add3A_740, %dma_start3A_749, %dma_start3A_750] : memref<200x4x128x8x128xf32, #tpu.memory_space<hbm>> -> memref<1x4x1x8x128xf32, #tpu.memory_space<hbm>>
      %dma_start3A_752 = tpu.memref_squeeze %dma_start3A_751 : memref<1x4x1x8x128xf32, #tpu.memory_space<hbm>> -> memref<4x8x128xf32, #tpu.memory_space<hbm>>
      %dma_start3A_753 = arith.constant 0 : i32
      %dma_start3A_754 = arith.constant 0 : i32
      %dma_start3A_755 = arith.constant 0 : i32
      %dma_start3A_756 = tpu.memref_slice %arg4[%add3A_575, %dma_start3A_753, %add3A_740, %dma_start3A_754, %dma_start3A_755] : memref<200x4x128x8x128xf32, #tpu.memory_space<hbm>> -> memref<1x4x1x8x128xf32, #tpu.memory_space<hbm>>
      %dma_start3A_757 = tpu.memref_squeeze %dma_start3A_756 : memref<1x4x1x8x128xf32, #tpu.memory_space<hbm>> -> memref<4x8x128xf32, #tpu.memory_space<hbm>>
      %dma_start3A_758 = arith.constant 0 : i32
      %dma_start3A_759 = arith.constant 0 : i32
      %dma_start3A_760 = arith.constant 0 : i32
      %dma_start3A_761 = tpu.memref_slice %arg7[%dma_start3A_741, %dma_start3A_742, %dma_start3A_758, %dma_start3A_759, %dma_start3A_760] : memref<2x4x4x8x129xf32, #tpu.memory_space<vmem>> -> memref<1x1x4x8x128xf32, #tpu.memory_space<vmem>>
      %dma_start3A_762 = tpu.memref_squeeze %dma_start3A_761 : memref<1x1x4x8x128xf32, #tpu.memory_space<vmem>> -> memref<4x8x128xf32, #tpu.memory_space<vmem>>
      tpu.enqueue_dma source(%dma_start3A_762 : memref<4x8x128xf32, #tpu.memory_space<vmem>>) target(%dma_start3A_757 : memref<4x8x128xf32, #tpu.memory_space<hbm>>) target_semaphore(%arg9 : memref<!tpu.dma_semaphore, #tpu.memory_space<semaphore_mem>>)
    }
    %scan3A_188 = arith.constant 100 : i32
    %add3A_189 = arith.constant 0 : i32
    %add3A_190 = arith.addi %mul3A_2, %add3A_189 : i32
    %dma_wait3A = arith.constant 0 : i32
    %dma_wait3A_191 = arith.constant 0 : i32
    %dma_wait3A_192 = arith.constant 198 : i32
    %dma_wait3A_193 = arith.constant 0 : i32
    %dma_wait3A_194 = arith.constant 0 : i32
    %dma_wait3A_195 = arith.constant 0 : i32
    %dma_wait3A_196 = tpu.memref_slice %arg7[%dma_wait3A, %dma_wait3A_191, %dma_wait3A_193, %dma_wait3A_194, %dma_wait3A_195] : memref<2x4x4x8x129xf32, #tpu.memory_space<vmem>> -> memref<1x1x4x8x128xf32, #tpu.memory_space<vmem>>
    %dma_wait3A_197 = tpu.memref_squeeze %dma_wait3A_196 : memref<1x1x4x8x128xf32, #tpu.memory_space<vmem>> -> memref<4x8x128xf32, #tpu.memory_space<vmem>>
    %dma_wait3A_198 = arith.constant 0 : i32
    %dma_wait3A_199 = arith.constant 0 : i32
    %dma_wait3A_200 = arith.constant 0 : i32
    %dma_wait3A_201 = tpu.memref_slice %arg4[%dma_wait3A_192, %dma_wait3A_198, %add3A_190, %dma_wait3A_199, %dma_wait3A_200] : memref<200x4x128x8x128xf32, #tpu.memory_space<hbm>> -> memref<1x4x1x8x128xf32, #tpu.memory_space<hbm>>
    %dma_wait3A_202 = tpu.memref_squeeze %dma_wait3A_201 : memref<1x4x1x8x128xf32, #tpu.memory_space<hbm>> -> memref<4x8x128xf32, #tpu.memory_space<hbm>>
    %dma_wait3A_203 = arith.constant 0 : i32
    %dma_wait3A_204 = arith.constant 0 : i32
    %dma_wait3A_205 = arith.constant 0 : i32
    %dma_wait3A_206 = tpu.memref_slice %arg4[%dma_wait3A_192, %dma_wait3A_203, %add3A_190, %dma_wait3A_204, %dma_wait3A_205] : memref<200x4x128x8x128xf32, #tpu.memory_space<hbm>> -> memref<1x4x1x8x128xf32, #tpu.memory_space<hbm>>
    %dma_wait3A_207 = tpu.memref_squeeze %dma_wait3A_206 : memref<1x4x1x8x128xf32, #tpu.memory_space<hbm>> -> memref<4x8x128xf32, #tpu.memory_space<hbm>>
    %dma_wait3A_208 = arith.constant 0 : i32
    %dma_wait3A_209 = arith.constant 0 : i32
    %dma_wait3A_210 = arith.constant 0 : i32
    %dma_wait3A_211 = tpu.memref_slice %arg7[%dma_wait3A, %dma_wait3A_191, %dma_wait3A_208, %dma_wait3A_209, %dma_wait3A_210] : memref<2x4x4x8x129xf32, #tpu.memory_space<vmem>> -> memref<1x1x4x8x128xf32, #tpu.memory_space<vmem>>
    %dma_wait3A_212 = tpu.memref_squeeze %dma_wait3A_211 : memref<1x1x4x8x128xf32, #tpu.memory_space<vmem>> -> memref<4x8x128xf32, #tpu.memory_space<vmem>>
    tpu.wait_dma2 semaphore(%arg9 : memref<!tpu.dma_semaphore, #tpu.memory_space<semaphore_mem>>) src(%dma_wait3A_212 : memref<4x8x128xf32, #tpu.memory_space<vmem>>) dst(%dma_wait3A_207 : memref<4x8x128xf32, #tpu.memory_space<hbm>>)
    %add3A_213 = arith.constant 1 : i32
    %add3A_214 = arith.addi %mul3A_2, %add3A_213 : i32
    %dma_wait3A_215 = arith.constant 0 : i32
    %dma_wait3A_216 = arith.constant 1 : i32
    %dma_wait3A_217 = arith.constant 198 : i32
    %dma_wait3A_218 = arith.constant 0 : i32
    %dma_wait3A_219 = arith.constant 0 : i32
    %dma_wait3A_220 = arith.constant 0 : i32
    %dma_wait3A_221 = tpu.memref_slice %arg7[%dma_wait3A_215, %dma_wait3A_216, %dma_wait3A_218, %dma_wait3A_219, %dma_wait3A_220] : memref<2x4x4x8x129xf32, #tpu.memory_space<vmem>> -> memref<1x1x4x8x128xf32, #tpu.memory_space<vmem>>
    %dma_wait3A_222 = tpu.memref_squeeze %dma_wait3A_221 : memref<1x1x4x8x128xf32, #tpu.memory_space<vmem>> -> memref<4x8x128xf32, #tpu.memory_space<vmem>>
    %dma_wait3A_223 = arith.constant 0 : i32
    %dma_wait3A_224 = arith.constant 0 : i32
    %dma_wait3A_225 = arith.constant 0 : i32
    %dma_wait3A_226 = tpu.memref_slice %arg4[%dma_wait3A_217, %dma_wait3A_223, %add3A_214, %dma_wait3A_224, %dma_wait3A_225] : memref<200x4x128x8x128xf32, #tpu.memory_space<hbm>> -> memref<1x4x1x8x128xf32, #tpu.memory_space<hbm>>
    %dma_wait3A_227 = tpu.memref_squeeze %dma_wait3A_226 : memref<1x4x1x8x128xf32, #tpu.memory_space<hbm>> -> memref<4x8x128xf32, #tpu.memory_space<hbm>>
    %dma_wait3A_228 = arith.constant 0 : i32
    %dma_wait3A_229 = arith.constant 0 : i32
    %dma_wait3A_230 = arith.constant 0 : i32
    %dma_wait3A_231 = tpu.memref_slice %arg4[%dma_wait3A_217, %dma_wait3A_228, %add3A_214, %dma_wait3A_229, %dma_wait3A_230] : memref<200x4x128x8x128xf32, #tpu.memory_space<hbm>> -> memref<1x4x1x8x128xf32, #tpu.memory_space<hbm>>
    %dma_wait3A_232 = tpu.memref_squeeze %dma_wait3A_231 : memref<1x4x1x8x128xf32, #tpu.memory_space<hbm>> -> memref<4x8x128xf32, #tpu.memory_space<hbm>>
    %dma_wait3A_233 = arith.constant 0 : i32
    %dma_wait3A_234 = arith.constant 0 : i32
    %dma_wait3A_235 = arith.constant 0 : i32
    %dma_wait3A_236 = tpu.memref_slice %arg7[%dma_wait3A_215, %dma_wait3A_216, %dma_wait3A_233, %dma_wait3A_234, %dma_wait3A_235] : memref<2x4x4x8x129xf32, #tpu.memory_space<vmem>> -> memref<1x1x4x8x128xf32, #tpu.memory_space<vmem>>
    %dma_wait3A_237 = tpu.memref_squeeze %dma_wait3A_236 : memref<1x1x4x8x128xf32, #tpu.memory_space<vmem>> -> memref<4x8x128xf32, #tpu.memory_space<vmem>>
    tpu.wait_dma2 semaphore(%arg9 : memref<!tpu.dma_semaphore, #tpu.memory_space<semaphore_mem>>) src(%dma_wait3A_237 : memref<4x8x128xf32, #tpu.memory_space<vmem>>) dst(%dma_wait3A_232 : memref<4x8x128xf32, #tpu.memory_space<hbm>>)
    %add3A_238 = arith.constant 2 : i32
    %add3A_239 = arith.addi %mul3A_2, %add3A_238 : i32
    %dma_wait3A_240 = arith.constant 0 : i32
    %dma_wait3A_241 = arith.constant 2 : i32
    %dma_wait3A_242 = arith.constant 198 : i32
    %dma_wait3A_243 = arith.constant 0 : i32
    %dma_wait3A_244 = arith.constant 0 : i32
    %dma_wait3A_245 = arith.constant 0 : i32
    %dma_wait3A_246 = tpu.memref_slice %arg7[%dma_wait3A_240, %dma_wait3A_241, %dma_wait3A_243, %dma_wait3A_244, %dma_wait3A_245] : memref<2x4x4x8x129xf32, #tpu.memory_space<vmem>> -> memref<1x1x4x8x128xf32, #tpu.memory_space<vmem>>
    %dma_wait3A_247 = tpu.memref_squeeze %dma_wait3A_246 : memref<1x1x4x8x128xf32, #tpu.memory_space<vmem>> -> memref<4x8x128xf32, #tpu.memory_space<vmem>>
    %dma_wait3A_248 = arith.constant 0 : i32
    %dma_wait3A_249 = arith.constant 0 : i32
    %dma_wait3A_250 = arith.constant 0 : i32
    %dma_wait3A_251 = tpu.memref_slice %arg4[%dma_wait3A_242, %dma_wait3A_248, %add3A_239, %dma_wait3A_249, %dma_wait3A_250] : memref<200x4x128x8x128xf32, #tpu.memory_space<hbm>> -> memref<1x4x1x8x128xf32, #tpu.memory_space<hbm>>
    %dma_wait3A_252 = tpu.memref_squeeze %dma_wait3A_251 : memref<1x4x1x8x128xf32, #tpu.memory_space<hbm>> -> memref<4x8x128xf32, #tpu.memory_space<hbm>>
    %dma_wait3A_253 = arith.constant 0 : i32
    %dma_wait3A_254 = arith.constant 0 : i32
    %dma_wait3A_255 = arith.constant 0 : i32
    %dma_wait3A_256 = tpu.memref_slice %arg4[%dma_wait3A_242, %dma_wait3A_253, %add3A_239, %dma_wait3A_254, %dma_wait3A_255] : memref<200x4x128x8x128xf32, #tpu.memory_space<hbm>> -> memref<1x4x1x8x128xf32, #tpu.memory_space<hbm>>
    %dma_wait3A_257 = tpu.memref_squeeze %dma_wait3A_256 : memref<1x4x1x8x128xf32, #tpu.memory_space<hbm>> -> memref<4x8x128xf32, #tpu.memory_space<hbm>>
    %dma_wait3A_258 = arith.constant 0 : i32
    %dma_wait3A_259 = arith.constant 0 : i32
    %dma_wait3A_260 = arith.constant 0 : i32
    %dma_wait3A_261 = tpu.memref_slice %arg7[%dma_wait3A_240, %dma_wait3A_241, %dma_wait3A_258, %dma_wait3A_259, %dma_wait3A_260] : memref<2x4x4x8x129xf32, #tpu.memory_space<vmem>> -> memref<1x1x4x8x128xf32, #tpu.memory_space<vmem>>
    %dma_wait3A_262 = tpu.memref_squeeze %dma_wait3A_261 : memref<1x1x4x8x128xf32, #tpu.memory_space<vmem>> -> memref<4x8x128xf32, #tpu.memory_space<vmem>>
    tpu.wait_dma2 semaphore(%arg9 : memref<!tpu.dma_semaphore, #tpu.memory_space<semaphore_mem>>) src(%dma_wait3A_262 : memref<4x8x128xf32, #tpu.memory_space<vmem>>) dst(%dma_wait3A_257 : memref<4x8x128xf32, #tpu.memory_space<hbm>>)
    %add3A_263 = arith.constant 3 : i32
    %add3A_264 = arith.addi %mul3A_2, %add3A_263 : i32
    %dma_wait3A_265 = arith.constant 0 : i32
    %dma_wait3A_266 = arith.constant 3 : i32
    %dma_wait3A_267 = arith.constant 198 : i32
    %dma_wait3A_268 = arith.constant 0 : i32
    %dma_wait3A_269 = arith.constant 0 : i32
    %dma_wait3A_270 = arith.constant 0 : i32
    %dma_wait3A_271 = tpu.memref_slice %arg7[%dma_wait3A_265, %dma_wait3A_266, %dma_wait3A_268, %dma_wait3A_269, %dma_wait3A_270] : memref<2x4x4x8x129xf32, #tpu.memory_space<vmem>> -> memref<1x1x4x8x128xf32, #tpu.memory_space<vmem>>
    %dma_wait3A_272 = tpu.memref_squeeze %dma_wait3A_271 : memref<1x1x4x8x128xf32, #tpu.memory_space<vmem>> -> memref<4x8x128xf32, #tpu.memory_space<vmem>>
    %dma_wait3A_273 = arith.constant 0 : i32
    %dma_wait3A_274 = arith.constant 0 : i32
    %dma_wait3A_275 = arith.constant 0 : i32
    %dma_wait3A_276 = tpu.memref_slice %arg4[%dma_wait3A_267, %dma_wait3A_273, %add3A_264, %dma_wait3A_274, %dma_wait3A_275] : memref<200x4x128x8x128xf32, #tpu.memory_space<hbm>> -> memref<1x4x1x8x128xf32, #tpu.memory_space<hbm>>
    %dma_wait3A_277 = tpu.memref_squeeze %dma_wait3A_276 : memref<1x4x1x8x128xf32, #tpu.memory_space<hbm>> -> memref<4x8x128xf32, #tpu.memory_space<hbm>>
    %dma_wait3A_278 = arith.constant 0 : i32
    %dma_wait3A_279 = arith.constant 0 : i32
    %dma_wait3A_280 = arith.constant 0 : i32
    %dma_wait3A_281 = tpu.memref_slice %arg4[%dma_wait3A_267, %dma_wait3A_278, %add3A_264, %dma_wait3A_279, %dma_wait3A_280] : memref<200x4x128x8x128xf32, #tpu.memory_space<hbm>> -> memref<1x4x1x8x128xf32, #tpu.memory_space<hbm>>
    %dma_wait3A_282 = tpu.memref_squeeze %dma_wait3A_281 : memref<1x4x1x8x128xf32, #tpu.memory_space<hbm>> -> memref<4x8x128xf32, #tpu.memory_space<hbm>>
    %dma_wait3A_283 = arith.constant 0 : i32
    %dma_wait3A_284 = arith.constant 0 : i32
    %dma_wait3A_285 = arith.constant 0 : i32
    %dma_wait3A_286 = tpu.memref_slice %arg7[%dma_wait3A_265, %dma_wait3A_266, %dma_wait3A_283, %dma_wait3A_284, %dma_wait3A_285] : memref<2x4x4x8x129xf32, #tpu.memory_space<vmem>> -> memref<1x1x4x8x128xf32, #tpu.memory_space<vmem>>
    %dma_wait3A_287 = tpu.memref_squeeze %dma_wait3A_286 : memref<1x1x4x8x128xf32, #tpu.memory_space<vmem>> -> memref<4x8x128xf32, #tpu.memory_space<vmem>>
    tpu.wait_dma2 semaphore(%arg9 : memref<!tpu.dma_semaphore, #tpu.memory_space<semaphore_mem>>) src(%dma_wait3A_287 : memref<4x8x128xf32, #tpu.memory_space<vmem>>) dst(%dma_wait3A_282 : memref<4x8x128xf32, #tpu.memory_space<hbm>>)
    %add3A_288 = arith.constant 0 : i32
    %add3A_289 = arith.addi %mul3A_2, %add3A_288 : i32
    %dma_wait3A_290 = arith.constant 1 : i32
    %dma_wait3A_291 = arith.constant 0 : i32
    %dma_wait3A_292 = arith.constant 199 : i32
    %dma_wait3A_293 = arith.constant 0 : i32
    %dma_wait3A_294 = arith.constant 0 : i32
    %dma_wait3A_295 = arith.constant 0 : i32
    %dma_wait3A_296 = tpu.memref_slice %arg7[%dma_wait3A_290, %dma_wait3A_291, %dma_wait3A_293, %dma_wait3A_294, %dma_wait3A_295] : memref<2x4x4x8x129xf32, #tpu.memory_space<vmem>> -> memref<1x1x4x8x128xf32, #tpu.memory_space<vmem>>
    %dma_wait3A_297 = tpu.memref_squeeze %dma_wait3A_296 : memref<1x1x4x8x128xf32, #tpu.memory_space<vmem>> -> memref<4x8x128xf32, #tpu.memory_space<vmem>>
    %dma_wait3A_298 = arith.constant 0 : i32
    %dma_wait3A_299 = arith.constant 0 : i32
    %dma_wait3A_300 = arith.constant 0 : i32
    %dma_wait3A_301 = tpu.memref_slice %arg4[%dma_wait3A_292, %dma_wait3A_298, %add3A_289, %dma_wait3A_299, %dma_wait3A_300] : memref<200x4x128x8x128xf32, #tpu.memory_space<hbm>> -> memref<1x4x1x8x128xf32, #tpu.memory_space<hbm>>
    %dma_wait3A_302 = tpu.memref_squeeze %dma_wait3A_301 : memref<1x4x1x8x128xf32, #tpu.memory_space<hbm>> -> memref<4x8x128xf32, #tpu.memory_space<hbm>>
    %dma_wait3A_303 = arith.constant 0 : i32
    %dma_wait3A_304 = arith.constant 0 : i32
    %dma_wait3A_305 = arith.constant 0 : i32
    %dma_wait3A_306 = tpu.memref_slice %arg4[%dma_wait3A_292, %dma_wait3A_303, %add3A_289, %dma_wait3A_304, %dma_wait3A_305] : memref<200x4x128x8x128xf32, #tpu.memory_space<hbm>> -> memref<1x4x1x8x128xf32, #tpu.memory_space<hbm>>
    %dma_wait3A_307 = tpu.memref_squeeze %dma_wait3A_306 : memref<1x4x1x8x128xf32, #tpu.memory_space<hbm>> -> memref<4x8x128xf32, #tpu.memory_space<hbm>>
    %dma_wait3A_308 = arith.constant 0 : i32
    %dma_wait3A_309 = arith.constant 0 : i32
    %dma_wait3A_310 = arith.constant 0 : i32
    %dma_wait3A_311 = tpu.memref_slice %arg7[%dma_wait3A_290, %dma_wait3A_291, %dma_wait3A_308, %dma_wait3A_309, %dma_wait3A_310] : memref<2x4x4x8x129xf32, #tpu.memory_space<vmem>> -> memref<1x1x4x8x128xf32, #tpu.memory_space<vmem>>
    %dma_wait3A_312 = tpu.memref_squeeze %dma_wait3A_311 : memref<1x1x4x8x128xf32, #tpu.memory_space<vmem>> -> memref<4x8x128xf32, #tpu.memory_space<vmem>>
    tpu.wait_dma2 semaphore(%arg9 : memref<!tpu.dma_semaphore, #tpu.memory_space<semaphore_mem>>) src(%dma_wait3A_312 : memref<4x8x128xf32, #tpu.memory_space<vmem>>) dst(%dma_wait3A_307 : memref<4x8x128xf32, #tpu.memory_space<hbm>>)
    %add3A_313 = arith.constant 1 : i32
    %add3A_314 = arith.addi %mul3A_2, %add3A_313 : i32
    %dma_wait3A_315 = arith.constant 1 : i32
    %dma_wait3A_316 = arith.constant 1 : i32
    %dma_wait3A_317 = arith.constant 199 : i32
    %dma_wait3A_318 = arith.constant 0 : i32
    %dma_wait3A_319 = arith.constant 0 : i32
    %dma_wait3A_320 = arith.constant 0 : i32
    %dma_wait3A_321 = tpu.memref_slice %arg7[%dma_wait3A_315, %dma_wait3A_316, %dma_wait3A_318, %dma_wait3A_319, %dma_wait3A_320] : memref<2x4x4x8x129xf32, #tpu.memory_space<vmem>> -> memref<1x1x4x8x128xf32, #tpu.memory_space<vmem>>
    %dma_wait3A_322 = tpu.memref_squeeze %dma_wait3A_321 : memref<1x1x4x8x128xf32, #tpu.memory_space<vmem>> -> memref<4x8x128xf32, #tpu.memory_space<vmem>>
    %dma_wait3A_323 = arith.constant 0 : i32
    %dma_wait3A_324 = arith.constant 0 : i32
    %dma_wait3A_325 = arith.constant 0 : i32
    %dma_wait3A_326 = tpu.memref_slice %arg4[%dma_wait3A_317, %dma_wait3A_323, %add3A_314, %dma_wait3A_324, %dma_wait3A_325] : memref<200x4x128x8x128xf32, #tpu.memory_space<hbm>> -> memref<1x4x1x8x128xf32, #tpu.memory_space<hbm>>
    %dma_wait3A_327 = tpu.memref_squeeze %dma_wait3A_326 : memref<1x4x1x8x128xf32, #tpu.memory_space<hbm>> -> memref<4x8x128xf32, #tpu.memory_space<hbm>>
    %dma_wait3A_328 = arith.constant 0 : i32
    %dma_wait3A_329 = arith.constant 0 : i32
    %dma_wait3A_330 = arith.constant 0 : i32
    %dma_wait3A_331 = tpu.memref_slice %arg4[%dma_wait3A_317, %dma_wait3A_328, %add3A_314, %dma_wait3A_329, %dma_wait3A_330] : memref<200x4x128x8x128xf32, #tpu.memory_space<hbm>> -> memref<1x4x1x8x128xf32, #tpu.memory_space<hbm>>
    %dma_wait3A_332 = tpu.memref_squeeze %dma_wait3A_331 : memref<1x4x1x8x128xf32, #tpu.memory_space<hbm>> -> memref<4x8x128xf32, #tpu.memory_space<hbm>>
    %dma_wait3A_333 = arith.constant 0 : i32
    %dma_wait3A_334 = arith.constant 0 : i32
    %dma_wait3A_335 = arith.constant 0 : i32
    %dma_wait3A_336 = tpu.memref_slice %arg7[%dma_wait3A_315, %dma_wait3A_316, %dma_wait3A_333, %dma_wait3A_334, %dma_wait3A_335] : memref<2x4x4x8x129xf32, #tpu.memory_space<vmem>> -> memref<1x1x4x8x128xf32, #tpu.memory_space<vmem>>
    %dma_wait3A_337 = tpu.memref_squeeze %dma_wait3A_336 : memref<1x1x4x8x128xf32, #tpu.memory_space<vmem>> -> memref<4x8x128xf32, #tpu.memory_space<vmem>>
    tpu.wait_dma2 semaphore(%arg9 : memref<!tpu.dma_semaphore, #tpu.memory_space<semaphore_mem>>) src(%dma_wait3A_337 : memref<4x8x128xf32, #tpu.memory_space<vmem>>) dst(%dma_wait3A_332 : memref<4x8x128xf32, #tpu.memory_space<hbm>>)
    %add3A_338 = arith.constant 2 : i32
    %add3A_339 = arith.addi %mul3A_2, %add3A_338 : i32
    %dma_wait3A_340 = arith.constant 1 : i32
    %dma_wait3A_341 = arith.constant 2 : i32
    %dma_wait3A_342 = arith.constant 199 : i32
    %dma_wait3A_343 = arith.constant 0 : i32
    %dma_wait3A_344 = arith.constant 0 : i32
    %dma_wait3A_345 = arith.constant 0 : i32
    %dma_wait3A_346 = tpu.memref_slice %arg7[%dma_wait3A_340, %dma_wait3A_341, %dma_wait3A_343, %dma_wait3A_344, %dma_wait3A_345] : memref<2x4x4x8x129xf32, #tpu.memory_space<vmem>> -> memref<1x1x4x8x128xf32, #tpu.memory_space<vmem>>
    %dma_wait3A_347 = tpu.memref_squeeze %dma_wait3A_346 : memref<1x1x4x8x128xf32, #tpu.memory_space<vmem>> -> memref<4x8x128xf32, #tpu.memory_space<vmem>>
    %dma_wait3A_348 = arith.constant 0 : i32
    %dma_wait3A_349 = arith.constant 0 : i32
    %dma_wait3A_350 = arith.constant 0 : i32
    %dma_wait3A_351 = tpu.memref_slice %arg4[%dma_wait3A_342, %dma_wait3A_348, %add3A_339, %dma_wait3A_349, %dma_wait3A_350] : memref<200x4x128x8x128xf32, #tpu.memory_space<hbm>> -> memref<1x4x1x8x128xf32, #tpu.memory_space<hbm>>
    %dma_wait3A_352 = tpu.memref_squeeze %dma_wait3A_351 : memref<1x4x1x8x128xf32, #tpu.memory_space<hbm>> -> memref<4x8x128xf32, #tpu.memory_space<hbm>>
    %dma_wait3A_353 = arith.constant 0 : i32
    %dma_wait3A_354 = arith.constant 0 : i32
    %dma_wait3A_355 = arith.constant 0 : i32
    %dma_wait3A_356 = tpu.memref_slice %arg4[%dma_wait3A_342, %dma_wait3A_353, %add3A_339, %dma_wait3A_354, %dma_wait3A_355] : memref<200x4x128x8x128xf32, #tpu.memory_space<hbm>> -> memref<1x4x1x8x128xf32, #tpu.memory_space<hbm>>
    %dma_wait3A_357 = tpu.memref_squeeze %dma_wait3A_356 : memref<1x4x1x8x128xf32, #tpu.memory_space<hbm>> -> memref<4x8x128xf32, #tpu.memory_space<hbm>>
    %dma_wait3A_358 = arith.constant 0 : i32
    %dma_wait3A_359 = arith.constant 0 : i32
    %dma_wait3A_360 = arith.constant 0 : i32
    %dma_wait3A_361 = tpu.memref_slice %arg7[%dma_wait3A_340, %dma_wait3A_341, %dma_wait3A_358, %dma_wait3A_359, %dma_wait3A_360] : memref<2x4x4x8x129xf32, #tpu.memory_space<vmem>> -> memref<1x1x4x8x128xf32, #tpu.memory_space<vmem>>
    %dma_wait3A_362 = tpu.memref_squeeze %dma_wait3A_361 : memref<1x1x4x8x128xf32, #tpu.memory_space<vmem>> -> memref<4x8x128xf32, #tpu.memory_space<vmem>>
    tpu.wait_dma2 semaphore(%arg9 : memref<!tpu.dma_semaphore, #tpu.memory_space<semaphore_mem>>) src(%dma_wait3A_362 : memref<4x8x128xf32, #tpu.memory_space<vmem>>) dst(%dma_wait3A_357 : memref<4x8x128xf32, #tpu.memory_space<hbm>>)
    %add3A_363 = arith.constant 3 : i32
    %add3A_364 = arith.addi %mul3A_2, %add3A_363 : i32
    %dma_wait3A_365 = arith.constant 1 : i32
    %dma_wait3A_366 = arith.constant 3 : i32
    %dma_wait3A_367 = arith.constant 199 : i32
    %dma_wait3A_368 = arith.constant 0 : i32
    %dma_wait3A_369 = arith.constant 0 : i32
    %dma_wait3A_370 = arith.constant 0 : i32
    %dma_wait3A_371 = tpu.memref_slice %arg7[%dma_wait3A_365, %dma_wait3A_366, %dma_wait3A_368, %dma_wait3A_369, %dma_wait3A_370] : memref<2x4x4x8x129xf32, #tpu.memory_space<vmem>> -> memref<1x1x4x8x128xf32, #tpu.memory_space<vmem>>
    %dma_wait3A_372 = tpu.memref_squeeze %dma_wait3A_371 : memref<1x1x4x8x128xf32, #tpu.memory_space<vmem>> -> memref<4x8x128xf32, #tpu.memory_space<vmem>>
    %dma_wait3A_373 = arith.constant 0 : i32
    %dma_wait3A_374 = arith.constant 0 : i32
    %dma_wait3A_375 = arith.constant 0 : i32
    %dma_wait3A_376 = tpu.memref_slice %arg4[%dma_wait3A_367, %dma_wait3A_373, %add3A_364, %dma_wait3A_374, %dma_wait3A_375] : memref<200x4x128x8x128xf32, #tpu.memory_space<hbm>> -> memref<1x4x1x8x128xf32, #tpu.memory_space<hbm>>
    %dma_wait3A_377 = tpu.memref_squeeze %dma_wait3A_376 : memref<1x4x1x8x128xf32, #tpu.memory_space<hbm>> -> memref<4x8x128xf32, #tpu.memory_space<hbm>>
    %dma_wait3A_378 = arith.constant 0 : i32
    %dma_wait3A_379 = arith.constant 0 : i32
    %dma_wait3A_380 = arith.constant 0 : i32
    %dma_wait3A_381 = tpu.memref_slice %arg4[%dma_wait3A_367, %dma_wait3A_378, %add3A_364, %dma_wait3A_379, %dma_wait3A_380] : memref<200x4x128x8x128xf32, #tpu.memory_space<hbm>> -> memref<1x4x1x8x128xf32, #tpu.memory_space<hbm>>
    %dma_wait3A_382 = tpu.memref_squeeze %dma_wait3A_381 : memref<1x4x1x8x128xf32, #tpu.memory_space<hbm>> -> memref<4x8x128xf32, #tpu.memory_space<hbm>>
    %dma_wait3A_383 = arith.constant 0 : i32
    %dma_wait3A_384 = arith.constant 0 : i32
    %dma_wait3A_385 = arith.constant 0 : i32
    %dma_wait3A_386 = tpu.memref_slice %arg7[%dma_wait3A_365, %dma_wait3A_366, %dma_wait3A_383, %dma_wait3A_384, %dma_wait3A_385] : memref<2x4x4x8x129xf32, #tpu.memory_space<vmem>> -> memref<1x1x4x8x128xf32, #tpu.memory_space<vmem>>
    %dma_wait3A_387 = tpu.memref_squeeze %dma_wait3A_386 : memref<1x1x4x8x128xf32, #tpu.memory_space<vmem>> -> memref<4x8x128xf32, #tpu.memory_space<vmem>>
    tpu.wait_dma2 semaphore(%arg9 : memref<!tpu.dma_semaphore, #tpu.memory_space<semaphore_mem>>) src(%dma_wait3A_387 : memref<4x8x128xf32, #tpu.memory_space<vmem>>) dst(%dma_wait3A_382 : memref<4x8x128xf32, #tpu.memory_space<hbm>>)
    return
  }
}

</mosaic_0001>

<sc_bundles>
// kernel: kernel.3.cloned.1.call-start
scs
__scs_entry_jumppad:
0x0: {  	(pc) =	sbr.rel $0x88, $3  }
0x1: {  	(tag) =	ssettag $0x0;
	lr =	simm.s32 $0x1  }
0x2: {  	[smem:$0x3F9F] =	sst lr;
	_ =	strace $0xD0000000  }
0x3: {  	_ = 	snop  }
0x4: {  	_ = 	snop  }
0x5: {  	_ = 	snop  }
0x6: {  	_ = 	snop  }
0x7: {  	_ = 	snop  }
__scs_overlays_trampoline_lowered:
0x8: {  	[smem:$0x3FAE] =	sst s0  }
0x9: {  	[smem:$0x3FAF] =	sst s1  }
0xa: {  	[smem:$0x3FB0] =	sst s2  }
0xb: {  	[smem:$0x3FB1] =	sst s3  }
0xc: {  	[smem:$0x3FB2] =	sst s4  }
0xd: {  	[smem:$0x3FB3] =	sst s5  }
0xe: {  	[smem:$0x3FB4] =	sst s6  }
0xf: {  	[smem:$0x3FB5] =	sst s7  }
0x10: {  	[smem:$0x3FB6] =	sst s8  }
0x11: {  	[smem:$0x3FB7] =	sst s9;
	s0 =	simm.s32 @!p0 $0x0  }
0x12: {  	s1 =	sld [smem:$0x3F9D];
	s0 =	simm.s32 @p0 $0x1  }
0x13: {  	[smem:$0x3FB8] =	sst s0;
	s0 =	simm.s32 @!p1 $0x0  }
0x14: {  	s2 =	sld [smem:$0x3F9C];
	s0 =	simm.s32 @p1 $0x1  }
0x15: {  	[smem:$0x3FB9] =	sst s0;
	s0 =	simm.s32 @!p2 $0x0  }
0x16: {  	s3 =	sld [smem:$0x3FDB];
	s0 =	simm.s32 @p2 $0x1  }
0x17: {  	s4 =	simm.s32 $0x1BF5;
	[smem:$0x3FBB] =	sst s0  }
0x18: {  	s0 =	sld [smem:$0x3F9E];
	_ =	swait.ge [sflag:s4], $0x0  }
0x19: {  	s7 =	sld [smem:$0x3F9F]  }
0x1a: {  	s8 =	sadd.s32 $0xFFFFE003, lr  }
0x1b: {  	s9 =	sadd.s32 $0xFFFFFEF7, lr;
	s5 =	simm.s32 $0xFFFFFFFF;
	p2 =	slt.u32 s8, $0xFFFFF086  }
0x1c: {  	p1 =	slt.u32 s9, $0xF7A;
	s5 =	simm.s32 @!p2 $0x0  }
0x1d: {  	s5 =	simm.s32 @p1 $0x1;
	p0 =	seq.s32 s7, s2  }
0x1e: {  	s7 =	smul.u32 @!p0 $0xF7A, s2;
	p2 =	seq.s32 @!p0 s5, $0x0  }
0x1f: {  	s9 =	smul.u32 $0xF7A, s1;
	s8 =	simm.s32 @!p0 $0x1BF5;
	p2 =	por !p2, p0  }
0x20: {  	[sflag:s8] =	ssyncset.s32 @!p0 $0xFFFFF086;
	s6 =	sadd.s32 @!p0 s3, s7;
	s7 =	simm.s32 @!p0 $0x108  }
0x21: {  	s3 =	sadd.s32 s3, s9;
	s6 =	sadd.s32 @!p0 $0x88, s6;
	s7 =	simm.s32 @p2 $0x1082  }
0x22: {  	[simem:s7], [sflag:s8] =	dma.local @!p0 [hbm:s6], $0xF7A  }
0x23: {  	s9 =	sor.u32 $0xD0000000, s2;
	s6 =	simm.s32 $0x108;
	_ =	swait.ge @!p0 [sflag:s8], $0x0  }
0x24: {  	s3 =	sadd.s32 $0x88, s3;
	s6 =	simm.s32 @!p1 $0x1082;
	[sflag:s4] =	ssyncset.s32 $0xFFFFF086  }
0x25: {  	[simem:s6], [sflag:s4] =	dma.local [hbm:s3], $0xF7A  }
0x26: {  	[smem:$0x3F9F] =	sst s1;
	(tag) =	ssettag s2;
	_ =	strace s9  }
0x27: {  	s1 =	sld [smem:$0x3FAF]  }
0x28: {  	s2 =	sld [smem:$0x3FB0]  }
0x29: {  	s4 =	sld [smem:$0x3FB2]  }
0x2a: {  	p0 =	seq.s32 s5, $0x0;
	s5 =	sld [smem:$0x3FB3]  }
0x2b: {  	s6 =	sld [smem:$0x3FB4]  }
0x2c: {  	s7 =	sld [smem:$0x3FB5]  }
0x2d: {  	s3 =	simm.s32 $0x108;
	s8 =	sld [smem:$0x3FB6]  }
0x2e: {  	s3 =	simm.s32 @!p0 $0x1082;
	s9 =	sld [smem:$0x3FB7]  }
0x2f: {  	lr =	sadd.s32 s0, s3;
	s0 =	sld [smem:$0x3FAE]  }
0x30: {  	s3 =	sld [smem:$0x3FB1]  }
0x31: {  	[smem:$0x3FBA] =	sst s10  }
0x32: {  	s10 =	sld [smem:$0x3FB8];
	_ =	sdelay $0x3  }
0x33: {  	p0 =	seq.s32 s10, $0x1;
	s10 =	sld [smem:$0x3FBA];
	_ =	sdelay $0x3  }
0x34: {  	[smem:$0x3FBA] =	sst s10  }
0x35: {  	s10 =	sld [smem:$0x3FB9];
	_ =	sdelay $0x3  }
0x36: {  	p1 =	seq.s32 s10, $0x1;
	s10 =	sld [smem:$0x3FBA];
	_ =	sdelay $0x3  }
0x37: {  	[smem:$0x3FBA] =	sst s10  }
0x38: {  	s10 =	sld [smem:$0x3FBB]  }
0x39: {  	_ = 	snop;
	(pc) =	sbr.ind lr, $3  }
0x3a: {  	_ = 	snop  }
0x3b: {  	_ = 	snop  }
0x3c: {  	p2 =	seq.s32 s10, $0x1;
	s10 =	sld [smem:$0x3FBA]  }
0x3d: {  	_ =	shalt  }
0x3e: {  	_ =	shalt  }
0x3f: {  	_ =	shalt  }
0x40: {  	_ =	shalt  }
0x41: {  	_ =	shalt  }
0x42: {  	_ =	shalt  }
0x43: {  	_ =	shalt  }
0x44: {  	_ =	shalt  }
0x45: {  	_ =	shalt  }
0x46: {  	_ =	shalt  }
0x47: {  	_ =	shalt  }
0x48: {  	_ =	shalt  }
0x49: {  	_ =	shalt  }
0x4a: {  	_ =	shalt  }
0x4b: {  	_ =	shalt  }
0x4c: {  	_ =	shalt  }
0x4d: {  	_ =	shalt  }
0x4e: {  	_ =	shalt  }
0x4f: {  	_ =	shalt  }
0x50: {  	_ =	shalt  }
0x51: {  	_ =	shalt  }
0x52: {  	_ =	shalt  }
0x53: {  	_ =	shalt  }
0x54: {  	_ =	shalt  }
0x55: {  	_ =	shalt  }
0x56: {  	_ =	shalt  }
0x57: {  	_ =	shalt  }
0x58: {  	_ =	shalt  }
0x59: {  	_ =	shalt  }
0x5a: {  	_ =	shalt  }
0x5b: {  	_ =	shalt  }
0x5c: {  	_ =	shalt  }
0x5d: {  	_ =	shalt  }
0x5e: {  	_ =	shalt  }
0x5f: {  	_ =	shalt  }
0x60: {  	_ =	shalt  }
0x61: {  	_ =	shalt  }
0x62: {  	_ =	shalt  }
0x63: {  	_ =	shalt  }
0x64: {  	_ =	shalt  }
0x65: {  	_ =	shalt  }
0x66: {  	_ =	shalt  }
0x67: {  	_ =	shalt  }
0x68: {  	_ =	shalt  }
0x69: {  	_ =	shalt  }
0x6a: {  	_ =	shalt  }
0x6b: {  	_ =	shalt  }
0x6c: {  	_ =	shalt  }
0x6d: {  	_ =	shalt  }
0x6e: {  	_ =	shalt  }
0x6f: {  	_ =	shalt  }
0x70: {  	_ =	shalt  }
0x71: {  	_ =	shalt  }
0x72: {  	_ =	shalt  }
0x73: {  	_ =	shalt  }
0x74: {  	_ =	shalt  }
0x75: {  	_ =	shalt  }
0x76: {  	_ =	shalt  }
0x77: {  	_ =	shalt  }
0x78: {  	_ =	shalt  }
0x79: {  	_ =	shalt  }
0x7a: {  	_ =	shalt  }
0x7b: {  	_ =	shalt  }
0x7c: {  	_ =	shalt  }
0x7d: {  	_ =	shalt  }
0x7e: {  	_ =	shalt  }
0x7f: {  	_ =	shalt  }
0x80: {  	_ =	shalt  }
0x81: {  	_ =	shalt  }
0x82: {  	_ =	shalt  }
0x83: {  	_ =	shalt  }
0x84: {  	_ =	shalt  }
0x85: {  	_ =	shalt  }
0x86: {  	_ =	shalt  }
0x87: {  	_ =	shalt  }
.Lfunc_end0:
.L_simem_size_0:
called_computation_lowered:
.L_overlay_start_0:
0x88: {  	s2 =	sld [smem:$0x3FD9]  }
0x89: {  	s3 =	sld [smem:$0x3FFE];
	_ =	sdelay $0x1  }
0x8a: {  	s1 =	srdreg.scid  }
0x8b: {  	s0 =	sand.u32 $0x1, s1  }
0x8c: {  	s17 =	sshll.u32 s0, $0xA;
	s2 =	sadd.s32 s3, s2  }
0x8d: {  	s2 =	sadd.s32 s2, s17  }
0x8e: {  	[smem:$0x3FC6] =	sst s2  }
0x8f: {  	_ = 	snop  }
0x90: {  	s2 =	sld [smem:$0x3FD0];
	(tm) =	ssettm $0x1  }
0x91: {  	s18 =	sld [smem:$0x3FFB];
	_ =	sdelay $0x3  }
0x92: {  	_ =	strace s18  }
0x93: {  	s3 =	sld [smem:$0x3FFC];
	_ =	sdelay $0x3  }
0x94: {  	_ =	strace s3  }
0x95: {  	s3 =	sld [smem:$0x3FFD];
	_ =	sdelay $0x3  }
0x96: {  	_ =	strace s3  }
0x97: {  	_ =	strace $0x8FFFFFFF  }
0x98: {  	s19 =	sld [smem:$0x3FDB];
	_ =	sdelay $0x1  }
0x99: {  	s4 =	simm.s32 $_scs_section_size  }
0x9a: {  	s5 =	simm.s32 $_size__tile_overlayer_lowered;
	s6 =	simm.s32 $_tile_overlayer_lowered  }
0x9b: {  	s22 =	simm.s32 $0x1BFF;
	s21 =	sshll.u32 s6, $0x1;
	s3 =	sadd.s32 s4, s19  }
0x9c: {  	s7 =	simm.s32 $0x0;
	s20 =	sshll.u32 s5, $0x1;
	s5 =	sadd.s32 s21, s3  }
0x9d: {  	[timem:s7], [sflag:s22] =	dma.local [hbm:s5], s20  }
0x9e: {  	_ =	swait.ge [sflag:s22], s20  }
0x9f: {  	s4 =	ssub.s32 $0x0, s20;
	[sflag:s22] =	ssyncset.done $0x0  }
0xa0: {  	[sflag:s22] =	ssyncadd.s32 s4;
	_ =	sdelay $0x1  }
0xa1: {  	s23 =	simm.s32 $0x1B8B  }
0xa2: {  	_ =	swait.ge [sflag:s23], $0x1  }
0xa3: {  	[sflag:s23] =	ssyncset.done $0x0  }
0xa4: {  	s25 =	simm.s32 $0x1B8E;
	s24 =	sld [smem:$0x3FFE];
	[sflag:s23] =	ssyncadd.s32 $0xFFFFFFFF  }
0xa5: {  	s26 =	simm.s32 $execute0_lowered;
	[smem:$0x3FD2] =	sst s25  }
0xa6: {  	s5 =	sshll.u32 s26, $0x1;
	_ =	strace $0x80000046;
	[dreg:$0x1] =	wrdreg $0xFFFFFFFF  }
0xa7: {  	s28 =	simm.s32 $_size_execute0_lowered;
	s3 =	sadd.s32 s3, s5;
	[dreg:$0x0] =	wrdreg $0x0  }
0xa8: {  	s5 =	sshll.u32 s28, $0x1;
	[dreg:$0x2] =	wrdreg s3  }
0xa9: {  	[dreg:$0x3] =	wrdreg s5  }
0xaa: {  	[dreg:$0x4] =	wrdreg $0xC0  }
0xab: {  	_ =	task [dreg:s7], $0x5FFFF  }
0xac: {  	[dreg:$0x1] =	wrdreg $0xFFFFFFFF  }
0xad: {  	[dreg:$0x0] =	wrdreg $0x60  }
0xae: {  	[dreg:$0x2] =	wrdreg s24  }
0xaf: {  	[dreg:$0x3] =	wrdreg s2  }
0xb0: {  	[dreg:$0x4] =	wrdreg $0x9  }
0xb1: {  	_ =	task.clear_ibuf [dreg:s7], $0x5FFFF;
	_ =	strace $0x90000046  }
0xb2: {  	s29 =	simm.s32 $0x9;
	_ =	strace $0x80000048  }
0xb3: {  	_ =	swait.ge [sflag:s29], $0x1  }
0xb4: {  	[sflag:s29] =	ssyncadd.s32 $0xFFFFFFFF  }
0xb5: {  	_ =	strace $0x90000048  }
0xb6: {  	_ =	sfence  }
0xb7: {  	s30 =	sld [smem:$0x0];
	_ =	sdelay $0x2  }
0xb8: {  	s31 =	sshll.u32 s1, $0xD;
	s1 =	sshrl.u32 s1, $0x2  }
0xb9: {  	s3 =	sand.u32 $0x4000, s31;
	s1 =	sadd.s32 s1, s30  }
0xba: {  	s0 =	sor.u32 s3, s0;
	s1 =	sshll.u32 s1, $0x11  }
0xbb: {  	s0 =	sor.u32 s1, s0  }
0xbc: {  	s0 =	sadd.s32 $0x8F2B, s0  }
0xbd: {  	[sflag:s0] =	ssyncadd.remote.s32 $0x1  }
0xbe: {  	_ =	sfence.sel $0xFFFF  }
0xbf: {  	[dreg:$0x0] =	wrdreg $0xFFFFFFFF;
	(pc) =	sbr.abs _section_cstart, $3  }
0xc0: {  	[dreg:$0x1] =	wrdreg $0xFFFFFFFF  }
0xc1: {  	_ =	task.clear_ibuf [dreg:s7], $0x2FFFF;
	_ =	strace $0x9FFFFFFF  }
0xc2: {  	(tm) =	ssettm $0x7FFFFFFF  }
0xc3: {  	_ =	shalt  }
tec
execute0_lowered:
.L_overlay_start_1:
0x0: {  	(tag) =	ssettag $0x1  }
0x1: {  	s0 =	rddreg [dreg:$0x0]  }
0x2: {  	s2 =	rddreg [dreg:$0x1]  }
0x3: {  	s1 =	srdreg.scid;
	s3 =	simm.s32 $0x0;
	s4 =	stileid.u32  }
0x4: {  	s16 =	simm.s32 $0x80;
	s24 =	simm.s32 $0x1;
	s25 =	simm.s32 $0x3  }
0x5: {  	s17 =	simm.s32 $0x8400;
	s19 =	simm.s32 $0xA600;
	s26 =	simm.s32 $0xC800  }
0x6: {  	s28 =	simm.s32 $0xEA00;
	s14 =	simm.s32 $0x10380;
	s15 =	simm.s32 $0x10B78  }
0x7: {  	s21 =	simm.s32 $0x0;
	s1 =	sand.u32 $0x1, s1;
	[smem:$0x7FF] =	sst s3  }
0x8: {  	s4 =	sshll.u32 s4, $0x3;
	s5 =	sshll.u32 s1, $0x2;
	_ =	strace $0x80000047  }
0x9: {  	v0 =	vlaneseq.u32;
	s1 =	ssub.s32 $0x2, s1;
	s6 =	sor.u32 s5, s4;
	s4 =	sadd.s32 $0x600, s0  }
0xa: {  	v1 =	vimm.s32 $0x0;
	vm0 =	vcmask $0x300;
	v0 =	vmul.u32 $0x88, v0;
	s7 =	sshrl.u32 s1, $0x1;
	s5 =	sadd.s32 $0x64600, s0;
	s8 =	sshll.u32 s6, $0x4  }
0xb: {  	v1 =	vsel vm0, $0x3, v1;
	s29 =	ssub.s32 s1, s7;
	s31 =	sshll.u32 s6, $0x7;
	s1 =	simm.s32 $0x9500  }
0xc: {  	v2 =	vadd.s32 $0x880, v0;
	v3 =	vor.u32 $0x1, v0;
	v4 =	vadd.s32 $0x881, v0;
	s30 =	sadd.s32 s4, s8;
	s8 =	sshll.u32 s6, $0xA;
	s9 =	sor.u32 $0x8000, s31  }
0xd: {  	v5 =	vor.u32 $0x2, v0;
	v6 =	vadd.s32 $0x882, v0;
	v7 =	vor.u32 $0x3, v0;
	s10 =	sor.u32 $0xC000, s31;
	s0 =	smax.u32 s29, $0x1;
	s6 =	simm.s32 $0xFB00  }
0xe: {  	v8 =	vadd.s32 $0x883, v0;
	v9 =	vor.u32 $0x4, v0;
	v10 =	vadd.s32 $0x884, v0;
	[dreg:$0x3] =	wrdreg s30;
	s7 =	sadd.s32 $0x800, s30;
	s11 =	sor.u32 $0x400, s8  }
0xf: {  	v11 =	vor.u32 $0x5, v0;
	v12 =	vadd.s32 $0x885, v0;
	v13 =	vor.u32 $0x6, v0;
	s12 =	sor.u32 $0x800, s8;
	s13 =	sor.u32 $0xC00, s8;
	[dreg:$0x5] =	wrdreg s0  }
0x10: {  	v14 =	vadd.s32 $0x886, v0;
	v15 =	vor.u32 $0x7, v0;
	v16 =	vadd.s32 $0x887, v0;
	s0 =	simm.s32 $0xD900;
	[dreg:$0x4] =	wrdreg s7;
	s7 =	simm.s32 $0xB700  }
.LBB2_1:
0x11: {  	[dreg:$0x6] =	wrdreg s21  }
0x12: {  	s18 =	rddreg [dreg:$0x3];
	s30 =	simm.s32 $0x4  }
0x13: {  	[tilespmem:s3], [sflag:$0x4] =	stream.linear.gather [hbm4b:s18+s3], $0x200, $0x38;
	[tilespmem:$0x10C00] =	vst v63  }
0x14: {  	_ =	swait.ge [sflag:s30], $0x200  }
0x15: {  	[sflag:s30] =	ssyncset.done $0x0  }
0x16: {  	s31 =	simm.s32 $0x400;
	[sflag:s30] =	ssyncadd.s32 $0xFFFFFE00  }
0x17: {  	[tilespmem:s31], [sflag:$0x1] =	stream.indirect.gather [hbm4b:s5+s16], $0x20, s3, s16, $0xb8;
	[tilespmem:$0x10C00] =	vst v63  }
0x18: {  	s20 =	simm.s32 $0x1400  }
0x19: {  	[tilespmem:s20], [sflag:$0x1] =	stream.indirect.gather [hbm4b:s5+s16], $0x20, s16, s16, $0xb8;
	[tilespmem:$0x10C00] =	vst v63  }
0x1a: {  	s21 =	simm.s32 $0x100;
	s20 =	simm.s32 $0x2400  }
0x1b: {  	[tilespmem:s20], [sflag:$0x1] =	stream.indirect.gather [hbm4b:s5+s16], $0x20, s21, s16, $0xb8;
	[tilespmem:$0x10C00] =	vst v63  }
0x1c: {  	s22 =	simm.s32 $0x180;
	s23 =	simm.s32 $0x3400  }
0x1d: {  	[tilespmem:s23], [sflag:$0x1] =	stream.indirect.gather [hbm4b:s5+s16], $0x20, s22, s16, $0xb8;
	[tilespmem:$0x10C00] =	vst v63  }
0x1e: {  	s29 =	simm.s32 $0x0;
	s30 =	rddreg [dreg:$0x4];
	s31 =	simm.s32 $0x200  }
0x1f: {  	[tilespmem:s31], [sflag:$0x3] =	stream.linear.gather [hbm4b:s30+s3], $0x200, $0x38;
	[tilespmem:$0x10C00] =	vst v63  }
.LBB2_2:
0x20: {  	p1 =	seq.s32 s29, $0x0  }
0x21: {  	s18 =	simm.s32 @!p1 $0x2  }
0x22: {  	_ =	swait.ge @!p1 [sflag:s18], $0x1000  }
0x23: {  	[sflag:s18] =	ssyncset.done @!p1 $0x0  }
0x24: {  	[sflag:s18] =	ssyncadd.s32 @!p1 $0xFFFFF000  }
0x25: {  	_ =	swait.ge @!p1 [sflag:s18], $0x1000  }
0x26: {  	[sflag:s18] =	ssyncset.done @!p1 $0x0  }
0x27: {  	[sflag:s18] =	ssyncadd.s32 @!p1 $0xFFFFF000  }
0x28: {  	_ =	swait.ge @!p1 [sflag:s18], $0x1000  }
0x29: {  	[sflag:s18] =	ssyncset.done @!p1 $0x0  }
0x2a: {  	[sflag:s18] =	ssyncadd.s32 @!p1 $0xFFFFF000  }
0x2b: {  	_ =	swait.ge @!p1 [sflag:s18], $0x1000  }
0x2c: {  	[sflag:s18] =	ssyncset.done @!p1 $0x0  }
0x2d: {  	[sflag:s18] =	ssyncadd.s32 @!p1 $0xFFFFF000  }
0x2e: {  	_ =	swait.ge [sflag:s24], $0x1000  }
0x2f: {  	[sflag:s24] =	ssyncset.done $0x0  }
0x30: {  	[sflag:s24] =	ssyncadd.s32 $0xFFFFF000  }
0x31: {  	s23 =	simm.s32 $0x200;
	p0 =	seq.s32 s29, $0x63;
	_ =	swait.ge [sflag:s25], $0x200  }
0x32: {  	s20 =	simm.s32 $0x4400;
	s30 =	sshll.u32 @!p0 s29, $0xF;
	[sflag:s25] =	ssyncset.done $0x0  }
0x33: {  	s21 =	simm.s32 $0x5400;
	s18 =	sadd.s32 @!p0 s9, s30;
	[sflag:s25] =	ssyncadd.s32 $0xFFFFFE00  }
0x34: {  	[tilespmem:s20], [sflag:$0x1] =	stream.indirect.gather [hbm4b:s5+s16], $0x20, s23, s16, $0xb8;
	[tilespmem:$0x10C00] =	vst v63  }
0x35: {  	s22 =	simm.s32 $0x300;
	s18 =	sshrl.u32 @!p0 s18, $0x3;
	s20 =	simm.s32 $0x280  }
0x36: {  	[tilespmem:s21], [sflag:$0x1] =	stream.indirect.gather [hbm4b:s5+s16], $0x20, s20, s16, $0xb8;
	[tilespmem:$0x10C00] =	vst v63  }
0x37: {  	s18 =	sadd.s32 @!p0 s4, s18;
	s23 =	simm.s32 $0x6400;
	s21 =	simm.s32 $0x380  }
0x38: {  	[tilespmem:s23], [sflag:$0x1] =	stream.indirect.gather [hbm4b:s5+s16], $0x20, s22, s16, $0xb8;
	[tilespmem:$0x10C00] =	vst v63  }
0x39: {  	s20 =	simm.s32 @!p0 $0x0;
	s22 =	simm.s32 $0x7400;
	s23 =	simm.s32 $0x0  }
0x3a: {  	v17 =	vmov s23;
	[tilespmem:s22], [sflag:$0x1] =	stream.indirect.gather [hbm4b:s5+s16], $0x20, s21, s16, $0xb8;
	[tilespmem:$0x10C00] =	vst v63  }
0x3b: {  	s23 =	simm.s32 $0x4;
	s21 =	simm.s32 $0x2;
	v17 =	vshrl.u32 v17, $0x3;
	s22 =	simm.s32 $0x3  }
0x3c: {  	v21 =	vmov s23;
	s23 =	simm.s32 $0x6;
	v19 =	vmov s21;
	s21 =	simm.s32 $0x7;
	v20 =	vmov s22;
	s22 =	simm.s32 $0x5  }
0x3d: {  	v17 =	vshll.u32 v17, v1;
	[tilespmem:s20], [sflag:$0x3] =	stream.linear.gather @!p0 [hbm4b:s18+s20], $0x200, $0x38;
	v22 =	vmov s21;
	[tilespmem:$0x10C00] =	vst v63  }
0x3e: {  	v24 =	vmov s23;
	s20 =	simm.s32 $0x1;
	v23 =	vmov s22;
	v22 =	vshrl.u32 v22, $0x3  }
0x3f: {  	v17 =	vbroadcast v17, $0x0;
	v18 =	vmov s20;
	_ =	swait.ge [sflag:s24], $0x1000;
	v22 =	vshll.u32 v22, v1  }
0x40: {  	v19 =	vshrl.u32 v19, $0x3;
	v18 =	vshrl.u32 v18, $0x3;
	[sflag:s24] =	ssyncset.done $0x0;
	v25 =	vbroadcast v22, $0x0  }
0x41: {  	s31 =	simm.s32 $0x480;
	v20 =	vshrl.u32 v20, $0x3;
	v28 =	vadd.s32 v0, v17;
	[sflag:s24] =	ssyncadd.s32 $0xFFFFF000;
	v18 =	vshll.u32 v18, v1  }
0x42: {  	v32 =	vbroadcast v18, $0x0;
	v18 =	vshll.u32 v19, v1;
	v19 =	vld [tilespmem:s31+$0x60];
	v26 =	vadd.s32 v15, v25  }
0x43: {  	v22 =	vshrl.u32 v21, $0x3;
	v27 =	vld [tilespmem:s31+$0xFFFFFF80];
	v37 =	vbroadcast v18, $0x0;
	v18 =	vshll.u32 v20, v1  }
0x44: {  	v29 =	vld [tilespmem:s31+$0xFFFFFFA0];
	v30 =	vadd.s32 v3, v32;
	v21 =	vbroadcast v18, $0x0;
	v18 =	vshll.u32 v22, v1  }
0x45: {  	v31 =	vld [tilespmem:s31+$0xFFFFFFC0];
	v33 =	vadd.s32 v5, v37;
	v20 =	vbroadcast v18, $0x0;
	v18 =	vshrl.u32 v23, $0x3  }
0x46: {  	v34 =	vld [tilespmem:s31+$0xFFFFFFE0];
	v23 =	vshrl.u32 v24, $0x3;
	v39 =	vadd.s32 v7, v21;
	v18 =	vshll.u32 v18, v1  }
0x47: {  	s21 =	simm.s32 $0x9;
	v40 =	vld [tilespmem:s31+$0x0];
	v41 =	vadd.s32 v9, v20;
	v22 =	vbroadcast v18, $0x0;
	v18 =	vshll.u32 v23, v1;
	[tilespmem:v26+s17+$0x0] =	vst.idx.msk $0xffff, v19  }
0x48: {  	s22 =	simm.s32 $0xA;
	v36 =	vmov s21;
	v25 =	vadd.s32 v16, v25;
	[tilespmem:v28+s17+$0x0] =	vst.idx.msk $0xffff, v27;
	v23 =	vbroadcast v18, $0x0;
	v24 =	vld [tilespmem:s31+$0x70]  }
0x49: {  	s20 =	simm.s32 $0x8;
	v38 =	vmov s22;
	v35 =	vadd.s32 v4, v32;
	v26 =	vld [tilespmem:s31+$0x20];
	[tilespmem:v30+s17+$0x0] =	vst.idx.msk $0xffff, v29;
	v27 =	vadd.s32 v11, v22  }
0x4a: {  	s23 =	simm.s32 $0xB;
	s21 =	simm.s32 $0xD;
	v37 =	vadd.s32 v6, v37;
	v19 =	vmov s20;
	v29 =	vld [tilespmem:s31+$0x40];
	[tilespmem:v33+s17+$0x0] =	vst.idx.msk $0xffff, v31;
	v30 =	vadd.s32 v13, v23  }
0x4b: {  	s22 =	simm.s32 $0xE;
	v28 =	vmov s23;
	s20 =	simm.s32 $0xC;
	v18 =	vmov s21;
	v19 =	vshrl.u32 v19, $0x3;
	v33 =	vld [tilespmem:s31+$0xFFFFFFB0];
	[tilespmem:v39+s17+$0x0] =	vst.idx.msk $0xffff, v34  }
0x4c: {  	s18 =	simm.s32 $0x10;
	s23 =	sshll.u32 s29, $0x1;
	v31 =	vmov s20;
	v32 =	vshll.u32 v19, v1;
	v19 =	vmov s22;
	s20 =	simm.s32 $0xF;
	v34 =	vld [tilespmem:s31+$0xFFFFFFD0];
	[tilespmem:v41+s17+$0x0] =	vst.idx.msk $0xffff, v40  }
.LBB2_3:
0x4d: {  	p2 =	slt.u32 s18, $0x78;
	v36 =	vshrl.u32 v36, $0x3;
	v39 =	vmov s20;
	v40 =	vld [tilespmem:s31+$0xFFFFFFF0];
	v21 =	vadd.s32 v8, v21;
	[tilespmem:v25+s17+$0x0] =	vst.idx.msk $0xffff, v24  }
0x4e: {  	v24 =	vshrl.u32 v38, $0x3;
	v20 =	vadd.s32 v10, v20;
	v25 =	vshrl.u32 v39, $0x3;
	v38 =	vld [tilespmem:s31+$0x10];
	[tilespmem:v27+s17+$0x0] =	vst.idx.msk $0xffff, v26  }
0x4f: {  	v22 =	vadd.s32 v12, v22;
	v26 =	vshrl.u32 v28, $0x3;
	v25 =	vshll.u32 v25, v1;
	v27 =	vld [tilespmem:s31+$0x30];
	[tilespmem:v30+s17+$0x0] =	vst.idx.msk $0xffff, v29  }
0x50: {  	v23 =	vadd.s32 v14, v23;
	v28 =	vshrl.u32 v31, $0x3;
	v25 =	vbroadcast v25, $0x0;
	[tilespmem:v35+s17+$0x0] =	vst.idx.msk $0xffff, v33;
	v29 =	vld [tilespmem:s31+$0x50]  }
0x51: {  	v30 =	vshll.u32 v36, v1;
	v33 =	vadd.s32 v2, v17;
	v17 =	vbroadcast v32, $0x0;
	v31 =	vld [tilespmem:s31+$0xFFFFFF90];
	[tilespmem:v37+s17+$0x0] =	vst.idx.msk $0xffff, v34;
	s31 =	sadd.s32 $0x100, s31  }
0x52: {  	v24 =	vshll.u32 v24, v1;
	v32 =	vbroadcast v30, $0x0;
	v30 =	vld [tilespmem:s31+$0x60];
	v34 =	vadd.s32 v15, v25;
	[tilespmem:v21+s17+$0x0] =	vst.idx.msk $0xffff, v40  }
0x53: {  	v37 =	vbroadcast v24, $0x0;
	v36 =	vadd.s32 v0, v17;
	v21 =	vshll.u32 v26, v1;
	v35 =	vld [tilespmem:s31+$0xFFFFFF80];
	[tilespmem:v20+s17+$0x0] =	vst.idx.msk $0xffff, v38  }
0x54: {  	v38 =	vadd.s32 v3, v32;
	v21 =	vbroadcast v21, $0x0;
	v20 =	vshll.u32 v28, v1;
	v26 =	vld [tilespmem:s31+$0xFFFFFFA0];
	[tilespmem:v22+s17+$0x0] =	vst.idx.msk $0xffff, v27  }
0x55: {  	v18 =	vshrl.u32 v18, $0x3;
	v40 =	vadd.s32 v5, v37;
	v20 =	vbroadcast v20, $0x0;
	v39 =	vld [tilespmem:s31+$0xFFFFFFC0];
	[tilespmem:v23+s17+$0x0] =	vst.idx.msk $0xffff, v29  }
0x56: {  	v19 =	vshrl.u32 v19, $0x3;
	v18 =	vshll.u32 v18, v1;
	v42 =	vadd.s32 v7, v21;
	v41 =	vld [tilespmem:s31+$0xFFFFFFE0];
	[tilespmem:v33+s17+$0x0] =	vst.idx.msk $0xffff, v31  }
0x57: {  	v22 =	vbroadcast v18, $0x0;
	v18 =	vshll.u32 v19, v1;
	v44 =	vadd.s32 v9, v20;
	v43 =	vld [tilespmem:s31+$0x0];
	[tilespmem:v34+s17+$0x0] =	vst.idx.msk $0xffff, v30  }
.Ltmp0:
0x58: {  	s20 =	sadd.s32 $0x1, s18;
	v25 =	vadd.s32 v16, v25;
	v19 =	vmov s18;
	v23 =	vbroadcast v18, $0x0;
	[tilespmem:v36+s17+$0x0] =	vst.idx.msk $0xffff, v35;
	v24 =	vld [tilespmem:s31+$0x70];
	(pc) =	sbr.rel @p2 .LBB2_3-.Ltmp0, $4  }
0x59: {  	s21 =	sadd.s32 $0x3, s18;
	v19 =	vshrl.u32 v19, $0x3;
	v27 =	vadd.s32 v11, v22;
	v36 =	vmov s20;
	s20 =	sadd.s32 $0x2, s18;
	[tilespmem:v38+s17+$0x0] =	vst.idx.msk $0xffff, v26;
	v26 =	vld [tilespmem:s31+$0x20]  }
0x5a: {  	v28 =	vmov s21;
	s21 =	sadd.s32 $0x5, s18;
	v30 =	vadd.s32 v13, v23;
	v38 =	vmov s20;
	s20 =	sadd.s32 $0x4, s18;
	[tilespmem:v40+s17+$0x0] =	vst.idx.msk $0xffff, v39;
	v29 =	vld [tilespmem:s31+$0x40]  }
0x5b: {  	v18 =	vmov s21;
	v35 =	vadd.s32 v4, v32;
	v31 =	vmov s20;
	s20 =	sadd.s32 $0x6, s18;
	v33 =	vld [tilespmem:s31+$0xFFFFFFB0];
	[tilespmem:v42+s17+$0x0] =	vst.idx.msk $0xffff, v41  }
0x5c: {  	v37 =	vadd.s32 v6, v37;
	v32 =	vshll.u32 v19, v1;
	v19 =	vmov s20;
	s20 =	sadd.s32 $0x7, s18;
	s18 =	sadd.s32 $0x8, s18;
	v34 =	vld [tilespmem:s31+$0xFFFFFFD0];
	[tilespmem:v44+s17+$0x0] =	vst.idx.msk $0xffff, v43  }
0x5d: {  	_ =	sdelay $0x2  }
0x5e: {  	v36 =	vshrl.u32 v36, $0x3  }
0x5f: {  	v39 =	vmov s20;
	v40 =	vld [tilespmem:s31+$0xFFFFFFF0];
	v21 =	vadd.s32 v8, v21;
	[tilespmem:v25+s17+$0x0] =	vst.idx.msk $0xffff, v24;
	v24 =	vshrl.u32 v38, $0x3  }
0x60: {  	v49 =	vld [tilespmem:s31+$0x10];
	v20 =	vadd.s32 v10, v20;
	v22 =	vadd.s32 v12, v22;
	v25 =	vshrl.u32 v39, $0x3;
	[tilespmem:v27+s17+$0x0] =	vst.idx.msk $0xffff, v26  }
0x61: {  	v50 =	vld [tilespmem:s31+$0xFFFFFF90];
	v17 =	vadd.s32 v2, v17;
	v26 =	vshrl.u32 v28, $0x3;
	v25 =	vshll.u32 v25, v1;
	[tilespmem:v30+s17+$0x0] =	vst.idx.msk $0xffff, v29  }
0x62: {  	v28 =	vshrl.u32 v31, $0x3;
	v31 =	vshll.u32 v36, v1;
	v27 =	vld [tilespmem:s31+$0x30];
	v25 =	vbroadcast v25, $0x0;
	[tilespmem:v35+s17+$0x0] =	vst.idx.msk $0xffff, v33  }
0x63: {  	v23 =	vadd.s32 v14, v23;
	s18 =	sadd.s32 $0x100, s31;
	v18 =	vshrl.u32 v18, $0x3;
	v31 =	vbroadcast v31, $0x0;
	v29 =	vld [tilespmem:s31+$0x50];
	[tilespmem:v37+s17+$0x0] =	vst.idx.msk $0xffff, v34  }
0x64: {  	v51 =	vld [tilespmem:s18+$0x60];
	v30 =	vbroadcast v32, $0x0;
	v28 =	vshll.u32 v28, v1;
	v52 =	vadd.s32 v15, v25;
	[tilespmem:v21+s17+$0x0] =	vst.idx.msk $0xffff, v40  }
0x65: {  	v24 =	vshll.u32 v24, v1;
	v28 =	vbroadcast v28, $0x0;
	v54 =	vadd.s32 v3, v31;
	[tilespmem:v20+s17+$0x0] =	vst.idx.msk $0xffff, v49;
	v20 =	vld [tilespmem:s18+$0xFFFFFFA0]  }
0x66: {  	v24 =	vbroadcast v24, $0x0;
	v26 =	vshll.u32 v26, v1;
	v53 =	vadd.s32 v0, v30;
	v21 =	vld [tilespmem:s18+$0xFFFFFF80];
	[tilespmem:v17+s17+$0x0] =	vst.idx.msk $0xffff, v50  }
0x67: {  	v18 =	vshll.u32 v18, v1;
	v26 =	vbroadcast v26, $0x0;
	v17 =	vld [tilespmem:s18+$0x0];
	v55 =	vadd.s32 v9, v28;
	[tilespmem:v22+s17+$0x0] =	vst.idx.msk $0xffff, v27  }
0x68: {  	v18 =	vbroadcast v18, $0x0;
	v22 =	vld [tilespmem:s18+$0xFFFFFFC0];
	v27 =	vadd.s32 v5, v24;
	[tilespmem:v23+s17+$0x0] =	vst.idx.msk $0xffff, v29  }
0x69: {  	v19 =	vshrl.u32 v19, $0x3;
	v23 =	vld [tilespmem:s18+$0xFFFFFFE0];
	v29 =	vadd.s32 v7, v26;
	[tilespmem:v52+s17+$0x0] =	vst.idx.msk $0xffff, v51  }
0x6a: {  	v19 =	vshll.u32 v19, v1;
	v56 =	vadd.s32 v11, v18;
	[tilespmem:v54+s17+$0x0] =	vst.idx.msk $0xffff, v20;
	v20 =	vld [tilespmem:s18+$0x20]  }
0x6b: {  	v19 =	vbroadcast v19, $0x0;
	v25 =	vadd.s32 v16, v25;
	[tilespmem:v53+s17+$0x0] =	vst.idx.msk $0xffff, v21;
	v21 =	vld [tilespmem:s18+$0x70]  }
0x6c: {  	v31 =	vadd.s32 v4, v31;
	[tilespmem:v55+s17+$0x0] =	vst.idx.msk $0xffff, v17;
	v57 =	vld [tilespmem:s18+$0xFFFFFFB0]  }
0x6d: {  	[tilespmem:v27+s17+$0x0] =	vst.idx.msk $0xffff, v22;
	v22 =	vld [tilespmem:s18+$0x40];
	v27 =	vadd.s32 v13, v19  }
0x6e: {  	v24 =	vadd.s32 v6, v24;
	[tilespmem:v29+s17+$0x0] =	vst.idx.msk $0xffff, v23;
	v23 =	vld [tilespmem:s18+$0xFFFFFFD0]  }
0x6f: {  	v26 =	vadd.s32 v8, v26;
	v17 =	vld [tilespmem:s18+$0xFFFFFFF0];
	[tilespmem:v56+s17+$0x0] =	vst.idx.msk $0xffff, v20  }
0x70: {  	[tilespmem:v25+s17+$0x0] =	vst.idx.msk $0xffff, v21;
	v21 =	vld [tilespmem:s18+$0x10];
	v25 =	vadd.s32 v10, v28  }
0x71: {  	v18 =	vadd.s32 v12, v18;
	v20 =	vld [tilespmem:s18+$0x30];
	[tilespmem:v31+s17+$0x0] =	vst.idx.msk $0xffff, v57  }
0x72: {  	v28 =	vadd.s32 v2, v30;
	[tilespmem:v27+s17+$0x0] =	vst.idx.msk $0xffff, v22;
	v27 =	vld [tilespmem:s18+$0xFFFFFF90]  }
0x73: {  	v19 =	vadd.s32 v14, v19;
	v22 =	vld [tilespmem:s18+$0x50];
	[tilespmem:v24+s17+$0x0] =	vst.idx.msk $0xffff, v23  }
0x74: {  	[tilespmem:v26+s17+$0x0] =	vst.idx.msk $0xffff, v17  }
0x75: {  	s31 =	sshll.u32 s29, $0x14;
	[tilespmem:v25+s17+$0x0] =	vst.idx.msk $0xffff, v21  }
0x76: {  	s21 =	sor.u32 s8, s31;
	[tilespmem:v18+s17+$0x0] =	vst.idx.msk $0xffff, v20  }
0x77: {  	s18 =	sshrl.u32 s21, $0x3;
	[tilespmem:v28+s17+$0x0] =	vst.idx.msk $0xffff, v27  }
0x78: {  	s20 =	sadd.s32 s2, s18;
	s18 =	simm.s32 $0x0;
	[tilespmem:v19+s17+$0x0] =	vst.idx.msk $0xffff, v22  }
0x79: {  	[hbm4b:s20+s18] =	stream.linear.scatter [tilespmem:s17], [sflag:$0x2], $0x80, $0x38;
	[tilespmem:$0x10C00] =	vst v63  }
0x7a: {  	s22 =	simm.s32 $0x8488;
	s21 =	sadd.s32 $0x10, s20  }
0x7b: {  	[hbm4b:s21+s18] =	stream.linear.scatter [tilespmem:s22], [sflag:$0x2], $0x80, $0x38;
	[tilespmem:$0x10C00] =	vst v63  }
0x7c: {  	s21 =	sadd.s32 $0x20, s20;
	s22 =	simm.s32 $0x8510  }
0x7d: {  	[hbm4b:s21+s18] =	stream.linear.scatter [tilespmem:s22], [sflag:$0x2], $0x80, $0x38;
	[tilespmem:$0x10C00] =	vst v63  }
0x7e: {  	s21 =	sadd.s32 $0x30, s20;
	s22 =	simm.s32 $0x8598  }
0x7f: {  	[hbm4b:s21+s18] =	stream.linear.scatter [tilespmem:s22], [sflag:$0x2], $0x80, $0x38;
	[tilespmem:$0x10C00] =	vst v63  }
0x80: {  	s21 =	sadd.s32 $0x40, s20;
	s22 =	simm.s32 $0x8620  }
0x81: {  	[hbm4b:s21+s18] =	stream.linear.scatter [tilespmem:s22], [sflag:$0x2], $0x80, $0x38;
	[tilespmem:$0x10C00] =	vst v63  }
0x82: {  	s21 =	sadd.s32 $0x50, s20;
	s22 =	simm.s32 $0x86A8  }
0x83: {  	[hbm4b:s21+s18] =	stream.linear.scatter [tilespmem:s22], [sflag:$0x2], $0x80, $0x38;
	[tilespmem:$0x10C00] =	vst v63  }
0x84: {  	s21 =	sadd.s32 $0x60, s20;
	s22 =	simm.s32 $0x8730  }
0x85: {  	[hbm4b:s21+s18] =	stream.linear.scatter [tilespmem:s22], [sflag:$0x2], $0x80, $0x38;
	[tilespmem:$0x10C00] =	vst v63  }
0x86: {  	s21 =	sadd.s32 $0x70, s20;
	s22 =	simm.s32 $0x87B8  }
0x87: {  	[hbm4b:s21+s18] =	stream.linear.scatter [tilespmem:s22], [sflag:$0x2], $0x80, $0x38;
	[tilespmem:$0x10C00] =	vst v63  }
0x88: {  	s21 =	sadd.s32 $0x4000, s20;
	s22 =	simm.s32 $0x8840  }
0x89: {  	[hbm4b:s21+s18] =	stream.linear.scatter [tilespmem:s22], [sflag:$0x2], $0x80, $0x38;
	[tilespmem:$0x10C00] =	vst v63  }
0x8a: {  	s21 =	sadd.s32 $0x4010, s20;
	s22 =	simm.s32 $0x88C8  }
0x8b: {  	[hbm4b:s21+s18] =	stream.linear.scatter [tilespmem:s22], [sflag:$0x2], $0x80, $0x38;
	[tilespmem:$0x10C00] =	vst v63  }
0x8c: {  	s21 =	sadd.s32 $0x4020, s20;
	s22 =	simm.s32 $0x8950  }
0x8d: {  	[hbm4b:s21+s18] =	stream.linear.scatter [tilespmem:s22], [sflag:$0x2], $0x80, $0x38;
	[tilespmem:$0x10C00] =	vst v63  }
0x8e: {  	s21 =	sadd.s32 $0x4030, s20;
	s22 =	simm.s32 $0x89D8  }
0x8f: {  	[hbm4b:s21+s18] =	stream.linear.scatter [tilespmem:s22], [sflag:$0x2], $0x80, $0x38;
	[tilespmem:$0x10C00] =	vst v63  }
0x90: {  	s21 =	sadd.s32 $0x4040, s20;
	s22 =	simm.s32 $0x8A60  }
0x91: {  	[hbm4b:s21+s18] =	stream.linear.scatter [tilespmem:s22], [sflag:$0x2], $0x80, $0x38;
	[tilespmem:$0x10C00] =	vst v63  }
0x92: {  	s21 =	sadd.s32 $0x4050, s20;
	s22 =	simm.s32 $0x8AE8  }
0x93: {  	[hbm4b:s21+s18] =	stream.linear.scatter [tilespmem:s22], [sflag:$0x2], $0x80, $0x38;
	[tilespmem:$0x10C00] =	vst v63  }
0x94: {  	s21 =	sadd.s32 $0x4060, s20;
	s22 =	simm.s32 $0x8B70  }
0x95: {  	[hbm4b:s21+s18] =	stream.linear.scatter [tilespmem:s22], [sflag:$0x2], $0x80, $0x38;
	[tilespmem:$0x10C00] =	vst v63  }
0x96: {  	s21 =	sadd.s32 $0x4070, s20;
	s22 =	simm.s32 $0x8BF8  }
0x97: {  	[hbm4b:s21+s18] =	stream.linear.scatter [tilespmem:s22], [sflag:$0x2], $0x80, $0x38;
	[tilespmem:$0x10C00] =	vst v63  }
0x98: {  	s21 =	sadd.s32 $0x8000, s20;
	s22 =	simm.s32 $0x8C80  }
0x99: {  	[hbm4b:s21+s18] =	stream.linear.scatter [tilespmem:s22], [sflag:$0x2], $0x80, $0x38;
	[tilespmem:$0x10C00] =	vst v63  }
0x9a: {  	s21 =	sadd.s32 $0x8010, s20;
	s22 =	simm.s32 $0x8D08  }
0x9b: {  	[hbm4b:s21+s18] =	stream.linear.scatter [tilespmem:s22], [sflag:$0x2], $0x80, $0x38;
	[tilespmem:$0x10C00] =	vst v63  }
0x9c: {  	s21 =	sadd.s32 $0x8020, s20;
	s22 =	simm.s32 $0x8D90  }
0x9d: {  	[hbm4b:s21+s18] =	stream.linear.scatter [tilespmem:s22], [sflag:$0x2], $0x80, $0x38;
	[tilespmem:$0x10C00] =	vst v63  }
0x9e: {  	s21 =	sadd.s32 $0x8030, s20;
	s22 =	simm.s32 $0x8E18  }
0x9f: {  	[hbm4b:s21+s18] =	stream.linear.scatter [tilespmem:s22], [sflag:$0x2], $0x80, $0x38;
	[tilespmem:$0x10C00] =	vst v63  }
0xa0: {  	s21 =	sadd.s32 $0x8040, s20;
	s22 =	simm.s32 $0x8EA0  }
0xa1: {  	[hbm4b:s21+s18] =	stream.linear.scatter [tilespmem:s22], [sflag:$0x2], $0x80, $0x38;
	[tilespmem:$0x10C00] =	vst v63  }
0xa2: {  	s21 =	sadd.s32 $0x8050, s20;
	s22 =	simm.s32 $0x8F28  }
0xa3: {  	[hbm4b:s21+s18] =	stream.linear.scatter [tilespmem:s22], [sflag:$0x2], $0x80, $0x38;
	[tilespmem:$0x10C00] =	vst v63  }
0xa4: {  	s21 =	sadd.s32 $0x8060, s20;
	s22 =	simm.s32 $0x8FB0  }
0xa5: {  	[hbm4b:s21+s18] =	stream.linear.scatter [tilespmem:s22], [sflag:$0x2], $0x80, $0x38;
	[tilespmem:$0x10C00] =	vst v63  }
0xa6: {  	s21 =	sadd.s32 $0x8070, s20;
	s22 =	simm.s32 $0x9038  }
0xa7: {  	[hbm4b:s21+s18] =	stream.linear.scatter [tilespmem:s22], [sflag:$0x2], $0x80, $0x38;
	[tilespmem:$0x10C00] =	vst v63  }
0xa8: {  	s21 =	sadd.s32 $0xC000, s20;
	s22 =	simm.s32 $0x90C0  }
0xa9: {  	[hbm4b:s21+s18] =	stream.linear.scatter [tilespmem:s22], [sflag:$0x2], $0x80, $0x38;
	[tilespmem:$0x10C00] =	vst v63  }
0xaa: {  	s21 =	sadd.s32 $0xC010, s20;
	s22 =	simm.s32 $0x9148  }
0xab: {  	[hbm4b:s21+s18] =	stream.linear.scatter [tilespmem:s22], [sflag:$0x2], $0x80, $0x38;
	[tilespmem:$0x10C00] =	vst v63  }
0xac: {  	s21 =	sadd.s32 $0xC020, s20;
	s22 =	simm.s32 $0x91D0  }
0xad: {  	[hbm4b:s21+s18] =	stream.linear.scatter [tilespmem:s22], [sflag:$0x2], $0x80, $0x38;
	[tilespmem:$0x10C00] =	vst v63  }
0xae: {  	s21 =	sadd.s32 $0xC030, s20;
	s22 =	simm.s32 $0x9258  }
0xaf: {  	[hbm4b:s21+s18] =	stream.linear.scatter [tilespmem:s22], [sflag:$0x2], $0x80, $0x38;
	[tilespmem:$0x10C00] =	vst v63  }
0xb0: {  	s21 =	sadd.s32 $0xC040, s20;
	s22 =	simm.s32 $0x92E0  }
0xb1: {  	[hbm4b:s21+s18] =	stream.linear.scatter [tilespmem:s22], [sflag:$0x2], $0x80, $0x38;
	[tilespmem:$0x10C00] =	vst v63  }
0xb2: {  	s21 =	sadd.s32 $0xC050, s20;
	s22 =	simm.s32 $0x9368  }
0xb3: {  	[hbm4b:s21+s18] =	stream.linear.scatter [tilespmem:s22], [sflag:$0x2], $0x80, $0x38;
	[tilespmem:$0x10C00] =	vst v63  }
0xb4: {  	v17 =	vmov s18;
	s21 =	sadd.s32 $0xC060, s20;
	s22 =	simm.s32 $0x93F0  }
0xb5: {  	v17 =	vshrl.u32 v17, $0x3;
	[hbm4b:s21+s18] =	stream.linear.scatter [tilespmem:s22], [sflag:$0x2], $0x80, $0x38;
	[tilespmem:$0x10C00] =	vst v63  }
0xb6: {  	v17 =	vshll.u32 v17, v1;
	s21 =	simm.s32 $0x2  }
0xb7: {  	v17 =	vbroadcast v17, $0x0;
	s20 =	sadd.s32 $0xC070, s20;
	s22 =	simm.s32 $0x9478;
	v19 =	vmov s21;
	s21 =	simm.s32 $0x7  }
0xb8: {  	[hbm4b:s20+s18] =	stream.linear.scatter [tilespmem:s22], [sflag:$0x2], $0x80, $0x38;
	[tilespmem:$0x10C00] =	vst v63  }
0xb9: {  	v28 =	vadd.s32 v0, v17;
	s20 =	simm.s32 $0x1;
	v22 =	vmov s21  }
0xba: {  	s22 =	simm.s32 $0x3;
	v19 =	vshrl.u32 v19, $0x3;
	v18 =	vmov s20;
	s20 =	simm.s32 $0x4;
	v22 =	vshrl.u32 v22, $0x3  }
0xbb: {  	v20 =	vmov s22;
	s22 =	simm.s32 $0x5;
	_ =	swait.ge [sflag:s24], $0x1000;
	v21 =	vmov s20;
	v22 =	vshll.u32 v22, v1  }
0xbc: {  	v23 =	vmov s22;
	s20 =	simm.s32 $0x6;
	v18 =	vshrl.u32 v18, $0x3;
	[sflag:s24] =	ssyncset.done $0x0;
	v25 =	vbroadcast v22, $0x0  }
0xbd: {  	s18 =	simm.s32 $0x14F0;
	v20 =	vshrl.u32 v20, $0x3;
	v24 =	vmov s20;
	[sflag:s24] =	ssyncadd.s32 $0xFFFFF000;
	v18 =	vshll.u32 v18, v1  }
0xbe: {  	v30 =	vbroadcast v18, $0x0;
	v18 =	vshll.u32 v19, v1;
	v19 =	vld [tilespmem:s18+$0xFFFFFFF0];
	v26 =	vadd.s32 v15, v25  }
0xbf: {  	v22 =	vshrl.u32 v21, $0x3;
	v27 =	vld [tilespmem:s18+$0xFFFFFF10];
	v58 =	vbroadcast v18, $0x0;
	v18 =	vshll.u32 v20, v1  }
0xc0: {  	v29 =	vld [tilespmem:s18+$0xFFFFFF30];
	v31 =	vadd.s32 v3, v30;
	v21 =	vbroadcast v18, $0x0;
	v18 =	vshll.u32 v22, v1  }
0xc1: {  	v59 =	vld [tilespmem:s18+$0xFFFFFF50];
	v60 =	vadd.s32 v5, v58;
	v20 =	vbroadcast v18, $0x0;
	v18 =	vshrl.u32 v23, $0x3  }
0xc2: {  	v61 =	vld [tilespmem:s18+$0xFFFFFF70];
	v23 =	vshrl.u32 v24, $0x3;
	v62 =	vadd.s32 v7, v21;
	v18 =	vshll.u32 v18, v1  }
0xc3: {  	v63 =	vld [tilespmem:s18+$0xFFFFFF90];
	v41 =	vadd.s32 v9, v20;
	v22 =	vbroadcast v18, $0x0;
	v18 =	vshll.u32 v23, v1;
	[tilespmem:v26+s1+$0x0] =	vst.idx.msk $0xffff, v19  }
0xc4: {  	s22 =	simm.s32 $0x9;
	v25 =	vadd.s32 v16, v25;
	v35 =	vadd.s32 v4, v30;
	[tilespmem:v28+s1+$0x0] =	vst.idx.msk $0xffff, v27;
	v23 =	vbroadcast v18, $0x0;
	v24 =	vld [tilespmem:s18+$0x0]  }
0xc5: {  	s21 =	simm.s32 $0x8;
	v37 =	vmov s22;
	s22 =	simm.s32 $0xB;
	v36 =	vadd.s32 v6, v58;
	v26 =	vld [tilespmem:s18+$0xFFFFFFB0];
	[tilespmem:v31+s1+$0x0] =	vst.idx.msk $0xffff, v29;
	v27 =	vadd.s32 v11, v22  }
0xc6: {  	v28 =	vmov s22;
	s22 =	simm.s32 $0xD;
	v19 =	vmov s21;
	s21 =	simm.s32 $0xA;
	v29 =	vld [tilespmem:s18+$0xFFFFFFD0];
	[tilespmem:v60+s1+$0x0] =	vst.idx.msk $0xffff, v59;
	v31 =	vadd.s32 v13, v23  }
0xc7: {  	v18 =	vmov s22;
	s22 =	simm.s32 $0xE;
	v19 =	vshrl.u32 v19, $0x3;
	v38 =	vmov s21;
	s21 =	simm.s32 $0xC;
	v33 =	vld [tilespmem:s18+$0xFFFFFF40];
	[tilespmem:v62+s1+$0x0] =	vst.idx.msk $0xffff, v61  }
0xc8: {  	s20 =	simm.s32 $0x10;
	v32 =	vmov s21;
	v30 =	vshll.u32 v19, v1;
	v19 =	vmov s22;
	s21 =	simm.s32 $0xF;
	v34 =	vld [tilespmem:s18+$0xFFFFFF60];
	[tilespmem:v41+s1+$0x0] =	vst.idx.msk $0xffff, v63  }
.LBB2_5:
0xc9: {  	p2 =	slt.u32 s20, $0x78;
	v37 =	vshrl.u32 v37, $0x3;
	v39 =	vmov s21;
	v40 =	vld [tilespmem:s18+$0xFFFFFF80];
	v21 =	vadd.s32 v8, v21;
	[tilespmem:v25+s1+$0x0] =	vst.idx.msk $0xffff, v24  }
0xca: {  	v24 =	vshrl.u32 v38, $0x3;
	v20 =	vadd.s32 v10, v20;
	v25 =	vshrl.u32 v39, $0x3;
	v38 =	vld [tilespmem:s18+$0xFFFFFFA0];
	[tilespmem:v27+s1+$0x0] =	vst.idx.msk $0xffff, v26  }
0xcb: {  	v22 =	vadd.s32 v12, v22;
	v26 =	vshrl.u32 v28, $0x3;
	v25 =	vshll.u32 v25, v1;
	v27 =	vld [tilespmem:s18+$0xFFFFFFC0];
	[tilespmem:v31+s1+$0x0] =	vst.idx.msk $0xffff, v29  }
0xcc: {  	v23 =	vadd.s32 v14, v23;
	v28 =	vshrl.u32 v32, $0x3;
	v25 =	vbroadcast v25, $0x0;
	[tilespmem:v35+s1+$0x0] =	vst.idx.msk $0xffff, v33;
	v29 =	vld [tilespmem:s18+$0xFFFFFFE0]  }
0xcd: {  	v31 =	vshll.u32 v37, v1;
	v33 =	vadd.s32 v2, v17;
	v17 =	vbroadcast v30, $0x0;
	v32 =	vld [tilespmem:s18+$0xFFFFFF20];
	[tilespmem:v36+s1+$0x0] =	vst.idx.msk $0xffff, v34;
	s18 =	sadd.s32 $0x100, s18  }
0xce: {  	v24 =	vshll.u32 v24, v1;
	v30 =	vbroadcast v31, $0x0;
	v31 =	vld [tilespmem:s18+$0xFFFFFFF0];
	v34 =	vadd.s32 v15, v25;
	[tilespmem:v21+s1+$0x0] =	vst.idx.msk $0xffff, v40  }
0xcf: {  	v39 =	vbroadcast v24, $0x0;
	v36 =	vadd.s32 v0, v17;
	v21 =	vshll.u32 v26, v1;
	v35 =	vld [tilespmem:s18+$0xFFFFFF10];
	[tilespmem:v20+s1+$0x0] =	vst.idx.msk $0xffff, v38  }
0xd0: {  	v38 =	vadd.s32 v3, v30;
	v21 =	vbroadcast v21, $0x0;
	v20 =	vshll.u32 v28, v1;
	v26 =	vld [tilespmem:s18+$0xFFFFFF30];
	[tilespmem:v22+s1+$0x0] =	vst.idx.msk $0xffff, v27  }
0xd1: {  	v18 =	vshrl.u32 v18, $0x3;
	v41 =	vadd.s32 v5, v39;
	v20 =	vbroadcast v20, $0x0;
	v40 =	vld [tilespmem:s18+$0xFFFFFF50];
	[tilespmem:v23+s1+$0x0] =	vst.idx.msk $0xffff, v29  }
0xd2: {  	v19 =	vshrl.u32 v19, $0x3;
	v18 =	vshll.u32 v18, v1;
	v43 =	vadd.s32 v7, v21;
	v42 =	vld [tilespmem:s18+$0xFFFFFF70];
	[tilespmem:v33+s1+$0x0] =	vst.idx.msk $0xffff, v32  }
0xd3: {  	v22 =	vbroadcast v18, $0x0;
	v18 =	vshll.u32 v19, v1;
	v45 =	vadd.s32 v9, v20;
	v44 =	vld [tilespmem:s18+$0xFFFFFF90];
	[tilespmem:v34+s1+$0x0] =	vst.idx.msk $0xffff, v31  }
.Ltmp1:
0xd4: {  	s21 =	sadd.s32 $0x1, s20;
	v25 =	vadd.s32 v16, v25;
	v19 =	vmov s20;
	v23 =	vbroadcast v18, $0x0;
	[tilespmem:v36+s1+$0x0] =	vst.idx.msk $0xffff, v35;
	v24 =	vld [tilespmem:s18+$0x0];
	(pc) =	sbr.rel @p2 .LBB2_5-.Ltmp1, $4  }
0xd5: {  	s22 =	sadd.s32 $0x3, s20;
	v37 =	vmov s21;
	s21 =	sadd.s32 $0x2, s20;
	v19 =	vshrl.u32 v19, $0x3;
	v27 =	vadd.s32 v11, v22;
	[tilespmem:v38+s1+$0x0] =	vst.idx.msk $0xffff, v26;
	v26 =	vld [tilespmem:s18+$0xFFFFFFB0]  }
0xd6: {  	v28 =	vmov s22;
	s22 =	sadd.s32 $0x5, s20;
	v31 =	vadd.s32 v13, v23;
	v38 =	vmov s21;
	s21 =	sadd.s32 $0x4, s20;
	[tilespmem:v41+s1+$0x0] =	vst.idx.msk $0xffff, v40;
	v29 =	vld [tilespmem:s18+$0xFFFFFFD0]  }
0xd7: {  	v18 =	vmov s22;
	v35 =	vadd.s32 v4, v30;
	v32 =	vmov s21;
	s21 =	sadd.s32 $0x6, s20;
	v33 =	vld [tilespmem:s18+$0xFFFFFF40];
	[tilespmem:v43+s1+$0x0] =	vst.idx.msk $0xffff, v42  }
0xd8: {  	v30 =	vshll.u32 v19, v1;
	v36 =	vadd.s32 v6, v39;
	v19 =	vmov s21;
	s21 =	sadd.s32 $0x7, s20;
	s20 =	sadd.s32 $0x8, s20;
	v34 =	vld [tilespmem:s18+$0xFFFFFF60];
	[tilespmem:v45+s1+$0x0] =	vst.idx.msk $0xffff, v44  }
0xd9: {  	_ =	sdelay $0x2  }
0xda: {  	v37 =	vshrl.u32 v37, $0x3  }
0xdb: {  	v39 =	vmov s21;
	v40 =	vld [tilespmem:s18+$0xFFFFFF80];
	v21 =	vadd.s32 v8, v21;
	[tilespmem:v25+s1+$0x0] =	vst.idx.msk $0xffff, v24;
	v20 =	vadd.s32 v10, v20  }
0xdc: {  	v49 =	vld [tilespmem:s18+$0xFFFFFFA0];
	v22 =	vadd.s32 v12, v22;
	v23 =	vadd.s32 v14, v23;
	v25 =	vshrl.u32 v39, $0x3;
	[tilespmem:v27+s1+$0x0] =	vst.idx.msk $0xffff, v26  }
0xdd: {  	v24 =	vshrl.u32 v38, $0x3;
	v50 =	vld [tilespmem:s18+$0xFFFFFF20];
	v17 =	vadd.s32 v2, v17;
	v25 =	vshll.u32 v25, v1;
	[tilespmem:v31+s1+$0x0] =	vst.idx.msk $0xffff, v29  }
0xde: {  	v30 =	vbroadcast v30, $0x0;
	v27 =	vld [tilespmem:s18+$0xFFFFFFC0];
	v31 =	vshll.u32 v37, v1;
	v25 =	vbroadcast v25, $0x0;
	[tilespmem:v35+s1+$0x0] =	vst.idx.msk $0xffff, v33  }
0xdf: {  	s20 =	sadd.s32 $0x100, s18;
	v26 =	vshrl.u32 v28, $0x3;
	v28 =	vshrl.u32 v32, $0x3;
	v29 =	vld [tilespmem:s18+$0xFFFFFFE0];
	v31 =	vbroadcast v31, $0x0;
	[tilespmem:v36+s1+$0x0] =	vst.idx.msk $0xffff, v34  }
0xe0: {  	v18 =	vshrl.u32 v18, $0x3;
	v51 =	vld [tilespmem:s20+$0xFFFFFFF0];
	v28 =	vshll.u32 v28, v1;
	v52 =	vadd.s32 v15, v25;
	[tilespmem:v21+s1+$0x0] =	vst.idx.msk $0xffff, v40  }
0xe1: {  	v24 =	vshll.u32 v24, v1;
	v28 =	vbroadcast v28, $0x0;
	[tilespmem:v20+s1+$0x0] =	vst.idx.msk $0xffff, v49;
	v20 =	vld [tilespmem:s20+$0xFFFFFF30];
	v54 =	vadd.s32 v3, v31  }
0xe2: {  	v53 =	vadd.s32 v0, v30;
	v24 =	vbroadcast v24, $0x0;
	v26 =	vshll.u32 v26, v1;
	v21 =	vld [tilespmem:s20+$0xFFFFFF10];
	[tilespmem:v17+s1+$0x0] =	vst.idx.msk $0xffff, v50  }
0xe3: {  	v18 =	vshll.u32 v18, v1;
	v26 =	vbroadcast v26, $0x0;
	v17 =	vld [tilespmem:s20+$0xFFFFFF90];
	v55 =	vadd.s32 v9, v28;
	[tilespmem:v22+s1+$0x0] =	vst.idx.msk $0xffff, v27  }
0xe4: {  	v18 =	vbroadcast v18, $0x0;
	v22 =	vld [tilespmem:s20+$0xFFFFFF50];
	v27 =	vadd.s32 v5, v24;
	[tilespmem:v23+s1+$0x0] =	vst.idx.msk $0xffff, v29  }
0xe5: {  	v19 =	vshrl.u32 v19, $0x3;
	v23 =	vld [tilespmem:s20+$0xFFFFFF70];
	v29 =	vadd.s32 v7, v26;
	[tilespmem:v52+s1+$0x0] =	vst.idx.msk $0xffff, v51  }
0xe6: {  	v19 =	vshll.u32 v19, v1;
	v56 =	vadd.s32 v11, v18;
	[tilespmem:v54+s1+$0x0] =	vst.idx.msk $0xffff, v20;
	v20 =	vld [tilespmem:s20+$0xFFFFFFB0]  }
0xe7: {  	v19 =	vbroadcast v19, $0x0;
	v25 =	vadd.s32 v16, v25;
	[tilespmem:v53+s1+$0x0] =	vst.idx.msk $0xffff, v21;
	v21 =	vld [tilespmem:s20+$0x0]  }
0xe8: {  	v31 =	vadd.s32 v4, v31;
	[tilespmem:v55+s1+$0x0] =	vst.idx.msk $0xffff, v17;
	v57 =	vld [tilespmem:s20+$0xFFFFFF40]  }
0xe9: {  	[tilespmem:v27+s1+$0x0] =	vst.idx.msk $0xffff, v22;
	v22 =	vld [tilespmem:s20+$0xFFFFFFD0];
	v27 =	vadd.s32 v13, v19  }
0xea: {  	v24 =	vadd.s32 v6, v24;
	[tilespmem:v29+s1+$0x0] =	vst.idx.msk $0xffff, v23;
	v23 =	vld [tilespmem:s20+$0xFFFFFF60]  }
0xeb: {  	v26 =	vadd.s32 v8, v26;
	v17 =	vld [tilespmem:s20+$0xFFFFFF80];
	[tilespmem:v56+s1+$0x0] =	vst.idx.msk $0xffff, v20  }
0xec: {  	[tilespmem:v25+s1+$0x0] =	vst.idx.msk $0xffff, v21;
	v21 =	vld [tilespmem:s20+$0xFFFFFFA0];
	v25 =	vadd.s32 v10, v28  }
0xed: {  	v18 =	vadd.s32 v12, v18;
	v20 =	vld [tilespmem:s20+$0xFFFFFFC0];
	[tilespmem:v31+s1+$0x0] =	vst.idx.msk $0xffff, v57  }
0xee: {  	v28 =	vadd.s32 v2, v30;
	[tilespmem:v27+s1+$0x0] =	vst.idx.msk $0xffff, v22;
	v27 =	vld [tilespmem:s20+$0xFFFFFF20]  }
0xef: {  	v19 =	vadd.s32 v14, v19;
	v22 =	vld [tilespmem:s20+$0xFFFFFFE0];
	[tilespmem:v24+s1+$0x0] =	vst.idx.msk $0xffff, v23  }
0xf0: {  	[tilespmem:v26+s1+$0x0] =	vst.idx.msk $0xffff, v17  }
0xf1: {  	[tilespmem:v25+s1+$0x0] =	vst.idx.msk $0xffff, v21  }
0xf2: {  	s21 =	sor.u32 s11, s31;
	[tilespmem:v18+s1+$0x0] =	vst.idx.msk $0xffff, v20  }
0xf3: {  	s18 =	sshrl.u32 s21, $0x3;
	[tilespmem:v28+s1+$0x0] =	vst.idx.msk $0xffff, v27  }
0xf4: {  	s20 =	sadd.s32 s2, s18;
	s18 =	simm.s32 $0x0;
	[tilespmem:v19+s1+$0x0] =	vst.idx.msk $0xffff, v22  }
0xf5: {  	[hbm4b:s20+s18] =	stream.linear.scatter [tilespmem:s1], [sflag:$0x2], $0x80, $0x38;
	[tilespmem:$0x10C00] =	vst v63  }
0xf6: {  	s22 =	simm.s32 $0x9588;
	s21 =	sadd.s32 $0x10, s20  }
0xf7: {  	[hbm4b:s21+s18] =	stream.linear.scatter [tilespmem:s22], [sflag:$0x2], $0x80, $0x38;
	[tilespmem:$0x10C00] =	vst v63  }
0xf8: {  	s21 =	sadd.s32 $0x20, s20;
	s22 =	simm.s32 $0x9610  }
0xf9: {  	[hbm4b:s21+s18] =	stream.linear.scatter [tilespmem:s22], [sflag:$0x2], $0x80, $0x38;
	[tilespmem:$0x10C00] =	vst v63  }
0xfa: {  	s21 =	sadd.s32 $0x30, s20;
	s22 =	simm.s32 $0x9698  }
0xfb: {  	[hbm4b:s21+s18] =	stream.linear.scatter [tilespmem:s22], [sflag:$0x2], $0x80, $0x38;
	[tilespmem:$0x10C00] =	vst v63  }
0xfc: {  	s21 =	sadd.s32 $0x40, s20;
	s22 =	simm.s32 $0x9720  }
0xfd: {  	[hbm4b:s21+s18] =	stream.linear.scatter [tilespmem:s22], [sflag:$0x2], $0x80, $0x38;
	[tilespmem:$0x10C00] =	vst v63  }
0xfe: {  	s21 =	sadd.s32 $0x50, s20;
	s22 =	simm.s32 $0x97A8  }
0xff: {  	[hbm4b:s21+s18] =	stream.linear.scatter [tilespmem:s22], [sflag:$0x2], $0x80, $0x38;
	[tilespmem:$0x10C00] =	vst v63  }
0x100: {  	s21 =	sadd.s32 $0x60, s20;
	s22 =	simm.s32 $0x9830  }
0x101: {  	[hbm4b:s21+s18] =	stream.linear.scatter [tilespmem:s22], [sflag:$0x2], $0x80, $0x38;
	[tilespmem:$0x10C00] =	vst v63  }
0x102: {  	s21 =	sadd.s32 $0x70, s20;
	s22 =	simm.s32 $0x98B8  }
0x103: {  	[hbm4b:s21+s18] =	stream.linear.scatter [tilespmem:s22], [sflag:$0x2], $0x80, $0x38;
	[tilespmem:$0x10C00] =	vst v63  }
0x104: {  	s21 =	sadd.s32 $0x4000, s20;
	s22 =	simm.s32 $0x9940  }
0x105: {  	[hbm4b:s21+s18] =	stream.linear.scatter [tilespmem:s22], [sflag:$0x2], $0x80, $0x38;
	[tilespmem:$0x10C00] =	vst v63  }
0x106: {  	s21 =	sadd.s32 $0x4010, s20;
	s22 =	simm.s32 $0x99C8  }
0x107: {  	[hbm4b:s21+s18] =	stream.linear.scatter [tilespmem:s22], [sflag:$0x2], $0x80, $0x38;
	[tilespmem:$0x10C00] =	vst v63  }
0x108: {  	s21 =	sadd.s32 $0x4020, s20;
	s22 =	simm.s32 $0x9A50  }
0x109: {  	[hbm4b:s21+s18] =	stream.linear.scatter [tilespmem:s22], [sflag:$0x2], $0x80, $0x38;
	[tilespmem:$0x10C00] =	vst v63  }
0x10a: {  	s21 =	sadd.s32 $0x4030, s20;
	s22 =	simm.s32 $0x9AD8  }
0x10b: {  	[hbm4b:s21+s18] =	stream.linear.scatter [tilespmem:s22], [sflag:$0x2], $0x80, $0x38;
	[tilespmem:$0x10C00] =	vst v63  }
0x10c: {  	s21 =	sadd.s32 $0x4040, s20;
	s22 =	simm.s32 $0x9B60  }
0x10d: {  	[hbm4b:s21+s18] =	stream.linear.scatter [tilespmem:s22], [sflag:$0x2], $0x80, $0x38;
	[tilespmem:$0x10C00] =	vst v63  }
0x10e: {  	s21 =	sadd.s32 $0x4050, s20;
	s22 =	simm.s32 $0x9BE8  }
0x10f: {  	[hbm4b:s21+s18] =	stream.linear.scatter [tilespmem:s22], [sflag:$0x2], $0x80, $0x38;
	[tilespmem:$0x10C00] =	vst v63  }
0x110: {  	s21 =	sadd.s32 $0x4060, s20;
	s22 =	simm.s32 $0x9C70  }
0x111: {  	[hbm4b:s21+s18] =	stream.linear.scatter [tilespmem:s22], [sflag:$0x2], $0x80, $0x38;
	[tilespmem:$0x10C00] =	vst v63  }
0x112: {  	s21 =	sadd.s32 $0x4070, s20;
	s22 =	simm.s32 $0x9CF8  }
0x113: {  	[hbm4b:s21+s18] =	stream.linear.scatter [tilespmem:s22], [sflag:$0x2], $0x80, $0x38;
	[tilespmem:$0x10C00] =	vst v63  }
0x114: {  	s21 =	sadd.s32 $0x8000, s20;
	s22 =	simm.s32 $0x9D80  }
0x115: {  	[hbm4b:s21+s18] =	stream.linear.scatter [tilespmem:s22], [sflag:$0x2], $0x80, $0x38;
	[tilespmem:$0x10C00] =	vst v63  }
0x116: {  	s21 =	sadd.s32 $0x8010, s20;
	s22 =	simm.s32 $0x9E08  }
0x117: {  	[hbm4b:s21+s18] =	stream.linear.scatter [tilespmem:s22], [sflag:$0x2], $0x80, $0x38;
	[tilespmem:$0x10C00] =	vst v63  }
0x118: {  	s21 =	sadd.s32 $0x8020, s20;
	s22 =	simm.s32 $0x9E90  }
0x119: {  	[hbm4b:s21+s18] =	stream.linear.scatter [tilespmem:s22], [sflag:$0x2], $0x80, $0x38;
	[tilespmem:$0x10C00] =	vst v63  }
0x11a: {  	s21 =	sadd.s32 $0x8030, s20;
	s22 =	simm.s32 $0x9F18  }
0x11b: {  	[hbm4b:s21+s18] =	stream.linear.scatter [tilespmem:s22], [sflag:$0x2], $0x80, $0x38;
	[tilespmem:$0x10C00] =	vst v63  }
0x11c: {  	s21 =	sadd.s32 $0x8040, s20;
	s22 =	simm.s32 $0x9FA0  }
0x11d: {  	[hbm4b:s21+s18] =	stream.linear.scatter [tilespmem:s22], [sflag:$0x2], $0x80, $0x38;
	[tilespmem:$0x10C00] =	vst v63  }
0x11e: {  	s21 =	sadd.s32 $0x8050, s20;
	s22 =	simm.s32 $0xA028  }
0x11f: {  	[hbm4b:s21+s18] =	stream.linear.scatter [tilespmem:s22], [sflag:$0x2], $0x80, $0x38;
	[tilespmem:$0x10C00] =	vst v63  }
0x120: {  	s21 =	sadd.s32 $0x8060, s20;
	s22 =	simm.s32 $0xA0B0  }
0x121: {  	[hbm4b:s21+s18] =	stream.linear.scatter [tilespmem:s22], [sflag:$0x2], $0x80, $0x38;
	[tilespmem:$0x10C00] =	vst v63  }
0x122: {  	s21 =	sadd.s32 $0x8070, s20;
	s22 =	simm.s32 $0xA138  }
0x123: {  	[hbm4b:s21+s18] =	stream.linear.scatter [tilespmem:s22], [sflag:$0x2], $0x80, $0x38;
	[tilespmem:$0x10C00] =	vst v63  }
0x124: {  	s21 =	sadd.s32 $0xC000, s20;
	s22 =	simm.s32 $0xA1C0  }
0x125: {  	[hbm4b:s21+s18] =	stream.linear.scatter [tilespmem:s22], [sflag:$0x2], $0x80, $0x38;
	[tilespmem:$0x10C00] =	vst v63  }
0x126: {  	s21 =	sadd.s32 $0xC010, s20;
	s22 =	simm.s32 $0xA248  }
0x127: {  	[hbm4b:s21+s18] =	stream.linear.scatter [tilespmem:s22], [sflag:$0x2], $0x80, $0x38;
	[tilespmem:$0x10C00] =	vst v63  }
0x128: {  	s21 =	sadd.s32 $0xC020, s20;
	s22 =	simm.s32 $0xA2D0  }
0x129: {  	[hbm4b:s21+s18] =	stream.linear.scatter [tilespmem:s22], [sflag:$0x2], $0x80, $0x38;
	[tilespmem:$0x10C00] =	vst v63  }
0x12a: {  	s21 =	sadd.s32 $0xC030, s20;
	s22 =	simm.s32 $0xA358  }
0x12b: {  	[hbm4b:s21+s18] =	stream.linear.scatter [tilespmem:s22], [sflag:$0x2], $0x80, $0x38;
	[tilespmem:$0x10C00] =	vst v63  }
0x12c: {  	s21 =	sadd.s32 $0xC040, s20;
	s22 =	simm.s32 $0xA3E0  }
0x12d: {  	[hbm4b:s21+s18] =	stream.linear.scatter [tilespmem:s22], [sflag:$0x2], $0x80, $0x38;
	[tilespmem:$0x10C00] =	vst v63  }
0x12e: {  	s21 =	sadd.s32 $0xC050, s20;
	s22 =	simm.s32 $0xA468  }
0x12f: {  	[hbm4b:s21+s18] =	stream.linear.scatter [tilespmem:s22], [sflag:$0x2], $0x80, $0x38;
	[tilespmem:$0x10C00] =	vst v63  }
0x130: {  	v17 =	vmov s18;
	s21 =	sadd.s32 $0xC060, s20;
	s22 =	simm.s32 $0xA4F0  }
0x131: {  	v17 =	vshrl.u32 v17, $0x3;
	[hbm4b:s21+s18] =	stream.linear.scatter [tilespmem:s22], [sflag:$0x2], $0x80, $0x38;
	[tilespmem:$0x10C00] =	vst v63  }
0x132: {  	v17 =	vshll.u32 v17, v1;
	s21 =	simm.s32 $0x2  }
0x133: {  	v17 =	vbroadcast v17, $0x0;
	s20 =	sadd.s32 $0xC070, s20;
	s22 =	simm.s32 $0xA578;
	v19 =	vmov s21;
	s21 =	simm.s32 $0x7  }
0x134: {  	[hbm4b:s20+s18] =	stream.linear.scatter [tilespmem:s22], [sflag:$0x2], $0x80, $0x38;
	[tilespmem:$0x10C00] =	vst v63  }
0x135: {  	v28 =	vadd.s32 v0, v17;
	s20 =	simm.s32 $0x1;
	v22 =	vmov s21  }
0x136: {  	s22 =	simm.s32 $0x3;
	v19 =	vshrl.u32 v19, $0x3;
	v18 =	vmov s20;
	s20 =	simm.s32 $0x4;
	v22 =	vshrl.u32 v22, $0x3  }
0x137: {  	v20 =	vmov s22;
	s22 =	simm.s32 $0x5;
	_ =	swait.ge [sflag:s24], $0x1000;
	v21 =	vmov s20;
	v22 =	vshll.u32 v22, v1  }
0x138: {  	v23 =	vmov s22;
	s20 =	simm.s32 $0x6;
	v18 =	vshrl.u32 v18, $0x3;
	[sflag:s24] =	ssyncset.done $0x0;
	v25 =	vbroadcast v22, $0x0  }
0x139: {  	s18 =	simm.s32 $0x24F0;
	v20 =	vshrl.u32 v20, $0x3;
	v24 =	vmov s20;
	[sflag:s24] =	ssyncadd.s32 $0xFFFFF000;
	v18 =	vshll.u32 v18, v1  }
0x13a: {  	v30 =	vbroadcast v18, $0x0;
	v18 =	vshll.u32 v19, v1;
	v19 =	vld [tilespmem:s18+$0xFFFFFFF0];
	v26 =	vadd.s32 v15, v25  }
0x13b: {  	v22 =	vshrl.u32 v21, $0x3;
	v27 =	vld [tilespmem:s18+$0xFFFFFF10];
	v58 =	vbroadcast v18, $0x0;
	v18 =	vshll.u32 v20, v1  }
0x13c: {  	v29 =	vld [tilespmem:s18+$0xFFFFFF30];
	v31 =	vadd.s32 v3, v30;
	v21 =	vbroadcast v18, $0x0;
	v18 =	vshll.u32 v22, v1  }
0x13d: {  	v59 =	vld [tilespmem:s18+$0xFFFFFF50];
	v60 =	vadd.s32 v5, v58;
	v20 =	vbroadcast v18, $0x0;
	v18 =	vshrl.u32 v23, $0x3  }
0x13e: {  	v61 =	vld [tilespmem:s18+$0xFFFFFF70];
	v23 =	vshrl.u32 v24, $0x3;
	v62 =	vadd.s32 v7, v21;
	v18 =	vshll.u32 v18, v1  }
0x13f: {  	v63 =	vld [tilespmem:s18+$0xFFFFFF90];
	v41 =	vadd.s32 v9, v20;
	v22 =	vbroadcast v18, $0x0;
	v18 =	vshll.u32 v23, v1;
	[tilespmem:v26+s19+$0x0] =	vst.idx.msk $0xffff, v19  }
0x140: {  	s22 =	simm.s32 $0x9;
	v25 =	vadd.s32 v16, v25;
	v35 =	vadd.s32 v4, v30;
	[tilespmem:v28+s19+$0x0] =	vst.idx.msk $0xffff, v27;
	v23 =	vbroadcast v18, $0x0;
	v24 =	vld [tilespmem:s18+$0x0]  }
0x141: {  	s21 =	simm.s32 $0x8;
	v37 =	vmov s22;
	s22 =	simm.s32 $0xB;
	v36 =	vadd.s32 v6, v58;
	v26 =	vld [tilespmem:s18+$0xFFFFFFB0];
	[tilespmem:v31+s19+$0x0] =	vst.idx.msk $0xffff, v29;
	v27 =	vadd.s32 v11, v22  }
0x142: {  	v28 =	vmov s22;
	s22 =	simm.s32 $0xD;
	v19 =	vmov s21;
	s21 =	simm.s32 $0xA;
	v29 =	vld [tilespmem:s18+$0xFFFFFFD0];
	[tilespmem:v60+s19+$0x0] =	vst.idx.msk $0xffff, v59;
	v31 =	vadd.s32 v13, v23  }
0x143: {  	v18 =	vmov s22;
	s22 =	simm.s32 $0xE;
	v19 =	vshrl.u32 v19, $0x3;
	v38 =	vmov s21;
	s21 =	simm.s32 $0xC;
	v33 =	vld [tilespmem:s18+$0xFFFFFF40];
	[tilespmem:v62+s19+$0x0] =	vst.idx.msk $0xffff, v61  }
0x144: {  	s20 =	simm.s32 $0x10;
	v32 =	vmov s21;
	v30 =	vshll.u32 v19, v1;
	v19 =	vmov s22;
	s21 =	simm.s32 $0xF;
	v34 =	vld [tilespmem:s18+$0xFFFFFF60];
	[tilespmem:v41+s19+$0x0] =	vst.idx.msk $0xffff, v63  }
.LBB2_7:
0x145: {  	p2 =	slt.u32 s20, $0x78;
	v37 =	vshrl.u32 v37, $0x3;
	v39 =	vmov s21;
	v40 =	vld [tilespmem:s18+$0xFFFFFF80];
	v21 =	vadd.s32 v8, v21;
	[tilespmem:v25+s19+$0x0] =	vst.idx.msk $0xffff, v24  }
0x146: {  	v24 =	vshrl.u32 v38, $0x3;
	v20 =	vadd.s32 v10, v20;
	v25 =	vshrl.u32 v39, $0x3;
	v38 =	vld [tilespmem:s18+$0xFFFFFFA0];
	[tilespmem:v27+s19+$0x0] =	vst.idx.msk $0xffff, v26  }
0x147: {  	v22 =	vadd.s32 v12, v22;
	v26 =	vshrl.u32 v28, $0x3;
	v25 =	vshll.u32 v25, v1;
	v27 =	vld [tilespmem:s18+$0xFFFFFFC0];
	[tilespmem:v31+s19+$0x0] =	vst.idx.msk $0xffff, v29  }
0x148: {  	v23 =	vadd.s32 v14, v23;
	v28 =	vshrl.u32 v32, $0x3;
	v25 =	vbroadcast v25, $0x0;
	[tilespmem:v35+s19+$0x0] =	vst.idx.msk $0xffff, v33;
	v29 =	vld [tilespmem:s18+$0xFFFFFFE0]  }
0x149: {  	v31 =	vshll.u32 v37, v1;
	v33 =	vadd.s32 v2, v17;
	v17 =	vbroadcast v30, $0x0;
	v32 =	vld [tilespmem:s18+$0xFFFFFF20];
	[tilespmem:v36+s19+$0x0] =	vst.idx.msk $0xffff, v34;
	s18 =	sadd.s32 $0x100, s18  }
0x14a: {  	v24 =	vshll.u32 v24, v1;
	v30 =	vbroadcast v31, $0x0;
	v31 =	vld [tilespmem:s18+$0xFFFFFFF0];
	v34 =	vadd.s32 v15, v25;
	[tilespmem:v21+s19+$0x0] =	vst.idx.msk $0xffff, v40  }
0x14b: {  	v39 =	vbroadcast v24, $0x0;
	v36 =	vadd.s32 v0, v17;
	v21 =	vshll.u32 v26, v1;
	v35 =	vld [tilespmem:s18+$0xFFFFFF10];
	[tilespmem:v20+s19+$0x0] =	vst.idx.msk $0xffff, v38  }
0x14c: {  	v38 =	vadd.s32 v3, v30;
	v21 =	vbroadcast v21, $0x0;
	v20 =	vshll.u32 v28, v1;
	v26 =	vld [tilespmem:s18+$0xFFFFFF30];
	[tilespmem:v22+s19+$0x0] =	vst.idx.msk $0xffff, v27  }
0x14d: {  	v18 =	vshrl.u32 v18, $0x3;
	v41 =	vadd.s32 v5, v39;
	v20 =	vbroadcast v20, $0x0;
	v40 =	vld [tilespmem:s18+$0xFFFFFF50];
	[tilespmem:v23+s19+$0x0] =	vst.idx.msk $0xffff, v29  }
0x14e: {  	v19 =	vshrl.u32 v19, $0x3;
	v18 =	vshll.u32 v18, v1;
	v43 =	vadd.s32 v7, v21;
	v42 =	vld [tilespmem:s18+$0xFFFFFF70];
	[tilespmem:v33+s19+$0x0] =	vst.idx.msk $0xffff, v32  }
0x14f: {  	v22 =	vbroadcast v18, $0x0;
	v18 =	vshll.u32 v19, v1;
	v45 =	vadd.s32 v9, v20;
	v44 =	vld [tilespmem:s18+$0xFFFFFF90];
	[tilespmem:v34+s19+$0x0] =	vst.idx.msk $0xffff, v31  }
.Ltmp2:
0x150: {  	s21 =	sadd.s32 $0x1, s20;
	v25 =	vadd.s32 v16, v25;
	v19 =	vmov s20;
	v23 =	vbroadcast v18, $0x0;
	[tilespmem:v36+s19+$0x0] =	vst.idx.msk $0xffff, v35;
	v24 =	vld [tilespmem:s18+$0x0];
	(pc) =	sbr.rel @p2 .LBB2_7-.Ltmp2, $4  }
0x151: {  	s22 =	sadd.s32 $0x3, s20;
	v37 =	vmov s21;
	s21 =	sadd.s32 $0x2, s20;
	v19 =	vshrl.u32 v19, $0x3;
	v27 =	vadd.s32 v11, v22;
	[tilespmem:v38+s19+$0x0] =	vst.idx.msk $0xffff, v26;
	v26 =	vld [tilespmem:s18+$0xFFFFFFB0]  }
0x152: {  	v28 =	vmov s22;
	s22 =	sadd.s32 $0x5, s20;
	v31 =	vadd.s32 v13, v23;
	v38 =	vmov s21;
	s21 =	sadd.s32 $0x4, s20;
	[tilespmem:v41+s19+$0x0] =	vst.idx.msk $0xffff, v40;
	v29 =	vld [tilespmem:s18+$0xFFFFFFD0]  }
0x153: {  	v18 =	vmov s22;
	v35 =	vadd.s32 v4, v30;
	v32 =	vmov s21;
	s21 =	sadd.s32 $0x6, s20;
	v33 =	vld [tilespmem:s18+$0xFFFFFF40];
	[tilespmem:v43+s19+$0x0] =	vst.idx.msk $0xffff, v42  }
0x154: {  	v30 =	vshll.u32 v19, v1;
	v36 =	vadd.s32 v6, v39;
	v19 =	vmov s21;
	s21 =	sadd.s32 $0x7, s20;
	s20 =	sadd.s32 $0x8, s20;
	v34 =	vld [tilespmem:s18+$0xFFFFFF60];
	[tilespmem:v45+s19+$0x0] =	vst.idx.msk $0xffff, v44  }
0x155: {  	_ =	sdelay $0x2  }
0x156: {  	v37 =	vshrl.u32 v37, $0x3  }
0x157: {  	v39 =	vmov s21;
	v40 =	vld [tilespmem:s18+$0xFFFFFF80];
	v21 =	vadd.s32 v8, v21;
	[tilespmem:v25+s19+$0x0] =	vst.idx.msk $0xffff, v24;
	v20 =	vadd.s32 v10, v20  }
0x158: {  	v52 =	vld [tilespmem:s18+$0xFFFFFFA0];
	v22 =	vadd.s32 v12, v22;
	v23 =	vadd.s32 v14, v23;
	v25 =	vshrl.u32 v39, $0x3;
	[tilespmem:v27+s19+$0x0] =	vst.idx.msk $0xffff, v26  }
0x159: {  	v24 =	vshrl.u32 v38, $0x3;
	v53 =	vld [tilespmem:s18+$0xFFFFFF20];
	v17 =	vadd.s32 v2, v17;
	v25 =	vshll.u32 v25, v1;
	[tilespmem:v31+s19+$0x0] =	vst.idx.msk $0xffff, v29  }
0x15a: {  	v30 =	vbroadcast v30, $0x0;
	v27 =	vld [tilespmem:s18+$0xFFFFFFC0];
	v31 =	vshll.u32 v37, v1;
	v25 =	vbroadcast v25, $0x0;
	[tilespmem:v35+s19+$0x0] =	vst.idx.msk $0xffff, v33  }
0x15b: {  	s20 =	sadd.s32 $0x100, s18;
	v26 =	vshrl.u32 v28, $0x3;
	v28 =	vshrl.u32 v32, $0x3;
	v29 =	vld [tilespmem:s18+$0xFFFFFFE0];
	v31 =	vbroadcast v31, $0x0;
	[tilespmem:v36+s19+$0x0] =	vst.idx.msk $0xffff, v34  }
0x15c: {  	v18 =	vshrl.u32 v18, $0x3;
	v54 =	vld [tilespmem:s20+$0xFFFFFFF0];
	v28 =	vshll.u32 v28, v1;
	v55 =	vadd.s32 v15, v25;
	[tilespmem:v21+s19+$0x0] =	vst.idx.msk $0xffff, v40  }
0x15d: {  	v24 =	vshll.u32 v24, v1;
	v28 =	vbroadcast v28, $0x0;
	[tilespmem:v20+s19+$0x0] =	vst.idx.msk $0xffff, v52;
	v20 =	vld [tilespmem:s20+$0xFFFFFF30];
	v57 =	vadd.s32 v3, v31  }
0x15e: {  	v56 =	vadd.s32 v0, v30;
	v24 =	vbroadcast v24, $0x0;
	v26 =	vshll.u32 v26, v1;
	v21 =	vld [tilespmem:s20+$0xFFFFFF10];
	[tilespmem:v17+s19+$0x0] =	vst.idx.msk $0xffff, v53  }
0x15f: {  	v18 =	vshll.u32 v18, v1;
	v26 =	vbroadcast v26, $0x0;
	v17 =	vld [tilespmem:s20+$0xFFFFFF90];
	v58 =	vadd.s32 v9, v28;
	[tilespmem:v22+s19+$0x0] =	vst.idx.msk $0xffff, v27  }
0x160: {  	v18 =	vbroadcast v18, $0x0;
	v22 =	vld [tilespmem:s20+$0xFFFFFF50];
	v27 =	vadd.s32 v5, v24;
	[tilespmem:v23+s19+$0x0] =	vst.idx.msk $0xffff, v29  }
0x161: {  	v19 =	vshrl.u32 v19, $0x3;
	v23 =	vld [tilespmem:s20+$0xFFFFFF70];
	v29 =	vadd.s32 v7, v26;
	[tilespmem:v55+s19+$0x0] =	vst.idx.msk $0xffff, v54  }
0x162: {  	v19 =	vshll.u32 v19, v1;
	v59 =	vadd.s32 v11, v18;
	[tilespmem:v57+s19+$0x0] =	vst.idx.msk $0xffff, v20;
	v20 =	vld [tilespmem:s20+$0xFFFFFFB0]  }
0x163: {  	v19 =	vbroadcast v19, $0x0;
	v25 =	vadd.s32 v16, v25;
	[tilespmem:v56+s19+$0x0] =	vst.idx.msk $0xffff, v21;
	v21 =	vld [tilespmem:s20+$0x0]  }
0x164: {  	v31 =	vadd.s32 v4, v31;
	[tilespmem:v58+s19+$0x0] =	vst.idx.msk $0xffff, v17;
	v60 =	vld [tilespmem:s20+$0xFFFFFF40]  }
0x165: {  	[tilespmem:v27+s19+$0x0] =	vst.idx.msk $0xffff, v22;
	v22 =	vld [tilespmem:s20+$0xFFFFFFD0];
	v27 =	vadd.s32 v13, v19  }
0x166: {  	v24 =	vadd.s32 v6, v24;
	[tilespmem:v29+s19+$0x0] =	vst.idx.msk $0xffff, v23;
	v23 =	vld [tilespmem:s20+$0xFFFFFF60]  }
0x167: {  	v26 =	vadd.s32 v8, v26;
	v17 =	vld [tilespmem:s20+$0xFFFFFF80];
	[tilespmem:v59+s19+$0x0] =	vst.idx.msk $0xffff, v20  }
0x168: {  	[tilespmem:v25+s19+$0x0] =	vst.idx.msk $0xffff, v21;
	v21 =	vld [tilespmem:s20+$0xFFFFFFA0];
	v25 =	vadd.s32 v10, v28  }
0x169: {  	v18 =	vadd.s32 v12, v18;
	v20 =	vld [tilespmem:s20+$0xFFFFFFC0];
	[tilespmem:v31+s19+$0x0] =	vst.idx.msk $0xffff, v60  }
0x16a: {  	v28 =	vadd.s32 v2, v30;
	[tilespmem:v27+s19+$0x0] =	vst.idx.msk $0xffff, v22;
	v27 =	vld [tilespmem:s20+$0xFFFFFF20]  }
0x16b: {  	v19 =	vadd.s32 v14, v19;
	v22 =	vld [tilespmem:s20+$0xFFFFFFE0];
	[tilespmem:v24+s19+$0x0] =	vst.idx.msk $0xffff, v23  }
0x16c: {  	[tilespmem:v26+s19+$0x0] =	vst.idx.msk $0xffff, v17  }
0x16d: {  	[tilespmem:v25+s19+$0x0] =	vst.idx.msk $0xffff, v21  }
0x16e: {  	s21 =	sor.u32 s12, s31;
	[tilespmem:v18+s19+$0x0] =	vst.idx.msk $0xffff, v20  }
0x16f: {  	s18 =	sshrl.u32 s21, $0x3;
	[tilespmem:v28+s19+$0x0] =	vst.idx.msk $0xffff, v27  }
0x170: {  	s20 =	sadd.s32 s2, s18;
	s18 =	simm.s32 $0x0;
	[tilespmem:v19+s19+$0x0] =	vst.idx.msk $0xffff, v22  }
0x171: {  	[hbm4b:s20+s18] =	stream.linear.scatter [tilespmem:s19], [sflag:$0x2], $0x80, $0x38;
	[tilespmem:$0x10C00] =	vst v63  }
0x172: {  	s22 =	simm.s32 $0xA688;
	s21 =	sadd.s32 $0x10, s20  }
0x173: {  	[hbm4b:s21+s18] =	stream.linear.scatter [tilespmem:s22], [sflag:$0x2], $0x80, $0x38;
	[tilespmem:$0x10C00] =	vst v63  }
0x174: {  	s21 =	sadd.s32 $0x20, s20;
	s22 =	simm.s32 $0xA710  }
0x175: {  	[hbm4b:s21+s18] =	stream.linear.scatter [tilespmem:s22], [sflag:$0x2], $0x80, $0x38;
	[tilespmem:$0x10C00] =	vst v63  }
0x176: {  	s21 =	sadd.s32 $0x30, s20;
	s22 =	simm.s32 $0xA798  }
0x177: {  	[hbm4b:s21+s18] =	stream.linear.scatter [tilespmem:s22], [sflag:$0x2], $0x80, $0x38;
	[tilespmem:$0x10C00] =	vst v63  }
0x178: {  	s21 =	sadd.s32 $0x40, s20;
	s22 =	simm.s32 $0xA820  }
0x179: {  	[hbm4b:s21+s18] =	stream.linear.scatter [tilespmem:s22], [sflag:$0x2], $0x80, $0x38;
	[tilespmem:$0x10C00] =	vst v63  }
0x17a: {  	s21 =	sadd.s32 $0x50, s20;
	s22 =	simm.s32 $0xA8A8  }
0x17b: {  	[hbm4b:s21+s18] =	stream.linear.scatter [tilespmem:s22], [sflag:$0x2], $0x80, $0x38;
	[tilespmem:$0x10C00] =	vst v63  }
0x17c: {  	s21 =	sadd.s32 $0x60, s20;
	s22 =	simm.s32 $0xA930  }
0x17d: {  	[hbm4b:s21+s18] =	stream.linear.scatter [tilespmem:s22], [sflag:$0x2], $0x80, $0x38;
	[tilespmem:$0x10C00] =	vst v63  }
0x17e: {  	s21 =	sadd.s32 $0x70, s20;
	s22 =	simm.s32 $0xA9B8  }
0x17f: {  	[hbm4b:s21+s18] =	stream.linear.scatter [tilespmem:s22], [sflag:$0x2], $0x80, $0x38;
	[tilespmem:$0x10C00] =	vst v63  }
0x180: {  	s21 =	sadd.s32 $0x4000, s20;
	s22 =	simm.s32 $0xAA40  }
0x181: {  	[hbm4b:s21+s18] =	stream.linear.scatter [tilespmem:s22], [sflag:$0x2], $0x80, $0x38;
	[tilespmem:$0x10C00] =	vst v63  }
0x182: {  	s21 =	sadd.s32 $0x4010, s20;
	s22 =	simm.s32 $0xAAC8  }
0x183: {  	[hbm4b:s21+s18] =	stream.linear.scatter [tilespmem:s22], [sflag:$0x2], $0x80, $0x38;
	[tilespmem:$0x10C00] =	vst v63  }
0x184: {  	s21 =	sadd.s32 $0x4020, s20;
	s22 =	simm.s32 $0xAB50  }
0x185: {  	[hbm4b:s21+s18] =	stream.linear.scatter [tilespmem:s22], [sflag:$0x2], $0x80, $0x38;
	[tilespmem:$0x10C00] =	vst v63  }
0x186: {  	s21 =	sadd.s32 $0x4030, s20;
	s22 =	simm.s32 $0xABD8  }
0x187: {  	[hbm4b:s21+s18] =	stream.linear.scatter [tilespmem:s22], [sflag:$0x2], $0x80, $0x38;
	[tilespmem:$0x10C00] =	vst v63  }
0x188: {  	s21 =	sadd.s32 $0x4040, s20;
	s22 =	simm.s32 $0xAC60  }
0x189: {  	[hbm4b:s21+s18] =	stream.linear.scatter [tilespmem:s22], [sflag:$0x2], $0x80, $0x38;
	[tilespmem:$0x10C00] =	vst v63  }
0x18a: {  	s21 =	sadd.s32 $0x4050, s20;
	s22 =	simm.s32 $0xACE8  }
0x18b: {  	[hbm4b:s21+s18] =	stream.linear.scatter [tilespmem:s22], [sflag:$0x2], $0x80, $0x38;
	[tilespmem:$0x10C00] =	vst v63  }
0x18c: {  	s21 =	sadd.s32 $0x4060, s20;
	s22 =	simm.s32 $0xAD70  }
0x18d: {  	[hbm4b:s21+s18] =	stream.linear.scatter [tilespmem:s22], [sflag:$0x2], $0x80, $0x38;
	[tilespmem:$0x10C00] =	vst v63  }
0x18e: {  	s21 =	sadd.s32 $0x4070, s20;
	s22 =	simm.s32 $0xADF8  }
0x18f: {  	[hbm4b:s21+s18] =	stream.linear.scatter [tilespmem:s22], [sflag:$0x2], $0x80, $0x38;
	[tilespmem:$0x10C00] =	vst v63  }
0x190: {  	s21 =	sadd.s32 $0x8000, s20;
	s22 =	simm.s32 $0xAE80  }
0x191: {  	[hbm4b:s21+s18] =	stream.linear.scatter [tilespmem:s22], [sflag:$0x2], $0x80, $0x38;
	[tilespmem:$0x10C00] =	vst v63  }
0x192: {  	s21 =	sadd.s32 $0x8010, s20;
	s22 =	simm.s32 $0xAF08  }
0x193: {  	[hbm4b:s21+s18] =	stream.linear.scatter [tilespmem:s22], [sflag:$0x2], $0x80, $0x38;
	[tilespmem:$0x10C00] =	vst v63  }
0x194: {  	s21 =	sadd.s32 $0x8020, s20;
	s22 =	simm.s32 $0xAF90  }
0x195: {  	[hbm4b:s21+s18] =	stream.linear.scatter [tilespmem:s22], [sflag:$0x2], $0x80, $0x38;
	[tilespmem:$0x10C00] =	vst v63  }
0x196: {  	s21 =	sadd.s32 $0x8030, s20;
	s22 =	simm.s32 $0xB018  }
0x197: {  	[hbm4b:s21+s18] =	stream.linear.scatter [tilespmem:s22], [sflag:$0x2], $0x80, $0x38;
	[tilespmem:$0x10C00] =	vst v63  }
0x198: {  	s21 =	sadd.s32 $0x8040, s20;
	s22 =	simm.s32 $0xB0A0  }
0x199: {  	[hbm4b:s21+s18] =	stream.linear.scatter [tilespmem:s22], [sflag:$0x2], $0x80, $0x38;
	[tilespmem:$0x10C00] =	vst v63  }
0x19a: {  	s21 =	sadd.s32 $0x8050, s20;
	s22 =	simm.s32 $0xB128  }
0x19b: {  	[hbm4b:s21+s18] =	stream.linear.scatter [tilespmem:s22], [sflag:$0x2], $0x80, $0x38;
	[tilespmem:$0x10C00] =	vst v63  }
0x19c: {  	s21 =	sadd.s32 $0x8060, s20;
	s22 =	simm.s32 $0xB1B0  }
0x19d: {  	[hbm4b:s21+s18] =	stream.linear.scatter [tilespmem:s22], [sflag:$0x2], $0x80, $0x38;
	[tilespmem:$0x10C00] =	vst v63  }
0x19e: {  	s21 =	sadd.s32 $0x8070, s20;
	s22 =	simm.s32 $0xB238  }
0x19f: {  	[hbm4b:s21+s18] =	stream.linear.scatter [tilespmem:s22], [sflag:$0x2], $0x80, $0x38;
	[tilespmem:$0x10C00] =	vst v63  }
0x1a0: {  	s21 =	sadd.s32 $0xC000, s20;
	s22 =	simm.s32 $0xB2C0  }
0x1a1: {  	[hbm4b:s21+s18] =	stream.linear.scatter [tilespmem:s22], [sflag:$0x2], $0x80, $0x38;
	[tilespmem:$0x10C00] =	vst v63  }
0x1a2: {  	s21 =	sadd.s32 $0xC010, s20;
	s22 =	simm.s32 $0xB348  }
0x1a3: {  	[hbm4b:s21+s18] =	stream.linear.scatter [tilespmem:s22], [sflag:$0x2], $0x80, $0x38;
	[tilespmem:$0x10C00] =	vst v63  }
0x1a4: {  	s21 =	sadd.s32 $0xC020, s20;
	s22 =	simm.s32 $0xB3D0  }
0x1a5: {  	[hbm4b:s21+s18] =	stream.linear.scatter [tilespmem:s22], [sflag:$0x2], $0x80, $0x38;
	[tilespmem:$0x10C00] =	vst v63  }
0x1a6: {  	s21 =	sadd.s32 $0xC030, s20;
	s22 =	simm.s32 $0xB458  }
0x1a7: {  	[hbm4b:s21+s18] =	stream.linear.scatter [tilespmem:s22], [sflag:$0x2], $0x80, $0x38;
	[tilespmem:$0x10C00] =	vst v63  }
0x1a8: {  	s21 =	sadd.s32 $0xC040, s20;
	s22 =	simm.s32 $0xB4E0  }
0x1a9: {  	[hbm4b:s21+s18] =	stream.linear.scatter [tilespmem:s22], [sflag:$0x2], $0x80, $0x38;
	[tilespmem:$0x10C00] =	vst v63  }
0x1aa: {  	s21 =	sadd.s32 $0xC050, s20;
	s22 =	simm.s32 $0xB568  }
0x1ab: {  	[hbm4b:s21+s18] =	stream.linear.scatter [tilespmem:s22], [sflag:$0x2], $0x80, $0x38;
	[tilespmem:$0x10C00] =	vst v63  }
0x1ac: {  	s21 =	sadd.s32 $0xC060, s20;
	s22 =	simm.s32 $0xB5F0  }
0x1ad: {  	[hbm4b:s21+s18] =	stream.linear.scatter [tilespmem:s22], [sflag:$0x2], $0x80, $0x38;
	[tilespmem:$0x10C00] =	vst v63  }
0x1ae: {  	s22 =	simm.s32 $0x1  }
0x1af: {  	v18 =	vmov s18;
	v17 =	vmov s22;
	s22 =	simm.s32 $0x3  }
0x1b0: {  	v18 =	vshrl.u32 v18, $0x3;
	s21 =	simm.s32 $0x2;
	v20 =	vmov s22;
	s22 =	simm.s32 $0x7  }
0x1b1: {  	v18 =	vshll.u32 v18, v1;
	v19 =	vmov s21;
	s21 =	simm.s32 $0x4;
	v22 =	vmov s22;
	s22 =	simm.s32 $0x5  }
0x1b2: {  	v21 =	vmov s21;
	v23 =	vmov s22;
	s22 =	simm.s32 $0x6;
	v22 =	vshrl.u32 v22, $0x3  }
0x1b3: {  	s20 =	sadd.s32 $0xC070, s20;
	v25 =	vshrl.u32 v17, $0x3;
	v24 =	vmov s22;
	v17 =	vshll.u32 v22, v1;
	s22 =	simm.s32 $0xB678  }
0x1b4: {  	v19 =	vshrl.u32 v19, $0x3;
	v20 =	vshrl.u32 v20, $0x3;
	[hbm4b:s20+s18] =	stream.linear.scatter [tilespmem:s22], [sflag:$0x2], $0x80, $0x38;
	v26 =	vbroadcast v17, $0x0;
	[tilespmem:$0x10C00] =	vst v63  }
0x1b5: {  	v22 =	vshrl.u32 v21, $0x3;
	s18 =	simm.s32 $0x34F0;
	v17 =	vbroadcast v18, $0x0;
	v18 =	vshll.u32 v25, v1  }
0x1b6: {  	v30 =	vbroadcast v18, $0x0;
	v18 =	vshll.u32 v19, v1;
	v19 =	vld [tilespmem:s18+$0xFFFFFFF0];
	v25 =	vadd.s32 v15, v26  }
0x1b7: {  	v27 =	vld [tilespmem:s18+$0xFFFFFF10];
	v28 =	vadd.s32 v0, v17;
	v61 =	vbroadcast v18, $0x0;
	v18 =	vshll.u32 v20, v1  }
0x1b8: {  	v29 =	vld [tilespmem:s18+$0xFFFFFF30];
	v31 =	vadd.s32 v3, v30;
	v21 =	vbroadcast v18, $0x0;
	v18 =	vshll.u32 v22, v1  }
0x1b9: {  	v32 =	vld [tilespmem:s18+$0xFFFFFF50];
	v62 =	vadd.s32 v5, v61;
	v20 =	vbroadcast v18, $0x0;
	v18 =	vshrl.u32 v23, $0x3  }
0x1ba: {  	v34 =	vld [tilespmem:s18+$0xFFFFFF70];
	v23 =	vshrl.u32 v24, $0x3;
	v63 =	vadd.s32 v7, v21;
	v18 =	vshll.u32 v18, v1  }
0x1bb: {  	v40 =	vld [tilespmem:s18+$0xFFFFFF90];
	v41 =	vadd.s32 v9, v20;
	v22 =	vbroadcast v18, $0x0;
	v18 =	vshll.u32 v23, v1;
	[tilespmem:v25+s7+$0x0] =	vst.idx.msk $0xffff, v19  }
0x1bc: {  	s22 =	simm.s32 $0x9;
	v35 =	vadd.s32 v4, v30;
	[tilespmem:v28+s7+$0x0] =	vst.idx.msk $0xffff, v27;
	v23 =	vbroadcast v18, $0x0;
	v25 =	vadd.s32 v16, v26;
	v24 =	vld [tilespmem:s18+$0x0]  }
0x1bd: {  	s21 =	simm.s32 $0x8;
	v37 =	vmov s22;
	s22 =	simm.s32 $0xB;
	v36 =	vadd.s32 v6, v61;
	v26 =	vld [tilespmem:s18+$0xFFFFFFB0];
	[tilespmem:v31+s7+$0x0] =	vst.idx.msk $0xffff, v29;
	v27 =	vadd.s32 v11, v22  }
0x1be: {  	v19 =	vmov s21;
	s21 =	simm.s32 $0xA;
	v28 =	vmov s22;
	s22 =	simm.s32 $0xD;
	v29 =	vld [tilespmem:s18+$0xFFFFFFD0];
	[tilespmem:v62+s7+$0x0] =	vst.idx.msk $0xffff, v32;
	v31 =	vadd.s32 v13, v23  }
0x1bf: {  	v19 =	vshrl.u32 v19, $0x3;
	v38 =	vmov s21;
	s21 =	simm.s32 $0xC;
	v18 =	vmov s22;
	s22 =	simm.s32 $0xE;
	v33 =	vld [tilespmem:s18+$0xFFFFFF40];
	[tilespmem:v63+s7+$0x0] =	vst.idx.msk $0xffff, v34  }
0x1c0: {  	s20 =	simm.s32 $0x10;
	v32 =	vmov s21;
	v30 =	vshll.u32 v19, v1;
	v19 =	vmov s22;
	s21 =	simm.s32 $0xF;
	v34 =	vld [tilespmem:s18+$0xFFFFFF60];
	[tilespmem:v41+s7+$0x0] =	vst.idx.msk $0xffff, v40  }
.LBB2_9:
0x1c1: {  	p2 =	slt.u32 s20, $0x78;
	v37 =	vshrl.u32 v37, $0x3;
	v39 =	vmov s21;
	v40 =	vld [tilespmem:s18+$0xFFFFFF80];
	v21 =	vadd.s32 v8, v21;
	[tilespmem:v25+s7+$0x0] =	vst.idx.msk $0xffff, v24  }
0x1c2: {  	v24 =	vshrl.u32 v38, $0x3;
	v20 =	vadd.s32 v10, v20;
	v25 =	vshrl.u32 v39, $0x3;
	v38 =	vld [tilespmem:s18+$0xFFFFFFA0];
	[tilespmem:v27+s7+$0x0] =	vst.idx.msk $0xffff, v26  }
0x1c3: {  	v22 =	vadd.s32 v12, v22;
	v26 =	vshrl.u32 v28, $0x3;
	v25 =	vshll.u32 v25, v1;
	v27 =	vld [tilespmem:s18+$0xFFFFFFC0];
	[tilespmem:v31+s7+$0x0] =	vst.idx.msk $0xffff, v29  }
0x1c4: {  	v23 =	vadd.s32 v14, v23;
	v28 =	vshrl.u32 v32, $0x3;
	v25 =	vbroadcast v25, $0x0;
	[tilespmem:v35+s7+$0x0] =	vst.idx.msk $0xffff, v33;
	v29 =	vld [tilespmem:s18+$0xFFFFFFE0]  }
0x1c5: {  	v31 =	vshll.u32 v37, v1;
	v33 =	vadd.s32 v2, v17;
	v17 =	vbroadcast v30, $0x0;
	v32 =	vld [tilespmem:s18+$0xFFFFFF20];
	[tilespmem:v36+s7+$0x0] =	vst.idx.msk $0xffff, v34;
	s18 =	sadd.s32 $0x100, s18  }
0x1c6: {  	v24 =	vshll.u32 v24, v1;
	v30 =	vbroadcast v31, $0x0;
	v31 =	vld [tilespmem:s18+$0xFFFFFFF0];
	v34 =	vadd.s32 v15, v25;
	[tilespmem:v21+s7+$0x0] =	vst.idx.msk $0xffff, v40  }
0x1c7: {  	v39 =	vbroadcast v24, $0x0;
	v36 =	vadd.s32 v0, v17;
	v21 =	vshll.u32 v26, v1;
	v35 =	vld [tilespmem:s18+$0xFFFFFF10];
	[tilespmem:v20+s7+$0x0] =	vst.idx.msk $0xffff, v38  }
0x1c8: {  	v38 =	vadd.s32 v3, v30;
	v21 =	vbroadcast v21, $0x0;
	v20 =	vshll.u32 v28, v1;
	v26 =	vld [tilespmem:s18+$0xFFFFFF30];
	[tilespmem:v22+s7+$0x0] =	vst.idx.msk $0xffff, v27  }
0x1c9: {  	v18 =	vshrl.u32 v18, $0x3;
	v41 =	vadd.s32 v5, v39;
	v20 =	vbroadcast v20, $0x0;
	v40 =	vld [tilespmem:s18+$0xFFFFFF50];
	[tilespmem:v23+s7+$0x0] =	vst.idx.msk $0xffff, v29  }
0x1ca: {  	v19 =	vshrl.u32 v19, $0x3;
	v18 =	vshll.u32 v18, v1;
	v43 =	vadd.s32 v7, v21;
	v42 =	vld [tilespmem:s18+$0xFFFFFF70];
	[tilespmem:v33+s7+$0x0] =	vst.idx.msk $0xffff, v32  }
0x1cb: {  	v22 =	vbroadcast v18, $0x0;
	v18 =	vshll.u32 v19, v1;
	v45 =	vadd.s32 v9, v20;
	v44 =	vld [tilespmem:s18+$0xFFFFFF90];
	[tilespmem:v34+s7+$0x0] =	vst.idx.msk $0xffff, v31  }
.Ltmp3:
0x1cc: {  	s21 =	sadd.s32 $0x1, s20;
	v25 =	vadd.s32 v16, v25;
	v19 =	vmov s20;
	v23 =	vbroadcast v18, $0x0;
	[tilespmem:v36+s7+$0x0] =	vst.idx.msk $0xffff, v35;
	v24 =	vld [tilespmem:s18+$0x0];
	(pc) =	sbr.rel @p2 .LBB2_9-.Ltmp3, $4  }
0x1cd: {  	s22 =	sadd.s32 $0x3, s20;
	v37 =	vmov s21;
	s21 =	sadd.s32 $0x2, s20;
	v19 =	vshrl.u32 v19, $0x3;
	v27 =	vadd.s32 v11, v22;
	[tilespmem:v38+s7+$0x0] =	vst.idx.msk $0xffff, v26;
	v26 =	vld [tilespmem:s18+$0xFFFFFFB0]  }
0x1ce: {  	v28 =	vmov s22;
	s22 =	sadd.s32 $0x5, s20;
	v31 =	vadd.s32 v13, v23;
	v38 =	vmov s21;
	s21 =	sadd.s32 $0x4, s20;
	[tilespmem:v41+s7+$0x0] =	vst.idx.msk $0xffff, v40;
	v29 =	vld [tilespmem:s18+$0xFFFFFFD0]  }
0x1cf: {  	v18 =	vmov s22;
	v35 =	vadd.s32 v4, v30;
	v32 =	vmov s21;
	s21 =	sadd.s32 $0x6, s20;
	v33 =	vld [tilespmem:s18+$0xFFFFFF40];
	[tilespmem:v43+s7+$0x0] =	vst.idx.msk $0xffff, v42  }
0x1d0: {  	v30 =	vshll.u32 v19, v1;
	v36 =	vadd.s32 v6, v39;
	v19 =	vmov s21;
	s21 =	sadd.s32 $0x7, s20;
	s20 =	sadd.s32 $0x8, s20;
	v34 =	vld [tilespmem:s18+$0xFFFFFF60];
	[tilespmem:v45+s7+$0x0] =	vst.idx.msk $0xffff, v44  }
0x1d1: {  	_ =	sdelay $0x2  }
0x1d2: {  	v37 =	vshrl.u32 v37, $0x3  }
0x1d3: {  	v39 =	vmov s21;
	v40 =	vld [tilespmem:s18+$0xFFFFFF80];
	v21 =	vadd.s32 v8, v21;
	[tilespmem:v25+s7+$0x0] =	vst.idx.msk $0xffff, v24;
	v20 =	vadd.s32 v10, v20  }
0x1d4: {  	v49 =	vld [tilespmem:s18+$0xFFFFFFA0];
	v22 =	vadd.s32 v12, v22;
	v23 =	vadd.s32 v14, v23;
	v25 =	vshrl.u32 v39, $0x3;
	[tilespmem:v27+s7+$0x0] =	vst.idx.msk $0xffff, v26  }
0x1d5: {  	v24 =	vshrl.u32 v38, $0x3;
	v50 =	vld [tilespmem:s18+$0xFFFFFF20];
	v17 =	vadd.s32 v2, v17;
	v25 =	vshll.u32 v25, v1;
	[tilespmem:v31+s7+$0x0] =	vst.idx.msk $0xffff, v29  }
0x1d6: {  	v30 =	vbroadcast v30, $0x0;
	v27 =	vld [tilespmem:s18+$0xFFFFFFC0];
	v31 =	vshll.u32 v37, v1;
	v25 =	vbroadcast v25, $0x0;
	[tilespmem:v35+s7+$0x0] =	vst.idx.msk $0xffff, v33  }
0x1d7: {  	s21 =	sadd.s32 $0x100, s18;
	v26 =	vshrl.u32 v28, $0x3;
	v28 =	vshrl.u32 v32, $0x3;
	v29 =	vld [tilespmem:s18+$0xFFFFFFE0];
	v31 =	vbroadcast v31, $0x0;
	[tilespmem:v36+s7+$0x0] =	vst.idx.msk $0xffff, v34  }
0x1d8: {  	v18 =	vshrl.u32 v18, $0x3;
	v51 =	vld [tilespmem:s21+$0xFFFFFFF0];
	v28 =	vshll.u32 v28, v1;
	v52 =	vadd.s32 v15, v25;
	[tilespmem:v21+s7+$0x0] =	vst.idx.msk $0xffff, v40  }
0x1d9: {  	v24 =	vshll.u32 v24, v1;
	v28 =	vbroadcast v28, $0x0;
	[tilespmem:v20+s7+$0x0] =	vst.idx.msk $0xffff, v49;
	v20 =	vld [tilespmem:s21+$0xFFFFFF30];
	v54 =	vadd.s32 v3, v31  }
0x1da: {  	v53 =	vadd.s32 v0, v30;
	v24 =	vbroadcast v24, $0x0;
	v26 =	vshll.u32 v26, v1;
	v21 =	vld [tilespmem:s21+$0xFFFFFF10];
	[tilespmem:v17+s7+$0x0] =	vst.idx.msk $0xffff, v50  }
0x1db: {  	v18 =	vshll.u32 v18, v1;
	v26 =	vbroadcast v26, $0x0;
	v17 =	vld [tilespmem:s21+$0xFFFFFF90];
	v55 =	vadd.s32 v9, v28;
	[tilespmem:v22+s7+$0x0] =	vst.idx.msk $0xffff, v27  }
0x1dc: {  	v18 =	vbroadcast v18, $0x0;
	v22 =	vld [tilespmem:s21+$0xFFFFFF50];
	v27 =	vadd.s32 v5, v24;
	[tilespmem:v23+s7+$0x0] =	vst.idx.msk $0xffff, v29  }
0x1dd: {  	v19 =	vshrl.u32 v19, $0x3;
	v23 =	vld [tilespmem:s21+$0xFFFFFF70];
	v29 =	vadd.s32 v7, v26;
	[tilespmem:v52+s7+$0x0] =	vst.idx.msk $0xffff, v51  }
0x1de: {  	v19 =	vshll.u32 v19, v1;
	v56 =	vadd.s32 v11, v18;
	[tilespmem:v54+s7+$0x0] =	vst.idx.msk $0xffff, v20;
	v20 =	vld [tilespmem:s21+$0xFFFFFFB0]  }
0x1df: {  	v19 =	vbroadcast v19, $0x0;
	v25 =	vadd.s32 v16, v25;
	[tilespmem:v53+s7+$0x0] =	vst.idx.msk $0xffff, v21;
	v21 =	vld [tilespmem:s21+$0x0]  }
0x1e0: {  	v31 =	vadd.s32 v4, v31;
	[tilespmem:v55+s7+$0x0] =	vst.idx.msk $0xffff, v17;
	v57 =	vld [tilespmem:s21+$0xFFFFFF40]  }
0x1e1: {  	[tilespmem:v27+s7+$0x0] =	vst.idx.msk $0xffff, v22;
	v22 =	vld [tilespmem:s21+$0xFFFFFFD0];
	v27 =	vadd.s32 v13, v19  }
0x1e2: {  	v24 =	vadd.s32 v6, v24;
	[tilespmem:v29+s7+$0x0] =	vst.idx.msk $0xffff, v23;
	v23 =	vld [tilespmem:s21+$0xFFFFFF60]  }
0x1e3: {  	v26 =	vadd.s32 v8, v26;
	v17 =	vld [tilespmem:s21+$0xFFFFFF80];
	[tilespmem:v56+s7+$0x0] =	vst.idx.msk $0xffff, v20  }
0x1e4: {  	[tilespmem:v25+s7+$0x0] =	vst.idx.msk $0xffff, v21;
	v21 =	vld [tilespmem:s21+$0xFFFFFFA0];
	v25 =	vadd.s32 v10, v28  }
0x1e5: {  	v18 =	vadd.s32 v12, v18;
	v20 =	vld [tilespmem:s21+$0xFFFFFFC0];
	[tilespmem:v31+s7+$0x0] =	vst.idx.msk $0xffff, v57  }
0x1e6: {  	v28 =	vadd.s32 v2, v30;
	[tilespmem:v27+s7+$0x0] =	vst.idx.msk $0xffff, v22;
	v27 =	vld [tilespmem:s21+$0xFFFFFF20]  }
0x1e7: {  	v19 =	vadd.s32 v14, v19;
	v22 =	vld [tilespmem:s21+$0xFFFFFFE0];
	[tilespmem:v24+s7+$0x0] =	vst.idx.msk $0xffff, v23  }
0x1e8: {  	[tilespmem:v26+s7+$0x0] =	vst.idx.msk $0xffff, v17  }
0x1e9: {  	[tilespmem:v25+s7+$0x0] =	vst.idx.msk $0xffff, v21  }
0x1ea: {  	s22 =	sor.u32 s13, s31;
	[tilespmem:v18+s7+$0x0] =	vst.idx.msk $0xffff, v20  }
0x1eb: {  	s18 =	sshrl.u32 s22, $0x3;
	[tilespmem:v28+s7+$0x0] =	vst.idx.msk $0xffff, v27  }
0x1ec: {  	s18 =	sadd.s32 s2, s18;
	[tilespmem:v19+s7+$0x0] =	vst.idx.msk $0xffff, v22  }
0x1ed: {  	[hbm4b:s18+s3] =	stream.linear.scatter [tilespmem:s7], [sflag:$0x2], $0x80, $0x38;
	[tilespmem:$0x10C00] =	vst v63  }
0x1ee: {  	s31 =	simm.s32 $0xB788;
	s20 =	sadd.s32 $0x10, s18  }
0x1ef: {  	[hbm4b:s20+s3] =	stream.linear.scatter [tilespmem:s31], [sflag:$0x2], $0x80, $0x38;
	[tilespmem:$0x10C00] =	vst v63  }
0x1f0: {  	s22 =	sadd.s32 $0x20, s18;
	s31 =	simm.s32 $0xB810  }
0x1f1: {  	[hbm4b:s22+s3] =	stream.linear.scatter [tilespmem:s31], [sflag:$0x2], $0x80, $0x38;
	[tilespmem:$0x10C00] =	vst v63  }
0x1f2: {  	s22 =	sadd.s32 $0x30, s18;
	s31 =	simm.s32 $0xB898  }
0x1f3: {  	[hbm4b:s22+s3] =	stream.linear.scatter [tilespmem:s31], [sflag:$0x2], $0x80, $0x38;
	[tilespmem:$0x10C00] =	vst v63  }
0x1f4: {  	s22 =	sadd.s32 $0x40, s18;
	s31 =	simm.s32 $0xB920  }
0x1f5: {  	[hbm4b:s22+s3] =	stream.linear.scatter [tilespmem:s31], [sflag:$0x2], $0x80, $0x38;
	[tilespmem:$0x10C00] =	vst v63  }
0x1f6: {  	s22 =	sadd.s32 $0x50, s18;
	s31 =	simm.s32 $0xB9A8  }
0x1f7: {  	[hbm4b:s22+s3] =	stream.linear.scatter [tilespmem:s31], [sflag:$0x2], $0x80, $0x38;
	[tilespmem:$0x10C00] =	vst v63  }
0x1f8: {  	s22 =	sadd.s32 $0x60, s18;
	s31 =	simm.s32 $0xBA30  }
0x1f9: {  	[hbm4b:s22+s3] =	stream.linear.scatter [tilespmem:s31], [sflag:$0x2], $0x80, $0x38;
	[tilespmem:$0x10C00] =	vst v63  }
0x1fa: {  	s22 =	sadd.s32 $0x70, s18;
	s31 =	simm.s32 $0xBAB8  }
0x1fb: {  	[hbm4b:s22+s3] =	stream.linear.scatter [tilespmem:s31], [sflag:$0x2], $0x80, $0x38;
	[tilespmem:$0x10C00] =	vst v63  }
0x1fc: {  	s22 =	sadd.s32 $0x4000, s18;
	s31 =	simm.s32 $0xBB40  }
0x1fd: {  	[hbm4b:s22+s3] =	stream.linear.scatter [tilespmem:s31], [sflag:$0x2], $0x80, $0x38;
	[tilespmem:$0x10C00] =	vst v63  }
0x1fe: {  	s22 =	sadd.s32 $0x4010, s18;
	s31 =	simm.s32 $0xBBC8  }
0x1ff: {  	[hbm4b:s22+s3] =	stream.linear.scatter [tilespmem:s31], [sflag:$0x2], $0x80, $0x38;
	[tilespmem:$0x10C00] =	vst v63  }
0x200: {  	s22 =	sadd.s32 $0x4020, s18;
	s31 =	simm.s32 $0xBC50  }
0x201: {  	[hbm4b:s22+s3] =	stream.linear.scatter [tilespmem:s31], [sflag:$0x2], $0x80, $0x38;
	[tilespmem:$0x10C00] =	vst v63  }
0x202: {  	s22 =	sadd.s32 $0x4030, s18;
	s31 =	simm.s32 $0xBCD8  }
0x203: {  	[hbm4b:s22+s3] =	stream.linear.scatter [tilespmem:s31], [sflag:$0x2], $0x80, $0x38;
	[tilespmem:$0x10C00] =	vst v63  }
0x204: {  	s22 =	sadd.s32 $0x4040, s18;
	s31 =	simm.s32 $0xBD60  }
0x205: {  	[hbm4b:s22+s3] =	stream.linear.scatter [tilespmem:s31], [sflag:$0x2], $0x80, $0x38;
	[tilespmem:$0x10C00] =	vst v63  }
0x206: {  	s22 =	sadd.s32 $0x4050, s18;
	s31 =	simm.s32 $0xBDE8  }
0x207: {  	[hbm4b:s22+s3] =	stream.linear.scatter [tilespmem:s31], [sflag:$0x2], $0x80, $0x38;
	[tilespmem:$0x10C00] =	vst v63  }
0x208: {  	s22 =	sadd.s32 $0x4060, s18;
	s31 =	simm.s32 $0xBE70  }
0x209: {  	[hbm4b:s22+s3] =	stream.linear.scatter [tilespmem:s31], [sflag:$0x2], $0x80, $0x38;
	[tilespmem:$0x10C00] =	vst v63  }
0x20a: {  	s22 =	sadd.s32 $0x4070, s18;
	s31 =	simm.s32 $0xBEF8  }
0x20b: {  	[hbm4b:s22+s3] =	stream.linear.scatter [tilespmem:s31], [sflag:$0x2], $0x80, $0x38;
	[tilespmem:$0x10C00] =	vst v63  }
0x20c: {  	s22 =	sadd.s32 $0x8000, s18;
	s31 =	simm.s32 $0xBF80  }
0x20d: {  	[hbm4b:s22+s3] =	stream.linear.scatter [tilespmem:s31], [sflag:$0x2], $0x80, $0x38;
	[tilespmem:$0x10C00] =	vst v63  }
0x20e: {  	s22 =	sadd.s32 $0x8010, s18;
	s31 =	simm.s32 $0xC008  }
0x20f: {  	[hbm4b:s22+s3] =	stream.linear.scatter [tilespmem:s31], [sflag:$0x2], $0x80, $0x38;
	[tilespmem:$0x10C00] =	vst v63  }
0x210: {  	s22 =	sadd.s32 $0x8020, s18;
	s31 =	simm.s32 $0xC090  }
0x211: {  	[hbm4b:s22+s3] =	stream.linear.scatter [tilespmem:s31], [sflag:$0x2], $0x80, $0x38;
	[tilespmem:$0x10C00] =	vst v63  }
0x212: {  	s22 =	sadd.s32 $0x8030, s18;
	s31 =	simm.s32 $0xC118  }
0x213: {  	[hbm4b:s22+s3] =	stream.linear.scatter [tilespmem:s31], [sflag:$0x2], $0x80, $0x38;
	[tilespmem:$0x10C00] =	vst v63  }
0x214: {  	s22 =	sadd.s32 $0x8040, s18;
	s31 =	simm.s32 $0xC1A0  }
0x215: {  	[hbm4b:s22+s3] =	stream.linear.scatter [tilespmem:s31], [sflag:$0x2], $0x80, $0x38;
	[tilespmem:$0x10C00] =	vst v63  }
0x216: {  	s22 =	sadd.s32 $0x8050, s18;
	s31 =	simm.s32 $0xC228  }
0x217: {  	[hbm4b:s22+s3] =	stream.linear.scatter [tilespmem:s31], [sflag:$0x2], $0x80, $0x38;
	[tilespmem:$0x10C00] =	vst v63  }
0x218: {  	s22 =	sadd.s32 $0x8060, s18;
	s31 =	simm.s32 $0xC2B0  }
0x219: {  	[hbm4b:s22+s3] =	stream.linear.scatter [tilespmem:s31], [sflag:$0x2], $0x80, $0x38;
	[tilespmem:$0x10C00] =	vst v63  }
0x21a: {  	s22 =	sadd.s32 $0x8070, s18;
	s31 =	simm.s32 $0xC338  }
0x21b: {  	[hbm4b:s22+s3] =	stream.linear.scatter [tilespmem:s31], [sflag:$0x2], $0x80, $0x38;
	[tilespmem:$0x10C00] =	vst v63  }
0x21c: {  	s22 =	sadd.s32 $0xC000, s18;
	s31 =	simm.s32 $0xC3C0  }
0x21d: {  	[hbm4b:s22+s3] =	stream.linear.scatter [tilespmem:s31], [sflag:$0x2], $0x80, $0x38;
	[tilespmem:$0x10C00] =	vst v63  }
0x21e: {  	s22 =	sadd.s32 $0xC010, s18;
	s31 =	simm.s32 $0xC448  }
0x21f: {  	[hbm4b:s22+s3] =	stream.linear.scatter [tilespmem:s31], [sflag:$0x2], $0x80, $0x38;
	[tilespmem:$0x10C00] =	vst v63  }
0x220: {  	s22 =	sadd.s32 $0xC020, s18;
	s31 =	simm.s32 $0xC4D0  }
0x221: {  	[hbm4b:s22+s3] =	stream.linear.scatter [tilespmem:s31], [sflag:$0x2], $0x80, $0x38;
	[tilespmem:$0x10C00] =	vst v63  }
0x222: {  	s22 =	sadd.s32 $0xC030, s18;
	s31 =	simm.s32 $0xC558  }
0x223: {  	[hbm4b:s22+s3] =	stream.linear.scatter [tilespmem:s31], [sflag:$0x2], $0x80, $0x38;
	[tilespmem:$0x10C00] =	vst v63  }
0x224: {  	s22 =	sadd.s32 $0xC040, s18;
	s31 =	simm.s32 $0xC5E0  }
0x225: {  	[hbm4b:s22+s3] =	stream.linear.scatter [tilespmem:s31], [sflag:$0x2], $0x80, $0x38;
	[tilespmem:$0x10C00] =	vst v63  }
0x226: {  	s22 =	sadd.s32 $0xC050, s18;
	s31 =	simm.s32 $0xC668  }
0x227: {  	[hbm4b:s22+s3] =	stream.linear.scatter [tilespmem:s31], [sflag:$0x2], $0x80, $0x38;
	[tilespmem:$0x10C00] =	vst v63  }
0x228: {  	s22 =	sadd.s32 $0xC060, s18;
	s31 =	simm.s32 $0xC6F0  }
0x229: {  	[hbm4b:s22+s3] =	stream.linear.scatter [tilespmem:s31], [sflag:$0x2], $0x80, $0x38;
	[tilespmem:$0x10C00] =	vst v63  }
0x22a: {  	s21 =	simm.s32 $0xC778;
	s18 =	sadd.s32 $0xC070, s18  }
0x22b: {  	[hbm4b:s18+s3] =	stream.linear.scatter [tilespmem:s21], [sflag:$0x2], $0x80, $0x38;
	[tilespmem:$0x10C00] =	vst v63  }
0x22c: {  	s18 =	simm.s32 @!p1 $0x2  }
0x22d: {  	_ =	swait.ge @!p1 [sflag:s18], $0x1000  }
0x22e: {  	[sflag:s18] =	ssyncset.done @!p1 $0x0  }
0x22f: {  	[sflag:s18] =	ssyncadd.s32 @!p1 $0xFFFFF000  }
0x230: {  	_ =	swait.ge @!p1 [sflag:s18], $0x1000  }
0x231: {  	[sflag:s18] =	ssyncset.done @!p1 $0x0  }
0x232: {  	[sflag:s18] =	ssyncadd.s32 @!p1 $0xFFFFF000  }
0x233: {  	_ =	swait.ge @!p1 [sflag:s18], $0x1000  }
0x234: {  	[sflag:s18] =	ssyncset.done @!p1 $0x0  }
0x235: {  	[sflag:s18] =	ssyncadd.s32 @!p1 $0xFFFFF000  }
0x236: {  	_ =	swait.ge @!p1 [sflag:s18], $0x1000  }
0x237: {  	[sflag:s18] =	ssyncset.done @!p1 $0x0  }
0x238: {  	[sflag:s18] =	ssyncadd.s32 @!p1 $0xFFFFF000  }
0x239: {  	s23 =	sor.u32 $0x1, s23;
	_ =	swait.ge [sflag:s24], $0x1000  }
0x23a: {  	p1 =	sgt.u32 s23, $0xC6;
	[sflag:s24] =	ssyncset.done $0x0  }
0x23b: {  	s18 =	simm.s32 @!p1 $0x3;
	[sflag:s24] =	ssyncadd.s32 $0xFFFFF000  }
0x23c: {  	_ =	swait.ge @!p1 [sflag:s18], $0x200  }
0x23d: {  	s20 =	simm.s32 @!p1 $0x0;
	[sflag:s18] =	ssyncset.done @!p1 $0x0  }
0x23e: {  	s21 =	simm.s32 @!p1 $0x400;
	[sflag:s18] =	ssyncadd.s32 @!p1 $0xFFFFFE00;
	s18 =	simm.s32 @!p1 $0x80  }
0x23f: {  	[tilespmem:s21], [sflag:$0x1] =	stream.indirect.gather @!p1 [hbm4b:s5+s18], $0x20, s20, s18, $0xb8;
	[tilespmem:$0x10C00] =	vst v63  }
0x240: {  	s20 =	simm.s32 @!p1 $0x1400  }
0x241: {  	[tilespmem:s20], [sflag:$0x1] =	stream.indirect.gather @!p1 [hbm4b:s5+s18], $0x20, s18, s18, $0xb8;
	[tilespmem:$0x10C00] =	vst v63  }
0x242: {  	s22 =	simm.s32 $0x0;
	s21 =	simm.s32 @!p1 $0x2400;
	s20 =	simm.s32 @!p1 $0x100  }
0x243: {  	[tilespmem:s21], [sflag:$0x1] =	stream.indirect.gather @!p1 [hbm4b:s5+s18], $0x20, s20, s18, $0xb8;
	[tilespmem:$0x10C00] =	vst v63  }
0x244: {  	s31 =	simm.s32 $0x2;
	s20 =	simm.s32 @!p1 $0x180;
	s21 =	simm.s32 @!p1 $0x3400  }
0x245: {  	[tilespmem:s21], [sflag:$0x1] =	stream.indirect.gather @!p1 [hbm4b:s5+s18], $0x20, s20, s18, $0xb8;
	[tilespmem:$0x10C00] =	vst v63  }
0x246: {  	v17 =	vmov s22;
	s22 =	simm.s32 $0x4;
	s18 =	sadd.s32 @!p0 s10, s30;
	s30 =	simm.s32 $0x1  }
0x247: {  	v19 =	vmov s31;
	s31 =	simm.s32 $0x5;
	v17 =	vshrl.u32 v17, $0x3;
	s18 =	sshrl.u32 @!p0 s18, $0x3;
	v18 =	vmov s30;
	s30 =	simm.s32 $0x7  }
0x248: {  	v21 =	vmov s22;
	v17 =	vshll.u32 v17, v1;
	s20 =	simm.s32 @!p0 $0x0;
	s21 =	simm.s32 @!p0 $0x200;
	s18 =	sadd.s32 @!p0 s4, s18;
	v22 =	vmov s30  }
0x249: {  	v23 =	vmov s31;
	v17 =	vbroadcast v17, $0x0;
	[tilespmem:s21], [sflag:$0x3] =	stream.linear.gather @!p0 [hbm4b:s18+s20], $0x200, $0x38;
	v22 =	vshrl.u32 v22, $0x3;
	[tilespmem:$0x10C00] =	vst v63  }
0x24a: {  	v19 =	vshrl.u32 v19, $0x3;
	v18 =	vshrl.u32 v18, $0x3;
	_ =	swait.ge [sflag:s24], $0x1000;
	v22 =	vshll.u32 v22, v1  }
0x24b: {  	v28 =	vadd.s32 v0, v17;
	s21 =	simm.s32 $0x3;
	s20 =	simm.s32 $0x6;
	v18 =	vshll.u32 v18, v1;
	[sflag:s24] =	ssyncset.done $0x0;
	v25 =	vbroadcast v22, $0x0  }
0x24c: {  	s18 =	simm.s32 $0x44F0;
	v20 =	vmov s21;
	v24 =	vmov s20;
	v30 =	vbroadcast v18, $0x0;
	[sflag:s24] =	ssyncadd.s32 $0xFFFFF000  }
0x24d: {  	v18 =	vshll.u32 v19, v1;
	v20 =	vshrl.u32 v20, $0x3;
	v19 =	vld [tilespmem:s18+$0xFFFFFFF0];
	v26 =	vadd.s32 v15, v25  }
0x24e: {  	v22 =	vshrl.u32 v21, $0x3;
	v58 =	vbroadcast v18, $0x0;
	v18 =	vshll.u32 v20, v1;
	v27 =	vld [tilespmem:s18+$0xFFFFFF10]  }
0x24f: {  	v31 =	vadd.s32 v3, v30;
	v29 =	vld [tilespmem:s18+$0xFFFFFF30];
	v21 =	vbroadcast v18, $0x0;
	v18 =	vshll.u32 v22, v1  }
0x250: {  	v59 =	vld [tilespmem:s18+$0xFFFFFF50];
	v60 =	vadd.s32 v5, v58;
	v20 =	vbroadcast v18, $0x0;
	v18 =	vshrl.u32 v23, $0x3  }
0x251: {  	v61 =	vld [tilespmem:s18+$0xFFFFFF70];
	v23 =	vshrl.u32 v24, $0x3;
	v62 =	vadd.s32 v7, v21;
	v18 =	vshll.u32 v18, v1  }
0x252: {  	s22 =	simm.s32 $0x9;
	v63 =	vld [tilespmem:s18+$0xFFFFFF90];
	v41 =	vadd.s32 v9, v20;
	v22 =	vbroadcast v18, $0x0;
	v18 =	vshll.u32 v23, v1;
	[tilespmem:v26+s26+$0x0] =	vst.idx.msk $0xffff, v19  }
0x253: {  	v37 =	vmov s22;
	s22 =	simm.s32 $0xC;
	s30 =	simm.s32 $0xA;
	v25 =	vadd.s32 v16, v25;
	v23 =	vbroadcast v18, $0x0;
	[tilespmem:v28+s26+$0x0] =	vst.idx.msk $0xffff, v27;
	v24 =	vld [tilespmem:s18+$0x0]  }
0x254: {  	v32 =	vmov s22;
	v38 =	vmov s30;
	s21 =	simm.s32 $0x8;
	[tilespmem:v31+s26+$0x0] =	vst.idx.msk $0xffff, v29;
	v26 =	vld [tilespmem:s18+$0xFFFFFFB0];
	v27 =	vadd.s32 v11, v22  }
0x255: {  	s31 =	simm.s32 $0xB;
	v35 =	vadd.s32 v4, v30;
	v19 =	vmov s21;
	[tilespmem:v60+s26+$0x0] =	vst.idx.msk $0xffff, v59;
	v29 =	vld [tilespmem:s18+$0xFFFFFFD0];
	v31 =	vadd.s32 v13, v23  }
0x256: {  	s30 =	simm.s32 $0xD;
	v36 =	vadd.s32 v6, v58;
	v28 =	vmov s31;
	s31 =	simm.s32 $0xE;
	v19 =	vshrl.u32 v19, $0x3;
	v33 =	vld [tilespmem:s18+$0xFFFFFF40];
	[tilespmem:v62+s26+$0x0] =	vst.idx.msk $0xffff, v61  }
0x257: {  	s20 =	simm.s32 $0x10;
	v18 =	vmov s30;
	s21 =	simm.s32 $0xF;
	v34 =	vld [tilespmem:s18+$0xFFFFFF60];
	v30 =	vshll.u32 v19, v1;
	v19 =	vmov s31;
	[tilespmem:v41+s26+$0x0] =	vst.idx.msk $0xffff, v63  }
.LBB2_11:
0x258: {  	p0 =	slt.u32 s20, $0x78;
	v37 =	vshrl.u32 v37, $0x3;
	v39 =	vmov s21;
	v40 =	vld [tilespmem:s18+$0xFFFFFF80];
	v21 =	vadd.s32 v8, v21;
	[tilespmem:v25+s26+$0x0] =	vst.idx.msk $0xffff, v24  }
0x259: {  	v24 =	vshrl.u32 v38, $0x3;
	v20 =	vadd.s32 v10, v20;
	v25 =	vshrl.u32 v39, $0x3;
	v38 =	vld [tilespmem:s18+$0xFFFFFFA0];
	[tilespmem:v27+s26+$0x0] =	vst.idx.msk $0xffff, v26  }
0x25a: {  	v22 =	vadd.s32 v12, v22;
	v26 =	vshrl.u32 v28, $0x3;
	v25 =	vshll.u32 v25, v1;
	v27 =	vld [tilespmem:s18+$0xFFFFFFC0];
	[tilespmem:v31+s26+$0x0] =	vst.idx.msk $0xffff, v29  }
0x25b: {  	v23 =	vadd.s32 v14, v23;
	v28 =	vshrl.u32 v32, $0x3;
	v25 =	vbroadcast v25, $0x0;
	[tilespmem:v35+s26+$0x0] =	vst.idx.msk $0xffff, v33;
	v29 =	vld [tilespmem:s18+$0xFFFFFFE0]  }
0x25c: {  	v31 =	vshll.u32 v37, v1;
	v33 =	vadd.s32 v2, v17;
	v17 =	vbroadcast v30, $0x0;
	v32 =	vld [tilespmem:s18+$0xFFFFFF20];
	[tilespmem:v36+s26+$0x0] =	vst.idx.msk $0xffff, v34;
	s18 =	sadd.s32 $0x100, s18  }
0x25d: {  	v24 =	vshll.u32 v24, v1;
	v30 =	vbroadcast v31, $0x0;
	v31 =	vld [tilespmem:s18+$0xFFFFFFF0];
	v34 =	vadd.s32 v15, v25;
	[tilespmem:v21+s26+$0x0] =	vst.idx.msk $0xffff, v40  }
0x25e: {  	v39 =	vbroadcast v24, $0x0;
	v36 =	vadd.s32 v0, v17;
	v21 =	vshll.u32 v26, v1;
	v35 =	vld [tilespmem:s18+$0xFFFFFF10];
	[tilespmem:v20+s26+$0x0] =	vst.idx.msk $0xffff, v38  }
0x25f: {  	v38 =	vadd.s32 v3, v30;
	v21 =	vbroadcast v21, $0x0;
	v20 =	vshll.u32 v28, v1;
	v26 =	vld [tilespmem:s18+$0xFFFFFF30];
	[tilespmem:v22+s26+$0x0] =	vst.idx.msk $0xffff, v27  }
0x260: {  	v18 =	vshrl.u32 v18, $0x3;
	v41 =	vadd.s32 v5, v39;
	v20 =	vbroadcast v20, $0x0;
	v40 =	vld [tilespmem:s18+$0xFFFFFF50];
	[tilespmem:v23+s26+$0x0] =	vst.idx.msk $0xffff, v29  }
0x261: {  	v19 =	vshrl.u32 v19, $0x3;
	v18 =	vshll.u32 v18, v1;
	v43 =	vadd.s32 v7, v21;
	v42 =	vld [tilespmem:s18+$0xFFFFFF70];
	[tilespmem:v33+s26+$0x0] =	vst.idx.msk $0xffff, v32  }
0x262: {  	v22 =	vbroadcast v18, $0x0;
	v18 =	vshll.u32 v19, v1;
	v45 =	vadd.s32 v9, v20;
	v44 =	vld [tilespmem:s18+$0xFFFFFF90];
	[tilespmem:v34+s26+$0x0] =	vst.idx.msk $0xffff, v31  }
.Ltmp4:
0x263: {  	s21 =	sadd.s32 $0x1, s20;
	v25 =	vadd.s32 v16, v25;
	v19 =	vmov s20;
	v23 =	vbroadcast v18, $0x0;
	[tilespmem:v36+s26+$0x0] =	vst.idx.msk $0xffff, v35;
	v24 =	vld [tilespmem:s18+$0x0];
	(pc) =	sbr.rel @p0 .LBB2_11-.Ltmp4, $4  }
0x264: {  	s22 =	sadd.s32 $0x3, s20;
	v37 =	vmov s21;
	s21 =	sadd.s32 $0x2, s20;
	v19 =	vshrl.u32 v19, $0x3;
	v27 =	vadd.s32 v11, v22;
	[tilespmem:v38+s26+$0x0] =	vst.idx.msk $0xffff, v26;
	v26 =	vld [tilespmem:s18+$0xFFFFFFB0]  }
0x265: {  	v28 =	vmov s22;
	s22 =	sadd.s32 $0x5, s20;
	v31 =	vadd.s32 v13, v23;
	v38 =	vmov s21;
	s21 =	sadd.s32 $0x4, s20;
	[tilespmem:v41+s26+$0x0] =	vst.idx.msk $0xffff, v40;
	v29 =	vld [tilespmem:s18+$0xFFFFFFD0]  }
0x266: {  	v18 =	vmov s22;
	v35 =	vadd.s32 v4, v30;
	v32 =	vmov s21;
	s21 =	sadd.s32 $0x6, s20;
	v33 =	vld [tilespmem:s18+$0xFFFFFF40];
	[tilespmem:v43+s26+$0x0] =	vst.idx.msk $0xffff, v42  }
0x267: {  	v30 =	vshll.u32 v19, v1;
	v36 =	vadd.s32 v6, v39;
	v19 =	vmov s21;
	s21 =	sadd.s32 $0x7, s20;
	s20 =	sadd.s32 $0x8, s20;
	v34 =	vld [tilespmem:s18+$0xFFFFFF60];
	[tilespmem:v45+s26+$0x0] =	vst.idx.msk $0xffff, v44  }
0x268: {  	_ =	sdelay $0x2  }
0x269: {  	v37 =	vshrl.u32 v37, $0x3  }
0x26a: {  	v39 =	vmov s21;
	v40 =	vld [tilespmem:s18+$0xFFFFFF80];
	v21 =	vadd.s32 v8, v21;
	[tilespmem:v25+s26+$0x0] =	vst.idx.msk $0xffff, v24;
	v20 =	vadd.s32 v10, v20  }
0x26b: {  	v49 =	vld [tilespmem:s18+$0xFFFFFFA0];
	v22 =	vadd.s32 v12, v22;
	v23 =	vadd.s32 v14, v23;
	v25 =	vshrl.u32 v39, $0x3;
	[tilespmem:v27+s26+$0x0] =	vst.idx.msk $0xffff, v26  }
0x26c: {  	v24 =	vshrl.u32 v38, $0x3;
	v50 =	vld [tilespmem:s18+$0xFFFFFF20];
	v17 =	vadd.s32 v2, v17;
	v25 =	vshll.u32 v25, v1;
	[tilespmem:v31+s26+$0x0] =	vst.idx.msk $0xffff, v29  }
0x26d: {  	v30 =	vbroadcast v30, $0x0;
	v27 =	vld [tilespmem:s18+$0xFFFFFFC0];
	v31 =	vshll.u32 v37, v1;
	v25 =	vbroadcast v25, $0x0;
	[tilespmem:v35+s26+$0x0] =	vst.idx.msk $0xffff, v33  }
0x26e: {  	s22 =	sadd.s32 $0x100, s18;
	v26 =	vshrl.u32 v28, $0x3;
	v28 =	vshrl.u32 v32, $0x3;
	v29 =	vld [tilespmem:s18+$0xFFFFFFE0];
	v31 =	vbroadcast v31, $0x0;
	[tilespmem:v36+s26+$0x0] =	vst.idx.msk $0xffff, v34  }
0x26f: {  	v18 =	vshrl.u32 v18, $0x3;
	v51 =	vld [tilespmem:s22+$0xFFFFFFF0];
	v28 =	vshll.u32 v28, v1;
	v52 =	vadd.s32 v15, v25;
	[tilespmem:v21+s26+$0x0] =	vst.idx.msk $0xffff, v40  }
0x270: {  	v24 =	vshll.u32 v24, v1;
	v28 =	vbroadcast v28, $0x0;
	[tilespmem:v20+s26+$0x0] =	vst.idx.msk $0xffff, v49;
	v20 =	vld [tilespmem:s22+$0xFFFFFF30];
	v54 =	vadd.s32 v3, v31  }
0x271: {  	v53 =	vadd.s32 v0, v30;
	v24 =	vbroadcast v24, $0x0;
	v26 =	vshll.u32 v26, v1;
	v21 =	vld [tilespmem:s22+$0xFFFFFF10];
	[tilespmem:v17+s26+$0x0] =	vst.idx.msk $0xffff, v50  }
0x272: {  	v18 =	vshll.u32 v18, v1;
	v26 =	vbroadcast v26, $0x0;
	v17 =	vld [tilespmem:s22+$0xFFFFFF90];
	v55 =	vadd.s32 v9, v28;
	[tilespmem:v22+s26+$0x0] =	vst.idx.msk $0xffff, v27  }
0x273: {  	v18 =	vbroadcast v18, $0x0;
	v22 =	vld [tilespmem:s22+$0xFFFFFF50];
	v27 =	vadd.s32 v5, v24;
	[tilespmem:v23+s26+$0x0] =	vst.idx.msk $0xffff, v29  }
0x274: {  	v19 =	vshrl.u32 v19, $0x3;
	v23 =	vld [tilespmem:s22+$0xFFFFFF70];
	v29 =	vadd.s32 v7, v26;
	[tilespmem:v52+s26+$0x0] =	vst.idx.msk $0xffff, v51  }
0x275: {  	v19 =	vshll.u32 v19, v1;
	v56 =	vadd.s32 v11, v18;
	[tilespmem:v54+s26+$0x0] =	vst.idx.msk $0xffff, v20;
	v20 =	vld [tilespmem:s22+$0xFFFFFFB0]  }
0x276: {  	v19 =	vbroadcast v19, $0x0;
	v25 =	vadd.s32 v16, v25;
	[tilespmem:v53+s26+$0x0] =	vst.idx.msk $0xffff, v21;
	v21 =	vld [tilespmem:s22+$0x0]  }
0x277: {  	v31 =	vadd.s32 v4, v31;
	[tilespmem:v55+s26+$0x0] =	vst.idx.msk $0xffff, v17;
	v57 =	vld [tilespmem:s22+$0xFFFFFF40]  }
0x278: {  	[tilespmem:v27+s26+$0x0] =	vst.idx.msk $0xffff, v22;
	v22 =	vld [tilespmem:s22+$0xFFFFFFD0];
	v27 =	vadd.s32 v13, v19  }
0x279: {  	v24 =	vadd.s32 v6, v24;
	[tilespmem:v29+s26+$0x0] =	vst.idx.msk $0xffff, v23;
	v23 =	vld [tilespmem:s22+$0xFFFFFF60]  }
0x27a: {  	v26 =	vadd.s32 v8, v26;
	v17 =	vld [tilespmem:s22+$0xFFFFFF80];
	[tilespmem:v56+s26+$0x0] =	vst.idx.msk $0xffff, v20  }
0x27b: {  	[tilespmem:v25+s26+$0x0] =	vst.idx.msk $0xffff, v21;
	v21 =	vld [tilespmem:s22+$0xFFFFFFA0];
	v25 =	vadd.s32 v10, v28  }
0x27c: {  	v18 =	vadd.s32 v12, v18;
	v20 =	vld [tilespmem:s22+$0xFFFFFFC0];
	[tilespmem:v31+s26+$0x0] =	vst.idx.msk $0xffff, v57  }
0x27d: {  	v28 =	vadd.s32 v2, v30;
	[tilespmem:v27+s26+$0x0] =	vst.idx.msk $0xffff, v22;
	v27 =	vld [tilespmem:s22+$0xFFFFFF20]  }
0x27e: {  	v19 =	vadd.s32 v14, v19;
	v22 =	vld [tilespmem:s22+$0xFFFFFFE0];
	[tilespmem:v24+s26+$0x0] =	vst.idx.msk $0xffff, v23  }
0x27f: {  	[tilespmem:v26+s26+$0x0] =	vst.idx.msk $0xffff, v17  }
0x280: {  	s23 =	sshll.u32 s23, $0x13;
	[tilespmem:v25+s26+$0x0] =	vst.idx.msk $0xffff, v21  }
0x281: {  	s30 =	sor.u32 s8, s23;
	[tilespmem:v18+s26+$0x0] =	vst.idx.msk $0xffff, v20  }
0x282: {  	s18 =	sshrl.u32 s30, $0x3;
	[tilespmem:v28+s26+$0x0] =	vst.idx.msk $0xffff, v27  }
0x283: {  	s20 =	sadd.s32 s2, s18;
	s18 =	simm.s32 $0x0;
	[tilespmem:v19+s26+$0x0] =	vst.idx.msk $0xffff, v22  }
0x284: {  	[hbm4b:s20+s18] =	stream.linear.scatter [tilespmem:s26], [sflag:$0x2], $0x80, $0x38;
	[tilespmem:$0x10C00] =	vst v63  }
0x285: {  	s31 =	sadd.s32 $0x10, s20;
	s22 =	simm.s32 $0xC888  }
0x286: {  	[hbm4b:s31+s18] =	stream.linear.scatter [tilespmem:s22], [sflag:$0x2], $0x80, $0x38;
	[tilespmem:$0x10C00] =	vst v63  }
0x287: {  	s30 =	sadd.s32 $0x20, s20;
	s31 =	simm.s32 $0xC910  }
0x288: {  	[hbm4b:s30+s18] =	stream.linear.scatter [tilespmem:s31], [sflag:$0x2], $0x80, $0x38;
	[tilespmem:$0x10C00] =	vst v63  }
0x289: {  	s30 =	sadd.s32 $0x30, s20;
	s31 =	simm.s32 $0xC998  }
0x28a: {  	[hbm4b:s30+s18] =	stream.linear.scatter [tilespmem:s31], [sflag:$0x2], $0x80, $0x38;
	[tilespmem:$0x10C00] =	vst v63  }
0x28b: {  	s30 =	sadd.s32 $0x40, s20;
	s31 =	simm.s32 $0xCA20  }
0x28c: {  	[hbm4b:s30+s18] =	stream.linear.scatter [tilespmem:s31], [sflag:$0x2], $0x80, $0x38;
	[tilespmem:$0x10C00] =	vst v63  }
0x28d: {  	s30 =	sadd.s32 $0x50, s20;
	s31 =	simm.s32 $0xCAA8  }
0x28e: {  	[hbm4b:s30+s18] =	stream.linear.scatter [tilespmem:s31], [sflag:$0x2], $0x80, $0x38;
	[tilespmem:$0x10C00] =	vst v63  }
0x28f: {  	s30 =	sadd.s32 $0x60, s20;
	s31 =	simm.s32 $0xCB30  }
0x290: {  	[hbm4b:s30+s18] =	stream.linear.scatter [tilespmem:s31], [sflag:$0x2], $0x80, $0x38;
	[tilespmem:$0x10C00] =	vst v63  }
0x291: {  	s30 =	sadd.s32 $0x70, s20;
	s31 =	simm.s32 $0xCBB8  }
0x292: {  	[hbm4b:s30+s18] =	stream.linear.scatter [tilespmem:s31], [sflag:$0x2], $0x80, $0x38;
	[tilespmem:$0x10C00] =	vst v63  }
0x293: {  	s30 =	sadd.s32 $0x4000, s20;
	s31 =	simm.s32 $0xCC40  }
0x294: {  	[hbm4b:s30+s18] =	stream.linear.scatter [tilespmem:s31], [sflag:$0x2], $0x80, $0x38;
	[tilespmem:$0x10C00] =	vst v63  }
0x295: {  	s30 =	sadd.s32 $0x4010, s20;
	s31 =	simm.s32 $0xCCC8  }
0x296: {  	[hbm4b:s30+s18] =	stream.linear.scatter [tilespmem:s31], [sflag:$0x2], $0x80, $0x38;
	[tilespmem:$0x10C00] =	vst v63  }
0x297: {  	s30 =	sadd.s32 $0x4020, s20;
	s31 =	simm.s32 $0xCD50  }
0x298: {  	[hbm4b:s30+s18] =	stream.linear.scatter [tilespmem:s31], [sflag:$0x2], $0x80, $0x38;
	[tilespmem:$0x10C00] =	vst v63  }
0x299: {  	s30 =	sadd.s32 $0x4030, s20;
	s31 =	simm.s32 $0xCDD8  }
0x29a: {  	[hbm4b:s30+s18] =	stream.linear.scatter [tilespmem:s31], [sflag:$0x2], $0x80, $0x38;
	[tilespmem:$0x10C00] =	vst v63  }
0x29b: {  	s30 =	sadd.s32 $0x4040, s20;
	s31 =	simm.s32 $0xCE60  }
0x29c: {  	[hbm4b:s30+s18] =	stream.linear.scatter [tilespmem:s31], [sflag:$0x2], $0x80, $0x38;
	[tilespmem:$0x10C00] =	vst v63  }
0x29d: {  	s30 =	sadd.s32 $0x4050, s20;
	s31 =	simm.s32 $0xCEE8  }
0x29e: {  	[hbm4b:s30+s18] =	stream.linear.scatter [tilespmem:s31], [sflag:$0x2], $0x80, $0x38;
	[tilespmem:$0x10C00] =	vst v63  }
0x29f: {  	s30 =	sadd.s32 $0x4060, s20;
	s31 =	simm.s32 $0xCF70  }
0x2a0: {  	[hbm4b:s30+s18] =	stream.linear.scatter [tilespmem:s31], [sflag:$0x2], $0x80, $0x38;
	[tilespmem:$0x10C00] =	vst v63  }
0x2a1: {  	s30 =	sadd.s32 $0x4070, s20;
	s31 =	simm.s32 $0xCFF8  }
0x2a2: {  	[hbm4b:s30+s18] =	stream.linear.scatter [tilespmem:s31], [sflag:$0x2], $0x80, $0x38;
	[tilespmem:$0x10C00] =	vst v63  }
0x2a3: {  	s30 =	sadd.s32 $0x8000, s20;
	s31 =	simm.s32 $0xD080  }
0x2a4: {  	[hbm4b:s30+s18] =	stream.linear.scatter [tilespmem:s31], [sflag:$0x2], $0x80, $0x38;
	[tilespmem:$0x10C00] =	vst v63  }
0x2a5: {  	s30 =	sadd.s32 $0x8010, s20;
	s31 =	simm.s32 $0xD108  }
0x2a6: {  	[hbm4b:s30+s18] =	stream.linear.scatter [tilespmem:s31], [sflag:$0x2], $0x80, $0x38;
	[tilespmem:$0x10C00] =	vst v63  }
0x2a7: {  	s30 =	sadd.s32 $0x8020, s20;
	s31 =	simm.s32 $0xD190  }
0x2a8: {  	[hbm4b:s30+s18] =	stream.linear.scatter [tilespmem:s31], [sflag:$0x2], $0x80, $0x38;
	[tilespmem:$0x10C00] =	vst v63  }
0x2a9: {  	s30 =	sadd.s32 $0x8030, s20;
	s31 =	simm.s32 $0xD218  }
0x2aa: {  	[hbm4b:s30+s18] =	stream.linear.scatter [tilespmem:s31], [sflag:$0x2], $0x80, $0x38;
	[tilespmem:$0x10C00] =	vst v63  }
0x2ab: {  	s30 =	sadd.s32 $0x8040, s20;
	s31 =	simm.s32 $0xD2A0  }
0x2ac: {  	[hbm4b:s30+s18] =	stream.linear.scatter [tilespmem:s31], [sflag:$0x2], $0x80, $0x38;
	[tilespmem:$0x10C00] =	vst v63  }
0x2ad: {  	s30 =	sadd.s32 $0x8050, s20;
	s31 =	simm.s32 $0xD328  }
0x2ae: {  	[hbm4b:s30+s18] =	stream.linear.scatter [tilespmem:s31], [sflag:$0x2], $0x80, $0x38;
	[tilespmem:$0x10C00] =	vst v63  }
0x2af: {  	s30 =	sadd.s32 $0x8060, s20;
	s31 =	simm.s32 $0xD3B0  }
0x2b0: {  	[hbm4b:s30+s18] =	stream.linear.scatter [tilespmem:s31], [sflag:$0x2], $0x80, $0x38;
	[tilespmem:$0x10C00] =	vst v63  }
0x2b1: {  	s30 =	sadd.s32 $0x8070, s20;
	s31 =	simm.s32 $0xD438  }
0x2b2: {  	[hbm4b:s30+s18] =	stream.linear.scatter [tilespmem:s31], [sflag:$0x2], $0x80, $0x38;
	[tilespmem:$0x10C00] =	vst v63  }
0x2b3: {  	s30 =	sadd.s32 $0xC000, s20;
	s31 =	simm.s32 $0xD4C0  }
0x2b4: {  	[hbm4b:s30+s18] =	stream.linear.scatter [tilespmem:s31], [sflag:$0x2], $0x80, $0x38;
	[tilespmem:$0x10C00] =	vst v63  }
0x2b5: {  	s30 =	sadd.s32 $0xC010, s20;
	s31 =	simm.s32 $0xD548  }
0x2b6: {  	[hbm4b:s30+s18] =	stream.linear.scatter [tilespmem:s31], [sflag:$0x2], $0x80, $0x38;
	[tilespmem:$0x10C00] =	vst v63  }
0x2b7: {  	s30 =	sadd.s32 $0xC020, s20;
	s31 =	simm.s32 $0xD5D0  }
0x2b8: {  	[hbm4b:s30+s18] =	stream.linear.scatter [tilespmem:s31], [sflag:$0x2], $0x80, $0x38;
	[tilespmem:$0x10C00] =	vst v63  }
0x2b9: {  	s30 =	sadd.s32 $0xC030, s20;
	s31 =	simm.s32 $0xD658  }
0x2ba: {  	[hbm4b:s30+s18] =	stream.linear.scatter [tilespmem:s31], [sflag:$0x2], $0x80, $0x38;
	[tilespmem:$0x10C00] =	vst v63  }
0x2bb: {  	s30 =	sadd.s32 $0xC040, s20;
	s31 =	simm.s32 $0xD6E0  }
0x2bc: {  	[hbm4b:s30+s18] =	stream.linear.scatter [tilespmem:s31], [sflag:$0x2], $0x80, $0x38;
	[tilespmem:$0x10C00] =	vst v63  }
0x2bd: {  	s30 =	sadd.s32 $0xC050, s20;
	s31 =	simm.s32 $0xD768  }
0x2be: {  	[hbm4b:s30+s18] =	stream.linear.scatter [tilespmem:s31], [sflag:$0x2], $0x80, $0x38;
	[tilespmem:$0x10C00] =	vst v63  }
0x2bf: {  	s30 =	sadd.s32 $0xC060, s20;
	s31 =	simm.s32 $0xD7F0  }
0x2c0: {  	v17 =	vmov s18;
	[hbm4b:s30+s18] =	stream.linear.scatter [tilespmem:s31], [sflag:$0x2], $0x80, $0x38;
	[tilespmem:$0x10C00] =	vst v63  }
0x2c1: {  	s21 =	simm.s32 $0x3;
	v17 =	vshrl.u32 v17, $0x3;
	s30 =	simm.s32 $0x1  }
0x2c2: {  	v20 =	vmov s21;
	v17 =	vshll.u32 v17, v1;
	s31 =	simm.s32 $0x2;
	v18 =	vmov s30;
	s30 =	simm.s32 $0x7  }
0x2c3: {  	v17 =	vbroadcast v17, $0x0;
	s22 =	simm.s32 $0xD878;
	s20 =	sadd.s32 $0xC070, s20;
	v19 =	vmov s31;
	s31 =	simm.s32 $0x5;
	v22 =	vmov s30  }
0x2c4: {  	v20 =	vshrl.u32 v20, $0x3;
	[hbm4b:s20+s18] =	stream.linear.scatter [tilespmem:s22], [sflag:$0x2], $0x80, $0x38;
	v22 =	vshrl.u32 v22, $0x3;
	[tilespmem:$0x10C00] =	vst v63  }
0x2c5: {  	v28 =	vadd.s32 v0, v17;
	v23 =	vmov s31;
	_ =	swait.ge [sflag:s24], $0x1000;
	v22 =	vshll.u32 v22, v1  }
0x2c6: {  	s22 =	simm.s32 $0x4;
	s20 =	simm.s32 $0x6;
	v18 =	vshrl.u32 v18, $0x3;
	v19 =	vshrl.u32 v19, $0x3;
	[sflag:s24] =	ssyncset.done $0x0;
	v25 =	vbroadcast v22, $0x0  }
0x2c7: {  	s18 =	simm.s32 $0x54F0;
	v21 =	vmov s22;
	v24 =	vmov s20;
	v18 =	vshll.u32 v18, v1;
	[sflag:s24] =	ssyncadd.s32 $0xFFFFF000  }
0x2c8: {  	v30 =	vbroadcast v18, $0x0;
	v18 =	vshll.u32 v19, v1;
	v19 =	vld [tilespmem:s18+$0xFFFFFFF0];
	v26 =	vadd.s32 v15, v25  }
0x2c9: {  	v22 =	vshrl.u32 v21, $0x3;
	v58 =	vbroadcast v18, $0x0;
	v18 =	vshll.u32 v20, v1;
	v27 =	vld [tilespmem:s18+$0xFFFFFF10]  }
0x2ca: {  	v29 =	vld [tilespmem:s18+$0xFFFFFF30];
	v31 =	vadd.s32 v3, v30;
	v21 =	vbroadcast v18, $0x0;
	v18 =	vshll.u32 v22, v1  }
0x2cb: {  	v59 =	vld [tilespmem:s18+$0xFFFFFF50];
	v60 =	vadd.s32 v5, v58;
	v20 =	vbroadcast v18, $0x0;
	v18 =	vshrl.u32 v23, $0x3  }
0x2cc: {  	v61 =	vld [tilespmem:s18+$0xFFFFFF70];
	v23 =	vshrl.u32 v24, $0x3;
	v62 =	vadd.s32 v7, v21;
	v18 =	vshll.u32 v18, v1  }
0x2cd: {  	s22 =	simm.s32 $0x9;
	v63 =	vld [tilespmem:s18+$0xFFFFFF90];
	v41 =	vadd.s32 v9, v20;
	v22 =	vbroadcast v18, $0x0;
	v18 =	vshll.u32 v23, v1;
	[tilespmem:v26+s0+$0x0] =	vst.idx.msk $0xffff, v19  }
0x2ce: {  	s30 =	simm.s32 $0xA;
	v37 =	vmov s22;
	s22 =	simm.s32 $0xC;
	v25 =	vadd.s32 v16, v25;
	v23 =	vbroadcast v18, $0x0;
	[tilespmem:v28+s0+$0x0] =	vst.idx.msk $0xffff, v27;
	v24 =	vld [tilespmem:s18+$0x0]  }
0x2cf: {  	s21 =	simm.s32 $0x8;
	v38 =	vmov s30;
	v32 =	vmov s22;
	[tilespmem:v31+s0+$0x0] =	vst.idx.msk $0xffff, v29;
	v27 =	vadd.s32 v11, v22;
	v26 =	vld [tilespmem:s18+$0xFFFFFFB0]  }
0x2d0: {  	s31 =	simm.s32 $0xB;
	v35 =	vadd.s32 v4, v30;
	v29 =	vld [tilespmem:s18+$0xFFFFFFD0];
	v19 =	vmov s21;
	[tilespmem:v60+s0+$0x0] =	vst.idx.msk $0xffff, v59;
	v31 =	vadd.s32 v13, v23  }
0x2d1: {  	s30 =	simm.s32 $0xD;
	v36 =	vadd.s32 v6, v58;
	v28 =	vmov s31;
	s31 =	simm.s32 $0xE;
	v33 =	vld [tilespmem:s18+$0xFFFFFF40];
	v19 =	vshrl.u32 v19, $0x3;
	[tilespmem:v62+s0+$0x0] =	vst.idx.msk $0xffff, v61  }
0x2d2: {  	s20 =	simm.s32 $0x10;
	v18 =	vmov s30;
	s21 =	simm.s32 $0xF;
	v34 =	vld [tilespmem:s18+$0xFFFFFF60];
	v30 =	vshll.u32 v19, v1;
	v19 =	vmov s31;
	[tilespmem:v41+s0+$0x0] =	vst.idx.msk $0xffff, v63  }
.LBB2_13:
0x2d3: {  	p0 =	slt.u32 s20, $0x78;
	v37 =	vshrl.u32 v37, $0x3;
	v39 =	vmov s21;
	v40 =	vld [tilespmem:s18+$0xFFFFFF80];
	v21 =	vadd.s32 v8, v21;
	[tilespmem:v25+s0+$0x0] =	vst.idx.msk $0xffff, v24  }
0x2d4: {  	v24 =	vshrl.u32 v38, $0x3;
	v20 =	vadd.s32 v10, v20;
	v25 =	vshrl.u32 v39, $0x3;
	v38 =	vld [tilespmem:s18+$0xFFFFFFA0];
	[tilespmem:v27+s0+$0x0] =	vst.idx.msk $0xffff, v26  }
0x2d5: {  	v22 =	vadd.s32 v12, v22;
	v26 =	vshrl.u32 v28, $0x3;
	v25 =	vshll.u32 v25, v1;
	v27 =	vld [tilespmem:s18+$0xFFFFFFC0];
	[tilespmem:v31+s0+$0x0] =	vst.idx.msk $0xffff, v29  }
0x2d6: {  	v23 =	vadd.s32 v14, v23;
	v28 =	vshrl.u32 v32, $0x3;
	v25 =	vbroadcast v25, $0x0;
	[tilespmem:v35+s0+$0x0] =	vst.idx.msk $0xffff, v33;
	v29 =	vld [tilespmem:s18+$0xFFFFFFE0]  }
0x2d7: {  	v31 =	vshll.u32 v37, v1;
	v33 =	vadd.s32 v2, v17;
	v17 =	vbroadcast v30, $0x0;
	v32 =	vld [tilespmem:s18+$0xFFFFFF20];
	[tilespmem:v36+s0+$0x0] =	vst.idx.msk $0xffff, v34;
	s18 =	sadd.s32 $0x100, s18  }
0x2d8: {  	v24 =	vshll.u32 v24, v1;
	v30 =	vbroadcast v31, $0x0;
	v31 =	vld [tilespmem:s18+$0xFFFFFFF0];
	v34 =	vadd.s32 v15, v25;
	[tilespmem:v21+s0+$0x0] =	vst.idx.msk $0xffff, v40  }
0x2d9: {  	v39 =	vbroadcast v24, $0x0;
	v36 =	vadd.s32 v0, v17;
	v21 =	vshll.u32 v26, v1;
	v35 =	vld [tilespmem:s18+$0xFFFFFF10];
	[tilespmem:v20+s0+$0x0] =	vst.idx.msk $0xffff, v38  }
0x2da: {  	v38 =	vadd.s32 v3, v30;
	v21 =	vbroadcast v21, $0x0;
	v20 =	vshll.u32 v28, v1;
	v26 =	vld [tilespmem:s18+$0xFFFFFF30];
	[tilespmem:v22+s0+$0x0] =	vst.idx.msk $0xffff, v27  }
0x2db: {  	v18 =	vshrl.u32 v18, $0x3;
	v41 =	vadd.s32 v5, v39;
	v20 =	vbroadcast v20, $0x0;
	v40 =	vld [tilespmem:s18+$0xFFFFFF50];
	[tilespmem:v23+s0+$0x0] =	vst.idx.msk $0xffff, v29  }
0x2dc: {  	v19 =	vshrl.u32 v19, $0x3;
	v18 =	vshll.u32 v18, v1;
	v43 =	vadd.s32 v7, v21;
	v42 =	vld [tilespmem:s18+$0xFFFFFF70];
	[tilespmem:v33+s0+$0x0] =	vst.idx.msk $0xffff, v32  }
0x2dd: {  	v22 =	vbroadcast v18, $0x0;
	v18 =	vshll.u32 v19, v1;
	v45 =	vadd.s32 v9, v20;
	v44 =	vld [tilespmem:s18+$0xFFFFFF90];
	[tilespmem:v34+s0+$0x0] =	vst.idx.msk $0xffff, v31  }
.Ltmp5:
0x2de: {  	s21 =	sadd.s32 $0x1, s20;
	v25 =	vadd.s32 v16, v25;
	v19 =	vmov s20;
	v23 =	vbroadcast v18, $0x0;
	[tilespmem:v36+s0+$0x0] =	vst.idx.msk $0xffff, v35;
	v24 =	vld [tilespmem:s18+$0x0];
	(pc) =	sbr.rel @p0 .LBB2_13-.Ltmp5, $4  }
0x2df: {  	s22 =	sadd.s32 $0x3, s20;
	v37 =	vmov s21;
	s21 =	sadd.s32 $0x2, s20;
	v19 =	vshrl.u32 v19, $0x3;
	v27 =	vadd.s32 v11, v22;
	[tilespmem:v38+s0+$0x0] =	vst.idx.msk $0xffff, v26;
	v26 =	vld [tilespmem:s18+$0xFFFFFFB0]  }
0x2e0: {  	v28 =	vmov s22;
	s22 =	sadd.s32 $0x5, s20;
	v31 =	vadd.s32 v13, v23;
	v38 =	vmov s21;
	s21 =	sadd.s32 $0x4, s20;
	[tilespmem:v41+s0+$0x0] =	vst.idx.msk $0xffff, v40;
	v29 =	vld [tilespmem:s18+$0xFFFFFFD0]  }
0x2e1: {  	v18 =	vmov s22;
	v35 =	vadd.s32 v4, v30;
	v32 =	vmov s21;
	s21 =	sadd.s32 $0x6, s20;
	v33 =	vld [tilespmem:s18+$0xFFFFFF40];
	[tilespmem:v43+s0+$0x0] =	vst.idx.msk $0xffff, v42  }
0x2e2: {  	v30 =	vshll.u32 v19, v1;
	v36 =	vadd.s32 v6, v39;
	v19 =	vmov s21;
	s21 =	sadd.s32 $0x7, s20;
	s20 =	sadd.s32 $0x8, s20;
	v34 =	vld [tilespmem:s18+$0xFFFFFF60];
	[tilespmem:v45+s0+$0x0] =	vst.idx.msk $0xffff, v44  }
0x2e3: {  	_ =	sdelay $0x2  }
0x2e4: {  	v37 =	vshrl.u32 v37, $0x3  }
0x2e5: {  	v39 =	vmov s21;
	v40 =	vld [tilespmem:s18+$0xFFFFFF80];
	v21 =	vadd.s32 v8, v21;
	[tilespmem:v25+s0+$0x0] =	vst.idx.msk $0xffff, v24;
	v20 =	vadd.s32 v10, v20  }
0x2e6: {  	v49 =	vld [tilespmem:s18+$0xFFFFFFA0];
	v22 =	vadd.s32 v12, v22;
	v23 =	vadd.s32 v14, v23;
	v25 =	vshrl.u32 v39, $0x3;
	[tilespmem:v27+s0+$0x0] =	vst.idx.msk $0xffff, v26  }
0x2e7: {  	v24 =	vshrl.u32 v38, $0x3;
	v50 =	vld [tilespmem:s18+$0xFFFFFF20];
	v17 =	vadd.s32 v2, v17;
	v25 =	vshll.u32 v25, v1;
	[tilespmem:v31+s0+$0x0] =	vst.idx.msk $0xffff, v29  }
0x2e8: {  	v30 =	vbroadcast v30, $0x0;
	v27 =	vld [tilespmem:s18+$0xFFFFFFC0];
	v31 =	vshll.u32 v37, v1;
	v25 =	vbroadcast v25, $0x0;
	[tilespmem:v35+s0+$0x0] =	vst.idx.msk $0xffff, v33  }
0x2e9: {  	s22 =	sadd.s32 $0x100, s18;
	v26 =	vshrl.u32 v28, $0x3;
	v28 =	vshrl.u32 v32, $0x3;
	v29 =	vld [tilespmem:s18+$0xFFFFFFE0];
	v31 =	vbroadcast v31, $0x0;
	[tilespmem:v36+s0+$0x0] =	vst.idx.msk $0xffff, v34  }
0x2ea: {  	v18 =	vshrl.u32 v18, $0x3;
	v51 =	vld [tilespmem:s22+$0xFFFFFFF0];
	v28 =	vshll.u32 v28, v1;
	v52 =	vadd.s32 v15, v25;
	[tilespmem:v21+s0+$0x0] =	vst.idx.msk $0xffff, v40  }
0x2eb: {  	v24 =	vshll.u32 v24, v1;
	v28 =	vbroadcast v28, $0x0;
	[tilespmem:v20+s0+$0x0] =	vst.idx.msk $0xffff, v49;
	v20 =	vld [tilespmem:s22+$0xFFFFFF30];
	v54 =	vadd.s32 v3, v31  }
0x2ec: {  	v53 =	vadd.s32 v0, v30;
	v24 =	vbroadcast v24, $0x0;
	v26 =	vshll.u32 v26, v1;
	v21 =	vld [tilespmem:s22+$0xFFFFFF10];
	[tilespmem:v17+s0+$0x0] =	vst.idx.msk $0xffff, v50  }
0x2ed: {  	v18 =	vshll.u32 v18, v1;
	v26 =	vbroadcast v26, $0x0;
	v17 =	vld [tilespmem:s22+$0xFFFFFF90];
	v55 =	vadd.s32 v9, v28;
	[tilespmem:v22+s0+$0x0] =	vst.idx.msk $0xffff, v27  }
0x2ee: {  	v18 =	vbroadcast v18, $0x0;
	v22 =	vld [tilespmem:s22+$0xFFFFFF50];
	v27 =	vadd.s32 v5, v24;
	[tilespmem:v23+s0+$0x0] =	vst.idx.msk $0xffff, v29  }
0x2ef: {  	v19 =	vshrl.u32 v19, $0x3;
	v23 =	vld [tilespmem:s22+$0xFFFFFF70];
	v29 =	vadd.s32 v7, v26;
	[tilespmem:v52+s0+$0x0] =	vst.idx.msk $0xffff, v51  }
0x2f0: {  	v19 =	vshll.u32 v19, v1;
	v56 =	vadd.s32 v11, v18;
	[tilespmem:v54+s0+$0x0] =	vst.idx.msk $0xffff, v20;
	v20 =	vld [tilespmem:s22+$0xFFFFFFB0]  }
0x2f1: {  	v19 =	vbroadcast v19, $0x0;
	v25 =	vadd.s32 v16, v25;
	[tilespmem:v53+s0+$0x0] =	vst.idx.msk $0xffff, v21;
	v21 =	vld [tilespmem:s22+$0x0]  }
0x2f2: {  	v31 =	vadd.s32 v4, v31;
	[tilespmem:v55+s0+$0x0] =	vst.idx.msk $0xffff, v17;
	v57 =	vld [tilespmem:s22+$0xFFFFFF40]  }
0x2f3: {  	[tilespmem:v27+s0+$0x0] =	vst.idx.msk $0xffff, v22;
	v22 =	vld [tilespmem:s22+$0xFFFFFFD0];
	v27 =	vadd.s32 v13, v19  }
0x2f4: {  	v24 =	vadd.s32 v6, v24;
	[tilespmem:v29+s0+$0x0] =	vst.idx.msk $0xffff, v23;
	v23 =	vld [tilespmem:s22+$0xFFFFFF60]  }
0x2f5: {  	v26 =	vadd.s32 v8, v26;
	v17 =	vld [tilespmem:s22+$0xFFFFFF80];
	[tilespmem:v56+s0+$0x0] =	vst.idx.msk $0xffff, v20  }
0x2f6: {  	[tilespmem:v25+s0+$0x0] =	vst.idx.msk $0xffff, v21;
	v21 =	vld [tilespmem:s22+$0xFFFFFFA0];
	v25 =	vadd.s32 v10, v28  }
0x2f7: {  	v18 =	vadd.s32 v12, v18;
	v20 =	vld [tilespmem:s22+$0xFFFFFFC0];
	[tilespmem:v31+s0+$0x0] =	vst.idx.msk $0xffff, v57  }
0x2f8: {  	v28 =	vadd.s32 v2, v30;
	[tilespmem:v27+s0+$0x0] =	vst.idx.msk $0xffff, v22;
	v27 =	vld [tilespmem:s22+$0xFFFFFF20]  }
0x2f9: {  	v19 =	vadd.s32 v14, v19;
	v22 =	vld [tilespmem:s22+$0xFFFFFFE0];
	[tilespmem:v24+s0+$0x0] =	vst.idx.msk $0xffff, v23  }
0x2fa: {  	[tilespmem:v26+s0+$0x0] =	vst.idx.msk $0xffff, v17  }
0x2fb: {  	[tilespmem:v25+s0+$0x0] =	vst.idx.msk $0xffff, v21  }
0x2fc: {  	s30 =	sor.u32 s11, s23;
	[tilespmem:v18+s0+$0x0] =	vst.idx.msk $0xffff, v20  }
0x2fd: {  	s18 =	sshrl.u32 s30, $0x3;
	[tilespmem:v28+s0+$0x0] =	vst.idx.msk $0xffff, v27  }
0x2fe: {  	s20 =	sadd.s32 s2, s18;
	s18 =	simm.s32 $0x0;
	[tilespmem:v19+s0+$0x0] =	vst.idx.msk $0xffff, v22  }
0x2ff: {  	[hbm4b:s20+s18] =	stream.linear.scatter [tilespmem:s0], [sflag:$0x2], $0x80, $0x38;
	[tilespmem:$0x10C00] =	vst v63  }
0x300: {  	s31 =	sadd.s32 $0x10, s20;
	s22 =	simm.s32 $0xD988  }
0x301: {  	[hbm4b:s31+s18] =	stream.linear.scatter [tilespmem:s22], [sflag:$0x2], $0x80, $0x38;
	[tilespmem:$0x10C00] =	vst v63  }
0x302: {  	s30 =	sadd.s32 $0x20, s20;
	s31 =	simm.s32 $0xDA10  }
0x303: {  	[hbm4b:s30+s18] =	stream.linear.scatter [tilespmem:s31], [sflag:$0x2], $0x80, $0x38;
	[tilespmem:$0x10C00] =	vst v63  }
0x304: {  	s30 =	sadd.s32 $0x30, s20;
	s31 =	simm.s32 $0xDA98  }
0x305: {  	[hbm4b:s30+s18] =	stream.linear.scatter [tilespmem:s31], [sflag:$0x2], $0x80, $0x38;
	[tilespmem:$0x10C00] =	vst v63  }
0x306: {  	s30 =	sadd.s32 $0x40, s20;
	s31 =	simm.s32 $0xDB20  }
0x307: {  	[hbm4b:s30+s18] =	stream.linear.scatter [tilespmem:s31], [sflag:$0x2], $0x80, $0x38;
	[tilespmem:$0x10C00] =	vst v63  }
0x308: {  	s30 =	sadd.s32 $0x50, s20;
	s31 =	simm.s32 $0xDBA8  }
0x309: {  	[hbm4b:s30+s18] =	stream.linear.scatter [tilespmem:s31], [sflag:$0x2], $0x80, $0x38;
	[tilespmem:$0x10C00] =	vst v63  }
0x30a: {  	s30 =	sadd.s32 $0x60, s20;
	s31 =	simm.s32 $0xDC30  }
0x30b: {  	[hbm4b:s30+s18] =	stream.linear.scatter [tilespmem:s31], [sflag:$0x2], $0x80, $0x38;
	[tilespmem:$0x10C00] =	vst v63  }
0x30c: {  	s30 =	sadd.s32 $0x70, s20;
	s31 =	simm.s32 $0xDCB8  }
0x30d: {  	[hbm4b:s30+s18] =	stream.linear.scatter [tilespmem:s31], [sflag:$0x2], $0x80, $0x38;
	[tilespmem:$0x10C00] =	vst v63  }
0x30e: {  	s30 =	sadd.s32 $0x4000, s20;
	s31 =	simm.s32 $0xDD40  }
0x30f: {  	[hbm4b:s30+s18] =	stream.linear.scatter [tilespmem:s31], [sflag:$0x2], $0x80, $0x38;
	[tilespmem:$0x10C00] =	vst v63  }
0x310: {  	s30 =	sadd.s32 $0x4010, s20;
	s31 =	simm.s32 $0xDDC8  }
0x311: {  	[hbm4b:s30+s18] =	stream.linear.scatter [tilespmem:s31], [sflag:$0x2], $0x80, $0x38;
	[tilespmem:$0x10C00] =	vst v63  }
0x312: {  	s30 =	sadd.s32 $0x4020, s20;
	s31 =	simm.s32 $0xDE50  }
0x313: {  	[hbm4b:s30+s18] =	stream.linear.scatter [tilespmem:s31], [sflag:$0x2], $0x80, $0x38;
	[tilespmem:$0x10C00] =	vst v63  }
0x314: {  	s30 =	sadd.s32 $0x4030, s20;
	s31 =	simm.s32 $0xDED8  }
0x315: {  	[hbm4b:s30+s18] =	stream.linear.scatter [tilespmem:s31], [sflag:$0x2], $0x80, $0x38;
	[tilespmem:$0x10C00] =	vst v63  }
0x316: {  	s30 =	sadd.s32 $0x4040, s20;
	s31 =	simm.s32 $0xDF60  }
0x317: {  	[hbm4b:s30+s18] =	stream.linear.scatter [tilespmem:s31], [sflag:$0x2], $0x80, $0x38;
	[tilespmem:$0x10C00] =	vst v63  }
0x318: {  	s30 =	sadd.s32 $0x4050, s20;
	s31 =	simm.s32 $0xDFE8  }
0x319: {  	[hbm4b:s30+s18] =	stream.linear.scatter [tilespmem:s31], [sflag:$0x2], $0x80, $0x38;
	[tilespmem:$0x10C00] =	vst v63  }
0x31a: {  	s30 =	sadd.s32 $0x4060, s20;
	s31 =	simm.s32 $0xE070  }
0x31b: {  	[hbm4b:s30+s18] =	stream.linear.scatter [tilespmem:s31], [sflag:$0x2], $0x80, $0x38;
	[tilespmem:$0x10C00] =	vst v63  }
0x31c: {  	s30 =	sadd.s32 $0x4070, s20;
	s31 =	simm.s32 $0xE0F8  }
0x31d: {  	[hbm4b:s30+s18] =	stream.linear.scatter [tilespmem:s31], [sflag:$0x2], $0x80, $0x38;
	[tilespmem:$0x10C00] =	vst v63  }
0x31e: {  	s30 =	sadd.s32 $0x8000, s20;
	s31 =	simm.s32 $0xE180  }
0x31f: {  	[hbm4b:s30+s18] =	stream.linear.scatter [tilespmem:s31], [sflag:$0x2], $0x80, $0x38;
	[tilespmem:$0x10C00] =	vst v63  }
0x320: {  	s30 =	sadd.s32 $0x8010, s20;
	s31 =	simm.s32 $0xE208  }
0x321: {  	[hbm4b:s30+s18] =	stream.linear.scatter [tilespmem:s31], [sflag:$0x2], $0x80, $0x38;
	[tilespmem:$0x10C00] =	vst v63  }
0x322: {  	s30 =	sadd.s32 $0x8020, s20;
	s31 =	simm.s32 $0xE290  }
0x323: {  	[hbm4b:s30+s18] =	stream.linear.scatter [tilespmem:s31], [sflag:$0x2], $0x80, $0x38;
	[tilespmem:$0x10C00] =	vst v63  }
0x324: {  	s30 =	sadd.s32 $0x8030, s20;
	s31 =	simm.s32 $0xE318  }
0x325: {  	[hbm4b:s30+s18] =	stream.linear.scatter [tilespmem:s31], [sflag:$0x2], $0x80, $0x38;
	[tilespmem:$0x10C00] =	vst v63  }
0x326: {  	s30 =	sadd.s32 $0x8040, s20;
	s31 =	simm.s32 $0xE3A0  }
0x327: {  	[hbm4b:s30+s18] =	stream.linear.scatter [tilespmem:s31], [sflag:$0x2], $0x80, $0x38;
	[tilespmem:$0x10C00] =	vst v63  }
0x328: {  	s30 =	sadd.s32 $0x8050, s20;
	s31 =	simm.s32 $0xE428  }
0x329: {  	[hbm4b:s30+s18] =	stream.linear.scatter [tilespmem:s31], [sflag:$0x2], $0x80, $0x38;
	[tilespmem:$0x10C00] =	vst v63  }
0x32a: {  	s30 =	sadd.s32 $0x8060, s20;
	s31 =	simm.s32 $0xE4B0  }
0x32b: {  	[hbm4b:s30+s18] =	stream.linear.scatter [tilespmem:s31], [sflag:$0x2], $0x80, $0x38;
	[tilespmem:$0x10C00] =	vst v63  }
0x32c: {  	s30 =	sadd.s32 $0x8070, s20;
	s31 =	simm.s32 $0xE538  }
0x32d: {  	[hbm4b:s30+s18] =	stream.linear.scatter [tilespmem:s31], [sflag:$0x2], $0x80, $0x38;
	[tilespmem:$0x10C00] =	vst v63  }
0x32e: {  	s30 =	sadd.s32 $0xC000, s20;
	s31 =	simm.s32 $0xE5C0  }
0x32f: {  	[hbm4b:s30+s18] =	stream.linear.scatter [tilespmem:s31], [sflag:$0x2], $0x80, $0x38;
	[tilespmem:$0x10C00] =	vst v63  }
0x330: {  	s30 =	sadd.s32 $0xC010, s20;
	s31 =	simm.s32 $0xE648  }
0x331: {  	[hbm4b:s30+s18] =	stream.linear.scatter [tilespmem:s31], [sflag:$0x2], $0x80, $0x38;
	[tilespmem:$0x10C00] =	vst v63  }
0x332: {  	s30 =	sadd.s32 $0xC020, s20;
	s31 =	simm.s32 $0xE6D0  }
0x333: {  	[hbm4b:s30+s18] =	stream.linear.scatter [tilespmem:s31], [sflag:$0x2], $0x80, $0x38;
	[tilespmem:$0x10C00] =	vst v63  }
0x334: {  	s30 =	sadd.s32 $0xC030, s20;
	s31 =	simm.s32 $0xE758  }
0x335: {  	[hbm4b:s30+s18] =	stream.linear.scatter [tilespmem:s31], [sflag:$0x2], $0x80, $0x38;
	[tilespmem:$0x10C00] =	vst v63  }
0x336: {  	s30 =	sadd.s32 $0xC040, s20;
	s31 =	simm.s32 $0xE7E0  }
0x337: {  	[hbm4b:s30+s18] =	stream.linear.scatter [tilespmem:s31], [sflag:$0x2], $0x80, $0x38;
	[tilespmem:$0x10C00] =	vst v63  }
0x338: {  	s30 =	sadd.s32 $0xC050, s20;
	s31 =	simm.s32 $0xE868  }
0x339: {  	[hbm4b:s30+s18] =	stream.linear.scatter [tilespmem:s31], [sflag:$0x2], $0x80, $0x38;
	[tilespmem:$0x10C00] =	vst v63  }
0x33a: {  	s30 =	sadd.s32 $0xC060, s20;
	s31 =	simm.s32 $0xE8F0  }
0x33b: {  	v17 =	vmov s18;
	[hbm4b:s30+s18] =	stream.linear.scatter [tilespmem:s31], [sflag:$0x2], $0x80, $0x38;
	[tilespmem:$0x10C00] =	vst v63  }
0x33c: {  	s21 =	simm.s32 $0x3;
	v17 =	vshrl.u32 v17, $0x3;
	s30 =	simm.s32 $0x1  }
0x33d: {  	v20 =	vmov s21;
	v17 =	vshll.u32 v17, v1;
	s31 =	simm.s32 $0x2;
	v18 =	vmov s30;
	s30 =	simm.s32 $0x7  }
0x33e: {  	v17 =	vbroadcast v17, $0x0;
	s22 =	simm.s32 $0xE978;
	s20 =	sadd.s32 $0xC070, s20;
	v19 =	vmov s31;
	s31 =	simm.s32 $0x5;
	v22 =	vmov s30  }
0x33f: {  	v20 =	vshrl.u32 v20, $0x3;
	[hbm4b:s20+s18] =	stream.linear.scatter [tilespmem:s22], [sflag:$0x2], $0x80, $0x38;
	v22 =	vshrl.u32 v22, $0x3;
	[tilespmem:$0x10C00] =	vst v63  }
0x340: {  	v28 =	vadd.s32 v0, v17;
	v23 =	vmov s31;
	_ =	swait.ge [sflag:s24], $0x1000;
	v22 =	vshll.u32 v22, v1  }
0x341: {  	s22 =	simm.s32 $0x4;
	s20 =	simm.s32 $0x6;
	v18 =	vshrl.u32 v18, $0x3;
	v19 =	vshrl.u32 v19, $0x3;
	[sflag:s24] =	ssyncset.done $0x0;
	v25 =	vbroadcast v22, $0x0  }
0x342: {  	s18 =	simm.s32 $0x64F0;
	v21 =	vmov s22;
	v24 =	vmov s20;
	v18 =	vshll.u32 v18, v1;
	[sflag:s24] =	ssyncadd.s32 $0xFFFFF000  }
0x343: {  	v30 =	vbroadcast v18, $0x0;
	v18 =	vshll.u32 v19, v1;
	v19 =	vld [tilespmem:s18+$0xFFFFFFF0];
	v26 =	vadd.s32 v15, v25  }
0x344: {  	v22 =	vshrl.u32 v21, $0x3;
	v58 =	vbroadcast v18, $0x0;
	v18 =	vshll.u32 v20, v1;
	v27 =	vld [tilespmem:s18+$0xFFFFFF10]  }
0x345: {  	v29 =	vld [tilespmem:s18+$0xFFFFFF30];
	v31 =	vadd.s32 v3, v30;
	v21 =	vbroadcast v18, $0x0;
	v18 =	vshll.u32 v22, v1  }
0x346: {  	v59 =	vld [tilespmem:s18+$0xFFFFFF50];
	v60 =	vadd.s32 v5, v58;
	v20 =	vbroadcast v18, $0x0;
	v18 =	vshrl.u32 v23, $0x3  }
0x347: {  	v61 =	vld [tilespmem:s18+$0xFFFFFF70];
	v23 =	vshrl.u32 v24, $0x3;
	v62 =	vadd.s32 v7, v21;
	v18 =	vshll.u32 v18, v1  }
0x348: {  	s22 =	simm.s32 $0x9;
	v63 =	vld [tilespmem:s18+$0xFFFFFF90];
	v41 =	vadd.s32 v9, v20;
	v22 =	vbroadcast v18, $0x0;
	v18 =	vshll.u32 v23, v1;
	[tilespmem:v26+s28+$0x0] =	vst.idx.msk $0xffff, v19  }
0x349: {  	s30 =	simm.s32 $0xA;
	v37 =	vmov s22;
	s22 =	simm.s32 $0xC;
	v25 =	vadd.s32 v16, v25;
	v23 =	vbroadcast v18, $0x0;
	[tilespmem:v28+s28+$0x0] =	vst.idx.msk $0xffff, v27;
	v24 =	vld [tilespmem:s18+$0x0]  }
0x34a: {  	s21 =	simm.s32 $0x8;
	v38 =	vmov s30;
	v32 =	vmov s22;
	[tilespmem:v31+s28+$0x0] =	vst.idx.msk $0xffff, v29;
	v27 =	vadd.s32 v11, v22;
	v26 =	vld [tilespmem:s18+$0xFFFFFFB0]  }
0x34b: {  	s31 =	simm.s32 $0xB;
	v35 =	vadd.s32 v4, v30;
	v29 =	vld [tilespmem:s18+$0xFFFFFFD0];
	v19 =	vmov s21;
	[tilespmem:v60+s28+$0x0] =	vst.idx.msk $0xffff, v59;
	v31 =	vadd.s32 v13, v23  }
0x34c: {  	s30 =	simm.s32 $0xD;
	v36 =	vadd.s32 v6, v58;
	v28 =	vmov s31;
	s31 =	simm.s32 $0xE;
	v33 =	vld [tilespmem:s18+$0xFFFFFF40];
	v19 =	vshrl.u32 v19, $0x3;
	[tilespmem:v62+s28+$0x0] =	vst.idx.msk $0xffff, v61  }
0x34d: {  	s20 =	simm.s32 $0x10;
	v18 =	vmov s30;
	s21 =	simm.s32 $0xF;
	v34 =	vld [tilespmem:s18+$0xFFFFFF60];
	v30 =	vshll.u32 v19, v1;
	v19 =	vmov s31;
	[tilespmem:v41+s28+$0x0] =	vst.idx.msk $0xffff, v63  }
.LBB2_15:
0x34e: {  	p0 =	slt.u32 s20, $0x78;
	v37 =	vshrl.u32 v37, $0x3;
	v39 =	vmov s21;
	v40 =	vld [tilespmem:s18+$0xFFFFFF80];
	v21 =	vadd.s32 v8, v21;
	[tilespmem:v25+s28+$0x0] =	vst.idx.msk $0xffff, v24  }
0x34f: {  	v24 =	vshrl.u32 v38, $0x3;
	v20 =	vadd.s32 v10, v20;
	v25 =	vshrl.u32 v39, $0x3;
	v38 =	vld [tilespmem:s18+$0xFFFFFFA0];
	[tilespmem:v27+s28+$0x0] =	vst.idx.msk $0xffff, v26  }
0x350: {  	v22 =	vadd.s32 v12, v22;
	v26 =	vshrl.u32 v28, $0x3;
	v25 =	vshll.u32 v25, v1;
	v27 =	vld [tilespmem:s18+$0xFFFFFFC0];
	[tilespmem:v31+s28+$0x0] =	vst.idx.msk $0xffff, v29  }
0x351: {  	v23 =	vadd.s32 v14, v23;
	v28 =	vshrl.u32 v32, $0x3;
	v25 =	vbroadcast v25, $0x0;
	[tilespmem:v35+s28+$0x0] =	vst.idx.msk $0xffff, v33;
	v29 =	vld [tilespmem:s18+$0xFFFFFFE0]  }
0x352: {  	v31 =	vshll.u32 v37, v1;
	v33 =	vadd.s32 v2, v17;
	v17 =	vbroadcast v30, $0x0;
	v32 =	vld [tilespmem:s18+$0xFFFFFF20];
	[tilespmem:v36+s28+$0x0] =	vst.idx.msk $0xffff, v34;
	s18 =	sadd.s32 $0x100, s18  }
0x353: {  	v24 =	vshll.u32 v24, v1;
	v30 =	vbroadcast v31, $0x0;
	v31 =	vld [tilespmem:s18+$0xFFFFFFF0];
	v34 =	vadd.s32 v15, v25;
	[tilespmem:v21+s28+$0x0] =	vst.idx.msk $0xffff, v40  }
0x354: {  	v39 =	vbroadcast v24, $0x0;
	v36 =	vadd.s32 v0, v17;
	v21 =	vshll.u32 v26, v1;
	v35 =	vld [tilespmem:s18+$0xFFFFFF10];
	[tilespmem:v20+s28+$0x0] =	vst.idx.msk $0xffff, v38  }
0x355: {  	v38 =	vadd.s32 v3, v30;
	v21 =	vbroadcast v21, $0x0;
	v20 =	vshll.u32 v28, v1;
	v26 =	vld [tilespmem:s18+$0xFFFFFF30];
	[tilespmem:v22+s28+$0x0] =	vst.idx.msk $0xffff, v27  }
0x356: {  	v18 =	vshrl.u32 v18, $0x3;
	v41 =	vadd.s32 v5, v39;
	v20 =	vbroadcast v20, $0x0;
	v40 =	vld [tilespmem:s18+$0xFFFFFF50];
	[tilespmem:v23+s28+$0x0] =	vst.idx.msk $0xffff, v29  }
0x357: {  	v19 =	vshrl.u32 v19, $0x3;
	v18 =	vshll.u32 v18, v1;
	v43 =	vadd.s32 v7, v21;
	v42 =	vld [tilespmem:s18+$0xFFFFFF70];
	[tilespmem:v33+s28+$0x0] =	vst.idx.msk $0xffff, v32  }
0x358: {  	v22 =	vbroadcast v18, $0x0;
	v18 =	vshll.u32 v19, v1;
	v45 =	vadd.s32 v9, v20;
	v44 =	vld [tilespmem:s18+$0xFFFFFF90];
	[tilespmem:v34+s28+$0x0] =	vst.idx.msk $0xffff, v31  }
.Ltmp6:
0x359: {  	s21 =	sadd.s32 $0x1, s20;
	v25 =	vadd.s32 v16, v25;
	v19 =	vmov s20;
	v23 =	vbroadcast v18, $0x0;
	[tilespmem:v36+s28+$0x0] =	vst.idx.msk $0xffff, v35;
	v24 =	vld [tilespmem:s18+$0x0];
	(pc) =	sbr.rel @p0 .LBB2_15-.Ltmp6, $4  }
0x35a: {  	s22 =	sadd.s32 $0x3, s20;
	v37 =	vmov s21;
	s21 =	sadd.s32 $0x2, s20;
	v19 =	vshrl.u32 v19, $0x3;
	v27 =	vadd.s32 v11, v22;
	[tilespmem:v38+s28+$0x0] =	vst.idx.msk $0xffff, v26;
	v26 =	vld [tilespmem:s18+$0xFFFFFFB0]  }
0x35b: {  	v28 =	vmov s22;
	s22 =	sadd.s32 $0x5, s20;
	v31 =	vadd.s32 v13, v23;
	v38 =	vmov s21;
	s21 =	sadd.s32 $0x4, s20;
	[tilespmem:v41+s28+$0x0] =	vst.idx.msk $0xffff, v40;
	v29 =	vld [tilespmem:s18+$0xFFFFFFD0]  }
0x35c: {  	v18 =	vmov s22;
	v35 =	vadd.s32 v4, v30;
	v32 =	vmov s21;
	s21 =	sadd.s32 $0x6, s20;
	v33 =	vld [tilespmem:s18+$0xFFFFFF40];
	[tilespmem:v43+s28+$0x0] =	vst.idx.msk $0xffff, v42  }
0x35d: {  	v30 =	vshll.u32 v19, v1;
	v36 =	vadd.s32 v6, v39;
	v19 =	vmov s21;
	s21 =	sadd.s32 $0x7, s20;
	s20 =	sadd.s32 $0x8, s20;
	v34 =	vld [tilespmem:s18+$0xFFFFFF60];
	[tilespmem:v45+s28+$0x0] =	vst.idx.msk $0xffff, v44  }
0x35e: {  	_ =	sdelay $0x2  }
0x35f: {  	v37 =	vshrl.u32 v37, $0x3  }
0x360: {  	v39 =	vmov s21;
	v40 =	vld [tilespmem:s18+$0xFFFFFF80];
	v21 =	vadd.s32 v8, v21;
	[tilespmem:v25+s28+$0x0] =	vst.idx.msk $0xffff, v24;
	v20 =	vadd.s32 v10, v20  }
0x361: {  	v52 =	vld [tilespmem:s18+$0xFFFFFFA0];
	v22 =	vadd.s32 v12, v22;
	v23 =	vadd.s32 v14, v23;
	v25 =	vshrl.u32 v39, $0x3;
	[tilespmem:v27+s28+$0x0] =	vst.idx.msk $0xffff, v26  }
0x362: {  	v24 =	vshrl.u32 v38, $0x3;
	v53 =	vld [tilespmem:s18+$0xFFFFFF20];
	v17 =	vadd.s32 v2, v17;
	v25 =	vshll.u32 v25, v1;
	[tilespmem:v31+s28+$0x0] =	vst.idx.msk $0xffff, v29  }
0x363: {  	v30 =	vbroadcast v30, $0x0;
	v27 =	vld [tilespmem:s18+$0xFFFFFFC0];
	v31 =	vshll.u32 v37, v1;
	v25 =	vbroadcast v25, $0x0;
	[tilespmem:v35+s28+$0x0] =	vst.idx.msk $0xffff, v33  }
0x364: {  	s22 =	sadd.s32 $0x100, s18;
	v26 =	vshrl.u32 v28, $0x3;
	v28 =	vshrl.u32 v32, $0x3;
	v29 =	vld [tilespmem:s18+$0xFFFFFFE0];
	v31 =	vbroadcast v31, $0x0;
	[tilespmem:v36+s28+$0x0] =	vst.idx.msk $0xffff, v34  }
0x365: {  	v18 =	vshrl.u32 v18, $0x3;
	v54 =	vld [tilespmem:s22+$0xFFFFFFF0];
	v28 =	vshll.u32 v28, v1;
	v55 =	vadd.s32 v15, v25;
	[tilespmem:v21+s28+$0x0] =	vst.idx.msk $0xffff, v40  }
0x366: {  	v24 =	vshll.u32 v24, v1;
	v28 =	vbroadcast v28, $0x0;
	[tilespmem:v20+s28+$0x0] =	vst.idx.msk $0xffff, v52;
	v20 =	vld [tilespmem:s22+$0xFFFFFF30];
	v57 =	vadd.s32 v3, v31  }
0x367: {  	v56 =	vadd.s32 v0, v30;
	v24 =	vbroadcast v24, $0x0;
	v26 =	vshll.u32 v26, v1;
	v21 =	vld [tilespmem:s22+$0xFFFFFF10];
	[tilespmem:v17+s28+$0x0] =	vst.idx.msk $0xffff, v53  }
0x368: {  	v18 =	vshll.u32 v18, v1;
	v26 =	vbroadcast v26, $0x0;
	v17 =	vld [tilespmem:s22+$0xFFFFFF90];
	v58 =	vadd.s32 v9, v28;
	[tilespmem:v22+s28+$0x0] =	vst.idx.msk $0xffff, v27  }
0x369: {  	v18 =	vbroadcast v18, $0x0;
	v22 =	vld [tilespmem:s22+$0xFFFFFF50];
	v27 =	vadd.s32 v5, v24;
	[tilespmem:v23+s28+$0x0] =	vst.idx.msk $0xffff, v29  }
0x36a: {  	v19 =	vshrl.u32 v19, $0x3;
	v23 =	vld [tilespmem:s22+$0xFFFFFF70];
	v29 =	vadd.s32 v7, v26;
	[tilespmem:v55+s28+$0x0] =	vst.idx.msk $0xffff, v54  }
0x36b: {  	v19 =	vshll.u32 v19, v1;
	v59 =	vadd.s32 v11, v18;
	[tilespmem:v57+s28+$0x0] =	vst.idx.msk $0xffff, v20;
	v20 =	vld [tilespmem:s22+$0xFFFFFFB0]  }
0x36c: {  	v19 =	vbroadcast v19, $0x0;
	v25 =	vadd.s32 v16, v25;
	[tilespmem:v56+s28+$0x0] =	vst.idx.msk $0xffff, v21;
	v21 =	vld [tilespmem:s22+$0x0]  }
0x36d: {  	v31 =	vadd.s32 v4, v31;
	[tilespmem:v58+s28+$0x0] =	vst.idx.msk $0xffff, v17;
	v60 =	vld [tilespmem:s22+$0xFFFFFF40]  }
0x36e: {  	[tilespmem:v27+s28+$0x0] =	vst.idx.msk $0xffff, v22;
	v22 =	vld [tilespmem:s22+$0xFFFFFFD0];
	v27 =	vadd.s32 v13, v19  }
0x36f: {  	v24 =	vadd.s32 v6, v24;
	[tilespmem:v29+s28+$0x0] =	vst.idx.msk $0xffff, v23;
	v23 =	vld [tilespmem:s22+$0xFFFFFF60]  }
0x370: {  	v26 =	vadd.s32 v8, v26;
	v17 =	vld [tilespmem:s22+$0xFFFFFF80];
	[tilespmem:v59+s28+$0x0] =	vst.idx.msk $0xffff, v20  }
0x371: {  	[tilespmem:v25+s28+$0x0] =	vst.idx.msk $0xffff, v21;
	v21 =	vld [tilespmem:s22+$0xFFFFFFA0];
	v25 =	vadd.s32 v10, v28  }
0x372: {  	v18 =	vadd.s32 v12, v18;
	v20 =	vld [tilespmem:s22+$0xFFFFFFC0];
	[tilespmem:v31+s28+$0x0] =	vst.idx.msk $0xffff, v60  }
0x373: {  	v28 =	vadd.s32 v2, v30;
	[tilespmem:v27+s28+$0x0] =	vst.idx.msk $0xffff, v22;
	v27 =	vld [tilespmem:s22+$0xFFFFFF20]  }
0x374: {  	v19 =	vadd.s32 v14, v19;
	v22 =	vld [tilespmem:s22+$0xFFFFFFE0];
	[tilespmem:v24+s28+$0x0] =	vst.idx.msk $0xffff, v23  }
0x375: {  	[tilespmem:v26+s28+$0x0] =	vst.idx.msk $0xffff, v17  }
0x376: {  	[tilespmem:v25+s28+$0x0] =	vst.idx.msk $0xffff, v21  }
0x377: {  	s30 =	sor.u32 s12, s23;
	[tilespmem:v18+s28+$0x0] =	vst.idx.msk $0xffff, v20  }
0x378: {  	s18 =	sshrl.u32 s30, $0x3;
	[tilespmem:v28+s28+$0x0] =	vst.idx.msk $0xffff, v27  }
0x379: {  	s20 =	sadd.s32 s2, s18;
	s18 =	simm.s32 $0x0;
	[tilespmem:v19+s28+$0x0] =	vst.idx.msk $0xffff, v22  }
0x37a: {  	[hbm4b:s20+s18] =	stream.linear.scatter [tilespmem:s28], [sflag:$0x2], $0x80, $0x38;
	[tilespmem:$0x10C00] =	vst v63  }
0x37b: {  	s31 =	sadd.s32 $0x10, s20;
	s22 =	simm.s32 $0xEA88  }
0x37c: {  	[hbm4b:s31+s18] =	stream.linear.scatter [tilespmem:s22], [sflag:$0x2], $0x80, $0x38;
	[tilespmem:$0x10C00] =	vst v63  }
0x37d: {  	s30 =	sadd.s32 $0x20, s20;
	s31 =	simm.s32 $0xEB10  }
0x37e: {  	[hbm4b:s30+s18] =	stream.linear.scatter [tilespmem:s31], [sflag:$0x2], $0x80, $0x38;
	[tilespmem:$0x10C00] =	vst v63  }
0x37f: {  	s30 =	sadd.s32 $0x30, s20;
	s31 =	simm.s32 $0xEB98  }
0x380: {  	[hbm4b:s30+s18] =	stream.linear.scatter [tilespmem:s31], [sflag:$0x2], $0x80, $0x38;
	[tilespmem:$0x10C00] =	vst v63  }
0x381: {  	s30 =	sadd.s32 $0x40, s20;
	s31 =	simm.s32 $0xEC20  }
0x382: {  	[hbm4b:s30+s18] =	stream.linear.scatter [tilespmem:s31], [sflag:$0x2], $0x80, $0x38;
	[tilespmem:$0x10C00] =	vst v63  }
0x383: {  	s30 =	sadd.s32 $0x50, s20;
	s31 =	simm.s32 $0xECA8  }
0x384: {  	[hbm4b:s30+s18] =	stream.linear.scatter [tilespmem:s31], [sflag:$0x2], $0x80, $0x38;
	[tilespmem:$0x10C00] =	vst v63  }
0x385: {  	s30 =	sadd.s32 $0x60, s20;
	s31 =	simm.s32 $0xED30  }
0x386: {  	[hbm4b:s30+s18] =	stream.linear.scatter [tilespmem:s31], [sflag:$0x2], $0x80, $0x38;
	[tilespmem:$0x10C00] =	vst v63  }
0x387: {  	s30 =	sadd.s32 $0x70, s20;
	s31 =	simm.s32 $0xEDB8  }
0x388: {  	[hbm4b:s30+s18] =	stream.linear.scatter [tilespmem:s31], [sflag:$0x2], $0x80, $0x38;
	[tilespmem:$0x10C00] =	vst v63  }
0x389: {  	s30 =	sadd.s32 $0x4000, s20;
	s31 =	simm.s32 $0xEE40  }
0x38a: {  	[hbm4b:s30+s18] =	stream.linear.scatter [tilespmem:s31], [sflag:$0x2], $0x80, $0x38;
	[tilespmem:$0x10C00] =	vst v63  }
0x38b: {  	s30 =	sadd.s32 $0x4010, s20;
	s31 =	simm.s32 $0xEEC8  }
0x38c: {  	[hbm4b:s30+s18] =	stream.linear.scatter [tilespmem:s31], [sflag:$0x2], $0x80, $0x38;
	[tilespmem:$0x10C00] =	vst v63  }
0x38d: {  	s30 =	sadd.s32 $0x4020, s20;
	s31 =	simm.s32 $0xEF50  }
0x38e: {  	[hbm4b:s30+s18] =	stream.linear.scatter [tilespmem:s31], [sflag:$0x2], $0x80, $0x38;
	[tilespmem:$0x10C00] =	vst v63  }
0x38f: {  	s30 =	sadd.s32 $0x4030, s20;
	s31 =	simm.s32 $0xEFD8  }
0x390: {  	[hbm4b:s30+s18] =	stream.linear.scatter [tilespmem:s31], [sflag:$0x2], $0x80, $0x38;
	[tilespmem:$0x10C00] =	vst v63  }
0x391: {  	s30 =	sadd.s32 $0x4040, s20;
	s31 =	simm.s32 $0xF060  }
0x392: {  	[hbm4b:s30+s18] =	stream.linear.scatter [tilespmem:s31], [sflag:$0x2], $0x80, $0x38;
	[tilespmem:$0x10C00] =	vst v63  }
0x393: {  	s30 =	sadd.s32 $0x4050, s20;
	s31 =	simm.s32 $0xF0E8  }
0x394: {  	[hbm4b:s30+s18] =	stream.linear.scatter [tilespmem:s31], [sflag:$0x2], $0x80, $0x38;
	[tilespmem:$0x10C00] =	vst v63  }
0x395: {  	s30 =	sadd.s32 $0x4060, s20;
	s31 =	simm.s32 $0xF170  }
0x396: {  	[hbm4b:s30+s18] =	stream.linear.scatter [tilespmem:s31], [sflag:$0x2], $0x80, $0x38;
	[tilespmem:$0x10C00] =	vst v63  }
0x397: {  	s30 =	sadd.s32 $0x4070, s20;
	s31 =	simm.s32 $0xF1F8  }
0x398: {  	[hbm4b:s30+s18] =	stream.linear.scatter [tilespmem:s31], [sflag:$0x2], $0x80, $0x38;
	[tilespmem:$0x10C00] =	vst v63  }
0x399: {  	s30 =	sadd.s32 $0x8000, s20;
	s31 =	simm.s32 $0xF280  }
0x39a: {  	[hbm4b:s30+s18] =	stream.linear.scatter [tilespmem:s31], [sflag:$0x2], $0x80, $0x38;
	[tilespmem:$0x10C00] =	vst v63  }
0x39b: {  	s30 =	sadd.s32 $0x8010, s20;
	s31 =	simm.s32 $0xF308  }
0x39c: {  	[hbm4b:s30+s18] =	stream.linear.scatter [tilespmem:s31], [sflag:$0x2], $0x80, $0x38;
	[tilespmem:$0x10C00] =	vst v63  }
0x39d: {  	s30 =	sadd.s32 $0x8020, s20;
	s31 =	simm.s32 $0xF390  }
0x39e: {  	[hbm4b:s30+s18] =	stream.linear.scatter [tilespmem:s31], [sflag:$0x2], $0x80, $0x38;
	[tilespmem:$0x10C00] =	vst v63  }
0x39f: {  	s30 =	sadd.s32 $0x8030, s20;
	s31 =	simm.s32 $0xF418  }
0x3a0: {  	[hbm4b:s30+s18] =	stream.linear.scatter [tilespmem:s31], [sflag:$0x2], $0x80, $0x38;
	[tilespmem:$0x10C00] =	vst v63  }
0x3a1: {  	s30 =	sadd.s32 $0x8040, s20;
	s31 =	simm.s32 $0xF4A0  }
0x3a2: {  	[hbm4b:s30+s18] =	stream.linear.scatter [tilespmem:s31], [sflag:$0x2], $0x80, $0x38;
	[tilespmem:$0x10C00] =	vst v63  }
0x3a3: {  	s30 =	sadd.s32 $0x8050, s20;
	s31 =	simm.s32 $0xF528  }
0x3a4: {  	[hbm4b:s30+s18] =	stream.linear.scatter [tilespmem:s31], [sflag:$0x2], $0x80, $0x38;
	[tilespmem:$0x10C00] =	vst v63  }
0x3a5: {  	s30 =	sadd.s32 $0x8060, s20;
	s31 =	simm.s32 $0xF5B0  }
0x3a6: {  	[hbm4b:s30+s18] =	stream.linear.scatter [tilespmem:s31], [sflag:$0x2], $0x80, $0x38;
	[tilespmem:$0x10C00] =	vst v63  }
0x3a7: {  	s30 =	sadd.s32 $0x8070, s20;
	s31 =	simm.s32 $0xF638  }
0x3a8: {  	[hbm4b:s30+s18] =	stream.linear.scatter [tilespmem:s31], [sflag:$0x2], $0x80, $0x38;
	[tilespmem:$0x10C00] =	vst v63  }
0x3a9: {  	s30 =	sadd.s32 $0xC000, s20;
	s31 =	simm.s32 $0xF6C0  }
0x3aa: {  	[hbm4b:s30+s18] =	stream.linear.scatter [tilespmem:s31], [sflag:$0x2], $0x80, $0x38;
	[tilespmem:$0x10C00] =	vst v63  }
0x3ab: {  	s30 =	sadd.s32 $0xC010, s20;
	s31 =	simm.s32 $0xF748  }
0x3ac: {  	[hbm4b:s30+s18] =	stream.linear.scatter [tilespmem:s31], [sflag:$0x2], $0x80, $0x38;
	[tilespmem:$0x10C00] =	vst v63  }
0x3ad: {  	s30 =	sadd.s32 $0xC020, s20;
	s31 =	simm.s32 $0xF7D0  }
0x3ae: {  	[hbm4b:s30+s18] =	stream.linear.scatter [tilespmem:s31], [sflag:$0x2], $0x80, $0x38;
	[tilespmem:$0x10C00] =	vst v63  }
0x3af: {  	s30 =	sadd.s32 $0xC030, s20;
	s31 =	simm.s32 $0xF858  }
0x3b0: {  	[hbm4b:s30+s18] =	stream.linear.scatter [tilespmem:s31], [sflag:$0x2], $0x80, $0x38;
	[tilespmem:$0x10C00] =	vst v63  }
0x3b1: {  	s30 =	sadd.s32 $0xC040, s20;
	s31 =	simm.s32 $0xF8E0  }
0x3b2: {  	[hbm4b:s30+s18] =	stream.linear.scatter [tilespmem:s31], [sflag:$0x2], $0x80, $0x38;
	[tilespmem:$0x10C00] =	vst v63  }
0x3b3: {  	s30 =	sadd.s32 $0xC050, s20;
	s31 =	simm.s32 $0xF968  }
0x3b4: {  	[hbm4b:s30+s18] =	stream.linear.scatter [tilespmem:s31], [sflag:$0x2], $0x80, $0x38;
	[tilespmem:$0x10C00] =	vst v63  }
0x3b5: {  	s30 =	sadd.s32 $0xC060, s20;
	s31 =	simm.s32 $0xF9F0  }
0x3b6: {  	[hbm4b:s30+s18] =	stream.linear.scatter [tilespmem:s31], [sflag:$0x2], $0x80, $0x38;
	[tilespmem:$0x10C00] =	vst v63  }
0x3b7: {  	v18 =	vmov s18;
	s22 =	simm.s32 $0x1;
	s31 =	simm.s32 $0x3  }
0x3b8: {  	v18 =	vshrl.u32 v18, $0x3;
	v17 =	vmov s22;
	s22 =	simm.s32 $0x5;
	v20 =	vmov s31;
	s31 =	simm.s32 $0x7  }
0x3b9: {  	v18 =	vshll.u32 v18, v1;
	v23 =	vmov s22;
	s30 =	simm.s32 $0x2;
	v22 =	vmov s31  }
0x3ba: {  	v25 =	vshrl.u32 v17, $0x3;
	v19 =	vmov s30;
	s30 =	simm.s32 $0x4;
	v22 =	vshrl.u32 v22, $0x3  }
0x3bb: {  	s20 =	sadd.s32 $0xC070, s20;
	v21 =	vmov s30;
	s30 =	simm.s32 $0x6;
	s31 =	simm.s32 $0xFA78;
	v19 =	vshrl.u32 v19, $0x3;
	v17 =	vshll.u32 v22, v1  }
0x3bc: {  	v20 =	vshrl.u32 v20, $0x3;
	v24 =	vmov s30;
	[hbm4b:s20+s18] =	stream.linear.scatter [tilespmem:s31], [sflag:$0x2], $0x80, $0x38;
	v26 =	vbroadcast v17, $0x0;
	[tilespmem:$0x10C00] =	vst v63  }
0x3bd: {  	s18 =	simm.s32 $0x74F0;
	v22 =	vshrl.u32 v21, $0x3;
	v17 =	vbroadcast v18, $0x0;
	v18 =	vshll.u32 v25, v1  }
0x3be: {  	v30 =	vbroadcast v18, $0x0;
	v18 =	vshll.u32 v19, v1;
	v19 =	vld [tilespmem:s18+$0xFFFFFFF0];
	v25 =	vadd.s32 v15, v26  }
0x3bf: {  	v27 =	vld [tilespmem:s18+$0xFFFFFF10];
	v28 =	vadd.s32 v0, v17;
	v61 =	vbroadcast v18, $0x0;
	v18 =	vshll.u32 v20, v1  }
0x3c0: {  	v29 =	vld [tilespmem:s18+$0xFFFFFF30];
	v31 =	vadd.s32 v3, v30;
	v21 =	vbroadcast v18, $0x0;
	v18 =	vshll.u32 v22, v1  }
0x3c1: {  	v32 =	vld [tilespmem:s18+$0xFFFFFF50];
	v62 =	vadd.s32 v5, v61;
	v20 =	vbroadcast v18, $0x0;
	v18 =	vshrl.u32 v23, $0x3  }
0x3c2: {  	v34 =	vld [tilespmem:s18+$0xFFFFFF70];
	v23 =	vshrl.u32 v24, $0x3;
	v63 =	vadd.s32 v7, v21;
	v18 =	vshll.u32 v18, v1  }
0x3c3: {  	s22 =	simm.s32 $0x9;
	v40 =	vld [tilespmem:s18+$0xFFFFFF90];
	v41 =	vadd.s32 v9, v20;
	v22 =	vbroadcast v18, $0x0;
	v18 =	vshll.u32 v23, v1;
	[tilespmem:v25+s6+$0x0] =	vst.idx.msk $0xffff, v19  }
0x3c4: {  	v35 =	vmov s22;
	s30 =	simm.s32 $0xA;
	[tilespmem:v28+s6+$0x0] =	vst.idx.msk $0xffff, v27;
	v23 =	vbroadcast v18, $0x0;
	v25 =	vadd.s32 v16, v26;
	v24 =	vld [tilespmem:s18+$0x0]  }
0x3c5: {  	s21 =	simm.s32 $0x8;
	v38 =	vmov s30;
	v36 =	vadd.s32 v4, v30;
	v26 =	vld [tilespmem:s18+$0xFFFFFFB0];
	[tilespmem:v31+s6+$0x0] =	vst.idx.msk $0xffff, v29;
	v27 =	vadd.s32 v11, v22  }
0x3c6: {  	s31 =	simm.s32 $0xB;
	s30 =	simm.s32 $0xD;
	v37 =	vadd.s32 v6, v61;
	v19 =	vmov s21;
	v29 =	vld [tilespmem:s18+$0xFFFFFFD0];
	[tilespmem:v62+s6+$0x0] =	vst.idx.msk $0xffff, v32;
	v31 =	vadd.s32 v13, v23  }
0x3c7: {  	s22 =	simm.s32 $0xC;
	v28 =	vmov s31;
	v18 =	vmov s30;
	s31 =	simm.s32 $0xE;
	v19 =	vshrl.u32 v19, $0x3;
	v33 =	vld [tilespmem:s18+$0xFFFFFF40];
	[tilespmem:v63+s6+$0x0] =	vst.idx.msk $0xffff, v34  }
0x3c8: {  	s20 =	simm.s32 $0x10;
	s21 =	simm.s32 $0xF;
	v32 =	vmov s22;
	v30 =	vshll.u32 v19, v1;
	v19 =	vmov s31;
	v34 =	vld [tilespmem:s18+$0xFFFFFF60];
	[tilespmem:v41+s6+$0x0] =	vst.idx.msk $0xffff, v40  }
.LBB2_17:
0x3c9: {  	p0 =	slt.u32 s20, $0x78;
	v35 =	vshrl.u32 v35, $0x3;
	v39 =	vmov s21;
	v40 =	vld [tilespmem:s18+$0xFFFFFF80];
	v21 =	vadd.s32 v8, v21;
	[tilespmem:v25+s6+$0x0] =	vst.idx.msk $0xffff, v24  }
0x3ca: {  	v24 =	vshrl.u32 v38, $0x3;
	v20 =	vadd.s32 v10, v20;
	v25 =	vshrl.u32 v39, $0x3;
	v38 =	vld [tilespmem:s18+$0xFFFFFFA0];
	[tilespmem:v27+s6+$0x0] =	vst.idx.msk $0xffff, v26  }
0x3cb: {  	v22 =	vadd.s32 v12, v22;
	v26 =	vshrl.u32 v28, $0x3;
	v25 =	vshll.u32 v25, v1;
	v27 =	vld [tilespmem:s18+$0xFFFFFFC0];
	[tilespmem:v31+s6+$0x0] =	vst.idx.msk $0xffff, v29  }
0x3cc: {  	v23 =	vadd.s32 v14, v23;
	v28 =	vshrl.u32 v32, $0x3;
	v25 =	vbroadcast v25, $0x0;
	[tilespmem:v36+s6+$0x0] =	vst.idx.msk $0xffff, v33;
	v29 =	vld [tilespmem:s18+$0xFFFFFFE0]  }
0x3cd: {  	v31 =	vshll.u32 v35, v1;
	v33 =	vadd.s32 v2, v17;
	v17 =	vbroadcast v30, $0x0;
	v32 =	vld [tilespmem:s18+$0xFFFFFF20];
	[tilespmem:v37+s6+$0x0] =	vst.idx.msk $0xffff, v34;
	s18 =	sadd.s32 $0x100, s18  }
0x3ce: {  	v24 =	vshll.u32 v24, v1;
	v30 =	vbroadcast v31, $0x0;
	v31 =	vld [tilespmem:s18+$0xFFFFFFF0];
	v34 =	vadd.s32 v15, v25;
	[tilespmem:v21+s6+$0x0] =	vst.idx.msk $0xffff, v40  }
0x3cf: {  	v37 =	vbroadcast v24, $0x0;
	v36 =	vadd.s32 v0, v17;
	v21 =	vshll.u32 v26, v1;
	v35 =	vld [tilespmem:s18+$0xFFFFFF10];
	[tilespmem:v20+s6+$0x0] =	vst.idx.msk $0xffff, v38  }
0x3d0: {  	v38 =	vadd.s32 v3, v30;
	v21 =	vbroadcast v21, $0x0;
	v20 =	vshll.u32 v28, v1;
	v26 =	vld [tilespmem:s18+$0xFFFFFF30];
	[tilespmem:v22+s6+$0x0] =	vst.idx.msk $0xffff, v27  }
0x3d1: {  	v18 =	vshrl.u32 v18, $0x3;
	v40 =	vadd.s32 v5, v37;
	v20 =	vbroadcast v20, $0x0;
	v39 =	vld [tilespmem:s18+$0xFFFFFF50];
	[tilespmem:v23+s6+$0x0] =	vst.idx.msk $0xffff, v29  }
0x3d2: {  	v19 =	vshrl.u32 v19, $0x3;
	v18 =	vshll.u32 v18, v1;
	v42 =	vadd.s32 v7, v21;
	v41 =	vld [tilespmem:s18+$0xFFFFFF70];
	[tilespmem:v33+s6+$0x0] =	vst.idx.msk $0xffff, v32  }
0x3d3: {  	v22 =	vbroadcast v18, $0x0;
	v18 =	vshll.u32 v19, v1;
	v44 =	vadd.s32 v9, v20;
	v43 =	vld [tilespmem:s18+$0xFFFFFF90];
	[tilespmem:v34+s6+$0x0] =	vst.idx.msk $0xffff, v31  }
.Ltmp7:
0x3d4: {  	s21 =	sadd.s32 $0x1, s20;
	v25 =	vadd.s32 v16, v25;
	v19 =	vmov s20;
	v23 =	vbroadcast v18, $0x0;
	[tilespmem:v36+s6+$0x0] =	vst.idx.msk $0xffff, v35;
	v24 =	vld [tilespmem:s18+$0x0];
	(pc) =	sbr.rel @p0 .LBB2_17-.Ltmp7, $4  }
0x3d5: {  	s22 =	sadd.s32 $0x3, s20;
	v19 =	vshrl.u32 v19, $0x3;
	v27 =	vadd.s32 v11, v22;
	v35 =	vmov s21;
	s21 =	sadd.s32 $0x2, s20;
	[tilespmem:v38+s6+$0x0] =	vst.idx.msk $0xffff, v26;
	v26 =	vld [tilespmem:s18+$0xFFFFFFB0]  }
0x3d6: {  	v28 =	vmov s22;
	s22 =	sadd.s32 $0x5, s20;
	v31 =	vadd.s32 v13, v23;
	v38 =	vmov s21;
	s21 =	sadd.s32 $0x4, s20;
	[tilespmem:v40+s6+$0x0] =	vst.idx.msk $0xffff, v39;
	v29 =	vld [tilespmem:s18+$0xFFFFFFD0]  }
0x3d7: {  	v18 =	vmov s22;
	v36 =	vadd.s32 v4, v30;
	v32 =	vmov s21;
	s21 =	sadd.s32 $0x6, s20;
	v33 =	vld [tilespmem:s18+$0xFFFFFF40];
	[tilespmem:v42+s6+$0x0] =	vst.idx.msk $0xffff, v41  }
0x3d8: {  	v37 =	vadd.s32 v6, v37;
	v30 =	vshll.u32 v19, v1;
	v19 =	vmov s21;
	s21 =	sadd.s32 $0x7, s20;
	s20 =	sadd.s32 $0x8, s20;
	v34 =	vld [tilespmem:s18+$0xFFFFFF60];
	[tilespmem:v44+s6+$0x0] =	vst.idx.msk $0xffff, v43  }
0x3d9: {  	_ =	sdelay $0x2  }
0x3da: {  	v39 =	vmov s21;
	v35 =	vshrl.u32 v35, $0x3  }
0x3db: {  	v40 =	vld [tilespmem:s18+$0xFFFFFF80];
	v21 =	vadd.s32 v8, v21;
	[tilespmem:v25+s6+$0x0] =	vst.idx.msk $0xffff, v24;
	v59 =	vshrl.u32 v38, $0x3;
	v20 =	vadd.s32 v10, v20  }
0x3dc: {  	v61 =	vld [tilespmem:s18+$0xFFFFFFA0];
	v62 =	vshrl.u32 v28, $0x3;
	v22 =	vadd.s32 v12, v22;
	v63 =	vshrl.u32 v32, $0x3;
	[tilespmem:v27+s6+$0x0] =	vst.idx.msk $0xffff, v26  }
0x3dd: {  	v23 =	vadd.s32 v14, v23;
	v30 =	vbroadcast v30, $0x0;
	v41 =	vld [tilespmem:s18+$0xFFFFFF20];
	v17 =	vadd.s32 v2, v17;
	[tilespmem:v31+s6+$0x0] =	vst.idx.msk $0xffff, v29  }
0x3de: {  	s22 =	sadd.s32 $0x100, s18;
	v18 =	vshrl.u32 v18, $0x3;
	v60 =	vshrl.u32 v39, $0x3;
	v39 =	vshll.u32 v35, v1;
	v27 =	vld [tilespmem:s18+$0xFFFFFFC0];
	[tilespmem:v36+s6+$0x0] =	vst.idx.msk $0xffff, v33  }
0x3df: {  	v24 =	vshll.u32 v59, v1;
	v44 =	vld [tilespmem:s22+$0xFFFFFF10];
	v31 =	vbroadcast v39, $0x0;
	v45 =	vadd.s32 v0, v30;
	[tilespmem:v37+s6+$0x0] =	vst.idx.msk $0xffff, v34  }
0x3e0: {  	v19 =	vshrl.u32 v19, $0x3;
	v26 =	vshll.u32 v62, v1;
	v24 =	vbroadcast v24, $0x0;
	v29 =	vld [tilespmem:s18+$0xFFFFFFE0];
	[tilespmem:v21+s6+$0x0] =	vst.idx.msk $0xffff, v40  }
0x3e1: {  	v46 =	vld [tilespmem:s22+$0xFFFFFF30];
	v18 =	vshll.u32 v18, v1;
	v26 =	vbroadcast v26, $0x0;
	v47 =	vadd.s32 v3, v31;
	[tilespmem:v20+s6+$0x0] =	vst.idx.msk $0xffff, v61  }
0x3e2: {  	v48 =	vld [tilespmem:s22+$0xFFFFFF50];
	v19 =	vshll.u32 v19, v1;
	v18 =	vbroadcast v18, $0x0;
	v49 =	vadd.s32 v5, v24;
	[tilespmem:v17+s6+$0x0] =	vst.idx.msk $0xffff, v41  }
0x3e3: {  	v28 =	vshll.u32 v63, v1;
	v50 =	vld [tilespmem:s22+$0xFFFFFF70];
	v19 =	vbroadcast v19, $0x0;
	v51 =	vadd.s32 v7, v26;
	[tilespmem:v22+s6+$0x0] =	vst.idx.msk $0xffff, v27  }
0x3e4: {  	v54 =	vld [tilespmem:s22+$0xFFFFFFB0];
	v25 =	vshll.u32 v60, v1;
	v28 =	vbroadcast v28, $0x0;
	v55 =	vadd.s32 v11, v18;
	[tilespmem:v45+s6+$0x0] =	vst.idx.msk $0xffff, v44  }
0x3e5: {  	v56 =	vld [tilespmem:s22+$0xFFFFFFD0];
	v25 =	vbroadcast v25, $0x0;
	v57 =	vadd.s32 v13, v19;
	[tilespmem:v23+s6+$0x0] =	vst.idx.msk $0xffff, v29  }
0x3e6: {  	v52 =	vadd.s32 v9, v28;
	v17 =	vld [tilespmem:s22+$0xFFFFFF90];
	[tilespmem:v47+s6+$0x0] =	vst.idx.msk $0xffff, v46  }
0x3e7: {  	v42 =	vld [tilespmem:s22+$0xFFFFFFF0];
	v43 =	vadd.s32 v15, v25;
	[tilespmem:v49+s6+$0x0] =	vst.idx.msk $0xffff, v48  }
0x3e8: {  	v63 =	vadd.s32 v2, v30;
	v62 =	vld [tilespmem:s22+$0xFFFFFF20];
	[tilespmem:v51+s6+$0x0] =	vst.idx.msk $0xffff, v50  }
0x3e9: {  	v31 =	vadd.s32 v4, v31;
	[tilespmem:v55+s6+$0x0] =	vst.idx.msk $0xffff, v54;
	v58 =	vld [tilespmem:s22+$0xFFFFFF40]  }
0x3ea: {  	v24 =	vadd.s32 v6, v24;
	[tilespmem:v57+s6+$0x0] =	vst.idx.msk $0xffff, v56;
	v59 =	vld [tilespmem:s22+$0xFFFFFF60]  }
0x3eb: {  	v26 =	vadd.s32 v8, v26;
	[tilespmem:v52+s6+$0x0] =	vst.idx.msk $0xffff, v17;
	v17 =	vld [tilespmem:s22+$0xFFFFFF80]  }
0x3ec: {  	v18 =	vadd.s32 v12, v18;
	[tilespmem:v43+s6+$0x0] =	vst.idx.msk $0xffff, v42;
	v20 =	vld [tilespmem:s22+$0xFFFFFFC0]  }
0x3ed: {  	v19 =	vadd.s32 v14, v19;
	v22 =	vld [tilespmem:s22+$0xFFFFFFE0];
	[tilespmem:v63+s6+$0x0] =	vst.idx.msk $0xffff, v62  }
0x3ee: {  	v25 =	vadd.s32 v16, v25;
	v53 =	vld [tilespmem:s22+$0x0];
	[tilespmem:v31+s6+$0x0] =	vst.idx.msk $0xffff, v58  }
0x3ef: {  	v61 =	vadd.s32 v10, v28;
	v60 =	vld [tilespmem:s22+$0xFFFFFFA0];
	[tilespmem:v24+s6+$0x0] =	vst.idx.msk $0xffff, v59  }
0x3f0: {  	[tilespmem:v26+s6+$0x0] =	vst.idx.msk $0xffff, v17  }
0x3f1: {  	[tilespmem:v18+s6+$0x0] =	vst.idx.msk $0xffff, v20  }
0x3f2: {  	s30 =	sor.u32 s13, s23;
	[tilespmem:v19+s6+$0x0] =	vst.idx.msk $0xffff, v22  }
0x3f3: {  	s18 =	sshrl.u32 s30, $0x3;
	[tilespmem:v25+s6+$0x0] =	vst.idx.msk $0xffff, v53  }
0x3f4: {  	s18 =	sadd.s32 s2, s18;
	[tilespmem:v61+s6+$0x0] =	vst.idx.msk $0xffff, v60  }
0x3f5: {  	[hbm4b:s18+s3] =	stream.linear.scatter [tilespmem:s6], [sflag:$0x2], $0x80, $0x38;
	[tilespmem:$0x10C00] =	vst v63  }
0x3f6: {  	s31 =	simm.s32 $0xFB88;
	s20 =	sadd.s32 $0x10, s18  }
0x3f7: {  	[hbm4b:s20+s3] =	stream.linear.scatter [tilespmem:s31], [sflag:$0x2], $0x80, $0x38;
	[tilespmem:$0x10C00] =	vst v63  }
0x3f8: {  	s23 =	simm.s32 $0xFC10;
	s22 =	sadd.s32 $0x20, s18  }
0x3f9: {  	[hbm4b:s22+s3] =	stream.linear.scatter [tilespmem:s23], [sflag:$0x2], $0x80, $0x38;
	[tilespmem:$0x10C00] =	vst v63  }
0x3fa: {  	s30 =	sadd.s32 $0x30, s18;
	s31 =	simm.s32 $0xFC98  }
0x3fb: {  	[hbm4b:s30+s3] =	stream.linear.scatter [tilespmem:s31], [sflag:$0x2], $0x80, $0x38;
	[tilespmem:$0x10C00] =	vst v63  }
0x3fc: {  	s22 =	sadd.s32 $0x40, s18;
	s23 =	simm.s32 $0xFD20  }
0x3fd: {  	[hbm4b:s22+s3] =	stream.linear.scatter [tilespmem:s23], [sflag:$0x2], $0x80, $0x38;
	[tilespmem:$0x10C00] =	vst v63  }
0x3fe: {  	s30 =	sadd.s32 $0x50, s18;
	s31 =	simm.s32 $0xFDA8  }
0x3ff: {  	[hbm4b:s30+s3] =	stream.linear.scatter [tilespmem:s31], [sflag:$0x2], $0x80, $0x38;
	[tilespmem:$0x10C00] =	vst v63  }
0x400: {  	s22 =	sadd.s32 $0x60, s18;
	s23 =	simm.s32 $0xFE30  }
0x401: {  	[hbm4b:s22+s3] =	stream.linear.scatter [tilespmem:s23], [sflag:$0x2], $0x80, $0x38;
	[tilespmem:$0x10C00] =	vst v63  }
0x402: {  	s30 =	sadd.s32 $0x70, s18;
	s31 =	simm.s32 $0xFEB8  }
0x403: {  	[hbm4b:s30+s3] =	stream.linear.scatter [tilespmem:s31], [sflag:$0x2], $0x80, $0x38;
	[tilespmem:$0x10C00] =	vst v63  }
0x404: {  	s22 =	sadd.s32 $0x4000, s18;
	s23 =	simm.s32 $0xFF40  }
0x405: {  	[hbm4b:s22+s3] =	stream.linear.scatter [tilespmem:s23], [sflag:$0x2], $0x80, $0x38;
	[tilespmem:$0x10C00] =	vst v63  }
0x406: {  	s30 =	sadd.s32 $0x4010, s18;
	s31 =	simm.s32 $0xFFC8  }
0x407: {  	[hbm4b:s30+s3] =	stream.linear.scatter [tilespmem:s31], [sflag:$0x2], $0x80, $0x38;
	[tilespmem:$0x10C00] =	vst v63  }
0x408: {  	s22 =	sadd.s32 $0x4020, s18;
	s23 =	simm.s32 $0x10050  }
0x409: {  	[hbm4b:s22+s3] =	stream.linear.scatter [tilespmem:s23], [sflag:$0x2], $0x80, $0x38;
	[tilespmem:$0x10C00] =	vst v63  }
0x40a: {  	s30 =	sadd.s32 $0x4030, s18;
	s31 =	simm.s32 $0x100D8  }
0x40b: {  	[hbm4b:s30+s3] =	stream.linear.scatter [tilespmem:s31], [sflag:$0x2], $0x80, $0x38;
	[tilespmem:$0x10C00] =	vst v63  }
0x40c: {  	s22 =	sadd.s32 $0x4040, s18;
	s23 =	simm.s32 $0x10160  }
0x40d: {  	[hbm4b:s22+s3] =	stream.linear.scatter [tilespmem:s23], [sflag:$0x2], $0x80, $0x38;
	[tilespmem:$0x10C00] =	vst v63  }
0x40e: {  	s30 =	sadd.s32 $0x4050, s18;
	s31 =	simm.s32 $0x101E8  }
0x40f: {  	[hbm4b:s30+s3] =	stream.linear.scatter [tilespmem:s31], [sflag:$0x2], $0x80, $0x38;
	[tilespmem:$0x10C00] =	vst v63  }
0x410: {  	s22 =	sadd.s32 $0x4060, s18;
	s23 =	simm.s32 $0x10270  }
0x411: {  	[hbm4b:s22+s3] =	stream.linear.scatter [tilespmem:s23], [sflag:$0x2], $0x80, $0x38;
	[tilespmem:$0x10C00] =	vst v63  }
0x412: {  	s30 =	sadd.s32 $0x4070, s18;
	s31 =	simm.s32 $0x102F8  }
0x413: {  	[hbm4b:s30+s3] =	stream.linear.scatter [tilespmem:s31], [sflag:$0x2], $0x80, $0x38;
	[tilespmem:$0x10C00] =	vst v63  }
0x414: {  	s21 =	sadd.s32 $0x8000, s18  }
0x415: {  	[hbm4b:s21+s3] =	stream.linear.scatter [tilespmem:s14], [sflag:$0x2], $0x80, $0x38;
	[tilespmem:$0x10C00] =	vst v63  }
0x416: {  	s22 =	sadd.s32 $0x8010, s18;
	s23 =	simm.s32 $0x10408  }
0x417: {  	[hbm4b:s22+s3] =	stream.linear.scatter [tilespmem:s23], [sflag:$0x2], $0x80, $0x38;
	[tilespmem:$0x10C00] =	vst v63  }
0x418: {  	s30 =	sadd.s32 $0x8020, s18;
	s31 =	simm.s32 $0x10490  }
0x419: {  	[hbm4b:s30+s3] =	stream.linear.scatter [tilespmem:s31], [sflag:$0x2], $0x80, $0x38;
	[tilespmem:$0x10C00] =	vst v63  }
0x41a: {  	s22 =	sadd.s32 $0x8030, s18;
	s23 =	simm.s32 $0x10518  }
0x41b: {  	[hbm4b:s22+s3] =	stream.linear.scatter [tilespmem:s23], [sflag:$0x2], $0x80, $0x38;
	[tilespmem:$0x10C00] =	vst v63  }
0x41c: {  	s30 =	sadd.s32 $0x8040, s18;
	s31 =	simm.s32 $0x105A0  }
0x41d: {  	[hbm4b:s30+s3] =	stream.linear.scatter [tilespmem:s31], [sflag:$0x2], $0x80, $0x38;
	[tilespmem:$0x10C00] =	vst v63  }
0x41e: {  	s22 =	sadd.s32 $0x8050, s18;
	s23 =	simm.s32 $0x10628  }
0x41f: {  	[hbm4b:s22+s3] =	stream.linear.scatter [tilespmem:s23], [sflag:$0x2], $0x80, $0x38;
	[tilespmem:$0x10C00] =	vst v63  }
0x420: {  	s30 =	sadd.s32 $0x8060, s18;
	s31 =	simm.s32 $0x106B0  }
0x421: {  	[hbm4b:s30+s3] =	stream.linear.scatter [tilespmem:s31], [sflag:$0x2], $0x80, $0x38;
	[tilespmem:$0x10C00] =	vst v63  }
0x422: {  	s22 =	sadd.s32 $0x8070, s18;
	s23 =	simm.s32 $0x10738  }
0x423: {  	[hbm4b:s22+s3] =	stream.linear.scatter [tilespmem:s23], [sflag:$0x2], $0x80, $0x38;
	[tilespmem:$0x10C00] =	vst v63  }
0x424: {  	s30 =	sadd.s32 $0xC000, s18;
	s31 =	simm.s32 $0x107C0  }
0x425: {  	[hbm4b:s30+s3] =	stream.linear.scatter [tilespmem:s31], [sflag:$0x2], $0x80, $0x38;
	[tilespmem:$0x10C00] =	vst v63  }
0x426: {  	s22 =	sadd.s32 $0xC010, s18;
	s23 =	simm.s32 $0x10848  }
0x427: {  	[hbm4b:s22+s3] =	stream.linear.scatter [tilespmem:s23], [sflag:$0x2], $0x80, $0x38;
	[tilespmem:$0x10C00] =	vst v63  }
0x428: {  	s30 =	sadd.s32 $0xC020, s18;
	s31 =	simm.s32 $0x108D0  }
0x429: {  	[hbm4b:s30+s3] =	stream.linear.scatter [tilespmem:s31], [sflag:$0x2], $0x80, $0x38;
	[tilespmem:$0x10C00] =	vst v63  }
0x42a: {  	s22 =	sadd.s32 $0xC030, s18;
	s23 =	simm.s32 $0x10958  }
0x42b: {  	[hbm4b:s22+s3] =	stream.linear.scatter [tilespmem:s23], [sflag:$0x2], $0x80, $0x38;
	[tilespmem:$0x10C00] =	vst v63  }
0x42c: {  	s29 =	sadd.s32 $0x1, s29;
	s30 =	sadd.s32 $0xC040, s18;
	s31 =	simm.s32 $0x109E0  }
0x42d: {  	[hbm4b:s30+s3] =	stream.linear.scatter [tilespmem:s31], [sflag:$0x2], $0x80, $0x38;
	[tilespmem:$0x10C00] =	vst v63  }
0x42e: {  	p0 =	sne.s32 s29, $0x64;
	s22 =	sadd.s32 $0xC050, s18;
	s23 =	simm.s32 $0x10A68  }
0x42f: {  	[hbm4b:s22+s3] =	stream.linear.scatter [tilespmem:s23], [sflag:$0x2], $0x80, $0x38;
	[tilespmem:$0x10C00] =	vst v63  }
.Ltmp8:
0x430: {  	_ = 	snop;
	(pc) =	sbr.rel @p0 .LBB2_2-.Ltmp8, $4  }
0x431: {  	s30 =	sadd.s32 $0xC060, s18;
	s31 =	simm.s32 $0x10AF0  }
0x432: {  	[hbm4b:s30+s3] =	stream.linear.scatter [tilespmem:s31], [sflag:$0x2], $0x80, $0x38;
	[tilespmem:$0x10C00] =	vst v63  }
0x433: {  	s18 =	sadd.s32 $0xC070, s18  }
0x434: {  	[hbm4b:s18+s3] =	stream.linear.scatter [tilespmem:s15], [sflag:$0x2], $0x80, $0x38;
	[tilespmem:$0x10C00] =	vst v63  }
0x435: {  	s20 =	simm.s32 $0x2  }
0x436: {  	_ =	swait.ge [sflag:s20], $0x1000  }
0x437: {  	[sflag:s20] =	ssyncset.done $0x0  }
0x438: {  	[sflag:s20] =	ssyncadd.s32 $0xFFFFF000  }
0x439: {  	_ =	swait.ge [sflag:s20], $0x1000  }
0x43a: {  	[sflag:s20] =	ssyncset.done $0x0  }
0x43b: {  	[sflag:s20] =	ssyncadd.s32 $0xFFFFF000  }
0x43c: {  	_ =	swait.ge [sflag:s20], $0x1000  }
0x43d: {  	[sflag:s20] =	ssyncset.done $0x0  }
0x43e: {  	[sflag:s20] =	ssyncadd.s32 $0xFFFFF000  }
0x43f: {  	_ =	swait.ge [sflag:s20], $0x1000  }
0x440: {  	[sflag:s20] =	ssyncset.done $0x0  }
0x441: {  	[sflag:s20] =	ssyncadd.s32 $0xFFFFF000  }
0x442: {  	_ =	swait.ge [sflag:s20], $0x1000  }
0x443: {  	[sflag:s20] =	ssyncset.done $0x0  }
0x444: {  	[sflag:s20] =	ssyncadd.s32 $0xFFFFF000  }
0x445: {  	_ =	swait.ge [sflag:s20], $0x1000  }
0x446: {  	[sflag:s20] =	ssyncset.done $0x0  }
0x447: {  	[sflag:s20] =	ssyncadd.s32 $0xFFFFF000  }
0x448: {  	_ =	swait.ge [sflag:s20], $0x1000  }
0x449: {  	[sflag:s20] =	ssyncset.done $0x0  }
0x44a: {  	[sflag:s20] =	ssyncadd.s32 $0xFFFFF000  }
0x44b: {  	_ =	swait.ge [sflag:s20], $0x1000  }
0x44c: {  	s21 =	rddreg [dreg:$0x6]  }
0x44d: {  	s18 =	rddreg [dreg:$0x5];
	s21 =	sadd.s32 $0x1, s21  }
0x44e: {  	p0 =	sne.s32 s21, s18  }
.Ltmp9:
0x44f: {  	_ = 	snop;
	(pc) =	sbr.rel @p0 .LBB2_1-.Ltmp9, $3  }
0x450: {  	_ =	sdelay $0x1  }
0x451: {  	[sflag:s20] =	ssyncset.done $0x0  }
0x452: {  	[sflag:s20] =	ssyncadd.s32 $0xFFFFF000  }
0x453: {  	_ =	sfence.sel $0x180000  }
0x454: {  	[bflag:$0x0] =	sbarrier.arrive $0xFFFF  }
0x455: {  	_ =	strace $0x90000047  }
0x456: {  	s0 =	stileid.u32;
	[bflag:$0x2] =	sbarrier.arrive $0xFFFF  }
0x457: {  	p0 =	sne.s32 s0, $0x0;
	s0 =	rddreg [dreg:$0x2]  }
0x458: {  	s0 =	sadd.s32 @!p0 $0x100000, s0  }
0x459: {  	[sflag:s0] =	ssyncadd.tile.s32 @!p0 $0x1;
	_ =	shalt  }
.Lfunc_end2:
_tile_overlayer_lowered:
.L_overlay_start_2:
0x45a: {  	(tag) =	ssettag $0x2  }
0x45b: {  	s0 =	rddreg [dreg:$0x0];
	s2 =	stileid.u32  }
0x45c: {  	s1 =	rddreg [dreg:$0x1];
	p0 =	sne.s32 s2, $0x0  }
0x45d: {  	s3 =	rddreg [dreg:$0x2];
	[bflag:$0x3] =	sbarrier.arrive $0xFFFF;
	s2 =	simm.s32 @!p0 $0x1C04  }
0x45e: {  	[timem:s3], [sflag:s2] =	dma.local @!p0 [hbm:s0], s1  }
0x45f: {  	s0 =	simm.s32 @!p0 $0x4  }
0x460: {  	_ =	swait.ge @!p0 [sflag:s0], s1  }
0x461: {  	s1 =	ssub.s32 @!p0 $0x0, s1;
	[sflag:s0] =	ssyncset.done @!p0 $0x0  }
0x462: {  	[sflag:s0] =	ssyncadd.s32 @!p0 s1  }
0x463: {  	[bflag:$0x3] =	sbarrier.arrive $0xFFFF  }
0x464: {  	_ =	shalt  }

</sc_bundles>
